<compile_context>
chip_gen: v7x
topology: tpu7x:2x2x1
jax: 0.10.2.dev20260603
libtpu: 0.0.44.dev20260713+nightly
codegen_flags: <defaults>
</compile_context>

<pallas_src>
import functools

import jax
import jax.numpy as jnp
from jax import lax
from jax.experimental import pallas as pl
from jax.experimental.pallas import tpu as pltpu
from jax.experimental.pallas import tpu_sc as plsc

V = 1000
VP = 1024
NC, NS = 2, 16
NW = NC * NS
B = 1024
L = 50
LP = 64
BPW = B // NW
N = B * L
NVT = V // 8


def _lse_body(t_ref, o_ref):
    x = t_ref[...]
    m = jnp.max(x, axis=1, keepdims=True)
    s = jnp.sum(jnp.exp(x - m), axis=1, keepdims=True)
    o_ref[...] = m + jnp.log(s)


def _loss_body(p_ref, o_ref):
    s = jnp.sum(p_ref[...], axis=1, keepdims=True)
    o_ref[...] = jnp.sum(s, axis=0, keepdims=True) * (1.0 / N)


_mesh = plsc.VectorSubcoreMesh(core_axis_name="c", subcore_axis_name="s")


@functools.partial(
    pl.kernel,
    mesh=_mesh,
    compiler_params=pltpu.CompilerParams(
        use_tc_tiling_on_sc=False, needs_layout_passes=False
    ),
    out_type=[
        jax.ShapeDtypeStruct((L, NVT, 8, 8, 128), jnp.float32),
        jax.ShapeDtypeStruct((NW * 32,), jnp.float32),
    ],
    scratch_types=[
        pltpu.VMEM((N,), jnp.int32),
        pltpu.VMEM((BPW * LP,), jnp.int32),
        pltpu.VMEM((VP,), jnp.float32),
        pltpu.VMEM((8, V), jnp.float32),
        pltpu.VMEM((1, 1, 8, 8, 128), jnp.float32),
        pltpu.VMEM((1, 1, 8, 8, 128), jnp.float32),
        pltpu.VMEM((BPW * LP,), jnp.int32),
        pltpu.VMEM((BPW * LP,), jnp.float32),
        pltpu.VMEM((16,), jnp.float32),
        pltpu.SemaphoreType.DMA,
        pltpu.SemaphoreType.DMA,
        pltpu.SemaphoreType.DMA,
    ],
)
def _sc_gather(tT_hbm, tflat_hbm, inT_hbm, tgt_hbm, lse_hbm, out_hbm, part_hbm,
               inT_v, tgt_v, lse_v, rowb_v, slab_a, slab_b, fidx_v, pick_v,
               tmp_v, sem_wa, sem_wb, sem_p):
    wid = lax.axis_index("s") * NC + lax.axis_index("c")
    pltpu.sync_copy(inT_hbm, inT_v)
    pltpu.sync_copy(tgt_hbm.at[pl.ds(wid * (BPW * LP), BPW * LP)], tgt_v)
    pltpu.sync_copy(lse_hbm, lse_v)
    lane = lax.iota(jnp.int32, 16)

    def fill_and_write(vt, l, slab, sem_w):
        @plsc.parallel_loop(0, B // 16, unroll=8)
        def fill_j(j):
            iv = inT_v[pl.ds(l * B + j * 16, 16)]
            bt = j // 8
            co = (j % 8) * 16
            for v_loc in range(8):
                val = plsc.load_gather(
                    rowb_v, [jnp.full((16,), v_loc, jnp.int32), iv])
                slab[0, 0, bt, v_loc, pl.ds(co, 16)] = val
        pltpu.async_copy(
            slab, out_hbm.at[pl.ds(l, 1), pl.ds(vt, 1)], sem_w)

    def wait_write(sem_w):
        pltpu.make_async_copy(
            slab_a, out_hbm.at[pl.ds(0, 1), pl.ds(0, 1)], sem_w).wait()

    for t in range(4):
        vt = wid + 32 * t

        def vt_block():
            pltpu.sync_copy(tT_hbm.at[pl.ds(vt * 8, 8)], rowb_v)

            def pair(u, _):
                @pl.when(jnp.logical_or(jnp.int32(t) > 0, u > 0))
                def _():
                    wait_write(sem_wa)
                fill_and_write(vt, 2 * u, slab_a, sem_wa)

                @pl.when(jnp.logical_or(jnp.int32(t) > 0, u > 0))
                def _():
                    wait_write(sem_wb)
                fill_and_write(vt, 2 * u + 1, slab_b, sem_wb)
                return 0

            lax.fori_loop(0, L // 2, pair, 0)

        if t < 3:
            vt_block()
        else:
            pl.when(wid < NVT - 96)(vt_block)
    wait_write(sem_wa)
    wait_write(sem_wb)

    b0 = wid * BPW

    def build_fidx(b_loc, _):
        for k in range(4):
            pos = lane + (k * 16)
            cpos = jnp.minimum(pos, L - 1)
            iv = plsc.load_gather(inT_v, [cpos * B + (b0 + b_loc)])
            tv = tgt_v[pl.ds(b_loc * LP + k * 16, 16)]
            fidx_v[pl.ds(b_loc * LP + k * 16, 16)] = iv * V + tv
        return 0

    lax.fori_loop(0, BPW, build_fidx, 0)

    def pick_gather(b_loc, _):
        pltpu.async_copy(
            tflat_hbm.at[fidx_v.at[pl.ds(b_loc * LP, LP)]],
            pick_v.at[pl.ds(b_loc * LP, LP)], sem_p).wait()
        return 0

    lax.fori_loop(0, BPW, pick_gather, 0)

    def accum(b_loc, acc):
        for k in range(4):
            pos = lane + (k * 16)
            cpos = jnp.minimum(pos, L - 1)
            iv = plsc.load_gather(inT_v, [cpos * B + (b0 + b_loc)])
            ls = plsc.load_gather(lse_v, [iv])
            pk = pick_v[pl.ds(b_loc * LP + k * 16, 16)]
            acc = acc + jnp.where(pos < L, ls - pk, 0.0)
        return acc

    acc = lax.fori_loop(0, BPW, accum, jnp.zeros((16,), jnp.float32))
    tmp_v[...] = acc
    pltpu.sync_copy(tmp_v, part_hbm.at[pl.ds(wid * 32, 16)])
    tmp_v[...] = jnp.zeros((16,), jnp.float32)
    pltpu.sync_copy(tmp_v, part_hbm.at[pl.ds(wid * 32 + 16, 16)])


def kernel(inputs, targets, table):
    inT_flat = inputs.astype(jnp.int32).T.reshape(-1)
    tgt_flat = jnp.pad(targets.astype(jnp.int32), ((0, 0), (0, LP - L))) \
        .reshape(-1)
    tableT = table.T
    table_flat = table.reshape(-1)
    tpad = jnp.pad(table, ((0, VP - V), (0, VP - V)), constant_values=-1e30)
    lse = pl.pallas_call(
        _lse_body,
        out_shape=jax.ShapeDtypeStruct((VP, 1), jnp.float32),
    )(tpad)
    out5d, parts = _sc_gather(tableT, table_flat, inT_flat, tgt_flat,
                              lse.reshape(VP))
    logits = out5d.transpose(2, 4, 0, 1, 3).reshape(B, L, V)
    loss11 = pl.pallas_call(
        _loss_body,
        out_shape=jax.ShapeDtypeStruct((1, 1), jnp.float32),
    )(parts.reshape(8, 128))
    return logits, loss11[0, 0]

# --- scband reference (transcript-rebuilt; emitter-appended) ---
"""Pipeline reference for scband-bigram-language-model-30494267802088 (READ-ONLY COPY).

The authoritative reference and input builder live on the scoring server;
editing this copy changes nothing except your own understanding.
"""

import jax, jax.numpy as jnp
import numpy as np

VOCAB = 1000
BATCH = 1024
BLOCK = 50


def setup_inputs(seed: int = 0) -> dict:
    key = jax.random.key(seed)
    k1, k2, k3 = jax.random.split(key, 3)
    inputs = jax.random.randint(k1, (BATCH, BLOCK), 0, VOCAB, dtype=jnp.int64 if jax.config.jax_enable_x64 else jnp.int32)
    targets = jax.random.randint(k2, (BATCH, BLOCK), 0, VOCAB, dtype=jnp.int64 if jax.config.jax_enable_x64 else jnp.int32)
    table = jax.random.normal(k3, (VOCAB, VOCAB), dtype=jnp.float32)
    return {"inputs": inputs, "targets": targets, "table": table}


def reference(inputs, targets, table):
    # logits = embedding lookup: table[inputs] -> [B, L, V]
    logits = jnp.take(table, inputs, axis=0)
    batch_size, block_size, max_tokens = logits.shape
    logits_view = logits.reshape(batch_size * block_size, max_tokens)
    targets_view = targets.reshape(batch_size * block_size)
    # cross entropy: mean over all positions
    logZ = jax.scipy.special.logsumexp(logits_view, axis=-1)
    picked = jnp.take_along_axis(logits_view, targets_view[:, None], axis=1)[:, 0]
    loss = jnp.mean(logZ - picked)
    return (logits, loss)

if __name__ == "__main__":
    import jax
    _d = setup_inputs()
    print(jax.jit(kernel)(*tuple(_d.values())))

</pallas_src>

<mosaic_0001>
#map = affine_map<(d0, d1) -> (0, 0)>
#map1 = affine_map<(d0, d1) -> (0)>
#map2 = affine_map<(d0, d1) -> (0, 0, 0, 0, 0)>
module attributes {stable_mosaic.version = 14 : i64} {
  func.func @_sc_gather(%arg0: i32, %arg1: i32, %arg2: memref<1000x1000xf32, #tpu.memory_space<hbm>>, %arg3: memref<1000000xf32, #tpu.memory_space<hbm>>, %arg4: memref<51200xi32, #tpu.memory_space<hbm>>, %arg5: memref<65536xi32, #tpu.memory_space<hbm>>, %arg6: memref<1024xf32, #tpu.memory_space<hbm>>, %arg7: memref<50x125x8x8x128xf32, #tpu.memory_space<hbm>>, %arg8: memref<1024xf32, #tpu.memory_space<hbm>>, %arg9: memref<51200xi32, #tpu.memory_space<vmem>>, %arg10: memref<2048xi32, #tpu.memory_space<vmem>>, %arg11: memref<1024xf32, #tpu.memory_space<vmem>>, %arg12: memref<8x1000xf32, #tpu.memory_space<vmem>>, %arg13: memref<1x1x8x8x128xf32, #tpu.memory_space<vmem>>, %arg14: memref<1x1x8x8x128xf32, #tpu.memory_space<vmem>>, %arg15: memref<2048xi32, #tpu.memory_space<vmem>>, %arg16: memref<2048xf32, #tpu.memory_space<vmem>>, %arg17: memref<16xf32, #tpu.memory_space<vmem>>, %arg18: memref<!tpu.dma_semaphore, #tpu.memory_space<semaphore_mem>>, %arg19: memref<!tpu.dma_semaphore, #tpu.memory_space<semaphore_mem>>, %arg20: memref<!tpu.dma_semaphore, #tpu.memory_space<semaphore_mem>>) attributes {dimension_semantics = [#tpu.dimension_semantics<core_parallel>, #tpu.dimension_semantics<subcore_parallel>], iteration_bounds = array<i64: 2, 16>, scalar_prefetch = 0 : i64, scratch_operands = 12 : i64, tpu.core_type = #tpu.core_type<sc_vector_subcore>, window_params = [{transform_indices = #map}, {transform_indices = #map1}, {transform_indices = #map1}, {transform_indices = #map1}, {transform_indices = #map1}, {transform_indices = #map2}, {transform_indices = #map1}]} {
    %mul3A = arith.constant 2 : i32
    %mul3A_0 = arith.muli %arg1, %mul3A : i32
    %add3A = arith.addi %mul3A_0, %arg0 : i32
    "tpu.region"() ({
      %run_scoped3A = tpu.sem_alloc : memref<!tpu.dma_semaphore, #tpu.memory_space<semaphore_mem>>
      tpu.enqueue_dma source(%arg4 : memref<51200xi32, #tpu.memory_space<hbm>>) target(%arg9 : memref<51200xi32, #tpu.memory_space<vmem>>) target_semaphore(%run_scoped3A : memref<!tpu.dma_semaphore, #tpu.memory_space<semaphore_mem>>)
      tpu.wait_dma2 semaphore(%run_scoped3A : memref<!tpu.dma_semaphore, #tpu.memory_space<semaphore_mem>>) src(%arg4 : memref<51200xi32, #tpu.memory_space<hbm>>) dst(%arg9 : memref<51200xi32, #tpu.memory_space<vmem>>)
      tpu.yield
    }) : () -> ()
    %mul3A_1 = arith.constant 2048 : i32
    %mul3A_2 = arith.muli %add3A, %mul3A_1 : i32
    "tpu.region"() ({
      %run_scoped3A = tpu.sem_alloc : memref<!tpu.dma_semaphore, #tpu.memory_space<semaphore_mem>>
      %dma_start3A = tpu.memref_slice %arg5[%mul3A_2] : memref<65536xi32, #tpu.memory_space<hbm>> -> memref<2048xi32, #tpu.memory_space<hbm>>
      %dma_start3A_96 = tpu.memref_slice %arg5[%mul3A_2] : memref<65536xi32, #tpu.memory_space<hbm>> -> memref<2048xi32, #tpu.memory_space<hbm>>
      tpu.enqueue_dma source(%dma_start3A_96 : memref<2048xi32, #tpu.memory_space<hbm>>) target(%arg10 : memref<2048xi32, #tpu.memory_space<vmem>>) target_semaphore(%run_scoped3A : memref<!tpu.dma_semaphore, #tpu.memory_space<semaphore_mem>>)
      %dma_wait3A_97 = tpu.memref_slice %arg5[%mul3A_2] : memref<65536xi32, #tpu.memory_space<hbm>> -> memref<2048xi32, #tpu.memory_space<hbm>>
      %dma_wait3A_98 = tpu.memref_slice %arg5[%mul3A_2] : memref<65536xi32, #tpu.memory_space<hbm>> -> memref<2048xi32, #tpu.memory_space<hbm>>
      tpu.wait_dma2 semaphore(%run_scoped3A : memref<!tpu.dma_semaphore, #tpu.memory_space<semaphore_mem>>) src(%dma_wait3A_98 : memref<2048xi32, #tpu.memory_space<hbm>>) dst(%arg10 : memref<2048xi32, #tpu.memory_space<vmem>>)
      tpu.yield
    }) : () -> ()
    "tpu.region"() ({
      %run_scoped3A = tpu.sem_alloc : memref<!tpu.dma_semaphore, #tpu.memory_space<semaphore_mem>>
      tpu.enqueue_dma source(%arg6 : memref<1024xf32, #tpu.memory_space<hbm>>) target(%arg11 : memref<1024xf32, #tpu.memory_space<vmem>>) target_semaphore(%run_scoped3A : memref<!tpu.dma_semaphore, #tpu.memory_space<semaphore_mem>>)
      tpu.wait_dma2 semaphore(%run_scoped3A : memref<!tpu.dma_semaphore, #tpu.memory_space<semaphore_mem>>) src(%arg6 : memref<1024xf32, #tpu.memory_space<hbm>>) dst(%arg11 : memref<1024xf32, #tpu.memory_space<vmem>>)
      tpu.yield
    }) : () -> ()
    %iota3A = tpu.iota {dimensions = array<i32: 0>} : vector<16xi32>
    %add3A_3 = arith.constant 0 : i32
    %add3A_4 = arith.addi %add3A, %add3A_3 : i32
    %mul3A_5 = arith.constant 8 : i32
    %mul3A_6 = arith.muli %add3A_4, %mul3A_5 : i32
    "tpu.region"() ({
      %run_scoped3A = tpu.sem_alloc : memref<!tpu.dma_semaphore, #tpu.memory_space<semaphore_mem>>
      %dma_start3A = arith.constant 0 : i32
      %dma_start3A_96 = tpu.memref_slice %arg2[%mul3A_6, %dma_start3A] : memref<1000x1000xf32, #tpu.memory_space<hbm>> -> memref<8x1000xf32, #tpu.memory_space<hbm>>
      %dma_start3A_97 = arith.constant 0 : i32
      %dma_start3A_98 = tpu.memref_slice %arg2[%mul3A_6, %dma_start3A_97] : memref<1000x1000xf32, #tpu.memory_space<hbm>> -> memref<8x1000xf32, #tpu.memory_space<hbm>>
      tpu.enqueue_dma source(%dma_start3A_98 : memref<8x1000xf32, #tpu.memory_space<hbm>>) target(%arg12 : memref<8x1000xf32, #tpu.memory_space<vmem>>) target_semaphore(%run_scoped3A : memref<!tpu.dma_semaphore, #tpu.memory_space<semaphore_mem>>)
      %dma_wait3A_99 = arith.constant 0 : i32
      %dma_wait3A_100 = tpu.memref_slice %arg2[%mul3A_6, %dma_wait3A_99] : memref<1000x1000xf32, #tpu.memory_space<hbm>> -> memref<8x1000xf32, #tpu.memory_space<hbm>>
      %dma_wait3A_101 = arith.constant 0 : i32
      %dma_wait3A_102 = tpu.memref_slice %arg2[%mul3A_6, %dma_wait3A_101] : memref<1000x1000xf32, #tpu.memory_space<hbm>> -> memref<8x1000xf32, #tpu.memory_space<hbm>>
      tpu.wait_dma2 semaphore(%run_scoped3A : memref<!tpu.dma_semaphore, #tpu.memory_space<semaphore_mem>>) src(%dma_wait3A_102 : memref<8x1000xf32, #tpu.memory_space<hbm>>) dst(%arg12 : memref<8x1000xf32, #tpu.memory_space<vmem>>)
      tpu.yield
    }) : () -> ()
    %scan3A = arith.constant 0 : i32
    %scan3A_7 = arith.constant 0 : i32
    %scan3A_8 = arith.constant 25 : i32
    %scan3A_9 = arith.addi %scan3A_7, %scan3A_8 : i32
    %scan3A_10 = arith.constant 1 : i32
    %scan3A_11 = scf.for %scan3A_96 = %scan3A_7 to %scan3A_9 step %scan3A_10 iter_args(%scan3A_97 = %scan3A) -> (i32)  : i32 {
      %gt3A = arith.constant 0 : i32
      %gt3A_98 = arith.constant 0 : i32
      %gt3A_99 = arith.cmpi sgt, %gt3A, %gt3A_98 : i32
      %gt3A_100 = arith.constant 0 : i32
      %gt3A_101 = arith.cmpi sgt, %scan3A_96, %gt3A_100 : i32
      %or3A = arith.ori %gt3A_99, %gt3A_101 : i1
      %convert_element_type3A_102 = arith.extui %or3A : i1 to i32
      %cond3A_103 = arith.constant 0 : i32
      %cond3A_104 = arith.cmpi ne, %convert_element_type3A_102, %cond3A_103 : i32
      scf.if %cond3A_104 {
        %dma_wait3A_141 = arith.constant 0 : i32
        %dma_wait3A_142 = arith.constant 0 : i32
        %dma_wait3A_143 = arith.constant 0 : i32
        %dma_wait3A_144 = arith.constant 0 : i32
        %dma_wait3A_145 = arith.constant 0 : i32
        %dma_wait3A_146 = tpu.memref_slice %arg7[%dma_wait3A_141, %dma_wait3A_142, %dma_wait3A_143, %dma_wait3A_144, %dma_wait3A_145] : memref<50x125x8x8x128xf32, #tpu.memory_space<hbm>> -> memref<1x1x8x8x128xf32, #tpu.memory_space<hbm>>
        %dma_wait3A_147 = arith.constant 0 : i32
        %dma_wait3A_148 = arith.constant 0 : i32
        %dma_wait3A_149 = arith.constant 0 : i32
        %dma_wait3A_150 = arith.constant 0 : i32
        %dma_wait3A_151 = arith.constant 0 : i32
        %dma_wait3A_152 = tpu.memref_slice %arg7[%dma_wait3A_147, %dma_wait3A_148, %dma_wait3A_149, %dma_wait3A_150, %dma_wait3A_151] : memref<50x125x8x8x128xf32, #tpu.memory_space<hbm>> -> memref<1x1x8x8x128xf32, #tpu.memory_space<hbm>>
        tpu.wait_dma2 semaphore(%arg18 : memref<!tpu.dma_semaphore, #tpu.memory_space<semaphore_mem>>) src(%arg13 : memref<1x1x8x8x128xf32, #tpu.memory_space<vmem>>) dst(%dma_wait3A_152 : memref<1x1x8x8x128xf32, #tpu.memory_space<hbm>>)
      } else {
      }
      %mul3A_105 = arith.constant 2 : i32
      %mul3A_106 = arith.muli %mul3A_105, %scan3A_96 : i32
      %parallel_loop3A = arith.constant 0 : i32
      %parallel_loop3A_107 = arith.constant 64 : i32
      %parallel_loop3A_108 = arith.constant 1 : i32
      scf.for %parallel_loop3A_141 = %parallel_loop3A to %parallel_loop3A_107 step %parallel_loop3A_108  : i32 {
        %parallel_loop3A_142 = arith.constant 1024 : i32
        %parallel_loop3A_143 = arith.muli %mul3A_106, %parallel_loop3A_142 : i32
        %parallel_loop3A_144 = arith.constant 16 : i32
        %parallel_loop3A_145 = arith.muli %parallel_loop3A_141, %parallel_loop3A_144 : i32
        %parallel_loop3A_146 = arith.addi %parallel_loop3A_143, %parallel_loop3A_145 : i32
        %parallel_loop3A_147 = arith.index_cast %parallel_loop3A_146 : i32 to index
        %parallel_loop3A_148 = tpu.vector_load %arg9[%parallel_loop3A_147] {strides = array<i32>} : memref<51200xi32, #tpu.memory_space<vmem>>, vector<16xi32>,
        %parallel_loop3A_149 = arith.constant 8 : i32
        %parallel_loop3A_150 = arith.divsi %parallel_loop3A_141, %parallel_loop3A_149 : i32
        %parallel_loop3A_151 = arith.constant 0 : i32
        %parallel_loop3A_152 = arith.cmpi sgt, %parallel_loop3A_141, %parallel_loop3A_151 : i32
        %parallel_loop3A_153 = arith.extui %parallel_loop3A_152 : i1 to i32
        %parallel_loop3A_154 = arith.constant 0 : i32
        %parallel_loop3A_155 = arith.cmpi slt, %parallel_loop3A_141, %parallel_loop3A_154 : i32
        %parallel_loop3A_156 = arith.extui %parallel_loop3A_155 : i1 to i32
        %parallel_loop3A_157 = arith.subi %parallel_loop3A_153, %parallel_loop3A_156 : i32
        %parallel_loop3A_158 = arith.constant 0 : i32
        %parallel_loop3A_159 = arith.cmpi sgt, %parallel_loop3A_149, %parallel_loop3A_158 : i32
        %parallel_loop3A_160 = arith.extui %parallel_loop3A_159 : i1 to i32
        %parallel_loop3A_161 = arith.constant 0 : i32
        %parallel_loop3A_162 = arith.cmpi slt, %parallel_loop3A_149, %parallel_loop3A_161 : i32
        %parallel_loop3A_163 = arith.extui %parallel_loop3A_162 : i1 to i32
        %parallel_loop3A_164 = arith.subi %parallel_loop3A_160, %parallel_loop3A_163 : i32
        %parallel_loop3A_165 = arith.cmpi ne, %parallel_loop3A_157, %parallel_loop3A_164 : i32
        %parallel_loop3A_166 = arith.remsi %parallel_loop3A_141, %parallel_loop3A_149 : i32
        %parallel_loop3A_167 = arith.constant 0 : i32
        %parallel_loop3A_168 = arith.cmpi ne, %parallel_loop3A_166, %parallel_loop3A_167 : i32
        %parallel_loop3A_169 = arith.andi %parallel_loop3A_165, %parallel_loop3A_168 : i1
        %parallel_loop3A_170 = arith.constant 1 : i32
        %parallel_loop3A_171 = arith.subi %parallel_loop3A_150, %parallel_loop3A_170 : i32
        %parallel_loop3A_172 = arith.select %parallel_loop3A_169, %parallel_loop3A_171, %parallel_loop3A_150 : i32
        %parallel_loop3A_173 = arith.constant 8 : i32
        %parallel_loop3A_174 = arith.constant 0 : i32
        %parallel_loop3A_175 = arith.cmpi eq, %parallel_loop3A_173, %parallel_loop3A_174 : i32
        %parallel_loop3A_176 = arith.constant 1 : i32
        %parallel_loop3A_177 = arith.select %parallel_loop3A_175, %parallel_loop3A_176, %parallel_loop3A_173 : i32
        %parallel_loop3A_178 = arith.remsi %parallel_loop3A_141, %parallel_loop3A_177 : i32
        %parallel_loop3A_179 = arith.constant 0 : i32
        %parallel_loop3A_180 = arith.cmpi ne, %parallel_loop3A_178, %parallel_loop3A_179 : i32
        %parallel_loop3A_181 = arith.constant 0 : i32
        %parallel_loop3A_182 = arith.cmpi slt, %parallel_loop3A_178, %parallel_loop3A_181 : i32
        %parallel_loop3A_183 = arith.constant 0 : i32
        %parallel_loop3A_184 = arith.cmpi slt, %parallel_loop3A_177, %parallel_loop3A_183 : i32
        %parallel_loop3A_185 = arith.xori %parallel_loop3A_182, %parallel_loop3A_184 : i1
        %parallel_loop3A_186 = arith.andi %parallel_loop3A_185, %parallel_loop3A_180 : i1
        %parallel_loop3A_187 = arith.addi %parallel_loop3A_178, %parallel_loop3A_177 : i32
        %parallel_loop3A_188 = arith.select %parallel_loop3A_186, %parallel_loop3A_187, %parallel_loop3A_178 : i32
        %parallel_loop3A_189 = arith.constant 16 : i32
        %parallel_loop3A_190 = arith.muli %parallel_loop3A_188, %parallel_loop3A_189 : i32
        %parallel_loop3A_191 = arith.constant 0 : i32
        %parallel_loop3A_192 = vector.broadcast %parallel_loop3A_191 : i32 to vector<16xi32>
        %parallel_loop3A_193 = tpu.vector_load_idx %arg12[%parallel_loop3A_192, %parallel_loop3A_148] : memref<8x1000xf32, #tpu.memory_space<vmem>>[vector<16xi32>, vector<16xi32>], vector<16xf32>,
        %parallel_loop3A_194 = arith.constant 0 : i32
        %parallel_loop3A_195 = arith.constant 0 : i32
        %parallel_loop3A_196 = arith.constant 0 : i32
        %parallel_loop3A_197 = arith.index_cast %parallel_loop3A_194 : i32 to index
        %parallel_loop3A_198 = arith.index_cast %parallel_loop3A_195 : i32 to index
        %parallel_loop3A_199 = arith.index_cast %parallel_loop3A_172 : i32 to index
        %parallel_loop3A_200 = arith.index_cast %parallel_loop3A_196 : i32 to index
        %parallel_loop3A_201 = arith.index_cast %parallel_loop3A_190 : i32 to index
        %parallel_loop3A_202 = tpu.vector_load %arg13[%parallel_loop3A_197, %parallel_loop3A_198, %parallel_loop3A_199, %parallel_loop3A_200, %parallel_loop3A_201] {strides = array<i32>} : memref<1x1x8x8x128xf32, #tpu.memory_space<vmem>>, vector<16xf32>,
        tpu.vector_store %arg13[%parallel_loop3A_197, %parallel_loop3A_198, %parallel_loop3A_199, %parallel_loop3A_200, %parallel_loop3A_201], %parallel_loop3A_193 {strides = array<i32>} : memref<1x1x8x8x128xf32, #tpu.memory_space<vmem>>, vector<16xf32>,
        %parallel_loop3A_203 = arith.constant 1 : i32
        %parallel_loop3A_204 = vector.broadcast %parallel_loop3A_203 : i32 to vector<16xi32>
        %parallel_loop3A_205 = tpu.vector_load_idx %arg12[%parallel_loop3A_204, %parallel_loop3A_148] : memref<8x1000xf32, #tpu.memory_space<vmem>>[vector<16xi32>, vector<16xi32>], vector<16xf32>,
        %parallel_loop3A_206 = arith.constant 0 : i32
        %parallel_loop3A_207 = arith.constant 0 : i32
        %parallel_loop3A_208 = arith.constant 1 : i32
        %parallel_loop3A_209 = arith.index_cast %parallel_loop3A_206 : i32 to index
        %parallel_loop3A_210 = arith.index_cast %parallel_loop3A_207 : i32 to index
        %parallel_loop3A_211 = arith.index_cast %parallel_loop3A_172 : i32 to index
        %parallel_loop3A_212 = arith.index_cast %parallel_loop3A_208 : i32 to index
        %parallel_loop3A_213 = arith.index_cast %parallel_loop3A_190 : i32 to index
        %parallel_loop3A_214 = tpu.vector_load %arg13[%parallel_loop3A_209, %parallel_loop3A_210, %parallel_loop3A_211, %parallel_loop3A_212, %parallel_loop3A_213] {strides = array<i32>} : memref<1x1x8x8x128xf32, #tpu.memory_space<vmem>>, vector<16xf32>,
        tpu.vector_store %arg13[%parallel_loop3A_209, %parallel_loop3A_210, %parallel_loop3A_211, %parallel_loop3A_212, %parallel_loop3A_213], %parallel_loop3A_205 {strides = array<i32>} : memref<1x1x8x8x128xf32, #tpu.memory_space<vmem>>, vector<16xf32>,
        %parallel_loop3A_215 = arith.constant 2 : i32
        %parallel_loop3A_216 = vector.broadcast %parallel_loop3A_215 : i32 to vector<16xi32>
        %parallel_loop3A_217 = tpu.vector_load_idx %arg12[%parallel_loop3A_216, %parallel_loop3A_148] : memref<8x1000xf32, #tpu.memory_space<vmem>>[vector<16xi32>, vector<16xi32>], vector<16xf32>,
        %parallel_loop3A_218 = arith.constant 0 : i32
        %parallel_loop3A_219 = arith.constant 0 : i32
        %parallel_loop3A_220 = arith.constant 2 : i32
        %parallel_loop3A_221 = arith.index_cast %parallel_loop3A_218 : i32 to index
        %parallel_loop3A_222 = arith.index_cast %parallel_loop3A_219 : i32 to index
        %parallel_loop3A_223 = arith.index_cast %parallel_loop3A_172 : i32 to index
        %parallel_loop3A_224 = arith.index_cast %parallel_loop3A_220 : i32 to index
        %parallel_loop3A_225 = arith.index_cast %parallel_loop3A_190 : i32 to index
        %parallel_loop3A_226 = tpu.vector_load %arg13[%parallel_loop3A_221, %parallel_loop3A_222, %parallel_loop3A_223, %parallel_loop3A_224, %parallel_loop3A_225] {strides = array<i32>} : memref<1x1x8x8x128xf32, #tpu.memory_space<vmem>>, vector<16xf32>,
        tpu.vector_store %arg13[%parallel_loop3A_221, %parallel_loop3A_222, %parallel_loop3A_223, %parallel_loop3A_224, %parallel_loop3A_225], %parallel_loop3A_217 {strides = array<i32>} : memref<1x1x8x8x128xf32, #tpu.memory_space<vmem>>, vector<16xf32>,
        %parallel_loop3A_227 = arith.constant 3 : i32
        %parallel_loop3A_228 = vector.broadcast %parallel_loop3A_227 : i32 to vector<16xi32>
        %parallel_loop3A_229 = tpu.vector_load_idx %arg12[%parallel_loop3A_228, %parallel_loop3A_148] : memref<8x1000xf32, #tpu.memory_space<vmem>>[vector<16xi32>, vector<16xi32>], vector<16xf32>,
        %parallel_loop3A_230 = arith.constant 0 : i32
        %parallel_loop3A_231 = arith.constant 0 : i32
        %parallel_loop3A_232 = arith.constant 3 : i32
        %parallel_loop3A_233 = arith.index_cast %parallel_loop3A_230 : i32 to index
        %parallel_loop3A_234 = arith.index_cast %parallel_loop3A_231 : i32 to index
        %parallel_loop3A_235 = arith.index_cast %parallel_loop3A_172 : i32 to index
        %parallel_loop3A_236 = arith.index_cast %parallel_loop3A_232 : i32 to index
        %parallel_loop3A_237 = arith.index_cast %parallel_loop3A_190 : i32 to index
        %parallel_loop3A_238 = tpu.vector_load %arg13[%parallel_loop3A_233, %parallel_loop3A_234, %parallel_loop3A_235, %parallel_loop3A_236, %parallel_loop3A_237] {strides = array<i32>} : memref<1x1x8x8x128xf32, #tpu.memory_space<vmem>>, vector<16xf32>,
        tpu.vector_store %arg13[%parallel_loop3A_233, %parallel_loop3A_234, %parallel_loop3A_235, %parallel_loop3A_236, %parallel_loop3A_237], %parallel_loop3A_229 {strides = array<i32>} : memref<1x1x8x8x128xf32, #tpu.memory_space<vmem>>, vector<16xf32>,
        %parallel_loop3A_239 = arith.constant 4 : i32
        %parallel_loop3A_240 = vector.broadcast %parallel_loop3A_239 : i32 to vector<16xi32>
        %parallel_loop3A_241 = tpu.vector_load_idx %arg12[%parallel_loop3A_240, %parallel_loop3A_148] : memref<8x1000xf32, #tpu.memory_space<vmem>>[vector<16xi32>, vector<16xi32>], vector<16xf32>,
        %parallel_loop3A_242 = arith.constant 0 : i32
        %parallel_loop3A_243 = arith.constant 0 : i32
        %parallel_loop3A_244 = arith.constant 4 : i32
        %parallel_loop3A_245 = arith.index_cast %parallel_loop3A_242 : i32 to index
        %parallel_loop3A_246 = arith.index_cast %parallel_loop3A_243 : i32 to index
        %parallel_loop3A_247 = arith.index_cast %parallel_loop3A_172 : i32 to index
        %parallel_loop3A_248 = arith.index_cast %parallel_loop3A_244 : i32 to index
        %parallel_loop3A_249 = arith.index_cast %parallel_loop3A_190 : i32 to index
        %parallel_loop3A_250 = tpu.vector_load %arg13[%parallel_loop3A_245, %parallel_loop3A_246, %parallel_loop3A_247, %parallel_loop3A_248, %parallel_loop3A_249] {strides = array<i32>} : memref<1x1x8x8x128xf32, #tpu.memory_space<vmem>>, vector<16xf32>,
        tpu.vector_store %arg13[%parallel_loop3A_245, %parallel_loop3A_246, %parallel_loop3A_247, %parallel_loop3A_248, %parallel_loop3A_249], %parallel_loop3A_241 {strides = array<i32>} : memref<1x1x8x8x128xf32, #tpu.memory_space<vmem>>, vector<16xf32>,
        %parallel_loop3A_251 = arith.constant 5 : i32
        %parallel_loop3A_252 = vector.broadcast %parallel_loop3A_251 : i32 to vector<16xi32>
        %parallel_loop3A_253 = tpu.vector_load_idx %arg12[%parallel_loop3A_252, %parallel_loop3A_148] : memref<8x1000xf32, #tpu.memory_space<vmem>>[vector<16xi32>, vector<16xi32>], vector<16xf32>,
        %parallel_loop3A_254 = arith.constant 0 : i32
        %parallel_loop3A_255 = arith.constant 0 : i32
        %parallel_loop3A_256 = arith.constant 5 : i32
        %parallel_loop3A_257 = arith.index_cast %parallel_loop3A_254 : i32 to index
        %parallel_loop3A_258 = arith.index_cast %parallel_loop3A_255 : i32 to index
        %parallel_loop3A_259 = arith.index_cast %parallel_loop3A_172 : i32 to index
        %parallel_loop3A_260 = arith.index_cast %parallel_loop3A_256 : i32 to index
        %parallel_loop3A_261 = arith.index_cast %parallel_loop3A_190 : i32 to index
        %parallel_loop3A_262 = tpu.vector_load %arg13[%parallel_loop3A_257, %parallel_loop3A_258, %parallel_loop3A_259, %parallel_loop3A_260, %parallel_loop3A_261] {strides = array<i32>} : memref<1x1x8x8x128xf32, #tpu.memory_space<vmem>>, vector<16xf32>,
        tpu.vector_store %arg13[%parallel_loop3A_257, %parallel_loop3A_258, %parallel_loop3A_259, %parallel_loop3A_260, %parallel_loop3A_261], %parallel_loop3A_253 {strides = array<i32>} : memref<1x1x8x8x128xf32, #tpu.memory_space<vmem>>, vector<16xf32>,
        %parallel_loop3A_263 = arith.constant 6 : i32
        %parallel_loop3A_264 = vector.broadcast %parallel_loop3A_263 : i32 to vector<16xi32>
        %parallel_loop3A_265 = tpu.vector_load_idx %arg12[%parallel_loop3A_264, %parallel_loop3A_148] : memref<8x1000xf32, #tpu.memory_space<vmem>>[vector<16xi32>, vector<16xi32>], vector<16xf32>,
        %parallel_loop3A_266 = arith.constant 0 : i32
        %parallel_loop3A_267 = arith.constant 0 : i32
        %parallel_loop3A_268 = arith.constant 6 : i32
        %parallel_loop3A_269 = arith.index_cast %parallel_loop3A_266 : i32 to index
        %parallel_loop3A_270 = arith.index_cast %parallel_loop3A_267 : i32 to index
        %parallel_loop3A_271 = arith.index_cast %parallel_loop3A_172 : i32 to index
        %parallel_loop3A_272 = arith.index_cast %parallel_loop3A_268 : i32 to index
        %parallel_loop3A_273 = arith.index_cast %parallel_loop3A_190 : i32 to index
        %parallel_loop3A_274 = tpu.vector_load %arg13[%parallel_loop3A_269, %parallel_loop3A_270, %parallel_loop3A_271, %parallel_loop3A_272, %parallel_loop3A_273] {strides = array<i32>} : memref<1x1x8x8x128xf32, #tpu.memory_space<vmem>>, vector<16xf32>,
        tpu.vector_store %arg13[%parallel_loop3A_269, %parallel_loop3A_270, %parallel_loop3A_271, %parallel_loop3A_272, %parallel_loop3A_273], %parallel_loop3A_265 {strides = array<i32>} : memref<1x1x8x8x128xf32, #tpu.memory_space<vmem>>, vector<16xf32>,
        %parallel_loop3A_275 = arith.constant 7 : i32
        %parallel_loop3A_276 = vector.broadcast %parallel_loop3A_275 : i32 to vector<16xi32>
        %parallel_loop3A_277 = tpu.vector_load_idx %arg12[%parallel_loop3A_276, %parallel_loop3A_148] : memref<8x1000xf32, #tpu.memory_space<vmem>>[vector<16xi32>, vector<16xi32>], vector<16xf32>,
        %parallel_loop3A_278 = arith.constant 0 : i32
        %parallel_loop3A_279 = arith.constant 0 : i32
        %parallel_loop3A_280 = arith.constant 7 : i32
        %parallel_loop3A_281 = arith.index_cast %parallel_loop3A_278 : i32 to index
        %parallel_loop3A_282 = arith.index_cast %parallel_loop3A_279 : i32 to index
        %parallel_loop3A_283 = arith.index_cast %parallel_loop3A_172 : i32 to index
        %parallel_loop3A_284 = arith.index_cast %parallel_loop3A_280 : i32 to index
        %parallel_loop3A_285 = arith.index_cast %parallel_loop3A_190 : i32 to index
        %parallel_loop3A_286 = tpu.vector_load %arg13[%parallel_loop3A_281, %parallel_loop3A_282, %parallel_loop3A_283, %parallel_loop3A_284, %parallel_loop3A_285] {strides = array<i32>} : memref<1x1x8x8x128xf32, #tpu.memory_space<vmem>>, vector<16xf32>,
        tpu.vector_store %arg13[%parallel_loop3A_281, %parallel_loop3A_282, %parallel_loop3A_283, %parallel_loop3A_284, %parallel_loop3A_285], %parallel_loop3A_277 {strides = array<i32>} : memref<1x1x8x8x128xf32, #tpu.memory_space<vmem>>, vector<16xf32>,
      } {sc.loop_unroll_factor = 8 : i64, sc.parallel_access}
      %dma_start3A = arith.constant 0 : i32
      %dma_start3A_109 = arith.constant 0 : i32
      %dma_start3A_110 = arith.constant 0 : i32
      %dma_start3A_111 = tpu.memref_slice %arg7[%mul3A_106, %add3A_4, %dma_start3A, %dma_start3A_109, %dma_start3A_110] : memref<50x125x8x8x128xf32, #tpu.memory_space<hbm>> -> memref<1x1x8x8x128xf32, #tpu.memory_space<hbm>>
      %dma_start3A_112 = arith.constant 0 : i32
      %dma_start3A_113 = arith.constant 0 : i32
      %dma_start3A_114 = arith.constant 0 : i32
      %dma_start3A_115 = tpu.memref_slice %arg7[%mul3A_106, %add3A_4, %dma_start3A_112, %dma_start3A_113, %dma_start3A_114] : memref<50x125x8x8x128xf32, #tpu.memory_space<hbm>> -> memref<1x1x8x8x128xf32, #tpu.memory_space<hbm>>
      tpu.enqueue_dma source(%arg13 : memref<1x1x8x8x128xf32, #tpu.memory_space<vmem>>) target(%dma_start3A_115 : memref<1x1x8x8x128xf32, #tpu.memory_space<hbm>>) target_semaphore(%arg18 : memref<!tpu.dma_semaphore, #tpu.memory_space<semaphore_mem>>)
      %gt3A_116 = arith.constant 0 : i32
      %gt3A_117 = arith.constant 0 : i32
      %gt3A_118 = arith.cmpi sgt, %gt3A_116, %gt3A_117 : i32
      %gt3A_119 = arith.constant 0 : i32
      %gt3A_120 = arith.cmpi sgt, %scan3A_96, %gt3A_119 : i32
      %or3A_121 = arith.ori %gt3A_118, %gt3A_120 : i1
      %convert_element_type3A_122 = arith.extui %or3A_121 : i1 to i32
      %cond3A_123 = arith.constant 0 : i32
      %cond3A_124 = arith.cmpi ne, %convert_element_type3A_122, %cond3A_123 : i32
      scf.if %cond3A_124 {
        %dma_wait3A_141 = arith.constant 0 : i32
        %dma_wait3A_142 = arith.constant 0 : i32
        %dma_wait3A_143 = arith.constant 0 : i32
        %dma_wait3A_144 = arith.constant 0 : i32
        %dma_wait3A_145 = arith.constant 0 : i32
        %dma_wait3A_146 = tpu.memref_slice %arg7[%dma_wait3A_141, %dma_wait3A_142, %dma_wait3A_143, %dma_wait3A_144, %dma_wait3A_145] : memref<50x125x8x8x128xf32, #tpu.memory_space<hbm>> -> memref<1x1x8x8x128xf32, #tpu.memory_space<hbm>>
        %dma_wait3A_147 = arith.constant 0 : i32
        %dma_wait3A_148 = arith.constant 0 : i32
        %dma_wait3A_149 = arith.constant 0 : i32
        %dma_wait3A_150 = arith.constant 0 : i32
        %dma_wait3A_151 = arith.constant 0 : i32
        %dma_wait3A_152 = tpu.memref_slice %arg7[%dma_wait3A_147, %dma_wait3A_148, %dma_wait3A_149, %dma_wait3A_150, %dma_wait3A_151] : memref<50x125x8x8x128xf32, #tpu.memory_space<hbm>> -> memref<1x1x8x8x128xf32, #tpu.memory_space<hbm>>
        tpu.wait_dma2 semaphore(%arg19 : memref<!tpu.dma_semaphore, #tpu.memory_space<semaphore_mem>>) src(%arg13 : memref<1x1x8x8x128xf32, #tpu.memory_space<vmem>>) dst(%dma_wait3A_152 : memref<1x1x8x8x128xf32, #tpu.memory_space<hbm>>)
      } else {
      }
      %mul3A_125 = arith.constant 2 : i32
      %mul3A_126 = arith.muli %mul3A_125, %scan3A_96 : i32
      %add3A_127 = arith.constant 1 : i32
      %add3A_128 = arith.addi %mul3A_126, %add3A_127 : i32
      %parallel_loop3A_129 = arith.constant 0 : i32
      %parallel_loop3A_130 = arith.constant 64 : i32
      %parallel_loop3A_131 = arith.constant 1 : i32
      scf.for %parallel_loop3A_141 = %parallel_loop3A_129 to %parallel_loop3A_130 step %parallel_loop3A_131  : i32 {
        %parallel_loop3A_142 = arith.constant 1024 : i32
        %parallel_loop3A_143 = arith.muli %add3A_128, %parallel_loop3A_142 : i32
        %parallel_loop3A_144 = arith.constant 16 : i32
        %parallel_loop3A_145 = arith.muli %parallel_loop3A_141, %parallel_loop3A_144 : i32
        %parallel_loop3A_146 = arith.addi %parallel_loop3A_143, %parallel_loop3A_145 : i32
        %parallel_loop3A_147 = arith.index_cast %parallel_loop3A_146 : i32 to index
        %parallel_loop3A_148 = tpu.vector_load %arg9[%parallel_loop3A_147] {strides = array<i32>} : memref<51200xi32, #tpu.memory_space<vmem>>, vector<16xi32>,
        %parallel_loop3A_149 = arith.constant 8 : i32
        %parallel_loop3A_150 = arith.divsi %parallel_loop3A_141, %parallel_loop3A_149 : i32
        %parallel_loop3A_151 = arith.constant 0 : i32
        %parallel_loop3A_152 = arith.cmpi sgt, %parallel_loop3A_141, %parallel_loop3A_151 : i32
        %parallel_loop3A_153 = arith.extui %parallel_loop3A_152 : i1 to i32
        %parallel_loop3A_154 = arith.constant 0 : i32
        %parallel_loop3A_155 = arith.cmpi slt, %parallel_loop3A_141, %parallel_loop3A_154 : i32
        %parallel_loop3A_156 = arith.extui %parallel_loop3A_155 : i1 to i32
        %parallel_loop3A_157 = arith.subi %parallel_loop3A_153, %parallel_loop3A_156 : i32
        %parallel_loop3A_158 = arith.constant 0 : i32
        %parallel_loop3A_159 = arith.cmpi sgt, %parallel_loop3A_149, %parallel_loop3A_158 : i32
        %parallel_loop3A_160 = arith.extui %parallel_loop3A_159 : i1 to i32
        %parallel_loop3A_161 = arith.constant 0 : i32
        %parallel_loop3A_162 = arith.cmpi slt, %parallel_loop3A_149, %parallel_loop3A_161 : i32
        %parallel_loop3A_163 = arith.extui %parallel_loop3A_162 : i1 to i32
        %parallel_loop3A_164 = arith.subi %parallel_loop3A_160, %parallel_loop3A_163 : i32
        %parallel_loop3A_165 = arith.cmpi ne, %parallel_loop3A_157, %parallel_loop3A_164 : i32
        %parallel_loop3A_166 = arith.remsi %parallel_loop3A_141, %parallel_loop3A_149 : i32
        %parallel_loop3A_167 = arith.constant 0 : i32
        %parallel_loop3A_168 = arith.cmpi ne, %parallel_loop3A_166, %parallel_loop3A_167 : i32
        %parallel_loop3A_169 = arith.andi %parallel_loop3A_165, %parallel_loop3A_168 : i1
        %parallel_loop3A_170 = arith.constant 1 : i32
        %parallel_loop3A_171 = arith.subi %parallel_loop3A_150, %parallel_loop3A_170 : i32
        %parallel_loop3A_172 = arith.select %parallel_loop3A_169, %parallel_loop3A_171, %parallel_loop3A_150 : i32
        %parallel_loop3A_173 = arith.constant 8 : i32
        %parallel_loop3A_174 = arith.constant 0 : i32
        %parallel_loop3A_175 = arith.cmpi eq, %parallel_loop3A_173, %parallel_loop3A_174 : i32
        %parallel_loop3A_176 = arith.constant 1 : i32
        %parallel_loop3A_177 = arith.select %parallel_loop3A_175, %parallel_loop3A_176, %parallel_loop3A_173 : i32
        %parallel_loop3A_178 = arith.remsi %parallel_loop3A_141, %parallel_loop3A_177 : i32
        %parallel_loop3A_179 = arith.constant 0 : i32
        %parallel_loop3A_180 = arith.cmpi ne, %parallel_loop3A_178, %parallel_loop3A_179 : i32
        %parallel_loop3A_181 = arith.constant 0 : i32
        %parallel_loop3A_182 = arith.cmpi slt, %parallel_loop3A_178, %parallel_loop3A_181 : i32
        %parallel_loop3A_183 = arith.constant 0 : i32
        %parallel_loop3A_184 = arith.cmpi slt, %parallel_loop3A_177, %parallel_loop3A_183 : i32
        %parallel_loop3A_185 = arith.xori %parallel_loop3A_182, %parallel_loop3A_184 : i1
        %parallel_loop3A_186 = arith.andi %parallel_loop3A_185, %parallel_loop3A_180 : i1
        %parallel_loop3A_187 = arith.addi %parallel_loop3A_178, %parallel_loop3A_177 : i32
        %parallel_loop3A_188 = arith.select %parallel_loop3A_186, %parallel_loop3A_187, %parallel_loop3A_178 : i32
        %parallel_loop3A_189 = arith.constant 16 : i32
        %parallel_loop3A_190 = arith.muli %parallel_loop3A_188, %parallel_loop3A_189 : i32
        %parallel_loop3A_191 = arith.constant 0 : i32
        %parallel_loop3A_192 = vector.broadcast %parallel_loop3A_191 : i32 to vector<16xi32>
        %parallel_loop3A_193 = tpu.vector_load_idx %arg12[%parallel_loop3A_192, %parallel_loop3A_148] : memref<8x1000xf32, #tpu.memory_space<vmem>>[vector<16xi32>, vector<16xi32>], vector<16xf32>,
        %parallel_loop3A_194 = arith.constant 0 : i32
        %parallel_loop3A_195 = arith.constant 0 : i32
        %parallel_loop3A_196 = arith.constant 0 : i32
        %parallel_loop3A_197 = arith.index_cast %parallel_loop3A_194 : i32 to index
        %parallel_loop3A_198 = arith.index_cast %parallel_loop3A_195 : i32 to index
        %parallel_loop3A_199 = arith.index_cast %parallel_loop3A_172 : i32 to index
        %parallel_loop3A_200 = arith.index_cast %parallel_loop3A_196 : i32 to index
        %parallel_loop3A_201 = arith.index_cast %parallel_loop3A_190 : i32 to index
        %parallel_loop3A_202 = tpu.vector_load %arg14[%parallel_loop3A_197, %parallel_loop3A_198, %parallel_loop3A_199, %parallel_loop3A_200, %parallel_loop3A_201] {strides = array<i32>} : memref<1x1x8x8x128xf32, #tpu.memory_space<vmem>>, vector<16xf32>,
        tpu.vector_store %arg14[%parallel_loop3A_197, %parallel_loop3A_198, %parallel_loop3A_199, %parallel_loop3A_200, %parallel_loop3A_201], %parallel_loop3A_193 {strides = array<i32>} : memref<1x1x8x8x128xf32, #tpu.memory_space<vmem>>, vector<16xf32>,
        %parallel_loop3A_203 = arith.constant 1 : i32
        %parallel_loop3A_204 = vector.broadcast %parallel_loop3A_203 : i32 to vector<16xi32>
        %parallel_loop3A_205 = tpu.vector_load_idx %arg12[%parallel_loop3A_204, %parallel_loop3A_148] : memref<8x1000xf32, #tpu.memory_space<vmem>>[vector<16xi32>, vector<16xi32>], vector<16xf32>,
        %parallel_loop3A_206 = arith.constant 0 : i32
        %parallel_loop3A_207 = arith.constant 0 : i32
        %parallel_loop3A_208 = arith.constant 1 : i32
        %parallel_loop3A_209 = arith.index_cast %parallel_loop3A_206 : i32 to index
        %parallel_loop3A_210 = arith.index_cast %parallel_loop3A_207 : i32 to index
        %parallel_loop3A_211 = arith.index_cast %parallel_loop3A_172 : i32 to index
        %parallel_loop3A_212 = arith.index_cast %parallel_loop3A_208 : i32 to index
        %parallel_loop3A_213 = arith.index_cast %parallel_loop3A_190 : i32 to index
        %parallel_loop3A_214 = tpu.vector_load %arg14[%parallel_loop3A_209, %parallel_loop3A_210, %parallel_loop3A_211, %parallel_loop3A_212, %parallel_loop3A_213] {strides = array<i32>} : memref<1x1x8x8x128xf32, #tpu.memory_space<vmem>>, vector<16xf32>,
        tpu.vector_store %arg14[%parallel_loop3A_209, %parallel_loop3A_210, %parallel_loop3A_211, %parallel_loop3A_212, %parallel_loop3A_213], %parallel_loop3A_205 {strides = array<i32>} : memref<1x1x8x8x128xf32, #tpu.memory_space<vmem>>, vector<16xf32>,
        %parallel_loop3A_215 = arith.constant 2 : i32
        %parallel_loop3A_216 = vector.broadcast %parallel_loop3A_215 : i32 to vector<16xi32>
        %parallel_loop3A_217 = tpu.vector_load_idx %arg12[%parallel_loop3A_216, %parallel_loop3A_148] : memref<8x1000xf32, #tpu.memory_space<vmem>>[vector<16xi32>, vector<16xi32>], vector<16xf32>,
        %parallel_loop3A_218 = arith.constant 0 : i32
        %parallel_loop3A_219 = arith.constant 0 : i32
        %parallel_loop3A_220 = arith.constant 2 : i32
        %parallel_loop3A_221 = arith.index_cast %parallel_loop3A_218 : i32 to index
        %parallel_loop3A_222 = arith.index_cast %parallel_loop3A_219 : i32 to index
        %parallel_loop3A_223 = arith.index_cast %parallel_loop3A_172 : i32 to index
        %parallel_loop3A_224 = arith.index_cast %parallel_loop3A_220 : i32 to index
        %parallel_loop3A_225 = arith.index_cast %parallel_loop3A_190 : i32 to index
        %parallel_loop3A_226 = tpu.vector_load %arg14[%parallel_loop3A_221, %parallel_loop3A_222, %parallel_loop3A_223, %parallel_loop3A_224, %parallel_loop3A_225] {strides = array<i32>} : memref<1x1x8x8x128xf32, #tpu.memory_space<vmem>>, vector<16xf32>,
        tpu.vector_store %arg14[%parallel_loop3A_221, %parallel_loop3A_222, %parallel_loop3A_223, %parallel_loop3A_224, %parallel_loop3A_225], %parallel_loop3A_217 {strides = array<i32>} : memref<1x1x8x8x128xf32, #tpu.memory_space<vmem>>, vector<16xf32>,
        %parallel_loop3A_227 = arith.constant 3 : i32
        %parallel_loop3A_228 = vector.broadcast %parallel_loop3A_227 : i32 to vector<16xi32>
        %parallel_loop3A_229 = tpu.vector_load_idx %arg12[%parallel_loop3A_228, %parallel_loop3A_148] : memref<8x1000xf32, #tpu.memory_space<vmem>>[vector<16xi32>, vector<16xi32>], vector<16xf32>,
        %parallel_loop3A_230 = arith.constant 0 : i32
        %parallel_loop3A_231 = arith.constant 0 : i32
        %parallel_loop3A_232 = arith.constant 3 : i32
        %parallel_loop3A_233 = arith.index_cast %parallel_loop3A_230 : i32 to index
        %parallel_loop3A_234 = arith.index_cast %parallel_loop3A_231 : i32 to index
        %parallel_loop3A_235 = arith.index_cast %parallel_loop3A_172 : i32 to index
        %parallel_loop3A_236 = arith.index_cast %parallel_loop3A_232 : i32 to index
        %parallel_loop3A_237 = arith.index_cast %parallel_loop3A_190 : i32 to index
        %parallel_loop3A_238 = tpu.vector_load %arg14[%parallel_loop3A_233, %parallel_loop3A_234, %parallel_loop3A_235, %parallel_loop3A_236, %parallel_loop3A_237] {strides = array<i32>} : memref<1x1x8x8x128xf32, #tpu.memory_space<vmem>>, vector<16xf32>,
        tpu.vector_store %arg14[%parallel_loop3A_233, %parallel_loop3A_234, %parallel_loop3A_235, %parallel_loop3A_236, %parallel_loop3A_237], %parallel_loop3A_229 {strides = array<i32>} : memref<1x1x8x8x128xf32, #tpu.memory_space<vmem>>, vector<16xf32>,
        %parallel_loop3A_239 = arith.constant 4 : i32
        %parallel_loop3A_240 = vector.broadcast %parallel_loop3A_239 : i32 to vector<16xi32>
        %parallel_loop3A_241 = tpu.vector_load_idx %arg12[%parallel_loop3A_240, %parallel_loop3A_148] : memref<8x1000xf32, #tpu.memory_space<vmem>>[vector<16xi32>, vector<16xi32>], vector<16xf32>,
        %parallel_loop3A_242 = arith.constant 0 : i32
        %parallel_loop3A_243 = arith.constant 0 : i32
        %parallel_loop3A_244 = arith.constant 4 : i32
        %parallel_loop3A_245 = arith.index_cast %parallel_loop3A_242 : i32 to index
        %parallel_loop3A_246 = arith.index_cast %parallel_loop3A_243 : i32 to index
        %parallel_loop3A_247 = arith.index_cast %parallel_loop3A_172 : i32 to index
        %parallel_loop3A_248 = arith.index_cast %parallel_loop3A_244 : i32 to index
        %parallel_loop3A_249 = arith.index_cast %parallel_loop3A_190 : i32 to index
        %parallel_loop3A_250 = tpu.vector_load %arg14[%parallel_loop3A_245, %parallel_loop3A_246, %parallel_loop3A_247, %parallel_loop3A_248, %parallel_loop3A_249] {strides = array<i32>} : memref<1x1x8x8x128xf32, #tpu.memory_space<vmem>>, vector<16xf32>,
        tpu.vector_store %arg14[%parallel_loop3A_245, %parallel_loop3A_246, %parallel_loop3A_247, %parallel_loop3A_248, %parallel_loop3A_249], %parallel_loop3A_241 {strides = array<i32>} : memref<1x1x8x8x128xf32, #tpu.memory_space<vmem>>, vector<16xf32>,
        %parallel_loop3A_251 = arith.constant 5 : i32
        %parallel_loop3A_252 = vector.broadcast %parallel_loop3A_251 : i32 to vector<16xi32>
        %parallel_loop3A_253 = tpu.vector_load_idx %arg12[%parallel_loop3A_252, %parallel_loop3A_148] : memref<8x1000xf32, #tpu.memory_space<vmem>>[vector<16xi32>, vector<16xi32>], vector<16xf32>,
        %parallel_loop3A_254 = arith.constant 0 : i32
        %parallel_loop3A_255 = arith.constant 0 : i32
        %parallel_loop3A_256 = arith.constant 5 : i32
        %parallel_loop3A_257 = arith.index_cast %parallel_loop3A_254 : i32 to index
        %parallel_loop3A_258 = arith.index_cast %parallel_loop3A_255 : i32 to index
        %parallel_loop3A_259 = arith.index_cast %parallel_loop3A_172 : i32 to index
        %parallel_loop3A_260 = arith.index_cast %parallel_loop3A_256 : i32 to index
        %parallel_loop3A_261 = arith.index_cast %parallel_loop3A_190 : i32 to index
        %parallel_loop3A_262 = tpu.vector_load %arg14[%parallel_loop3A_257, %parallel_loop3A_258, %parallel_loop3A_259, %parallel_loop3A_260, %parallel_loop3A_261] {strides = array<i32>} : memref<1x1x8x8x128xf32, #tpu.memory_space<vmem>>, vector<16xf32>,
        tpu.vector_store %arg14[%parallel_loop3A_257, %parallel_loop3A_258, %parallel_loop3A_259, %parallel_loop3A_260, %parallel_loop3A_261], %parallel_loop3A_253 {strides = array<i32>} : memref<1x1x8x8x128xf32, #tpu.memory_space<vmem>>, vector<16xf32>,
        %parallel_loop3A_263 = arith.constant 6 : i32
        %parallel_loop3A_264 = vector.broadcast %parallel_loop3A_263 : i32 to vector<16xi32>
        %parallel_loop3A_265 = tpu.vector_load_idx %arg12[%parallel_loop3A_264, %parallel_loop3A_148] : memref<8x1000xf32, #tpu.memory_space<vmem>>[vector<16xi32>, vector<16xi32>], vector<16xf32>,
        %parallel_loop3A_266 = arith.constant 0 : i32
        %parallel_loop3A_267 = arith.constant 0 : i32
        %parallel_loop3A_268 = arith.constant 6 : i32
        %parallel_loop3A_269 = arith.index_cast %parallel_loop3A_266 : i32 to index
        %parallel_loop3A_270 = arith.index_cast %parallel_loop3A_267 : i32 to index
        %parallel_loop3A_271 = arith.index_cast %parallel_loop3A_172 : i32 to index
        %parallel_loop3A_272 = arith.index_cast %parallel_loop3A_268 : i32 to index
        %parallel_loop3A_273 = arith.index_cast %parallel_loop3A_190 : i32 to index
        %parallel_loop3A_274 = tpu.vector_load %arg14[%parallel_loop3A_269, %parallel_loop3A_270, %parallel_loop3A_271, %parallel_loop3A_272, %parallel_loop3A_273] {strides = array<i32>} : memref<1x1x8x8x128xf32, #tpu.memory_space<vmem>>, vector<16xf32>,
        tpu.vector_store %arg14[%parallel_loop3A_269, %parallel_loop3A_270, %parallel_loop3A_271, %parallel_loop3A_272, %parallel_loop3A_273], %parallel_loop3A_265 {strides = array<i32>} : memref<1x1x8x8x128xf32, #tpu.memory_space<vmem>>, vector<16xf32>,
        %parallel_loop3A_275 = arith.constant 7 : i32
        %parallel_loop3A_276 = vector.broadcast %parallel_loop3A_275 : i32 to vector<16xi32>
        %parallel_loop3A_277 = tpu.vector_load_idx %arg12[%parallel_loop3A_276, %parallel_loop3A_148] : memref<8x1000xf32, #tpu.memory_space<vmem>>[vector<16xi32>, vector<16xi32>], vector<16xf32>,
        %parallel_loop3A_278 = arith.constant 0 : i32
        %parallel_loop3A_279 = arith.constant 0 : i32
        %parallel_loop3A_280 = arith.constant 7 : i32
        %parallel_loop3A_281 = arith.index_cast %parallel_loop3A_278 : i32 to index
        %parallel_loop3A_282 = arith.index_cast %parallel_loop3A_279 : i32 to index
        %parallel_loop3A_283 = arith.index_cast %parallel_loop3A_172 : i32 to index
        %parallel_loop3A_284 = arith.index_cast %parallel_loop3A_280 : i32 to index
        %parallel_loop3A_285 = arith.index_cast %parallel_loop3A_190 : i32 to index
        %parallel_loop3A_286 = tpu.vector_load %arg14[%parallel_loop3A_281, %parallel_loop3A_282, %parallel_loop3A_283, %parallel_loop3A_284, %parallel_loop3A_285] {strides = array<i32>} : memref<1x1x8x8x128xf32, #tpu.memory_space<vmem>>, vector<16xf32>,
        tpu.vector_store %arg14[%parallel_loop3A_281, %parallel_loop3A_282, %parallel_loop3A_283, %parallel_loop3A_284, %parallel_loop3A_285], %parallel_loop3A_277 {strides = array<i32>} : memref<1x1x8x8x128xf32, #tpu.memory_space<vmem>>, vector<16xf32>,
      } {sc.loop_unroll_factor = 8 : i64, sc.parallel_access}
      %dma_start3A_132 = arith.constant 0 : i32
      %dma_start3A_133 = arith.constant 0 : i32
      %dma_start3A_134 = arith.constant 0 : i32
      %dma_start3A_135 = tpu.memref_slice %arg7[%add3A_128, %add3A_4, %dma_start3A_132, %dma_start3A_133, %dma_start3A_134] : memref<50x125x8x8x128xf32, #tpu.memory_space<hbm>> -> memref<1x1x8x8x128xf32, #tpu.memory_space<hbm>>
      %dma_start3A_136 = arith.constant 0 : i32
      %dma_start3A_137 = arith.constant 0 : i32
      %dma_start3A_138 = arith.constant 0 : i32
      %dma_start3A_139 = tpu.memref_slice %arg7[%add3A_128, %add3A_4, %dma_start3A_136, %dma_start3A_137, %dma_start3A_138] : memref<50x125x8x8x128xf32, #tpu.memory_space<hbm>> -> memref<1x1x8x8x128xf32, #tpu.memory_space<hbm>>
      tpu.enqueue_dma source(%arg14 : memref<1x1x8x8x128xf32, #tpu.memory_space<vmem>>) target(%dma_start3A_139 : memref<1x1x8x8x128xf32, #tpu.memory_space<hbm>>) target_semaphore(%arg19 : memref<!tpu.dma_semaphore, #tpu.memory_space<semaphore_mem>>)
      %scan3A_140 = arith.constant 0 : i32
      scf.yield %scan3A_140 : i32
    }
    %scan3A_12 = arith.constant 25 : i32
    %add3A_13 = arith.constant 32 : i32
    %add3A_14 = arith.addi %add3A, %add3A_13 : i32
    %mul3A_15 = arith.constant 8 : i32
    %mul3A_16 = arith.muli %add3A_14, %mul3A_15 : i32
    "tpu.region"() ({
      %run_scoped3A = tpu.sem_alloc : memref<!tpu.dma_semaphore, #tpu.memory_space<semaphore_mem>>
      %dma_start3A = arith.constant 0 : i32
      %dma_start3A_96 = tpu.memref_slice %arg2[%mul3A_16, %dma_start3A] : memref<1000x1000xf32, #tpu.memory_space<hbm>> -> memref<8x1000xf32, #tpu.memory_space<hbm>>
      %dma_start3A_97 = arith.constant 0 : i32
      %dma_start3A_98 = tpu.memref_slice %arg2[%mul3A_16, %dma_start3A_97] : memref<1000x1000xf32, #tpu.memory_space<hbm>> -> memref<8x1000xf32, #tpu.memory_space<hbm>>
      tpu.enqueue_dma source(%dma_start3A_98 : memref<8x1000xf32, #tpu.memory_space<hbm>>) target(%arg12 : memref<8x1000xf32, #tpu.memory_space<vmem>>) target_semaphore(%run_scoped3A : memref<!tpu.dma_semaphore, #tpu.memory_space<semaphore_mem>>)
      %dma_wait3A_99 = arith.constant 0 : i32
      %dma_wait3A_100 = tpu.memref_slice %arg2[%mul3A_16, %dma_wait3A_99] : memref<1000x1000xf32, #tpu.memory_space<hbm>> -> memref<8x1000xf32, #tpu.memory_space<hbm>>
      %dma_wait3A_101 = arith.constant 0 : i32
      %dma_wait3A_102 = tpu.memref_slice %arg2[%mul3A_16, %dma_wait3A_101] : memref<1000x1000xf32, #tpu.memory_space<hbm>> -> memref<8x1000xf32, #tpu.memory_space<hbm>>
      tpu.wait_dma2 semaphore(%run_scoped3A : memref<!tpu.dma_semaphore, #tpu.memory_space<semaphore_mem>>) src(%dma_wait3A_102 : memref<8x1000xf32, #tpu.memory_space<hbm>>) dst(%arg12 : memref<8x1000xf32, #tpu.memory_space<vmem>>)
      tpu.yield
    }) : () -> ()
    %scan3A_17 = arith.constant 0 : i32
    %scan3A_18 = arith.constant 0 : i32
    %scan3A_19 = arith.constant 25 : i32
    %scan3A_20 = arith.addi %scan3A_18, %scan3A_19 : i32
    %scan3A_21 = arith.constant 1 : i32
    %scan3A_22 = scf.for %scan3A_96 = %scan3A_18 to %scan3A_20 step %scan3A_21 iter_args(%scan3A_97 = %scan3A_17) -> (i32)  : i32 {
      %gt3A = arith.constant 1 : i32
      %gt3A_98 = arith.constant 0 : i32
      %gt3A_99 = arith.cmpi sgt, %gt3A, %gt3A_98 : i32
      %gt3A_100 = arith.constant 0 : i32
      %gt3A_101 = arith.cmpi sgt, %scan3A_96, %gt3A_100 : i32
      %or3A = arith.ori %gt3A_99, %gt3A_101 : i1
      %convert_element_type3A_102 = arith.extui %or3A : i1 to i32
      %cond3A_103 = arith.constant 0 : i32
      %cond3A_104 = arith.cmpi ne, %convert_element_type3A_102, %cond3A_103 : i32
      scf.if %cond3A_104 {
        %dma_wait3A_141 = arith.constant 0 : i32
        %dma_wait3A_142 = arith.constant 0 : i32
        %dma_wait3A_143 = arith.constant 0 : i32
        %dma_wait3A_144 = arith.constant 0 : i32
        %dma_wait3A_145 = arith.constant 0 : i32
        %dma_wait3A_146 = tpu.memref_slice %arg7[%dma_wait3A_141, %dma_wait3A_142, %dma_wait3A_143, %dma_wait3A_144, %dma_wait3A_145] : memref<50x125x8x8x128xf32, #tpu.memory_space<hbm>> -> memref<1x1x8x8x128xf32, #tpu.memory_space<hbm>>
        %dma_wait3A_147 = arith.constant 0 : i32
        %dma_wait3A_148 = arith.constant 0 : i32
        %dma_wait3A_149 = arith.constant 0 : i32
        %dma_wait3A_150 = arith.constant 0 : i32
        %dma_wait3A_151 = arith.constant 0 : i32
        %dma_wait3A_152 = tpu.memref_slice %arg7[%dma_wait3A_147, %dma_wait3A_148, %dma_wait3A_149, %dma_wait3A_150, %dma_wait3A_151] : memref<50x125x8x8x128xf32, #tpu.memory_space<hbm>> -> memref<1x1x8x8x128xf32, #tpu.memory_space<hbm>>
        tpu.wait_dma2 semaphore(%arg18 : memref<!tpu.dma_semaphore, #tpu.memory_space<semaphore_mem>>) src(%arg13 : memref<1x1x8x8x128xf32, #tpu.memory_space<vmem>>) dst(%dma_wait3A_152 : memref<1x1x8x8x128xf32, #tpu.memory_space<hbm>>)
      } else {
      }
      %mul3A_105 = arith.constant 2 : i32
      %mul3A_106 = arith.muli %mul3A_105, %scan3A_96 : i32
      %parallel_loop3A = arith.constant 0 : i32
      %parallel_loop3A_107 = arith.constant 64 : i32
      %parallel_loop3A_108 = arith.constant 1 : i32
      scf.for %parallel_loop3A_141 = %parallel_loop3A to %parallel_loop3A_107 step %parallel_loop3A_108  : i32 {
        %parallel_loop3A_142 = arith.constant 1024 : i32
        %parallel_loop3A_143 = arith.muli %mul3A_106, %parallel_loop3A_142 : i32
        %parallel_loop3A_144 = arith.constant 16 : i32
        %parallel_loop3A_145 = arith.muli %parallel_loop3A_141, %parallel_loop3A_144 : i32
        %parallel_loop3A_146 = arith.addi %parallel_loop3A_143, %parallel_loop3A_145 : i32
        %parallel_loop3A_147 = arith.index_cast %parallel_loop3A_146 : i32 to index
        %parallel_loop3A_148 = tpu.vector_load %arg9[%parallel_loop3A_147] {strides = array<i32>} : memref<51200xi32, #tpu.memory_space<vmem>>, vector<16xi32>,
        %parallel_loop3A_149 = arith.constant 8 : i32
        %parallel_loop3A_150 = arith.divsi %parallel_loop3A_141, %parallel_loop3A_149 : i32
        %parallel_loop3A_151 = arith.constant 0 : i32
        %parallel_loop3A_152 = arith.cmpi sgt, %parallel_loop3A_141, %parallel_loop3A_151 : i32
        %parallel_loop3A_153 = arith.extui %parallel_loop3A_152 : i1 to i32
        %parallel_loop3A_154 = arith.constant 0 : i32
        %parallel_loop3A_155 = arith.cmpi slt, %parallel_loop3A_141, %parallel_loop3A_154 : i32
        %parallel_loop3A_156 = arith.extui %parallel_loop3A_155 : i1 to i32
        %parallel_loop3A_157 = arith.subi %parallel_loop3A_153, %parallel_loop3A_156 : i32
        %parallel_loop3A_158 = arith.constant 0 : i32
        %parallel_loop3A_159 = arith.cmpi sgt, %parallel_loop3A_149, %parallel_loop3A_158 : i32
        %parallel_loop3A_160 = arith.extui %parallel_loop3A_159 : i1 to i32
        %parallel_loop3A_161 = arith.constant 0 : i32
        %parallel_loop3A_162 = arith.cmpi slt, %parallel_loop3A_149, %parallel_loop3A_161 : i32
        %parallel_loop3A_163 = arith.extui %parallel_loop3A_162 : i1 to i32
        %parallel_loop3A_164 = arith.subi %parallel_loop3A_160, %parallel_loop3A_163 : i32
        %parallel_loop3A_165 = arith.cmpi ne, %parallel_loop3A_157, %parallel_loop3A_164 : i32
        %parallel_loop3A_166 = arith.remsi %parallel_loop3A_141, %parallel_loop3A_149 : i32
        %parallel_loop3A_167 = arith.constant 0 : i32
        %parallel_loop3A_168 = arith.cmpi ne, %parallel_loop3A_166, %parallel_loop3A_167 : i32
        %parallel_loop3A_169 = arith.andi %parallel_loop3A_165, %parallel_loop3A_168 : i1
        %parallel_loop3A_170 = arith.constant 1 : i32
        %parallel_loop3A_171 = arith.subi %parallel_loop3A_150, %parallel_loop3A_170 : i32
        %parallel_loop3A_172 = arith.select %parallel_loop3A_169, %parallel_loop3A_171, %parallel_loop3A_150 : i32
        %parallel_loop3A_173 = arith.constant 8 : i32
        %parallel_loop3A_174 = arith.constant 0 : i32
        %parallel_loop3A_175 = arith.cmpi eq, %parallel_loop3A_173, %parallel_loop3A_174 : i32
        %parallel_loop3A_176 = arith.constant 1 : i32
        %parallel_loop3A_177 = arith.select %parallel_loop3A_175, %parallel_loop3A_176, %parallel_loop3A_173 : i32
        %parallel_loop3A_178 = arith.remsi %parallel_loop3A_141, %parallel_loop3A_177 : i32
        %parallel_loop3A_179 = arith.constant 0 : i32
        %parallel_loop3A_180 = arith.cmpi ne, %parallel_loop3A_178, %parallel_loop3A_179 : i32
        %parallel_loop3A_181 = arith.constant 0 : i32
        %parallel_loop3A_182 = arith.cmpi slt, %parallel_loop3A_178, %parallel_loop3A_181 : i32
        %parallel_loop3A_183 = arith.constant 0 : i32
        %parallel_loop3A_184 = arith.cmpi slt, %parallel_loop3A_177, %parallel_loop3A_183 : i32
        %parallel_loop3A_185 = arith.xori %parallel_loop3A_182, %parallel_loop3A_184 : i1
        %parallel_loop3A_186 = arith.andi %parallel_loop3A_185, %parallel_loop3A_180 : i1
        %parallel_loop3A_187 = arith.addi %parallel_loop3A_178, %parallel_loop3A_177 : i32
        %parallel_loop3A_188 = arith.select %parallel_loop3A_186, %parallel_loop3A_187, %parallel_loop3A_178 : i32
        %parallel_loop3A_189 = arith.constant 16 : i32
        %parallel_loop3A_190 = arith.muli %parallel_loop3A_188, %parallel_loop3A_189 : i32
        %parallel_loop3A_191 = arith.constant 0 : i32
        %parallel_loop3A_192 = vector.broadcast %parallel_loop3A_191 : i32 to vector<16xi32>
        %parallel_loop3A_193 = tpu.vector_load_idx %arg12[%parallel_loop3A_192, %parallel_loop3A_148] : memref<8x1000xf32, #tpu.memory_space<vmem>>[vector<16xi32>, vector<16xi32>], vector<16xf32>,
        %parallel_loop3A_194 = arith.constant 0 : i32
        %parallel_loop3A_195 = arith.constant 0 : i32
        %parallel_loop3A_196 = arith.constant 0 : i32
        %parallel_loop3A_197 = arith.index_cast %parallel_loop3A_194 : i32 to index
        %parallel_loop3A_198 = arith.index_cast %parallel_loop3A_195 : i32 to index
        %parallel_loop3A_199 = arith.index_cast %parallel_loop3A_172 : i32 to index
        %parallel_loop3A_200 = arith.index_cast %parallel_loop3A_196 : i32 to index
        %parallel_loop3A_201 = arith.index_cast %parallel_loop3A_190 : i32 to index
        %parallel_loop3A_202 = tpu.vector_load %arg13[%parallel_loop3A_197, %parallel_loop3A_198, %parallel_loop3A_199, %parallel_loop3A_200, %parallel_loop3A_201] {strides = array<i32>} : memref<1x1x8x8x128xf32, #tpu.memory_space<vmem>>, vector<16xf32>,
        tpu.vector_store %arg13[%parallel_loop3A_197, %parallel_loop3A_198, %parallel_loop3A_199, %parallel_loop3A_200, %parallel_loop3A_201], %parallel_loop3A_193 {strides = array<i32>} : memref<1x1x8x8x128xf32, #tpu.memory_space<vmem>>, vector<16xf32>,
        %parallel_loop3A_203 = arith.constant 1 : i32
        %parallel_loop3A_204 = vector.broadcast %parallel_loop3A_203 : i32 to vector<16xi32>
        %parallel_loop3A_205 = tpu.vector_load_idx %arg12[%parallel_loop3A_204, %parallel_loop3A_148] : memref<8x1000xf32, #tpu.memory_space<vmem>>[vector<16xi32>, vector<16xi32>], vector<16xf32>,
        %parallel_loop3A_206 = arith.constant 0 : i32
        %parallel_loop3A_207 = arith.constant 0 : i32
        %parallel_loop3A_208 = arith.constant 1 : i32
        %parallel_loop3A_209 = arith.index_cast %parallel_loop3A_206 : i32 to index
        %parallel_loop3A_210 = arith.index_cast %parallel_loop3A_207 : i32 to index
        %parallel_loop3A_211 = arith.index_cast %parallel_loop3A_172 : i32 to index
        %parallel_loop3A_212 = arith.index_cast %parallel_loop3A_208 : i32 to index
        %parallel_loop3A_213 = arith.index_cast %parallel_loop3A_190 : i32 to index
        %parallel_loop3A_214 = tpu.vector_load %arg13[%parallel_loop3A_209, %parallel_loop3A_210, %parallel_loop3A_211, %parallel_loop3A_212, %parallel_loop3A_213] {strides = array<i32>} : memref<1x1x8x8x128xf32, #tpu.memory_space<vmem>>, vector<16xf32>,
        tpu.vector_store %arg13[%parallel_loop3A_209, %parallel_loop3A_210, %parallel_loop3A_211, %parallel_loop3A_212, %parallel_loop3A_213], %parallel_loop3A_205 {strides = array<i32>} : memref<1x1x8x8x128xf32, #tpu.memory_space<vmem>>, vector<16xf32>,
        %parallel_loop3A_215 = arith.constant 2 : i32
        %parallel_loop3A_216 = vector.broadcast %parallel_loop3A_215 : i32 to vector<16xi32>
        %parallel_loop3A_217 = tpu.vector_load_idx %arg12[%parallel_loop3A_216, %parallel_loop3A_148] : memref<8x1000xf32, #tpu.memory_space<vmem>>[vector<16xi32>, vector<16xi32>], vector<16xf32>,
        %parallel_loop3A_218 = arith.constant 0 : i32
        %parallel_loop3A_219 = arith.constant 0 : i32
        %parallel_loop3A_220 = arith.constant 2 : i32
        %parallel_loop3A_221 = arith.index_cast %parallel_loop3A_218 : i32 to index
        %parallel_loop3A_222 = arith.index_cast %parallel_loop3A_219 : i32 to index
        %parallel_loop3A_223 = arith.index_cast %parallel_loop3A_172 : i32 to index
        %parallel_loop3A_224 = arith.index_cast %parallel_loop3A_220 : i32 to index
        %parallel_loop3A_225 = arith.index_cast %parallel_loop3A_190 : i32 to index
        %parallel_loop3A_226 = tpu.vector_load %arg13[%parallel_loop3A_221, %parallel_loop3A_222, %parallel_loop3A_223, %parallel_loop3A_224, %parallel_loop3A_225] {strides = array<i32>} : memref<1x1x8x8x128xf32, #tpu.memory_space<vmem>>, vector<16xf32>,
        tpu.vector_store %arg13[%parallel_loop3A_221, %parallel_loop3A_222, %parallel_loop3A_223, %parallel_loop3A_224, %parallel_loop3A_225], %parallel_loop3A_217 {strides = array<i32>} : memref<1x1x8x8x128xf32, #tpu.memory_space<vmem>>, vector<16xf32>,
        %parallel_loop3A_227 = arith.constant 3 : i32
        %parallel_loop3A_228 = vector.broadcast %parallel_loop3A_227 : i32 to vector<16xi32>
        %parallel_loop3A_229 = tpu.vector_load_idx %arg12[%parallel_loop3A_228, %parallel_loop3A_148] : memref<8x1000xf32, #tpu.memory_space<vmem>>[vector<16xi32>, vector<16xi32>], vector<16xf32>,
        %parallel_loop3A_230 = arith.constant 0 : i32
        %parallel_loop3A_231 = arith.constant 0 : i32
        %parallel_loop3A_232 = arith.constant 3 : i32
        %parallel_loop3A_233 = arith.index_cast %parallel_loop3A_230 : i32 to index
        %parallel_loop3A_234 = arith.index_cast %parallel_loop3A_231 : i32 to index
        %parallel_loop3A_235 = arith.index_cast %parallel_loop3A_172 : i32 to index
        %parallel_loop3A_236 = arith.index_cast %parallel_loop3A_232 : i32 to index
        %parallel_loop3A_237 = arith.index_cast %parallel_loop3A_190 : i32 to index
        %parallel_loop3A_238 = tpu.vector_load %arg13[%parallel_loop3A_233, %parallel_loop3A_234, %parallel_loop3A_235, %parallel_loop3A_236, %parallel_loop3A_237] {strides = array<i32>} : memref<1x1x8x8x128xf32, #tpu.memory_space<vmem>>, vector<16xf32>,
        tpu.vector_store %arg13[%parallel_loop3A_233, %parallel_loop3A_234, %parallel_loop3A_235, %parallel_loop3A_236, %parallel_loop3A_237], %parallel_loop3A_229 {strides = array<i32>} : memref<1x1x8x8x128xf32, #tpu.memory_space<vmem>>, vector<16xf32>,
        %parallel_loop3A_239 = arith.constant 4 : i32
        %parallel_loop3A_240 = vector.broadcast %parallel_loop3A_239 : i32 to vector<16xi32>
        %parallel_loop3A_241 = tpu.vector_load_idx %arg12[%parallel_loop3A_240, %parallel_loop3A_148] : memref<8x1000xf32, #tpu.memory_space<vmem>>[vector<16xi32>, vector<16xi32>], vector<16xf32>,
        %parallel_loop3A_242 = arith.constant 0 : i32
        %parallel_loop3A_243 = arith.constant 0 : i32
        %parallel_loop3A_244 = arith.constant 4 : i32
        %parallel_loop3A_245 = arith.index_cast %parallel_loop3A_242 : i32 to index
        %parallel_loop3A_246 = arith.index_cast %parallel_loop3A_243 : i32 to index
        %parallel_loop3A_247 = arith.index_cast %parallel_loop3A_172 : i32 to index
        %parallel_loop3A_248 = arith.index_cast %parallel_loop3A_244 : i32 to index
        %parallel_loop3A_249 = arith.index_cast %parallel_loop3A_190 : i32 to index
        %parallel_loop3A_250 = tpu.vector_load %arg13[%parallel_loop3A_245, %parallel_loop3A_246, %parallel_loop3A_247, %parallel_loop3A_248, %parallel_loop3A_249] {strides = array<i32>} : memref<1x1x8x8x128xf32, #tpu.memory_space<vmem>>, vector<16xf32>,
        tpu.vector_store %arg13[%parallel_loop3A_245, %parallel_loop3A_246, %parallel_loop3A_247, %parallel_loop3A_248, %parallel_loop3A_249], %parallel_loop3A_241 {strides = array<i32>} : memref<1x1x8x8x128xf32, #tpu.memory_space<vmem>>, vector<16xf32>,
        %parallel_loop3A_251 = arith.constant 5 : i32
        %parallel_loop3A_252 = vector.broadcast %parallel_loop3A_251 : i32 to vector<16xi32>
        %parallel_loop3A_253 = tpu.vector_load_idx %arg12[%parallel_loop3A_252, %parallel_loop3A_148] : memref<8x1000xf32, #tpu.memory_space<vmem>>[vector<16xi32>, vector<16xi32>], vector<16xf32>,
        %parallel_loop3A_254 = arith.constant 0 : i32
        %parallel_loop3A_255 = arith.constant 0 : i32
        %parallel_loop3A_256 = arith.constant 5 : i32
        %parallel_loop3A_257 = arith.index_cast %parallel_loop3A_254 : i32 to index
        %parallel_loop3A_258 = arith.index_cast %parallel_loop3A_255 : i32 to index
        %parallel_loop3A_259 = arith.index_cast %parallel_loop3A_172 : i32 to index
        %parallel_loop3A_260 = arith.index_cast %parallel_loop3A_256 : i32 to index
        %parallel_loop3A_261 = arith.index_cast %parallel_loop3A_190 : i32 to index
        %parallel_loop3A_262 = tpu.vector_load %arg13[%parallel_loop3A_257, %parallel_loop3A_258, %parallel_loop3A_259, %parallel_loop3A_260, %parallel_loop3A_261] {strides = array<i32>} : memref<1x1x8x8x128xf32, #tpu.memory_space<vmem>>, vector<16xf32>,
        tpu.vector_store %arg13[%parallel_loop3A_257, %parallel_loop3A_258, %parallel_loop3A_259, %parallel_loop3A_260, %parallel_loop3A_261], %parallel_loop3A_253 {strides = array<i32>} : memref<1x1x8x8x128xf32, #tpu.memory_space<vmem>>, vector<16xf32>,
        %parallel_loop3A_263 = arith.constant 6 : i32
        %parallel_loop3A_264 = vector.broadcast %parallel_loop3A_263 : i32 to vector<16xi32>
        %parallel_loop3A_265 = tpu.vector_load_idx %arg12[%parallel_loop3A_264, %parallel_loop3A_148] : memref<8x1000xf32, #tpu.memory_space<vmem>>[vector<16xi32>, vector<16xi32>], vector<16xf32>,
        %parallel_loop3A_266 = arith.constant 0 : i32
        %parallel_loop3A_267 = arith.constant 0 : i32
        %parallel_loop3A_268 = arith.constant 6 : i32
        %parallel_loop3A_269 = arith.index_cast %parallel_loop3A_266 : i32 to index
        %parallel_loop3A_270 = arith.index_cast %parallel_loop3A_267 : i32 to index
        %parallel_loop3A_271 = arith.index_cast %parallel_loop3A_172 : i32 to index
        %parallel_loop3A_272 = arith.index_cast %parallel_loop3A_268 : i32 to index
        %parallel_loop3A_273 = arith.index_cast %parallel_loop3A_190 : i32 to index
        %parallel_loop3A_274 = tpu.vector_load %arg13[%parallel_loop3A_269, %parallel_loop3A_270, %parallel_loop3A_271, %parallel_loop3A_272, %parallel_loop3A_273] {strides = array<i32>} : memref<1x1x8x8x128xf32, #tpu.memory_space<vmem>>, vector<16xf32>,
        tpu.vector_store %arg13[%parallel_loop3A_269, %parallel_loop3A_270, %parallel_loop3A_271, %parallel_loop3A_272, %parallel_loop3A_273], %parallel_loop3A_265 {strides = array<i32>} : memref<1x1x8x8x128xf32, #tpu.memory_space<vmem>>, vector<16xf32>,
        %parallel_loop3A_275 = arith.constant 7 : i32
        %parallel_loop3A_276 = vector.broadcast %parallel_loop3A_275 : i32 to vector<16xi32>
        %parallel_loop3A_277 = tpu.vector_load_idx %arg12[%parallel_loop3A_276, %parallel_loop3A_148] : memref<8x1000xf32, #tpu.memory_space<vmem>>[vector<16xi32>, vector<16xi32>], vector<16xf32>,
        %parallel_loop3A_278 = arith.constant 0 : i32
        %parallel_loop3A_279 = arith.constant 0 : i32
        %parallel_loop3A_280 = arith.constant 7 : i32
        %parallel_loop3A_281 = arith.index_cast %parallel_loop3A_278 : i32 to index
        %parallel_loop3A_282 = arith.index_cast %parallel_loop3A_279 : i32 to index
        %parallel_loop3A_283 = arith.index_cast %parallel_loop3A_172 : i32 to index
        %parallel_loop3A_284 = arith.index_cast %parallel_loop3A_280 : i32 to index
        %parallel_loop3A_285 = arith.index_cast %parallel_loop3A_190 : i32 to index
        %parallel_loop3A_286 = tpu.vector_load %arg13[%parallel_loop3A_281, %parallel_loop3A_282, %parallel_loop3A_283, %parallel_loop3A_284, %parallel_loop3A_285] {strides = array<i32>} : memref<1x1x8x8x128xf32, #tpu.memory_space<vmem>>, vector<16xf32>,
        tpu.vector_store %arg13[%parallel_loop3A_281, %parallel_loop3A_282, %parallel_loop3A_283, %parallel_loop3A_284, %parallel_loop3A_285], %parallel_loop3A_277 {strides = array<i32>} : memref<1x1x8x8x128xf32, #tpu.memory_space<vmem>>, vector<16xf32>,
      } {sc.loop_unroll_factor = 8 : i64, sc.parallel_access}
      %dma_start3A = arith.constant 0 : i32
      %dma_start3A_109 = arith.constant 0 : i32
      %dma_start3A_110 = arith.constant 0 : i32
      %dma_start3A_111 = tpu.memref_slice %arg7[%mul3A_106, %add3A_14, %dma_start3A, %dma_start3A_109, %dma_start3A_110] : memref<50x125x8x8x128xf32, #tpu.memory_space<hbm>> -> memref<1x1x8x8x128xf32, #tpu.memory_space<hbm>>
      %dma_start3A_112 = arith.constant 0 : i32
      %dma_start3A_113 = arith.constant 0 : i32
      %dma_start3A_114 = arith.constant 0 : i32
      %dma_start3A_115 = tpu.memref_slice %arg7[%mul3A_106, %add3A_14, %dma_start3A_112, %dma_start3A_113, %dma_start3A_114] : memref<50x125x8x8x128xf32, #tpu.memory_space<hbm>> -> memref<1x1x8x8x128xf32, #tpu.memory_space<hbm>>
      tpu.enqueue_dma source(%arg13 : memref<1x1x8x8x128xf32, #tpu.memory_space<vmem>>) target(%dma_start3A_115 : memref<1x1x8x8x128xf32, #tpu.memory_space<hbm>>) target_semaphore(%arg18 : memref<!tpu.dma_semaphore, #tpu.memory_space<semaphore_mem>>)
      %gt3A_116 = arith.constant 1 : i32
      %gt3A_117 = arith.constant 0 : i32
      %gt3A_118 = arith.cmpi sgt, %gt3A_116, %gt3A_117 : i32
      %gt3A_119 = arith.constant 0 : i32
      %gt3A_120 = arith.cmpi sgt, %scan3A_96, %gt3A_119 : i32
      %or3A_121 = arith.ori %gt3A_118, %gt3A_120 : i1
      %convert_element_type3A_122 = arith.extui %or3A_121 : i1 to i32
      %cond3A_123 = arith.constant 0 : i32
      %cond3A_124 = arith.cmpi ne, %convert_element_type3A_122, %cond3A_123 : i32
      scf.if %cond3A_124 {
        %dma_wait3A_141 = arith.constant 0 : i32
        %dma_wait3A_142 = arith.constant 0 : i32
        %dma_wait3A_143 = arith.constant 0 : i32
        %dma_wait3A_144 = arith.constant 0 : i32
        %dma_wait3A_145 = arith.constant 0 : i32
        %dma_wait3A_146 = tpu.memref_slice %arg7[%dma_wait3A_141, %dma_wait3A_142, %dma_wait3A_143, %dma_wait3A_144, %dma_wait3A_145] : memref<50x125x8x8x128xf32, #tpu.memory_space<hbm>> -> memref<1x1x8x8x128xf32, #tpu.memory_space<hbm>>
        %dma_wait3A_147 = arith.constant 0 : i32
        %dma_wait3A_148 = arith.constant 0 : i32
        %dma_wait3A_149 = arith.constant 0 : i32
        %dma_wait3A_150 = arith.constant 0 : i32
        %dma_wait3A_151 = arith.constant 0 : i32
        %dma_wait3A_152 = tpu.memref_slice %arg7[%dma_wait3A_147, %dma_wait3A_148, %dma_wait3A_149, %dma_wait3A_150, %dma_wait3A_151] : memref<50x125x8x8x128xf32, #tpu.memory_space<hbm>> -> memref<1x1x8x8x128xf32, #tpu.memory_space<hbm>>
        tpu.wait_dma2 semaphore(%arg19 : memref<!tpu.dma_semaphore, #tpu.memory_space<semaphore_mem>>) src(%arg13 : memref<1x1x8x8x128xf32, #tpu.memory_space<vmem>>) dst(%dma_wait3A_152 : memref<1x1x8x8x128xf32, #tpu.memory_space<hbm>>)
      } else {
      }
      %mul3A_125 = arith.constant 2 : i32
      %mul3A_126 = arith.muli %mul3A_125, %scan3A_96 : i32
      %add3A_127 = arith.constant 1 : i32
      %add3A_128 = arith.addi %mul3A_126, %add3A_127 : i32
      %parallel_loop3A_129 = arith.constant 0 : i32
      %parallel_loop3A_130 = arith.constant 64 : i32
      %parallel_loop3A_131 = arith.constant 1 : i32
      scf.for %parallel_loop3A_141 = %parallel_loop3A_129 to %parallel_loop3A_130 step %parallel_loop3A_131  : i32 {
        %parallel_loop3A_142 = arith.constant 1024 : i32
        %parallel_loop3A_143 = arith.muli %add3A_128, %parallel_loop3A_142 : i32
        %parallel_loop3A_144 = arith.constant 16 : i32
        %parallel_loop3A_145 = arith.muli %parallel_loop3A_141, %parallel_loop3A_144 : i32
        %parallel_loop3A_146 = arith.addi %parallel_loop3A_143, %parallel_loop3A_145 : i32
        %parallel_loop3A_147 = arith.index_cast %parallel_loop3A_146 : i32 to index
        %parallel_loop3A_148 = tpu.vector_load %arg9[%parallel_loop3A_147] {strides = array<i32>} : memref<51200xi32, #tpu.memory_space<vmem>>, vector<16xi32>,
        %parallel_loop3A_149 = arith.constant 8 : i32
        %parallel_loop3A_150 = arith.divsi %parallel_loop3A_141, %parallel_loop3A_149 : i32
        %parallel_loop3A_151 = arith.constant 0 : i32
        %parallel_loop3A_152 = arith.cmpi sgt, %parallel_loop3A_141, %parallel_loop3A_151 : i32
        %parallel_loop3A_153 = arith.extui %parallel_loop3A_152 : i1 to i32
        %parallel_loop3A_154 = arith.constant 0 : i32
        %parallel_loop3A_155 = arith.cmpi slt, %parallel_loop3A_141, %parallel_loop3A_154 : i32
        %parallel_loop3A_156 = arith.extui %parallel_loop3A_155 : i1 to i32
        %parallel_loop3A_157 = arith.subi %parallel_loop3A_153, %parallel_loop3A_156 : i32
        %parallel_loop3A_158 = arith.constant 0 : i32
        %parallel_loop3A_159 = arith.cmpi sgt, %parallel_loop3A_149, %parallel_loop3A_158 : i32
        %parallel_loop3A_160 = arith.extui %parallel_loop3A_159 : i1 to i32
        %parallel_loop3A_161 = arith.constant 0 : i32
        %parallel_loop3A_162 = arith.cmpi slt, %parallel_loop3A_149, %parallel_loop3A_161 : i32
        %parallel_loop3A_163 = arith.extui %parallel_loop3A_162 : i1 to i32
        %parallel_loop3A_164 = arith.subi %parallel_loop3A_160, %parallel_loop3A_163 : i32
        %parallel_loop3A_165 = arith.cmpi ne, %parallel_loop3A_157, %parallel_loop3A_164 : i32
        %parallel_loop3A_166 = arith.remsi %parallel_loop3A_141, %parallel_loop3A_149 : i32
        %parallel_loop3A_167 = arith.constant 0 : i32
        %parallel_loop3A_168 = arith.cmpi ne, %parallel_loop3A_166, %parallel_loop3A_167 : i32
        %parallel_loop3A_169 = arith.andi %parallel_loop3A_165, %parallel_loop3A_168 : i1
        %parallel_loop3A_170 = arith.constant 1 : i32
        %parallel_loop3A_171 = arith.subi %parallel_loop3A_150, %parallel_loop3A_170 : i32
        %parallel_loop3A_172 = arith.select %parallel_loop3A_169, %parallel_loop3A_171, %parallel_loop3A_150 : i32
        %parallel_loop3A_173 = arith.constant 8 : i32
        %parallel_loop3A_174 = arith.constant 0 : i32
        %parallel_loop3A_175 = arith.cmpi eq, %parallel_loop3A_173, %parallel_loop3A_174 : i32
        %parallel_loop3A_176 = arith.constant 1 : i32
        %parallel_loop3A_177 = arith.select %parallel_loop3A_175, %parallel_loop3A_176, %parallel_loop3A_173 : i32
        %parallel_loop3A_178 = arith.remsi %parallel_loop3A_141, %parallel_loop3A_177 : i32
        %parallel_loop3A_179 = arith.constant 0 : i32
        %parallel_loop3A_180 = arith.cmpi ne, %parallel_loop3A_178, %parallel_loop3A_179 : i32
        %parallel_loop3A_181 = arith.constant 0 : i32
        %parallel_loop3A_182 = arith.cmpi slt, %parallel_loop3A_178, %parallel_loop3A_181 : i32
        %parallel_loop3A_183 = arith.constant 0 : i32
        %parallel_loop3A_184 = arith.cmpi slt, %parallel_loop3A_177, %parallel_loop3A_183 : i32
        %parallel_loop3A_185 = arith.xori %parallel_loop3A_182, %parallel_loop3A_184 : i1
        %parallel_loop3A_186 = arith.andi %parallel_loop3A_185, %parallel_loop3A_180 : i1
        %parallel_loop3A_187 = arith.addi %parallel_loop3A_178, %parallel_loop3A_177 : i32
        %parallel_loop3A_188 = arith.select %parallel_loop3A_186, %parallel_loop3A_187, %parallel_loop3A_178 : i32
        %parallel_loop3A_189 = arith.constant 16 : i32
        %parallel_loop3A_190 = arith.muli %parallel_loop3A_188, %parallel_loop3A_189 : i32
        %parallel_loop3A_191 = arith.constant 0 : i32
        %parallel_loop3A_192 = vector.broadcast %parallel_loop3A_191 : i32 to vector<16xi32>
        %parallel_loop3A_193 = tpu.vector_load_idx %arg12[%parallel_loop3A_192, %parallel_loop3A_148] : memref<8x1000xf32, #tpu.memory_space<vmem>>[vector<16xi32>, vector<16xi32>], vector<16xf32>,
        %parallel_loop3A_194 = arith.constant 0 : i32
        %parallel_loop3A_195 = arith.constant 0 : i32
        %parallel_loop3A_196 = arith.constant 0 : i32
        %parallel_loop3A_197 = arith.index_cast %parallel_loop3A_194 : i32 to index
        %parallel_loop3A_198 = arith.index_cast %parallel_loop3A_195 : i32 to index
        %parallel_loop3A_199 = arith.index_cast %parallel_loop3A_172 : i32 to index
        %parallel_loop3A_200 = arith.index_cast %parallel_loop3A_196 : i32 to index
        %parallel_loop3A_201 = arith.index_cast %parallel_loop3A_190 : i32 to index
        %parallel_loop3A_202 = tpu.vector_load %arg14[%parallel_loop3A_197, %parallel_loop3A_198, %parallel_loop3A_199, %parallel_loop3A_200, %parallel_loop3A_201] {strides = array<i32>} : memref<1x1x8x8x128xf32, #tpu.memory_space<vmem>>, vector<16xf32>,
        tpu.vector_store %arg14[%parallel_loop3A_197, %parallel_loop3A_198, %parallel_loop3A_199, %parallel_loop3A_200, %parallel_loop3A_201], %parallel_loop3A_193 {strides = array<i32>} : memref<1x1x8x8x128xf32, #tpu.memory_space<vmem>>, vector<16xf32>,
        %parallel_loop3A_203 = arith.constant 1 : i32
        %parallel_loop3A_204 = vector.broadcast %parallel_loop3A_203 : i32 to vector<16xi32>
        %parallel_loop3A_205 = tpu.vector_load_idx %arg12[%parallel_loop3A_204, %parallel_loop3A_148] : memref<8x1000xf32, #tpu.memory_space<vmem>>[vector<16xi32>, vector<16xi32>], vector<16xf32>,
        %parallel_loop3A_206 = arith.constant 0 : i32
        %parallel_loop3A_207 = arith.constant 0 : i32
        %parallel_loop3A_208 = arith.constant 1 : i32
        %parallel_loop3A_209 = arith.index_cast %parallel_loop3A_206 : i32 to index
        %parallel_loop3A_210 = arith.index_cast %parallel_loop3A_207 : i32 to index
        %parallel_loop3A_211 = arith.index_cast %parallel_loop3A_172 : i32 to index
        %parallel_loop3A_212 = arith.index_cast %parallel_loop3A_208 : i32 to index
        %parallel_loop3A_213 = arith.index_cast %parallel_loop3A_190 : i32 to index
        %parallel_loop3A_214 = tpu.vector_load %arg14[%parallel_loop3A_209, %parallel_loop3A_210, %parallel_loop3A_211, %parallel_loop3A_212, %parallel_loop3A_213] {strides = array<i32>} : memref<1x1x8x8x128xf32, #tpu.memory_space<vmem>>, vector<16xf32>,
        tpu.vector_store %arg14[%parallel_loop3A_209, %parallel_loop3A_210, %parallel_loop3A_211, %parallel_loop3A_212, %parallel_loop3A_213], %parallel_loop3A_205 {strides = array<i32>} : memref<1x1x8x8x128xf32, #tpu.memory_space<vmem>>, vector<16xf32>,
        %parallel_loop3A_215 = arith.constant 2 : i32
        %parallel_loop3A_216 = vector.broadcast %parallel_loop3A_215 : i32 to vector<16xi32>
        %parallel_loop3A_217 = tpu.vector_load_idx %arg12[%parallel_loop3A_216, %parallel_loop3A_148] : memref<8x1000xf32, #tpu.memory_space<vmem>>[vector<16xi32>, vector<16xi32>], vector<16xf32>,
        %parallel_loop3A_218 = arith.constant 0 : i32
        %parallel_loop3A_219 = arith.constant 0 : i32
        %parallel_loop3A_220 = arith.constant 2 : i32
        %parallel_loop3A_221 = arith.index_cast %parallel_loop3A_218 : i32 to index
        %parallel_loop3A_222 = arith.index_cast %parallel_loop3A_219 : i32 to index
        %parallel_loop3A_223 = arith.index_cast %parallel_loop3A_172 : i32 to index
        %parallel_loop3A_224 = arith.index_cast %parallel_loop3A_220 : i32 to index
        %parallel_loop3A_225 = arith.index_cast %parallel_loop3A_190 : i32 to index
        %parallel_loop3A_226 = tpu.vector_load %arg14[%parallel_loop3A_221, %parallel_loop3A_222, %parallel_loop3A_223, %parallel_loop3A_224, %parallel_loop3A_225] {strides = array<i32>} : memref<1x1x8x8x128xf32, #tpu.memory_space<vmem>>, vector<16xf32>,
        tpu.vector_store %arg14[%parallel_loop3A_221, %parallel_loop3A_222, %parallel_loop3A_223, %parallel_loop3A_224, %parallel_loop3A_225], %parallel_loop3A_217 {strides = array<i32>} : memref<1x1x8x8x128xf32, #tpu.memory_space<vmem>>, vector<16xf32>,
        %parallel_loop3A_227 = arith.constant 3 : i32
        %parallel_loop3A_228 = vector.broadcast %parallel_loop3A_227 : i32 to vector<16xi32>
        %parallel_loop3A_229 = tpu.vector_load_idx %arg12[%parallel_loop3A_228, %parallel_loop3A_148] : memref<8x1000xf32, #tpu.memory_space<vmem>>[vector<16xi32>, vector<16xi32>], vector<16xf32>,
        %parallel_loop3A_230 = arith.constant 0 : i32
        %parallel_loop3A_231 = arith.constant 0 : i32
        %parallel_loop3A_232 = arith.constant 3 : i32
        %parallel_loop3A_233 = arith.index_cast %parallel_loop3A_230 : i32 to index
        %parallel_loop3A_234 = arith.index_cast %parallel_loop3A_231 : i32 to index
        %parallel_loop3A_235 = arith.index_cast %parallel_loop3A_172 : i32 to index
        %parallel_loop3A_236 = arith.index_cast %parallel_loop3A_232 : i32 to index
        %parallel_loop3A_237 = arith.index_cast %parallel_loop3A_190 : i32 to index
        %parallel_loop3A_238 = tpu.vector_load %arg14[%parallel_loop3A_233, %parallel_loop3A_234, %parallel_loop3A_235, %parallel_loop3A_236, %parallel_loop3A_237] {strides = array<i32>} : memref<1x1x8x8x128xf32, #tpu.memory_space<vmem>>, vector<16xf32>,
        tpu.vector_store %arg14[%parallel_loop3A_233, %parallel_loop3A_234, %parallel_loop3A_235, %parallel_loop3A_236, %parallel_loop3A_237], %parallel_loop3A_229 {strides = array<i32>} : memref<1x1x8x8x128xf32, #tpu.memory_space<vmem>>, vector<16xf32>,
        %parallel_loop3A_239 = arith.constant 4 : i32
        %parallel_loop3A_240 = vector.broadcast %parallel_loop3A_239 : i32 to vector<16xi32>
        %parallel_loop3A_241 = tpu.vector_load_idx %arg12[%parallel_loop3A_240, %parallel_loop3A_148] : memref<8x1000xf32, #tpu.memory_space<vmem>>[vector<16xi32>, vector<16xi32>], vector<16xf32>,
        %parallel_loop3A_242 = arith.constant 0 : i32
        %parallel_loop3A_243 = arith.constant 0 : i32
        %parallel_loop3A_244 = arith.constant 4 : i32
        %parallel_loop3A_245 = arith.index_cast %parallel_loop3A_242 : i32 to index
        %parallel_loop3A_246 = arith.index_cast %parallel_loop3A_243 : i32 to index
        %parallel_loop3A_247 = arith.index_cast %parallel_loop3A_172 : i32 to index
        %parallel_loop3A_248 = arith.index_cast %parallel_loop3A_244 : i32 to index
        %parallel_loop3A_249 = arith.index_cast %parallel_loop3A_190 : i32 to index
        %parallel_loop3A_250 = tpu.vector_load %arg14[%parallel_loop3A_245, %parallel_loop3A_246, %parallel_loop3A_247, %parallel_loop3A_248, %parallel_loop3A_249] {strides = array<i32>} : memref<1x1x8x8x128xf32, #tpu.memory_space<vmem>>, vector<16xf32>,
        tpu.vector_store %arg14[%parallel_loop3A_245, %parallel_loop3A_246, %parallel_loop3A_247, %parallel_loop3A_248, %parallel_loop3A_249], %parallel_loop3A_241 {strides = array<i32>} : memref<1x1x8x8x128xf32, #tpu.memory_space<vmem>>, vector<16xf32>,
        %parallel_loop3A_251 = arith.constant 5 : i32
        %parallel_loop3A_252 = vector.broadcast %parallel_loop3A_251 : i32 to vector<16xi32>
        %parallel_loop3A_253 = tpu.vector_load_idx %arg12[%parallel_loop3A_252, %parallel_loop3A_148] : memref<8x1000xf32, #tpu.memory_space<vmem>>[vector<16xi32>, vector<16xi32>], vector<16xf32>,
        %parallel_loop3A_254 = arith.constant 0 : i32
        %parallel_loop3A_255 = arith.constant 0 : i32
        %parallel_loop3A_256 = arith.constant 5 : i32
        %parallel_loop3A_257 = arith.index_cast %parallel_loop3A_254 : i32 to index
        %parallel_loop3A_258 = arith.index_cast %parallel_loop3A_255 : i32 to index
        %parallel_loop3A_259 = arith.index_cast %parallel_loop3A_172 : i32 to index
        %parallel_loop3A_260 = arith.index_cast %parallel_loop3A_256 : i32 to index
        %parallel_loop3A_261 = arith.index_cast %parallel_loop3A_190 : i32 to index
        %parallel_loop3A_262 = tpu.vector_load %arg14[%parallel_loop3A_257, %parallel_loop3A_258, %parallel_loop3A_259, %parallel_loop3A_260, %parallel_loop3A_261] {strides = array<i32>} : memref<1x1x8x8x128xf32, #tpu.memory_space<vmem>>, vector<16xf32>,
        tpu.vector_store %arg14[%parallel_loop3A_257, %parallel_loop3A_258, %parallel_loop3A_259, %parallel_loop3A_260, %parallel_loop3A_261], %parallel_loop3A_253 {strides = array<i32>} : memref<1x1x8x8x128xf32, #tpu.memory_space<vmem>>, vector<16xf32>,
        %parallel_loop3A_263 = arith.constant 6 : i32
        %parallel_loop3A_264 = vector.broadcast %parallel_loop3A_263 : i32 to vector<16xi32>
        %parallel_loop3A_265 = tpu.vector_load_idx %arg12[%parallel_loop3A_264, %parallel_loop3A_148] : memref<8x1000xf32, #tpu.memory_space<vmem>>[vector<16xi32>, vector<16xi32>], vector<16xf32>,
        %parallel_loop3A_266 = arith.constant 0 : i32
        %parallel_loop3A_267 = arith.constant 0 : i32
        %parallel_loop3A_268 = arith.constant 6 : i32
        %parallel_loop3A_269 = arith.index_cast %parallel_loop3A_266 : i32 to index
        %parallel_loop3A_270 = arith.index_cast %parallel_loop3A_267 : i32 to index
        %parallel_loop3A_271 = arith.index_cast %parallel_loop3A_172 : i32 to index
        %parallel_loop3A_272 = arith.index_cast %parallel_loop3A_268 : i32 to index
        %parallel_loop3A_273 = arith.index_cast %parallel_loop3A_190 : i32 to index
        %parallel_loop3A_274 = tpu.vector_load %arg14[%parallel_loop3A_269, %parallel_loop3A_270, %parallel_loop3A_271, %parallel_loop3A_272, %parallel_loop3A_273] {strides = array<i32>} : memref<1x1x8x8x128xf32, #tpu.memory_space<vmem>>, vector<16xf32>,
        tpu.vector_store %arg14[%parallel_loop3A_269, %parallel_loop3A_270, %parallel_loop3A_271, %parallel_loop3A_272, %parallel_loop3A_273], %parallel_loop3A_265 {strides = array<i32>} : memref<1x1x8x8x128xf32, #tpu.memory_space<vmem>>, vector<16xf32>,
        %parallel_loop3A_275 = arith.constant 7 : i32
        %parallel_loop3A_276 = vector.broadcast %parallel_loop3A_275 : i32 to vector<16xi32>
        %parallel_loop3A_277 = tpu.vector_load_idx %arg12[%parallel_loop3A_276, %parallel_loop3A_148] : memref<8x1000xf32, #tpu.memory_space<vmem>>[vector<16xi32>, vector<16xi32>], vector<16xf32>,
        %parallel_loop3A_278 = arith.constant 0 : i32
        %parallel_loop3A_279 = arith.constant 0 : i32
        %parallel_loop3A_280 = arith.constant 7 : i32
        %parallel_loop3A_281 = arith.index_cast %parallel_loop3A_278 : i32 to index
        %parallel_loop3A_282 = arith.index_cast %parallel_loop3A_279 : i32 to index
        %parallel_loop3A_283 = arith.index_cast %parallel_loop3A_172 : i32 to index
        %parallel_loop3A_284 = arith.index_cast %parallel_loop3A_280 : i32 to index
        %parallel_loop3A_285 = arith.index_cast %parallel_loop3A_190 : i32 to index
        %parallel_loop3A_286 = tpu.vector_load %arg14[%parallel_loop3A_281, %parallel_loop3A_282, %parallel_loop3A_283, %parallel_loop3A_284, %parallel_loop3A_285] {strides = array<i32>} : memref<1x1x8x8x128xf32, #tpu.memory_space<vmem>>, vector<16xf32>,
        tpu.vector_store %arg14[%parallel_loop3A_281, %parallel_loop3A_282, %parallel_loop3A_283, %parallel_loop3A_284, %parallel_loop3A_285], %parallel_loop3A_277 {strides = array<i32>} : memref<1x1x8x8x128xf32, #tpu.memory_space<vmem>>, vector<16xf32>,
      } {sc.loop_unroll_factor = 8 : i64, sc.parallel_access}
      %dma_start3A_132 = arith.constant 0 : i32
      %dma_start3A_133 = arith.constant 0 : i32
      %dma_start3A_134 = arith.constant 0 : i32
      %dma_start3A_135 = tpu.memref_slice %arg7[%add3A_128, %add3A_14, %dma_start3A_132, %dma_start3A_133, %dma_start3A_134] : memref<50x125x8x8x128xf32, #tpu.memory_space<hbm>> -> memref<1x1x8x8x128xf32, #tpu.memory_space<hbm>>
      %dma_start3A_136 = arith.constant 0 : i32
      %dma_start3A_137 = arith.constant 0 : i32
      %dma_start3A_138 = arith.constant 0 : i32
      %dma_start3A_139 = tpu.memref_slice %arg7[%add3A_128, %add3A_14, %dma_start3A_136, %dma_start3A_137, %dma_start3A_138] : memref<50x125x8x8x128xf32, #tpu.memory_space<hbm>> -> memref<1x1x8x8x128xf32, #tpu.memory_space<hbm>>
      tpu.enqueue_dma source(%arg14 : memref<1x1x8x8x128xf32, #tpu.memory_space<vmem>>) target(%dma_start3A_139 : memref<1x1x8x8x128xf32, #tpu.memory_space<hbm>>) target_semaphore(%arg19 : memref<!tpu.dma_semaphore, #tpu.memory_space<semaphore_mem>>)
      %scan3A_140 = arith.constant 0 : i32
      scf.yield %scan3A_140 : i32
    }
    %scan3A_23 = arith.constant 25 : i32
    %add3A_24 = arith.constant 64 : i32
    %add3A_25 = arith.addi %add3A, %add3A_24 : i32
    %mul3A_26 = arith.constant 8 : i32
    %mul3A_27 = arith.muli %add3A_25, %mul3A_26 : i32
    "tpu.region"() ({
      %run_scoped3A = tpu.sem_alloc : memref<!tpu.dma_semaphore, #tpu.memory_space<semaphore_mem>>
      %dma_start3A = arith.constant 0 : i32
      %dma_start3A_96 = tpu.memref_slice %arg2[%mul3A_27, %dma_start3A] : memref<1000x1000xf32, #tpu.memory_space<hbm>> -> memref<8x1000xf32, #tpu.memory_space<hbm>>
      %dma_start3A_97 = arith.constant 0 : i32
      %dma_start3A_98 = tpu.memref_slice %arg2[%mul3A_27, %dma_start3A_97] : memref<1000x1000xf32, #tpu.memory_space<hbm>> -> memref<8x1000xf32, #tpu.memory_space<hbm>>
      tpu.enqueue_dma source(%dma_start3A_98 : memref<8x1000xf32, #tpu.memory_space<hbm>>) target(%arg12 : memref<8x1000xf32, #tpu.memory_space<vmem>>) target_semaphore(%run_scoped3A : memref<!tpu.dma_semaphore, #tpu.memory_space<semaphore_mem>>)
      %dma_wait3A_99 = arith.constant 0 : i32
      %dma_wait3A_100 = tpu.memref_slice %arg2[%mul3A_27, %dma_wait3A_99] : memref<1000x1000xf32, #tpu.memory_space<hbm>> -> memref<8x1000xf32, #tpu.memory_space<hbm>>
      %dma_wait3A_101 = arith.constant 0 : i32
      %dma_wait3A_102 = tpu.memref_slice %arg2[%mul3A_27, %dma_wait3A_101] : memref<1000x1000xf32, #tpu.memory_space<hbm>> -> memref<8x1000xf32, #tpu.memory_space<hbm>>
      tpu.wait_dma2 semaphore(%run_scoped3A : memref<!tpu.dma_semaphore, #tpu.memory_space<semaphore_mem>>) src(%dma_wait3A_102 : memref<8x1000xf32, #tpu.memory_space<hbm>>) dst(%arg12 : memref<8x1000xf32, #tpu.memory_space<vmem>>)
      tpu.yield
    }) : () -> ()
    %scan3A_28 = arith.constant 0 : i32
    %scan3A_29 = arith.constant 0 : i32
    %scan3A_30 = arith.constant 25 : i32
    %scan3A_31 = arith.addi %scan3A_29, %scan3A_30 : i32
    %scan3A_32 = arith.constant 1 : i32
    %scan3A_33 = scf.for %scan3A_96 = %scan3A_29 to %scan3A_31 step %scan3A_32 iter_args(%scan3A_97 = %scan3A_28) -> (i32)  : i32 {
      %gt3A = arith.constant 2 : i32
      %gt3A_98 = arith.constant 0 : i32
      %gt3A_99 = arith.cmpi sgt, %gt3A, %gt3A_98 : i32
      %gt3A_100 = arith.constant 0 : i32
      %gt3A_101 = arith.cmpi sgt, %scan3A_96, %gt3A_100 : i32
      %or3A = arith.ori %gt3A_99, %gt3A_101 : i1
      %convert_element_type3A_102 = arith.extui %or3A : i1 to i32
      %cond3A_103 = arith.constant 0 : i32
      %cond3A_104 = arith.cmpi ne, %convert_element_type3A_102, %cond3A_103 : i32
      scf.if %cond3A_104 {
        %dma_wait3A_141 = arith.constant 0 : i32
        %dma_wait3A_142 = arith.constant 0 : i32
        %dma_wait3A_143 = arith.constant 0 : i32
        %dma_wait3A_144 = arith.constant 0 : i32
        %dma_wait3A_145 = arith.constant 0 : i32
        %dma_wait3A_146 = tpu.memref_slice %arg7[%dma_wait3A_141, %dma_wait3A_142, %dma_wait3A_143, %dma_wait3A_144, %dma_wait3A_145] : memref<50x125x8x8x128xf32, #tpu.memory_space<hbm>> -> memref<1x1x8x8x128xf32, #tpu.memory_space<hbm>>
        %dma_wait3A_147 = arith.constant 0 : i32
        %dma_wait3A_148 = arith.constant 0 : i32
        %dma_wait3A_149 = arith.constant 0 : i32
        %dma_wait3A_150 = arith.constant 0 : i32
        %dma_wait3A_151 = arith.constant 0 : i32
        %dma_wait3A_152 = tpu.memref_slice %arg7[%dma_wait3A_147, %dma_wait3A_148, %dma_wait3A_149, %dma_wait3A_150, %dma_wait3A_151] : memref<50x125x8x8x128xf32, #tpu.memory_space<hbm>> -> memref<1x1x8x8x128xf32, #tpu.memory_space<hbm>>
        tpu.wait_dma2 semaphore(%arg18 : memref<!tpu.dma_semaphore, #tpu.memory_space<semaphore_mem>>) src(%arg13 : memref<1x1x8x8x128xf32, #tpu.memory_space<vmem>>) dst(%dma_wait3A_152 : memref<1x1x8x8x128xf32, #tpu.memory_space<hbm>>)
      } else {
      }
      %mul3A_105 = arith.constant 2 : i32
      %mul3A_106 = arith.muli %mul3A_105, %scan3A_96 : i32
      %parallel_loop3A = arith.constant 0 : i32
      %parallel_loop3A_107 = arith.constant 64 : i32
      %parallel_loop3A_108 = arith.constant 1 : i32
      scf.for %parallel_loop3A_141 = %parallel_loop3A to %parallel_loop3A_107 step %parallel_loop3A_108  : i32 {
        %parallel_loop3A_142 = arith.constant 1024 : i32
        %parallel_loop3A_143 = arith.muli %mul3A_106, %parallel_loop3A_142 : i32
        %parallel_loop3A_144 = arith.constant 16 : i32
        %parallel_loop3A_145 = arith.muli %parallel_loop3A_141, %parallel_loop3A_144 : i32
        %parallel_loop3A_146 = arith.addi %parallel_loop3A_143, %parallel_loop3A_145 : i32
        %parallel_loop3A_147 = arith.index_cast %parallel_loop3A_146 : i32 to index
        %parallel_loop3A_148 = tpu.vector_load %arg9[%parallel_loop3A_147] {strides = array<i32>} : memref<51200xi32, #tpu.memory_space<vmem>>, vector<16xi32>,
        %parallel_loop3A_149 = arith.constant 8 : i32
        %parallel_loop3A_150 = arith.divsi %parallel_loop3A_141, %parallel_loop3A_149 : i32
        %parallel_loop3A_151 = arith.constant 0 : i32
        %parallel_loop3A_152 = arith.cmpi sgt, %parallel_loop3A_141, %parallel_loop3A_151 : i32
        %parallel_loop3A_153 = arith.extui %parallel_loop3A_152 : i1 to i32
        %parallel_loop3A_154 = arith.constant 0 : i32
        %parallel_loop3A_155 = arith.cmpi slt, %parallel_loop3A_141, %parallel_loop3A_154 : i32
        %parallel_loop3A_156 = arith.extui %parallel_loop3A_155 : i1 to i32
        %parallel_loop3A_157 = arith.subi %parallel_loop3A_153, %parallel_loop3A_156 : i32
        %parallel_loop3A_158 = arith.constant 0 : i32
        %parallel_loop3A_159 = arith.cmpi sgt, %parallel_loop3A_149, %parallel_loop3A_158 : i32
        %parallel_loop3A_160 = arith.extui %parallel_loop3A_159 : i1 to i32
        %parallel_loop3A_161 = arith.constant 0 : i32
        %parallel_loop3A_162 = arith.cmpi slt, %parallel_loop3A_149, %parallel_loop3A_161 : i32
        %parallel_loop3A_163 = arith.extui %parallel_loop3A_162 : i1 to i32
        %parallel_loop3A_164 = arith.subi %parallel_loop3A_160, %parallel_loop3A_163 : i32
        %parallel_loop3A_165 = arith.cmpi ne, %parallel_loop3A_157, %parallel_loop3A_164 : i32
        %parallel_loop3A_166 = arith.remsi %parallel_loop3A_141, %parallel_loop3A_149 : i32
        %parallel_loop3A_167 = arith.constant 0 : i32
        %parallel_loop3A_168 = arith.cmpi ne, %parallel_loop3A_166, %parallel_loop3A_167 : i32
        %parallel_loop3A_169 = arith.andi %parallel_loop3A_165, %parallel_loop3A_168 : i1
        %parallel_loop3A_170 = arith.constant 1 : i32
        %parallel_loop3A_171 = arith.subi %parallel_loop3A_150, %parallel_loop3A_170 : i32
        %parallel_loop3A_172 = arith.select %parallel_loop3A_169, %parallel_loop3A_171, %parallel_loop3A_150 : i32
        %parallel_loop3A_173 = arith.constant 8 : i32
        %parallel_loop3A_174 = arith.constant 0 : i32
        %parallel_loop3A_175 = arith.cmpi eq, %parallel_loop3A_173, %parallel_loop3A_174 : i32
        %parallel_loop3A_176 = arith.constant 1 : i32
        %parallel_loop3A_177 = arith.select %parallel_loop3A_175, %parallel_loop3A_176, %parallel_loop3A_173 : i32
        %parallel_loop3A_178 = arith.remsi %parallel_loop3A_141, %parallel_loop3A_177 : i32
        %parallel_loop3A_179 = arith.constant 0 : i32
        %parallel_loop3A_180 = arith.cmpi ne, %parallel_loop3A_178, %parallel_loop3A_179 : i32
        %parallel_loop3A_181 = arith.constant 0 : i32
        %parallel_loop3A_182 = arith.cmpi slt, %parallel_loop3A_178, %parallel_loop3A_181 : i32
        %parallel_loop3A_183 = arith.constant 0 : i32
        %parallel_loop3A_184 = arith.cmpi slt, %parallel_loop3A_177, %parallel_loop3A_183 : i32
        %parallel_loop3A_185 = arith.xori %parallel_loop3A_182, %parallel_loop3A_184 : i1
        %parallel_loop3A_186 = arith.andi %parallel_loop3A_185, %parallel_loop3A_180 : i1
        %parallel_loop3A_187 = arith.addi %parallel_loop3A_178, %parallel_loop3A_177 : i32
        %parallel_loop3A_188 = arith.select %parallel_loop3A_186, %parallel_loop3A_187, %parallel_loop3A_178 : i32
        %parallel_loop3A_189 = arith.constant 16 : i32
        %parallel_loop3A_190 = arith.muli %parallel_loop3A_188, %parallel_loop3A_189 : i32
        %parallel_loop3A_191 = arith.constant 0 : i32
        %parallel_loop3A_192 = vector.broadcast %parallel_loop3A_191 : i32 to vector<16xi32>
        %parallel_loop3A_193 = tpu.vector_load_idx %arg12[%parallel_loop3A_192, %parallel_loop3A_148] : memref<8x1000xf32, #tpu.memory_space<vmem>>[vector<16xi32>, vector<16xi32>], vector<16xf32>,
        %parallel_loop3A_194 = arith.constant 0 : i32
        %parallel_loop3A_195 = arith.constant 0 : i32
        %parallel_loop3A_196 = arith.constant 0 : i32
        %parallel_loop3A_197 = arith.index_cast %parallel_loop3A_194 : i32 to index
        %parallel_loop3A_198 = arith.index_cast %parallel_loop3A_195 : i32 to index
        %parallel_loop3A_199 = arith.index_cast %parallel_loop3A_172 : i32 to index
        %parallel_loop3A_200 = arith.index_cast %parallel_loop3A_196 : i32 to index
        %parallel_loop3A_201 = arith.index_cast %parallel_loop3A_190 : i32 to index
        %parallel_loop3A_202 = tpu.vector_load %arg13[%parallel_loop3A_197, %parallel_loop3A_198, %parallel_loop3A_199, %parallel_loop3A_200, %parallel_loop3A_201] {strides = array<i32>} : memref<1x1x8x8x128xf32, #tpu.memory_space<vmem>>, vector<16xf32>,
        tpu.vector_store %arg13[%parallel_loop3A_197, %parallel_loop3A_198, %parallel_loop3A_199, %parallel_loop3A_200, %parallel_loop3A_201], %parallel_loop3A_193 {strides = array<i32>} : memref<1x1x8x8x128xf32, #tpu.memory_space<vmem>>, vector<16xf32>,
        %parallel_loop3A_203 = arith.constant 1 : i32
        %parallel_loop3A_204 = vector.broadcast %parallel_loop3A_203 : i32 to vector<16xi32>
        %parallel_loop3A_205 = tpu.vector_load_idx %arg12[%parallel_loop3A_204, %parallel_loop3A_148] : memref<8x1000xf32, #tpu.memory_space<vmem>>[vector<16xi32>, vector<16xi32>], vector<16xf32>,
        %parallel_loop3A_206 = arith.constant 0 : i32
        %parallel_loop3A_207 = arith.constant 0 : i32
        %parallel_loop3A_208 = arith.constant 1 : i32
        %parallel_loop3A_209 = arith.index_cast %parallel_loop3A_206 : i32 to index
        %parallel_loop3A_210 = arith.index_cast %parallel_loop3A_207 : i32 to index
        %parallel_loop3A_211 = arith.index_cast %parallel_loop3A_172 : i32 to index
        %parallel_loop3A_212 = arith.index_cast %parallel_loop3A_208 : i32 to index
        %parallel_loop3A_213 = arith.index_cast %parallel_loop3A_190 : i32 to index
        %parallel_loop3A_214 = tpu.vector_load %arg13[%parallel_loop3A_209, %parallel_loop3A_210, %parallel_loop3A_211, %parallel_loop3A_212, %parallel_loop3A_213] {strides = array<i32>} : memref<1x1x8x8x128xf32, #tpu.memory_space<vmem>>, vector<16xf32>,
        tpu.vector_store %arg13[%parallel_loop3A_209, %parallel_loop3A_210, %parallel_loop3A_211, %parallel_loop3A_212, %parallel_loop3A_213], %parallel_loop3A_205 {strides = array<i32>} : memref<1x1x8x8x128xf32, #tpu.memory_space<vmem>>, vector<16xf32>,
        %parallel_loop3A_215 = arith.constant 2 : i32
        %parallel_loop3A_216 = vector.broadcast %parallel_loop3A_215 : i32 to vector<16xi32>
        %parallel_loop3A_217 = tpu.vector_load_idx %arg12[%parallel_loop3A_216, %parallel_loop3A_148] : memref<8x1000xf32, #tpu.memory_space<vmem>>[vector<16xi32>, vector<16xi32>], vector<16xf32>,
        %parallel_loop3A_218 = arith.constant 0 : i32
        %parallel_loop3A_219 = arith.constant 0 : i32
        %parallel_loop3A_220 = arith.constant 2 : i32
        %parallel_loop3A_221 = arith.index_cast %parallel_loop3A_218 : i32 to index
        %parallel_loop3A_222 = arith.index_cast %parallel_loop3A_219 : i32 to index
        %parallel_loop3A_223 = arith.index_cast %parallel_loop3A_172 : i32 to index
        %parallel_loop3A_224 = arith.index_cast %parallel_loop3A_220 : i32 to index
        %parallel_loop3A_225 = arith.index_cast %parallel_loop3A_190 : i32 to index
        %parallel_loop3A_226 = tpu.vector_load %arg13[%parallel_loop3A_221, %parallel_loop3A_222, %parallel_loop3A_223, %parallel_loop3A_224, %parallel_loop3A_225] {strides = array<i32>} : memref<1x1x8x8x128xf32, #tpu.memory_space<vmem>>, vector<16xf32>,
        tpu.vector_store %arg13[%parallel_loop3A_221, %parallel_loop3A_222, %parallel_loop3A_223, %parallel_loop3A_224, %parallel_loop3A_225], %parallel_loop3A_217 {strides = array<i32>} : memref<1x1x8x8x128xf32, #tpu.memory_space<vmem>>, vector<16xf32>,
        %parallel_loop3A_227 = arith.constant 3 : i32
        %parallel_loop3A_228 = vector.broadcast %parallel_loop3A_227 : i32 to vector<16xi32>
        %parallel_loop3A_229 = tpu.vector_load_idx %arg12[%parallel_loop3A_228, %parallel_loop3A_148] : memref<8x1000xf32, #tpu.memory_space<vmem>>[vector<16xi32>, vector<16xi32>], vector<16xf32>,
        %parallel_loop3A_230 = arith.constant 0 : i32
        %parallel_loop3A_231 = arith.constant 0 : i32
        %parallel_loop3A_232 = arith.constant 3 : i32
        %parallel_loop3A_233 = arith.index_cast %parallel_loop3A_230 : i32 to index
        %parallel_loop3A_234 = arith.index_cast %parallel_loop3A_231 : i32 to index
        %parallel_loop3A_235 = arith.index_cast %parallel_loop3A_172 : i32 to index
        %parallel_loop3A_236 = arith.index_cast %parallel_loop3A_232 : i32 to index
        %parallel_loop3A_237 = arith.index_cast %parallel_loop3A_190 : i32 to index
        %parallel_loop3A_238 = tpu.vector_load %arg13[%parallel_loop3A_233, %parallel_loop3A_234, %parallel_loop3A_235, %parallel_loop3A_236, %parallel_loop3A_237] {strides = array<i32>} : memref<1x1x8x8x128xf32, #tpu.memory_space<vmem>>, vector<16xf32>,
        tpu.vector_store %arg13[%parallel_loop3A_233, %parallel_loop3A_234, %parallel_loop3A_235, %parallel_loop3A_236, %parallel_loop3A_237], %parallel_loop3A_229 {strides = array<i32>} : memref<1x1x8x8x128xf32, #tpu.memory_space<vmem>>, vector<16xf32>,
        %parallel_loop3A_239 = arith.constant 4 : i32
        %parallel_loop3A_240 = vector.broadcast %parallel_loop3A_239 : i32 to vector<16xi32>
        %parallel_loop3A_241 = tpu.vector_load_idx %arg12[%parallel_loop3A_240, %parallel_loop3A_148] : memref<8x1000xf32, #tpu.memory_space<vmem>>[vector<16xi32>, vector<16xi32>], vector<16xf32>,
        %parallel_loop3A_242 = arith.constant 0 : i32
        %parallel_loop3A_243 = arith.constant 0 : i32
        %parallel_loop3A_244 = arith.constant 4 : i32
        %parallel_loop3A_245 = arith.index_cast %parallel_loop3A_242 : i32 to index
        %parallel_loop3A_246 = arith.index_cast %parallel_loop3A_243 : i32 to index
        %parallel_loop3A_247 = arith.index_cast %parallel_loop3A_172 : i32 to index
        %parallel_loop3A_248 = arith.index_cast %parallel_loop3A_244 : i32 to index
        %parallel_loop3A_249 = arith.index_cast %parallel_loop3A_190 : i32 to index
        %parallel_loop3A_250 = tpu.vector_load %arg13[%parallel_loop3A_245, %parallel_loop3A_246, %parallel_loop3A_247, %parallel_loop3A_248, %parallel_loop3A_249] {strides = array<i32>} : memref<1x1x8x8x128xf32, #tpu.memory_space<vmem>>, vector<16xf32>,
        tpu.vector_store %arg13[%parallel_loop3A_245, %parallel_loop3A_246, %parallel_loop3A_247, %parallel_loop3A_248, %parallel_loop3A_249], %parallel_loop3A_241 {strides = array<i32>} : memref<1x1x8x8x128xf32, #tpu.memory_space<vmem>>, vector<16xf32>,
        %parallel_loop3A_251 = arith.constant 5 : i32
        %parallel_loop3A_252 = vector.broadcast %parallel_loop3A_251 : i32 to vector<16xi32>
        %parallel_loop3A_253 = tpu.vector_load_idx %arg12[%parallel_loop3A_252, %parallel_loop3A_148] : memref<8x1000xf32, #tpu.memory_space<vmem>>[vector<16xi32>, vector<16xi32>], vector<16xf32>,
        %parallel_loop3A_254 = arith.constant 0 : i32
        %parallel_loop3A_255 = arith.constant 0 : i32
        %parallel_loop3A_256 = arith.constant 5 : i32
        %parallel_loop3A_257 = arith.index_cast %parallel_loop3A_254 : i32 to index
        %parallel_loop3A_258 = arith.index_cast %parallel_loop3A_255 : i32 to index
        %parallel_loop3A_259 = arith.index_cast %parallel_loop3A_172 : i32 to index
        %parallel_loop3A_260 = arith.index_cast %parallel_loop3A_256 : i32 to index
        %parallel_loop3A_261 = arith.index_cast %parallel_loop3A_190 : i32 to index
        %parallel_loop3A_262 = tpu.vector_load %arg13[%parallel_loop3A_257, %parallel_loop3A_258, %parallel_loop3A_259, %parallel_loop3A_260, %parallel_loop3A_261] {strides = array<i32>} : memref<1x1x8x8x128xf32, #tpu.memory_space<vmem>>, vector<16xf32>,
        tpu.vector_store %arg13[%parallel_loop3A_257, %parallel_loop3A_258, %parallel_loop3A_259, %parallel_loop3A_260, %parallel_loop3A_261], %parallel_loop3A_253 {strides = array<i32>} : memref<1x1x8x8x128xf32, #tpu.memory_space<vmem>>, vector<16xf32>,
        %parallel_loop3A_263 = arith.constant 6 : i32
        %parallel_loop3A_264 = vector.broadcast %parallel_loop3A_263 : i32 to vector<16xi32>
        %parallel_loop3A_265 = tpu.vector_load_idx %arg12[%parallel_loop3A_264, %parallel_loop3A_148] : memref<8x1000xf32, #tpu.memory_space<vmem>>[vector<16xi32>, vector<16xi32>], vector<16xf32>,
        %parallel_loop3A_266 = arith.constant 0 : i32
        %parallel_loop3A_267 = arith.constant 0 : i32
        %parallel_loop3A_268 = arith.constant 6 : i32
        %parallel_loop3A_269 = arith.index_cast %parallel_loop3A_266 : i32 to index
        %parallel_loop3A_270 = arith.index_cast %parallel_loop3A_267 : i32 to index
        %parallel_loop3A_271 = arith.index_cast %parallel_loop3A_172 : i32 to index
        %parallel_loop3A_272 = arith.index_cast %parallel_loop3A_268 : i32 to index
        %parallel_loop3A_273 = arith.index_cast %parallel_loop3A_190 : i32 to index
        %parallel_loop3A_274 = tpu.vector_load %arg13[%parallel_loop3A_269, %parallel_loop3A_270, %parallel_loop3A_271, %parallel_loop3A_272, %parallel_loop3A_273] {strides = array<i32>} : memref<1x1x8x8x128xf32, #tpu.memory_space<vmem>>, vector<16xf32>,
        tpu.vector_store %arg13[%parallel_loop3A_269, %parallel_loop3A_270, %parallel_loop3A_271, %parallel_loop3A_272, %parallel_loop3A_273], %parallel_loop3A_265 {strides = array<i32>} : memref<1x1x8x8x128xf32, #tpu.memory_space<vmem>>, vector<16xf32>,
        %parallel_loop3A_275 = arith.constant 7 : i32
        %parallel_loop3A_276 = vector.broadcast %parallel_loop3A_275 : i32 to vector<16xi32>
        %parallel_loop3A_277 = tpu.vector_load_idx %arg12[%parallel_loop3A_276, %parallel_loop3A_148] : memref<8x1000xf32, #tpu.memory_space<vmem>>[vector<16xi32>, vector<16xi32>], vector<16xf32>,
        %parallel_loop3A_278 = arith.constant 0 : i32
        %parallel_loop3A_279 = arith.constant 0 : i32
        %parallel_loop3A_280 = arith.constant 7 : i32
        %parallel_loop3A_281 = arith.index_cast %parallel_loop3A_278 : i32 to index
        %parallel_loop3A_282 = arith.index_cast %parallel_loop3A_279 : i32 to index
        %parallel_loop3A_283 = arith.index_cast %parallel_loop3A_172 : i32 to index
        %parallel_loop3A_284 = arith.index_cast %parallel_loop3A_280 : i32 to index
        %parallel_loop3A_285 = arith.index_cast %parallel_loop3A_190 : i32 to index
        %parallel_loop3A_286 = tpu.vector_load %arg13[%parallel_loop3A_281, %parallel_loop3A_282, %parallel_loop3A_283, %parallel_loop3A_284, %parallel_loop3A_285] {strides = array<i32>} : memref<1x1x8x8x128xf32, #tpu.memory_space<vmem>>, vector<16xf32>,
        tpu.vector_store %arg13[%parallel_loop3A_281, %parallel_loop3A_282, %parallel_loop3A_283, %parallel_loop3A_284, %parallel_loop3A_285], %parallel_loop3A_277 {strides = array<i32>} : memref<1x1x8x8x128xf32, #tpu.memory_space<vmem>>, vector<16xf32>,
      } {sc.loop_unroll_factor = 8 : i64, sc.parallel_access}
      %dma_start3A = arith.constant 0 : i32
      %dma_start3A_109 = arith.constant 0 : i32
      %dma_start3A_110 = arith.constant 0 : i32
      %dma_start3A_111 = tpu.memref_slice %arg7[%mul3A_106, %add3A_25, %dma_start3A, %dma_start3A_109, %dma_start3A_110] : memref<50x125x8x8x128xf32, #tpu.memory_space<hbm>> -> memref<1x1x8x8x128xf32, #tpu.memory_space<hbm>>
      %dma_start3A_112 = arith.constant 0 : i32
      %dma_start3A_113 = arith.constant 0 : i32
      %dma_start3A_114 = arith.constant 0 : i32
      %dma_start3A_115 = tpu.memref_slice %arg7[%mul3A_106, %add3A_25, %dma_start3A_112, %dma_start3A_113, %dma_start3A_114] : memref<50x125x8x8x128xf32, #tpu.memory_space<hbm>> -> memref<1x1x8x8x128xf32, #tpu.memory_space<hbm>>
      tpu.enqueue_dma source(%arg13 : memref<1x1x8x8x128xf32, #tpu.memory_space<vmem>>) target(%dma_start3A_115 : memref<1x1x8x8x128xf32, #tpu.memory_space<hbm>>) target_semaphore(%arg18 : memref<!tpu.dma_semaphore, #tpu.memory_space<semaphore_mem>>)
      %gt3A_116 = arith.constant 2 : i32
      %gt3A_117 = arith.constant 0 : i32
      %gt3A_118 = arith.cmpi sgt, %gt3A_116, %gt3A_117 : i32
      %gt3A_119 = arith.constant 0 : i32
      %gt3A_120 = arith.cmpi sgt, %scan3A_96, %gt3A_119 : i32
      %or3A_121 = arith.ori %gt3A_118, %gt3A_120 : i1
      %convert_element_type3A_122 = arith.extui %or3A_121 : i1 to i32
      %cond3A_123 = arith.constant 0 : i32
      %cond3A_124 = arith.cmpi ne, %convert_element_type3A_122, %cond3A_123 : i32
      scf.if %cond3A_124 {
        %dma_wait3A_141 = arith.constant 0 : i32
        %dma_wait3A_142 = arith.constant 0 : i32
        %dma_wait3A_143 = arith.constant 0 : i32
        %dma_wait3A_144 = arith.constant 0 : i32
        %dma_wait3A_145 = arith.constant 0 : i32
        %dma_wait3A_146 = tpu.memref_slice %arg7[%dma_wait3A_141, %dma_wait3A_142, %dma_wait3A_143, %dma_wait3A_144, %dma_wait3A_145] : memref<50x125x8x8x128xf32, #tpu.memory_space<hbm>> -> memref<1x1x8x8x128xf32, #tpu.memory_space<hbm>>
        %dma_wait3A_147 = arith.constant 0 : i32
        %dma_wait3A_148 = arith.constant 0 : i32
        %dma_wait3A_149 = arith.constant 0 : i32
        %dma_wait3A_150 = arith.constant 0 : i32
        %dma_wait3A_151 = arith.constant 0 : i32
        %dma_wait3A_152 = tpu.memref_slice %arg7[%dma_wait3A_147, %dma_wait3A_148, %dma_wait3A_149, %dma_wait3A_150, %dma_wait3A_151] : memref<50x125x8x8x128xf32, #tpu.memory_space<hbm>> -> memref<1x1x8x8x128xf32, #tpu.memory_space<hbm>>
        tpu.wait_dma2 semaphore(%arg19 : memref<!tpu.dma_semaphore, #tpu.memory_space<semaphore_mem>>) src(%arg13 : memref<1x1x8x8x128xf32, #tpu.memory_space<vmem>>) dst(%dma_wait3A_152 : memref<1x1x8x8x128xf32, #tpu.memory_space<hbm>>)
      } else {
      }
      %mul3A_125 = arith.constant 2 : i32
      %mul3A_126 = arith.muli %mul3A_125, %scan3A_96 : i32
      %add3A_127 = arith.constant 1 : i32
      %add3A_128 = arith.addi %mul3A_126, %add3A_127 : i32
      %parallel_loop3A_129 = arith.constant 0 : i32
      %parallel_loop3A_130 = arith.constant 64 : i32
      %parallel_loop3A_131 = arith.constant 1 : i32
      scf.for %parallel_loop3A_141 = %parallel_loop3A_129 to %parallel_loop3A_130 step %parallel_loop3A_131  : i32 {
        %parallel_loop3A_142 = arith.constant 1024 : i32
        %parallel_loop3A_143 = arith.muli %add3A_128, %parallel_loop3A_142 : i32
        %parallel_loop3A_144 = arith.constant 16 : i32
        %parallel_loop3A_145 = arith.muli %parallel_loop3A_141, %parallel_loop3A_144 : i32
        %parallel_loop3A_146 = arith.addi %parallel_loop3A_143, %parallel_loop3A_145 : i32
        %parallel_loop3A_147 = arith.index_cast %parallel_loop3A_146 : i32 to index
        %parallel_loop3A_148 = tpu.vector_load %arg9[%parallel_loop3A_147] {strides = array<i32>} : memref<51200xi32, #tpu.memory_space<vmem>>, vector<16xi32>,
        %parallel_loop3A_149 = arith.constant 8 : i32
        %parallel_loop3A_150 = arith.divsi %parallel_loop3A_141, %parallel_loop3A_149 : i32
        %parallel_loop3A_151 = arith.constant 0 : i32
        %parallel_loop3A_152 = arith.cmpi sgt, %parallel_loop3A_141, %parallel_loop3A_151 : i32
        %parallel_loop3A_153 = arith.extui %parallel_loop3A_152 : i1 to i32
        %parallel_loop3A_154 = arith.constant 0 : i32
        %parallel_loop3A_155 = arith.cmpi slt, %parallel_loop3A_141, %parallel_loop3A_154 : i32
        %parallel_loop3A_156 = arith.extui %parallel_loop3A_155 : i1 to i32
        %parallel_loop3A_157 = arith.subi %parallel_loop3A_153, %parallel_loop3A_156 : i32
        %parallel_loop3A_158 = arith.constant 0 : i32
        %parallel_loop3A_159 = arith.cmpi sgt, %parallel_loop3A_149, %parallel_loop3A_158 : i32
        %parallel_loop3A_160 = arith.extui %parallel_loop3A_159 : i1 to i32
        %parallel_loop3A_161 = arith.constant 0 : i32
        %parallel_loop3A_162 = arith.cmpi slt, %parallel_loop3A_149, %parallel_loop3A_161 : i32
        %parallel_loop3A_163 = arith.extui %parallel_loop3A_162 : i1 to i32
        %parallel_loop3A_164 = arith.subi %parallel_loop3A_160, %parallel_loop3A_163 : i32
        %parallel_loop3A_165 = arith.cmpi ne, %parallel_loop3A_157, %parallel_loop3A_164 : i32
        %parallel_loop3A_166 = arith.remsi %parallel_loop3A_141, %parallel_loop3A_149 : i32
        %parallel_loop3A_167 = arith.constant 0 : i32
        %parallel_loop3A_168 = arith.cmpi ne, %parallel_loop3A_166, %parallel_loop3A_167 : i32
        %parallel_loop3A_169 = arith.andi %parallel_loop3A_165, %parallel_loop3A_168 : i1
        %parallel_loop3A_170 = arith.constant 1 : i32
        %parallel_loop3A_171 = arith.subi %parallel_loop3A_150, %parallel_loop3A_170 : i32
        %parallel_loop3A_172 = arith.select %parallel_loop3A_169, %parallel_loop3A_171, %parallel_loop3A_150 : i32
        %parallel_loop3A_173 = arith.constant 8 : i32
        %parallel_loop3A_174 = arith.constant 0 : i32
        %parallel_loop3A_175 = arith.cmpi eq, %parallel_loop3A_173, %parallel_loop3A_174 : i32
        %parallel_loop3A_176 = arith.constant 1 : i32
        %parallel_loop3A_177 = arith.select %parallel_loop3A_175, %parallel_loop3A_176, %parallel_loop3A_173 : i32
        %parallel_loop3A_178 = arith.remsi %parallel_loop3A_141, %parallel_loop3A_177 : i32
        %parallel_loop3A_179 = arith.constant 0 : i32
        %parallel_loop3A_180 = arith.cmpi ne, %parallel_loop3A_178, %parallel_loop3A_179 : i32
        %parallel_loop3A_181 = arith.constant 0 : i32
        %parallel_loop3A_182 = arith.cmpi slt, %parallel_loop3A_178, %parallel_loop3A_181 : i32
        %parallel_loop3A_183 = arith.constant 0 : i32
        %parallel_loop3A_184 = arith.cmpi slt, %parallel_loop3A_177, %parallel_loop3A_183 : i32
        %parallel_loop3A_185 = arith.xori %parallel_loop3A_182, %parallel_loop3A_184 : i1
        %parallel_loop3A_186 = arith.andi %parallel_loop3A_185, %parallel_loop3A_180 : i1
        %parallel_loop3A_187 = arith.addi %parallel_loop3A_178, %parallel_loop3A_177 : i32
        %parallel_loop3A_188 = arith.select %parallel_loop3A_186, %parallel_loop3A_187, %parallel_loop3A_178 : i32
        %parallel_loop3A_189 = arith.constant 16 : i32
        %parallel_loop3A_190 = arith.muli %parallel_loop3A_188, %parallel_loop3A_189 : i32
        %parallel_loop3A_191 = arith.constant 0 : i32
        %parallel_loop3A_192 = vector.broadcast %parallel_loop3A_191 : i32 to vector<16xi32>
        %parallel_loop3A_193 = tpu.vector_load_idx %arg12[%parallel_loop3A_192, %parallel_loop3A_148] : memref<8x1000xf32, #tpu.memory_space<vmem>>[vector<16xi32>, vector<16xi32>], vector<16xf32>,
        %parallel_loop3A_194 = arith.constant 0 : i32
        %parallel_loop3A_195 = arith.constant 0 : i32
        %parallel_loop3A_196 = arith.constant 0 : i32
        %parallel_loop3A_197 = arith.index_cast %parallel_loop3A_194 : i32 to index
        %parallel_loop3A_198 = arith.index_cast %parallel_loop3A_195 : i32 to index
        %parallel_loop3A_199 = arith.index_cast %parallel_loop3A_172 : i32 to index
        %parallel_loop3A_200 = arith.index_cast %parallel_loop3A_196 : i32 to index
        %parallel_loop3A_201 = arith.index_cast %parallel_loop3A_190 : i32 to index
        %parallel_loop3A_202 = tpu.vector_load %arg14[%parallel_loop3A_197, %parallel_loop3A_198, %parallel_loop3A_199, %parallel_loop3A_200, %parallel_loop3A_201] {strides = array<i32>} : memref<1x1x8x8x128xf32, #tpu.memory_space<vmem>>, vector<16xf32>,
        tpu.vector_store %arg14[%parallel_loop3A_197, %parallel_loop3A_198, %parallel_loop3A_199, %parallel_loop3A_200, %parallel_loop3A_201], %parallel_loop3A_193 {strides = array<i32>} : memref<1x1x8x8x128xf32, #tpu.memory_space<vmem>>, vector<16xf32>,
        %parallel_loop3A_203 = arith.constant 1 : i32
        %parallel_loop3A_204 = vector.broadcast %parallel_loop3A_203 : i32 to vector<16xi32>
        %parallel_loop3A_205 = tpu.vector_load_idx %arg12[%parallel_loop3A_204, %parallel_loop3A_148] : memref<8x1000xf32, #tpu.memory_space<vmem>>[vector<16xi32>, vector<16xi32>], vector<16xf32>,
        %parallel_loop3A_206 = arith.constant 0 : i32
        %parallel_loop3A_207 = arith.constant 0 : i32
        %parallel_loop3A_208 = arith.constant 1 : i32
        %parallel_loop3A_209 = arith.index_cast %parallel_loop3A_206 : i32 to index
        %parallel_loop3A_210 = arith.index_cast %parallel_loop3A_207 : i32 to index
        %parallel_loop3A_211 = arith.index_cast %parallel_loop3A_172 : i32 to index
        %parallel_loop3A_212 = arith.index_cast %parallel_loop3A_208 : i32 to index
        %parallel_loop3A_213 = arith.index_cast %parallel_loop3A_190 : i32 to index
        %parallel_loop3A_214 = tpu.vector_load %arg14[%parallel_loop3A_209, %parallel_loop3A_210, %parallel_loop3A_211, %parallel_loop3A_212, %parallel_loop3A_213] {strides = array<i32>} : memref<1x1x8x8x128xf32, #tpu.memory_space<vmem>>, vector<16xf32>,
        tpu.vector_store %arg14[%parallel_loop3A_209, %parallel_loop3A_210, %parallel_loop3A_211, %parallel_loop3A_212, %parallel_loop3A_213], %parallel_loop3A_205 {strides = array<i32>} : memref<1x1x8x8x128xf32, #tpu.memory_space<vmem>>, vector<16xf32>,
        %parallel_loop3A_215 = arith.constant 2 : i32
        %parallel_loop3A_216 = vector.broadcast %parallel_loop3A_215 : i32 to vector<16xi32>
        %parallel_loop3A_217 = tpu.vector_load_idx %arg12[%parallel_loop3A_216, %parallel_loop3A_148] : memref<8x1000xf32, #tpu.memory_space<vmem>>[vector<16xi32>, vector<16xi32>], vector<16xf32>,
        %parallel_loop3A_218 = arith.constant 0 : i32
        %parallel_loop3A_219 = arith.constant 0 : i32
        %parallel_loop3A_220 = arith.constant 2 : i32
        %parallel_loop3A_221 = arith.index_cast %parallel_loop3A_218 : i32 to index
        %parallel_loop3A_222 = arith.index_cast %parallel_loop3A_219 : i32 to index
        %parallel_loop3A_223 = arith.index_cast %parallel_loop3A_172 : i32 to index
        %parallel_loop3A_224 = arith.index_cast %parallel_loop3A_220 : i32 to index
        %parallel_loop3A_225 = arith.index_cast %parallel_loop3A_190 : i32 to index
        %parallel_loop3A_226 = tpu.vector_load %arg14[%parallel_loop3A_221, %parallel_loop3A_222, %parallel_loop3A_223, %parallel_loop3A_224, %parallel_loop3A_225] {strides = array<i32>} : memref<1x1x8x8x128xf32, #tpu.memory_space<vmem>>, vector<16xf32>,
        tpu.vector_store %arg14[%parallel_loop3A_221, %parallel_loop3A_222, %parallel_loop3A_223, %parallel_loop3A_224, %parallel_loop3A_225], %parallel_loop3A_217 {strides = array<i32>} : memref<1x1x8x8x128xf32, #tpu.memory_space<vmem>>, vector<16xf32>,
        %parallel_loop3A_227 = arith.constant 3 : i32
        %parallel_loop3A_228 = vector.broadcast %parallel_loop3A_227 : i32 to vector<16xi32>
        %parallel_loop3A_229 = tpu.vector_load_idx %arg12[%parallel_loop3A_228, %parallel_loop3A_148] : memref<8x1000xf32, #tpu.memory_space<vmem>>[vector<16xi32>, vector<16xi32>], vector<16xf32>,
        %parallel_loop3A_230 = arith.constant 0 : i32
        %parallel_loop3A_231 = arith.constant 0 : i32
        %parallel_loop3A_232 = arith.constant 3 : i32
        %parallel_loop3A_233 = arith.index_cast %parallel_loop3A_230 : i32 to index
        %parallel_loop3A_234 = arith.index_cast %parallel_loop3A_231 : i32 to index
        %parallel_loop3A_235 = arith.index_cast %parallel_loop3A_172 : i32 to index
        %parallel_loop3A_236 = arith.index_cast %parallel_loop3A_232 : i32 to index
        %parallel_loop3A_237 = arith.index_cast %parallel_loop3A_190 : i32 to index
        %parallel_loop3A_238 = tpu.vector_load %arg14[%parallel_loop3A_233, %parallel_loop3A_234, %parallel_loop3A_235, %parallel_loop3A_236, %parallel_loop3A_237] {strides = array<i32>} : memref<1x1x8x8x128xf32, #tpu.memory_space<vmem>>, vector<16xf32>,
        tpu.vector_store %arg14[%parallel_loop3A_233, %parallel_loop3A_234, %parallel_loop3A_235, %parallel_loop3A_236, %parallel_loop3A_237], %parallel_loop3A_229 {strides = array<i32>} : memref<1x1x8x8x128xf32, #tpu.memory_space<vmem>>, vector<16xf32>,
        %parallel_loop3A_239 = arith.constant 4 : i32
        %parallel_loop3A_240 = vector.broadcast %parallel_loop3A_239 : i32 to vector<16xi32>
        %parallel_loop3A_241 = tpu.vector_load_idx %arg12[%parallel_loop3A_240, %parallel_loop3A_148] : memref<8x1000xf32, #tpu.memory_space<vmem>>[vector<16xi32>, vector<16xi32>], vector<16xf32>,
        %parallel_loop3A_242 = arith.constant 0 : i32
        %parallel_loop3A_243 = arith.constant 0 : i32
        %parallel_loop3A_244 = arith.constant 4 : i32
        %parallel_loop3A_245 = arith.index_cast %parallel_loop3A_242 : i32 to index
        %parallel_loop3A_246 = arith.index_cast %parallel_loop3A_243 : i32 to index
        %parallel_loop3A_247 = arith.index_cast %parallel_loop3A_172 : i32 to index
        %parallel_loop3A_248 = arith.index_cast %parallel_loop3A_244 : i32 to index
        %parallel_loop3A_249 = arith.index_cast %parallel_loop3A_190 : i32 to index
        %parallel_loop3A_250 = tpu.vector_load %arg14[%parallel_loop3A_245, %parallel_loop3A_246, %parallel_loop3A_247, %parallel_loop3A_248, %parallel_loop3A_249] {strides = array<i32>} : memref<1x1x8x8x128xf32, #tpu.memory_space<vmem>>, vector<16xf32>,
        tpu.vector_store %arg14[%parallel_loop3A_245, %parallel_loop3A_246, %parallel_loop3A_247, %parallel_loop3A_248, %parallel_loop3A_249], %parallel_loop3A_241 {strides = array<i32>} : memref<1x1x8x8x128xf32, #tpu.memory_space<vmem>>, vector<16xf32>,
        %parallel_loop3A_251 = arith.constant 5 : i32
        %parallel_loop3A_252 = vector.broadcast %parallel_loop3A_251 : i32 to vector<16xi32>
        %parallel_loop3A_253 = tpu.vector_load_idx %arg12[%parallel_loop3A_252, %parallel_loop3A_148] : memref<8x1000xf32, #tpu.memory_space<vmem>>[vector<16xi32>, vector<16xi32>], vector<16xf32>,
        %parallel_loop3A_254 = arith.constant 0 : i32
        %parallel_loop3A_255 = arith.constant 0 : i32
        %parallel_loop3A_256 = arith.constant 5 : i32
        %parallel_loop3A_257 = arith.index_cast %parallel_loop3A_254 : i32 to index
        %parallel_loop3A_258 = arith.index_cast %parallel_loop3A_255 : i32 to index
        %parallel_loop3A_259 = arith.index_cast %parallel_loop3A_172 : i32 to index
        %parallel_loop3A_260 = arith.index_cast %parallel_loop3A_256 : i32 to index
        %parallel_loop3A_261 = arith.index_cast %parallel_loop3A_190 : i32 to index
        %parallel_loop3A_262 = tpu.vector_load %arg14[%parallel_loop3A_257, %parallel_loop3A_258, %parallel_loop3A_259, %parallel_loop3A_260, %parallel_loop3A_261] {strides = array<i32>} : memref<1x1x8x8x128xf32, #tpu.memory_space<vmem>>, vector<16xf32>,
        tpu.vector_store %arg14[%parallel_loop3A_257, %parallel_loop3A_258, %parallel_loop3A_259, %parallel_loop3A_260, %parallel_loop3A_261], %parallel_loop3A_253 {strides = array<i32>} : memref<1x1x8x8x128xf32, #tpu.memory_space<vmem>>, vector<16xf32>,
        %parallel_loop3A_263 = arith.constant 6 : i32
        %parallel_loop3A_264 = vector.broadcast %parallel_loop3A_263 : i32 to vector<16xi32>
        %parallel_loop3A_265 = tpu.vector_load_idx %arg12[%parallel_loop3A_264, %parallel_loop3A_148] : memref<8x1000xf32, #tpu.memory_space<vmem>>[vector<16xi32>, vector<16xi32>], vector<16xf32>,
        %parallel_loop3A_266 = arith.constant 0 : i32
        %parallel_loop3A_267 = arith.constant 0 : i32
        %parallel_loop3A_268 = arith.constant 6 : i32
        %parallel_loop3A_269 = arith.index_cast %parallel_loop3A_266 : i32 to index
        %parallel_loop3A_270 = arith.index_cast %parallel_loop3A_267 : i32 to index
        %parallel_loop3A_271 = arith.index_cast %parallel_loop3A_172 : i32 to index
        %parallel_loop3A_272 = arith.index_cast %parallel_loop3A_268 : i32 to index
        %parallel_loop3A_273 = arith.index_cast %parallel_loop3A_190 : i32 to index
        %parallel_loop3A_274 = tpu.vector_load %arg14[%parallel_loop3A_269, %parallel_loop3A_270, %parallel_loop3A_271, %parallel_loop3A_272, %parallel_loop3A_273] {strides = array<i32>} : memref<1x1x8x8x128xf32, #tpu.memory_space<vmem>>, vector<16xf32>,
        tpu.vector_store %arg14[%parallel_loop3A_269, %parallel_loop3A_270, %parallel_loop3A_271, %parallel_loop3A_272, %parallel_loop3A_273], %parallel_loop3A_265 {strides = array<i32>} : memref<1x1x8x8x128xf32, #tpu.memory_space<vmem>>, vector<16xf32>,
        %parallel_loop3A_275 = arith.constant 7 : i32
        %parallel_loop3A_276 = vector.broadcast %parallel_loop3A_275 : i32 to vector<16xi32>
        %parallel_loop3A_277 = tpu.vector_load_idx %arg12[%parallel_loop3A_276, %parallel_loop3A_148] : memref<8x1000xf32, #tpu.memory_space<vmem>>[vector<16xi32>, vector<16xi32>], vector<16xf32>,
        %parallel_loop3A_278 = arith.constant 0 : i32
        %parallel_loop3A_279 = arith.constant 0 : i32
        %parallel_loop3A_280 = arith.constant 7 : i32
        %parallel_loop3A_281 = arith.index_cast %parallel_loop3A_278 : i32 to index
        %parallel_loop3A_282 = arith.index_cast %parallel_loop3A_279 : i32 to index
        %parallel_loop3A_283 = arith.index_cast %parallel_loop3A_172 : i32 to index
        %parallel_loop3A_284 = arith.index_cast %parallel_loop3A_280 : i32 to index
        %parallel_loop3A_285 = arith.index_cast %parallel_loop3A_190 : i32 to index
        %parallel_loop3A_286 = tpu.vector_load %arg14[%parallel_loop3A_281, %parallel_loop3A_282, %parallel_loop3A_283, %parallel_loop3A_284, %parallel_loop3A_285] {strides = array<i32>} : memref<1x1x8x8x128xf32, #tpu.memory_space<vmem>>, vector<16xf32>,
        tpu.vector_store %arg14[%parallel_loop3A_281, %parallel_loop3A_282, %parallel_loop3A_283, %parallel_loop3A_284, %parallel_loop3A_285], %parallel_loop3A_277 {strides = array<i32>} : memref<1x1x8x8x128xf32, #tpu.memory_space<vmem>>, vector<16xf32>,
      } {sc.loop_unroll_factor = 8 : i64, sc.parallel_access}
      %dma_start3A_132 = arith.constant 0 : i32
      %dma_start3A_133 = arith.constant 0 : i32
      %dma_start3A_134 = arith.constant 0 : i32
      %dma_start3A_135 = tpu.memref_slice %arg7[%add3A_128, %add3A_25, %dma_start3A_132, %dma_start3A_133, %dma_start3A_134] : memref<50x125x8x8x128xf32, #tpu.memory_space<hbm>> -> memref<1x1x8x8x128xf32, #tpu.memory_space<hbm>>
      %dma_start3A_136 = arith.constant 0 : i32
      %dma_start3A_137 = arith.constant 0 : i32
      %dma_start3A_138 = arith.constant 0 : i32
      %dma_start3A_139 = tpu.memref_slice %arg7[%add3A_128, %add3A_25, %dma_start3A_136, %dma_start3A_137, %dma_start3A_138] : memref<50x125x8x8x128xf32, #tpu.memory_space<hbm>> -> memref<1x1x8x8x128xf32, #tpu.memory_space<hbm>>
      tpu.enqueue_dma source(%arg14 : memref<1x1x8x8x128xf32, #tpu.memory_space<vmem>>) target(%dma_start3A_139 : memref<1x1x8x8x128xf32, #tpu.memory_space<hbm>>) target_semaphore(%arg19 : memref<!tpu.dma_semaphore, #tpu.memory_space<semaphore_mem>>)
      %scan3A_140 = arith.constant 0 : i32
      scf.yield %scan3A_140 : i32
    }
    %scan3A_34 = arith.constant 25 : i32
    %add3A_35 = arith.constant 96 : i32
    %add3A_36 = arith.addi %add3A, %add3A_35 : i32
    %lt3A = arith.constant 29 : i32
    %lt3A_37 = arith.cmpi slt, %add3A, %lt3A : i32
    %convert_element_type3A = arith.extui %lt3A_37 : i1 to i32
    %cond3A = arith.constant 0 : i32
    %cond3A_38 = arith.cmpi ne, %convert_element_type3A, %cond3A : i32
    scf.if %cond3A_38 {
      %mul3A_96 = arith.constant 8 : i32
      %mul3A_97 = arith.muli %add3A_36, %mul3A_96 : i32
      "tpu.region"() ({
        %run_scoped3A = tpu.sem_alloc : memref<!tpu.dma_semaphore, #tpu.memory_space<semaphore_mem>>
        %dma_start3A = arith.constant 0 : i32
        %dma_start3A_105 = tpu.memref_slice %arg2[%mul3A_97, %dma_start3A] : memref<1000x1000xf32, #tpu.memory_space<hbm>> -> memref<8x1000xf32, #tpu.memory_space<hbm>>
        %dma_start3A_106 = arith.constant 0 : i32
        %dma_start3A_107 = tpu.memref_slice %arg2[%mul3A_97, %dma_start3A_106] : memref<1000x1000xf32, #tpu.memory_space<hbm>> -> memref<8x1000xf32, #tpu.memory_space<hbm>>
        tpu.enqueue_dma source(%dma_start3A_107 : memref<8x1000xf32, #tpu.memory_space<hbm>>) target(%arg12 : memref<8x1000xf32, #tpu.memory_space<vmem>>) target_semaphore(%run_scoped3A : memref<!tpu.dma_semaphore, #tpu.memory_space<semaphore_mem>>)
        %dma_wait3A_108 = arith.constant 0 : i32
        %dma_wait3A_109 = tpu.memref_slice %arg2[%mul3A_97, %dma_wait3A_108] : memref<1000x1000xf32, #tpu.memory_space<hbm>> -> memref<8x1000xf32, #tpu.memory_space<hbm>>
        %dma_wait3A_110 = arith.constant 0 : i32
        %dma_wait3A_111 = tpu.memref_slice %arg2[%mul3A_97, %dma_wait3A_110] : memref<1000x1000xf32, #tpu.memory_space<hbm>> -> memref<8x1000xf32, #tpu.memory_space<hbm>>
        tpu.wait_dma2 semaphore(%run_scoped3A : memref<!tpu.dma_semaphore, #tpu.memory_space<semaphore_mem>>) src(%dma_wait3A_111 : memref<8x1000xf32, #tpu.memory_space<hbm>>) dst(%arg12 : memref<8x1000xf32, #tpu.memory_space<vmem>>)
        tpu.yield
      }) : () -> ()
      %scan3A_98 = arith.constant 0 : i32
      %scan3A_99 = arith.constant 0 : i32
      %scan3A_100 = arith.constant 25 : i32
      %scan3A_101 = arith.addi %scan3A_99, %scan3A_100 : i32
      %scan3A_102 = arith.constant 1 : i32
      %scan3A_103 = scf.for %scan3A_105 = %scan3A_99 to %scan3A_101 step %scan3A_102 iter_args(%scan3A_106 = %scan3A_98) -> (i32)  : i32 {
        %gt3A = arith.constant 3 : i32
        %gt3A_107 = arith.constant 0 : i32
        %gt3A_108 = arith.cmpi sgt, %gt3A, %gt3A_107 : i32
        %gt3A_109 = arith.constant 0 : i32
        %gt3A_110 = arith.cmpi sgt, %scan3A_105, %gt3A_109 : i32
        %or3A = arith.ori %gt3A_108, %gt3A_110 : i1
        %convert_element_type3A_111 = arith.extui %or3A : i1 to i32
        %cond3A_112 = arith.constant 0 : i32
        %cond3A_113 = arith.cmpi ne, %convert_element_type3A_111, %cond3A_112 : i32
        scf.if %cond3A_113 {
          %dma_wait3A_150 = arith.constant 0 : i32
          %dma_wait3A_151 = arith.constant 0 : i32
          %dma_wait3A_152 = arith.constant 0 : i32
          %dma_wait3A_153 = arith.constant 0 : i32
          %dma_wait3A_154 = arith.constant 0 : i32
          %dma_wait3A_155 = tpu.memref_slice %arg7[%dma_wait3A_150, %dma_wait3A_151, %dma_wait3A_152, %dma_wait3A_153, %dma_wait3A_154] : memref<50x125x8x8x128xf32, #tpu.memory_space<hbm>> -> memref<1x1x8x8x128xf32, #tpu.memory_space<hbm>>
          %dma_wait3A_156 = arith.constant 0 : i32
          %dma_wait3A_157 = arith.constant 0 : i32
          %dma_wait3A_158 = arith.constant 0 : i32
          %dma_wait3A_159 = arith.constant 0 : i32
          %dma_wait3A_160 = arith.constant 0 : i32
          %dma_wait3A_161 = tpu.memref_slice %arg7[%dma_wait3A_156, %dma_wait3A_157, %dma_wait3A_158, %dma_wait3A_159, %dma_wait3A_160] : memref<50x125x8x8x128xf32, #tpu.memory_space<hbm>> -> memref<1x1x8x8x128xf32, #tpu.memory_space<hbm>>
          tpu.wait_dma2 semaphore(%arg18 : memref<!tpu.dma_semaphore, #tpu.memory_space<semaphore_mem>>) src(%arg13 : memref<1x1x8x8x128xf32, #tpu.memory_space<vmem>>) dst(%dma_wait3A_161 : memref<1x1x8x8x128xf32, #tpu.memory_space<hbm>>)
        } else {
        }
        %mul3A_114 = arith.constant 2 : i32
        %mul3A_115 = arith.muli %mul3A_114, %scan3A_105 : i32
        %parallel_loop3A = arith.constant 0 : i32
        %parallel_loop3A_116 = arith.constant 64 : i32
        %parallel_loop3A_117 = arith.constant 1 : i32
        scf.for %parallel_loop3A_150 = %parallel_loop3A to %parallel_loop3A_116 step %parallel_loop3A_117  : i32 {
          %parallel_loop3A_151 = arith.constant 1024 : i32
          %parallel_loop3A_152 = arith.muli %mul3A_115, %parallel_loop3A_151 : i32
          %parallel_loop3A_153 = arith.constant 16 : i32
          %parallel_loop3A_154 = arith.muli %parallel_loop3A_150, %parallel_loop3A_153 : i32
          %parallel_loop3A_155 = arith.addi %parallel_loop3A_152, %parallel_loop3A_154 : i32
          %parallel_loop3A_156 = arith.index_cast %parallel_loop3A_155 : i32 to index
          %parallel_loop3A_157 = tpu.vector_load %arg9[%parallel_loop3A_156] {strides = array<i32>} : memref<51200xi32, #tpu.memory_space<vmem>>, vector<16xi32>,
          %parallel_loop3A_158 = arith.constant 8 : i32
          %parallel_loop3A_159 = arith.divsi %parallel_loop3A_150, %parallel_loop3A_158 : i32
          %parallel_loop3A_160 = arith.constant 0 : i32
          %parallel_loop3A_161 = arith.cmpi sgt, %parallel_loop3A_150, %parallel_loop3A_160 : i32
          %parallel_loop3A_162 = arith.extui %parallel_loop3A_161 : i1 to i32
          %parallel_loop3A_163 = arith.constant 0 : i32
          %parallel_loop3A_164 = arith.cmpi slt, %parallel_loop3A_150, %parallel_loop3A_163 : i32
          %parallel_loop3A_165 = arith.extui %parallel_loop3A_164 : i1 to i32
          %parallel_loop3A_166 = arith.subi %parallel_loop3A_162, %parallel_loop3A_165 : i32
          %parallel_loop3A_167 = arith.constant 0 : i32
          %parallel_loop3A_168 = arith.cmpi sgt, %parallel_loop3A_158, %parallel_loop3A_167 : i32
          %parallel_loop3A_169 = arith.extui %parallel_loop3A_168 : i1 to i32
          %parallel_loop3A_170 = arith.constant 0 : i32
          %parallel_loop3A_171 = arith.cmpi slt, %parallel_loop3A_158, %parallel_loop3A_170 : i32
          %parallel_loop3A_172 = arith.extui %parallel_loop3A_171 : i1 to i32
          %parallel_loop3A_173 = arith.subi %parallel_loop3A_169, %parallel_loop3A_172 : i32
          %parallel_loop3A_174 = arith.cmpi ne, %parallel_loop3A_166, %parallel_loop3A_173 : i32
          %parallel_loop3A_175 = arith.remsi %parallel_loop3A_150, %parallel_loop3A_158 : i32
          %parallel_loop3A_176 = arith.constant 0 : i32
          %parallel_loop3A_177 = arith.cmpi ne, %parallel_loop3A_175, %parallel_loop3A_176 : i32
          %parallel_loop3A_178 = arith.andi %parallel_loop3A_174, %parallel_loop3A_177 : i1
          %parallel_loop3A_179 = arith.constant 1 : i32
          %parallel_loop3A_180 = arith.subi %parallel_loop3A_159, %parallel_loop3A_179 : i32
          %parallel_loop3A_181 = arith.select %parallel_loop3A_178, %parallel_loop3A_180, %parallel_loop3A_159 : i32
          %parallel_loop3A_182 = arith.constant 8 : i32
          %parallel_loop3A_183 = arith.constant 0 : i32
          %parallel_loop3A_184 = arith.cmpi eq, %parallel_loop3A_182, %parallel_loop3A_183 : i32
          %parallel_loop3A_185 = arith.constant 1 : i32
          %parallel_loop3A_186 = arith.select %parallel_loop3A_184, %parallel_loop3A_185, %parallel_loop3A_182 : i32
          %parallel_loop3A_187 = arith.remsi %parallel_loop3A_150, %parallel_loop3A_186 : i32
          %parallel_loop3A_188 = arith.constant 0 : i32
          %parallel_loop3A_189 = arith.cmpi ne, %parallel_loop3A_187, %parallel_loop3A_188 : i32
          %parallel_loop3A_190 = arith.constant 0 : i32
          %parallel_loop3A_191 = arith.cmpi slt, %parallel_loop3A_187, %parallel_loop3A_190 : i32
          %parallel_loop3A_192 = arith.constant 0 : i32
          %parallel_loop3A_193 = arith.cmpi slt, %parallel_loop3A_186, %parallel_loop3A_192 : i32
          %parallel_loop3A_194 = arith.xori %parallel_loop3A_191, %parallel_loop3A_193 : i1
          %parallel_loop3A_195 = arith.andi %parallel_loop3A_194, %parallel_loop3A_189 : i1
          %parallel_loop3A_196 = arith.addi %parallel_loop3A_187, %parallel_loop3A_186 : i32
          %parallel_loop3A_197 = arith.select %parallel_loop3A_195, %parallel_loop3A_196, %parallel_loop3A_187 : i32
          %parallel_loop3A_198 = arith.constant 16 : i32
          %parallel_loop3A_199 = arith.muli %parallel_loop3A_197, %parallel_loop3A_198 : i32
          %parallel_loop3A_200 = arith.constant 0 : i32
          %parallel_loop3A_201 = vector.broadcast %parallel_loop3A_200 : i32 to vector<16xi32>
          %parallel_loop3A_202 = tpu.vector_load_idx %arg12[%parallel_loop3A_201, %parallel_loop3A_157] : memref<8x1000xf32, #tpu.memory_space<vmem>>[vector<16xi32>, vector<16xi32>], vector<16xf32>,
          %parallel_loop3A_203 = arith.constant 0 : i32
          %parallel_loop3A_204 = arith.constant 0 : i32
          %parallel_loop3A_205 = arith.constant 0 : i32
          %parallel_loop3A_206 = arith.index_cast %parallel_loop3A_203 : i32 to index
          %parallel_loop3A_207 = arith.index_cast %parallel_loop3A_204 : i32 to index
          %parallel_loop3A_208 = arith.index_cast %parallel_loop3A_181 : i32 to index
          %parallel_loop3A_209 = arith.index_cast %parallel_loop3A_205 : i32 to index
          %parallel_loop3A_210 = arith.index_cast %parallel_loop3A_199 : i32 to index
          %parallel_loop3A_211 = tpu.vector_load %arg13[%parallel_loop3A_206, %parallel_loop3A_207, %parallel_loop3A_208, %parallel_loop3A_209, %parallel_loop3A_210] {strides = array<i32>} : memref<1x1x8x8x128xf32, #tpu.memory_space<vmem>>, vector<16xf32>,
          tpu.vector_store %arg13[%parallel_loop3A_206, %parallel_loop3A_207, %parallel_loop3A_208, %parallel_loop3A_209, %parallel_loop3A_210], %parallel_loop3A_202 {strides = array<i32>} : memref<1x1x8x8x128xf32, #tpu.memory_space<vmem>>, vector<16xf32>,
          %parallel_loop3A_212 = arith.constant 1 : i32
          %parallel_loop3A_213 = vector.broadcast %parallel_loop3A_212 : i32 to vector<16xi32>
          %parallel_loop3A_214 = tpu.vector_load_idx %arg12[%parallel_loop3A_213, %parallel_loop3A_157] : memref<8x1000xf32, #tpu.memory_space<vmem>>[vector<16xi32>, vector<16xi32>], vector<16xf32>,
          %parallel_loop3A_215 = arith.constant 0 : i32
          %parallel_loop3A_216 = arith.constant 0 : i32
          %parallel_loop3A_217 = arith.constant 1 : i32
          %parallel_loop3A_218 = arith.index_cast %parallel_loop3A_215 : i32 to index
          %parallel_loop3A_219 = arith.index_cast %parallel_loop3A_216 : i32 to index
          %parallel_loop3A_220 = arith.index_cast %parallel_loop3A_181 : i32 to index
          %parallel_loop3A_221 = arith.index_cast %parallel_loop3A_217 : i32 to index
          %parallel_loop3A_222 = arith.index_cast %parallel_loop3A_199 : i32 to index
          %parallel_loop3A_223 = tpu.vector_load %arg13[%parallel_loop3A_218, %parallel_loop3A_219, %parallel_loop3A_220, %parallel_loop3A_221, %parallel_loop3A_222] {strides = array<i32>} : memref<1x1x8x8x128xf32, #tpu.memory_space<vmem>>, vector<16xf32>,
          tpu.vector_store %arg13[%parallel_loop3A_218, %parallel_loop3A_219, %parallel_loop3A_220, %parallel_loop3A_221, %parallel_loop3A_222], %parallel_loop3A_214 {strides = array<i32>} : memref<1x1x8x8x128xf32, #tpu.memory_space<vmem>>, vector<16xf32>,
          %parallel_loop3A_224 = arith.constant 2 : i32
          %parallel_loop3A_225 = vector.broadcast %parallel_loop3A_224 : i32 to vector<16xi32>
          %parallel_loop3A_226 = tpu.vector_load_idx %arg12[%parallel_loop3A_225, %parallel_loop3A_157] : memref<8x1000xf32, #tpu.memory_space<vmem>>[vector<16xi32>, vector<16xi32>], vector<16xf32>,
          %parallel_loop3A_227 = arith.constant 0 : i32
          %parallel_loop3A_228 = arith.constant 0 : i32
          %parallel_loop3A_229 = arith.constant 2 : i32
          %parallel_loop3A_230 = arith.index_cast %parallel_loop3A_227 : i32 to index
          %parallel_loop3A_231 = arith.index_cast %parallel_loop3A_228 : i32 to index
          %parallel_loop3A_232 = arith.index_cast %parallel_loop3A_181 : i32 to index
          %parallel_loop3A_233 = arith.index_cast %parallel_loop3A_229 : i32 to index
          %parallel_loop3A_234 = arith.index_cast %parallel_loop3A_199 : i32 to index
          %parallel_loop3A_235 = tpu.vector_load %arg13[%parallel_loop3A_230, %parallel_loop3A_231, %parallel_loop3A_232, %parallel_loop3A_233, %parallel_loop3A_234] {strides = array<i32>} : memref<1x1x8x8x128xf32, #tpu.memory_space<vmem>>, vector<16xf32>,
          tpu.vector_store %arg13[%parallel_loop3A_230, %parallel_loop3A_231, %parallel_loop3A_232, %parallel_loop3A_233, %parallel_loop3A_234], %parallel_loop3A_226 {strides = array<i32>} : memref<1x1x8x8x128xf32, #tpu.memory_space<vmem>>, vector<16xf32>,
          %parallel_loop3A_236 = arith.constant 3 : i32
          %parallel_loop3A_237 = vector.broadcast %parallel_loop3A_236 : i32 to vector<16xi32>
          %parallel_loop3A_238 = tpu.vector_load_idx %arg12[%parallel_loop3A_237, %parallel_loop3A_157] : memref<8x1000xf32, #tpu.memory_space<vmem>>[vector<16xi32>, vector<16xi32>], vector<16xf32>,
          %parallel_loop3A_239 = arith.constant 0 : i32
          %parallel_loop3A_240 = arith.constant 0 : i32
          %parallel_loop3A_241 = arith.constant 3 : i32
          %parallel_loop3A_242 = arith.index_cast %parallel_loop3A_239 : i32 to index
          %parallel_loop3A_243 = arith.index_cast %parallel_loop3A_240 : i32 to index
          %parallel_loop3A_244 = arith.index_cast %parallel_loop3A_181 : i32 to index
          %parallel_loop3A_245 = arith.index_cast %parallel_loop3A_241 : i32 to index
          %parallel_loop3A_246 = arith.index_cast %parallel_loop3A_199 : i32 to index
          %parallel_loop3A_247 = tpu.vector_load %arg13[%parallel_loop3A_242, %parallel_loop3A_243, %parallel_loop3A_244, %parallel_loop3A_245, %parallel_loop3A_246] {strides = array<i32>} : memref<1x1x8x8x128xf32, #tpu.memory_space<vmem>>, vector<16xf32>,
          tpu.vector_store %arg13[%parallel_loop3A_242, %parallel_loop3A_243, %parallel_loop3A_244, %parallel_loop3A_245, %parallel_loop3A_246], %parallel_loop3A_238 {strides = array<i32>} : memref<1x1x8x8x128xf32, #tpu.memory_space<vmem>>, vector<16xf32>,
          %parallel_loop3A_248 = arith.constant 4 : i32
          %parallel_loop3A_249 = vector.broadcast %parallel_loop3A_248 : i32 to vector<16xi32>
          %parallel_loop3A_250 = tpu.vector_load_idx %arg12[%parallel_loop3A_249, %parallel_loop3A_157] : memref<8x1000xf32, #tpu.memory_space<vmem>>[vector<16xi32>, vector<16xi32>], vector<16xf32>,
          %parallel_loop3A_251 = arith.constant 0 : i32
          %parallel_loop3A_252 = arith.constant 0 : i32
          %parallel_loop3A_253 = arith.constant 4 : i32
          %parallel_loop3A_254 = arith.index_cast %parallel_loop3A_251 : i32 to index
          %parallel_loop3A_255 = arith.index_cast %parallel_loop3A_252 : i32 to index
          %parallel_loop3A_256 = arith.index_cast %parallel_loop3A_181 : i32 to index
          %parallel_loop3A_257 = arith.index_cast %parallel_loop3A_253 : i32 to index
          %parallel_loop3A_258 = arith.index_cast %parallel_loop3A_199 : i32 to index
          %parallel_loop3A_259 = tpu.vector_load %arg13[%parallel_loop3A_254, %parallel_loop3A_255, %parallel_loop3A_256, %parallel_loop3A_257, %parallel_loop3A_258] {strides = array<i32>} : memref<1x1x8x8x128xf32, #tpu.memory_space<vmem>>, vector<16xf32>,
          tpu.vector_store %arg13[%parallel_loop3A_254, %parallel_loop3A_255, %parallel_loop3A_256, %parallel_loop3A_257, %parallel_loop3A_258], %parallel_loop3A_250 {strides = array<i32>} : memref<1x1x8x8x128xf32, #tpu.memory_space<vmem>>, vector<16xf32>,
          %parallel_loop3A_260 = arith.constant 5 : i32
          %parallel_loop3A_261 = vector.broadcast %parallel_loop3A_260 : i32 to vector<16xi32>
          %parallel_loop3A_262 = tpu.vector_load_idx %arg12[%parallel_loop3A_261, %parallel_loop3A_157] : memref<8x1000xf32, #tpu.memory_space<vmem>>[vector<16xi32>, vector<16xi32>], vector<16xf32>,
          %parallel_loop3A_263 = arith.constant 0 : i32
          %parallel_loop3A_264 = arith.constant 0 : i32
          %parallel_loop3A_265 = arith.constant 5 : i32
          %parallel_loop3A_266 = arith.index_cast %parallel_loop3A_263 : i32 to index
          %parallel_loop3A_267 = arith.index_cast %parallel_loop3A_264 : i32 to index
          %parallel_loop3A_268 = arith.index_cast %parallel_loop3A_181 : i32 to index
          %parallel_loop3A_269 = arith.index_cast %parallel_loop3A_265 : i32 to index
          %parallel_loop3A_270 = arith.index_cast %parallel_loop3A_199 : i32 to index
          %parallel_loop3A_271 = tpu.vector_load %arg13[%parallel_loop3A_266, %parallel_loop3A_267, %parallel_loop3A_268, %parallel_loop3A_269, %parallel_loop3A_270] {strides = array<i32>} : memref<1x1x8x8x128xf32, #tpu.memory_space<vmem>>, vector<16xf32>,
          tpu.vector_store %arg13[%parallel_loop3A_266, %parallel_loop3A_267, %parallel_loop3A_268, %parallel_loop3A_269, %parallel_loop3A_270], %parallel_loop3A_262 {strides = array<i32>} : memref<1x1x8x8x128xf32, #tpu.memory_space<vmem>>, vector<16xf32>,
          %parallel_loop3A_272 = arith.constant 6 : i32
          %parallel_loop3A_273 = vector.broadcast %parallel_loop3A_272 : i32 to vector<16xi32>
          %parallel_loop3A_274 = tpu.vector_load_idx %arg12[%parallel_loop3A_273, %parallel_loop3A_157] : memref<8x1000xf32, #tpu.memory_space<vmem>>[vector<16xi32>, vector<16xi32>], vector<16xf32>,
          %parallel_loop3A_275 = arith.constant 0 : i32
          %parallel_loop3A_276 = arith.constant 0 : i32
          %parallel_loop3A_277 = arith.constant 6 : i32
          %parallel_loop3A_278 = arith.index_cast %parallel_loop3A_275 : i32 to index
          %parallel_loop3A_279 = arith.index_cast %parallel_loop3A_276 : i32 to index
          %parallel_loop3A_280 = arith.index_cast %parallel_loop3A_181 : i32 to index
          %parallel_loop3A_281 = arith.index_cast %parallel_loop3A_277 : i32 to index
          %parallel_loop3A_282 = arith.index_cast %parallel_loop3A_199 : i32 to index
          %parallel_loop3A_283 = tpu.vector_load %arg13[%parallel_loop3A_278, %parallel_loop3A_279, %parallel_loop3A_280, %parallel_loop3A_281, %parallel_loop3A_282] {strides = array<i32>} : memref<1x1x8x8x128xf32, #tpu.memory_space<vmem>>, vector<16xf32>,
          tpu.vector_store %arg13[%parallel_loop3A_278, %parallel_loop3A_279, %parallel_loop3A_280, %parallel_loop3A_281, %parallel_loop3A_282], %parallel_loop3A_274 {strides = array<i32>} : memref<1x1x8x8x128xf32, #tpu.memory_space<vmem>>, vector<16xf32>,
          %parallel_loop3A_284 = arith.constant 7 : i32
          %parallel_loop3A_285 = vector.broadcast %parallel_loop3A_284 : i32 to vector<16xi32>
          %parallel_loop3A_286 = tpu.vector_load_idx %arg12[%parallel_loop3A_285, %parallel_loop3A_157] : memref<8x1000xf32, #tpu.memory_space<vmem>>[vector<16xi32>, vector<16xi32>], vector<16xf32>,
          %parallel_loop3A_287 = arith.constant 0 : i32
          %parallel_loop3A_288 = arith.constant 0 : i32
          %parallel_loop3A_289 = arith.constant 7 : i32
          %parallel_loop3A_290 = arith.index_cast %parallel_loop3A_287 : i32 to index
          %parallel_loop3A_291 = arith.index_cast %parallel_loop3A_288 : i32 to index
          %parallel_loop3A_292 = arith.index_cast %parallel_loop3A_181 : i32 to index
          %parallel_loop3A_293 = arith.index_cast %parallel_loop3A_289 : i32 to index
          %parallel_loop3A_294 = arith.index_cast %parallel_loop3A_199 : i32 to index
          %parallel_loop3A_295 = tpu.vector_load %arg13[%parallel_loop3A_290, %parallel_loop3A_291, %parallel_loop3A_292, %parallel_loop3A_293, %parallel_loop3A_294] {strides = array<i32>} : memref<1x1x8x8x128xf32, #tpu.memory_space<vmem>>, vector<16xf32>,
          tpu.vector_store %arg13[%parallel_loop3A_290, %parallel_loop3A_291, %parallel_loop3A_292, %parallel_loop3A_293, %parallel_loop3A_294], %parallel_loop3A_286 {strides = array<i32>} : memref<1x1x8x8x128xf32, #tpu.memory_space<vmem>>, vector<16xf32>,
        } {sc.loop_unroll_factor = 8 : i64, sc.parallel_access}
        %dma_start3A = arith.constant 0 : i32
        %dma_start3A_118 = arith.constant 0 : i32
        %dma_start3A_119 = arith.constant 0 : i32
        %dma_start3A_120 = tpu.memref_slice %arg7[%mul3A_115, %add3A_36, %dma_start3A, %dma_start3A_118, %dma_start3A_119] : memref<50x125x8x8x128xf32, #tpu.memory_space<hbm>> -> memref<1x1x8x8x128xf32, #tpu.memory_space<hbm>>
        %dma_start3A_121 = arith.constant 0 : i32
        %dma_start3A_122 = arith.constant 0 : i32
        %dma_start3A_123 = arith.constant 0 : i32
        %dma_start3A_124 = tpu.memref_slice %arg7[%mul3A_115, %add3A_36, %dma_start3A_121, %dma_start3A_122, %dma_start3A_123] : memref<50x125x8x8x128xf32, #tpu.memory_space<hbm>> -> memref<1x1x8x8x128xf32, #tpu.memory_space<hbm>>
        tpu.enqueue_dma source(%arg13 : memref<1x1x8x8x128xf32, #tpu.memory_space<vmem>>) target(%dma_start3A_124 : memref<1x1x8x8x128xf32, #tpu.memory_space<hbm>>) target_semaphore(%arg18 : memref<!tpu.dma_semaphore, #tpu.memory_space<semaphore_mem>>)
        %gt3A_125 = arith.constant 3 : i32
        %gt3A_126 = arith.constant 0 : i32
        %gt3A_127 = arith.cmpi sgt, %gt3A_125, %gt3A_126 : i32
        %gt3A_128 = arith.constant 0 : i32
        %gt3A_129 = arith.cmpi sgt, %scan3A_105, %gt3A_128 : i32
        %or3A_130 = arith.ori %gt3A_127, %gt3A_129 : i1
        %convert_element_type3A_131 = arith.extui %or3A_130 : i1 to i32
        %cond3A_132 = arith.constant 0 : i32
        %cond3A_133 = arith.cmpi ne, %convert_element_type3A_131, %cond3A_132 : i32
        scf.if %cond3A_133 {
          %dma_wait3A_150 = arith.constant 0 : i32
          %dma_wait3A_151 = arith.constant 0 : i32
          %dma_wait3A_152 = arith.constant 0 : i32
          %dma_wait3A_153 = arith.constant 0 : i32
          %dma_wait3A_154 = arith.constant 0 : i32
          %dma_wait3A_155 = tpu.memref_slice %arg7[%dma_wait3A_150, %dma_wait3A_151, %dma_wait3A_152, %dma_wait3A_153, %dma_wait3A_154] : memref<50x125x8x8x128xf32, #tpu.memory_space<hbm>> -> memref<1x1x8x8x128xf32, #tpu.memory_space<hbm>>
          %dma_wait3A_156 = arith.constant 0 : i32
          %dma_wait3A_157 = arith.constant 0 : i32
          %dma_wait3A_158 = arith.constant 0 : i32
          %dma_wait3A_159 = arith.constant 0 : i32
          %dma_wait3A_160 = arith.constant 0 : i32
          %dma_wait3A_161 = tpu.memref_slice %arg7[%dma_wait3A_156, %dma_wait3A_157, %dma_wait3A_158, %dma_wait3A_159, %dma_wait3A_160] : memref<50x125x8x8x128xf32, #tpu.memory_space<hbm>> -> memref<1x1x8x8x128xf32, #tpu.memory_space<hbm>>
          tpu.wait_dma2 semaphore(%arg19 : memref<!tpu.dma_semaphore, #tpu.memory_space<semaphore_mem>>) src(%arg13 : memref<1x1x8x8x128xf32, #tpu.memory_space<vmem>>) dst(%dma_wait3A_161 : memref<1x1x8x8x128xf32, #tpu.memory_space<hbm>>)
        } else {
        }
        %mul3A_134 = arith.constant 2 : i32
        %mul3A_135 = arith.muli %mul3A_134, %scan3A_105 : i32
        %add3A_136 = arith.constant 1 : i32
        %add3A_137 = arith.addi %mul3A_135, %add3A_136 : i32
        %parallel_loop3A_138 = arith.constant 0 : i32
        %parallel_loop3A_139 = arith.constant 64 : i32
        %parallel_loop3A_140 = arith.constant 1 : i32
        scf.for %parallel_loop3A_150 = %parallel_loop3A_138 to %parallel_loop3A_139 step %parallel_loop3A_140  : i32 {
          %parallel_loop3A_151 = arith.constant 1024 : i32
          %parallel_loop3A_152 = arith.muli %add3A_137, %parallel_loop3A_151 : i32
          %parallel_loop3A_153 = arith.constant 16 : i32
          %parallel_loop3A_154 = arith.muli %parallel_loop3A_150, %parallel_loop3A_153 : i32
          %parallel_loop3A_155 = arith.addi %parallel_loop3A_152, %parallel_loop3A_154 : i32
          %parallel_loop3A_156 = arith.index_cast %parallel_loop3A_155 : i32 to index
          %parallel_loop3A_157 = tpu.vector_load %arg9[%parallel_loop3A_156] {strides = array<i32>} : memref<51200xi32, #tpu.memory_space<vmem>>, vector<16xi32>,
          %parallel_loop3A_158 = arith.constant 8 : i32
          %parallel_loop3A_159 = arith.divsi %parallel_loop3A_150, %parallel_loop3A_158 : i32
          %parallel_loop3A_160 = arith.constant 0 : i32
          %parallel_loop3A_161 = arith.cmpi sgt, %parallel_loop3A_150, %parallel_loop3A_160 : i32
          %parallel_loop3A_162 = arith.extui %parallel_loop3A_161 : i1 to i32
          %parallel_loop3A_163 = arith.constant 0 : i32
          %parallel_loop3A_164 = arith.cmpi slt, %parallel_loop3A_150, %parallel_loop3A_163 : i32
          %parallel_loop3A_165 = arith.extui %parallel_loop3A_164 : i1 to i32
          %parallel_loop3A_166 = arith.subi %parallel_loop3A_162, %parallel_loop3A_165 : i32
          %parallel_loop3A_167 = arith.constant 0 : i32
          %parallel_loop3A_168 = arith.cmpi sgt, %parallel_loop3A_158, %parallel_loop3A_167 : i32
          %parallel_loop3A_169 = arith.extui %parallel_loop3A_168 : i1 to i32
          %parallel_loop3A_170 = arith.constant 0 : i32
          %parallel_loop3A_171 = arith.cmpi slt, %parallel_loop3A_158, %parallel_loop3A_170 : i32
          %parallel_loop3A_172 = arith.extui %parallel_loop3A_171 : i1 to i32
          %parallel_loop3A_173 = arith.subi %parallel_loop3A_169, %parallel_loop3A_172 : i32
          %parallel_loop3A_174 = arith.cmpi ne, %parallel_loop3A_166, %parallel_loop3A_173 : i32
          %parallel_loop3A_175 = arith.remsi %parallel_loop3A_150, %parallel_loop3A_158 : i32
          %parallel_loop3A_176 = arith.constant 0 : i32
          %parallel_loop3A_177 = arith.cmpi ne, %parallel_loop3A_175, %parallel_loop3A_176 : i32
          %parallel_loop3A_178 = arith.andi %parallel_loop3A_174, %parallel_loop3A_177 : i1
          %parallel_loop3A_179 = arith.constant 1 : i32
          %parallel_loop3A_180 = arith.subi %parallel_loop3A_159, %parallel_loop3A_179 : i32
          %parallel_loop3A_181 = arith.select %parallel_loop3A_178, %parallel_loop3A_180, %parallel_loop3A_159 : i32
          %parallel_loop3A_182 = arith.constant 8 : i32
          %parallel_loop3A_183 = arith.constant 0 : i32
          %parallel_loop3A_184 = arith.cmpi eq, %parallel_loop3A_182, %parallel_loop3A_183 : i32
          %parallel_loop3A_185 = arith.constant 1 : i32
          %parallel_loop3A_186 = arith.select %parallel_loop3A_184, %parallel_loop3A_185, %parallel_loop3A_182 : i32
          %parallel_loop3A_187 = arith.remsi %parallel_loop3A_150, %parallel_loop3A_186 : i32
          %parallel_loop3A_188 = arith.constant 0 : i32
          %parallel_loop3A_189 = arith.cmpi ne, %parallel_loop3A_187, %parallel_loop3A_188 : i32
          %parallel_loop3A_190 = arith.constant 0 : i32
          %parallel_loop3A_191 = arith.cmpi slt, %parallel_loop3A_187, %parallel_loop3A_190 : i32
          %parallel_loop3A_192 = arith.constant 0 : i32
          %parallel_loop3A_193 = arith.cmpi slt, %parallel_loop3A_186, %parallel_loop3A_192 : i32
          %parallel_loop3A_194 = arith.xori %parallel_loop3A_191, %parallel_loop3A_193 : i1
          %parallel_loop3A_195 = arith.andi %parallel_loop3A_194, %parallel_loop3A_189 : i1
          %parallel_loop3A_196 = arith.addi %parallel_loop3A_187, %parallel_loop3A_186 : i32
          %parallel_loop3A_197 = arith.select %parallel_loop3A_195, %parallel_loop3A_196, %parallel_loop3A_187 : i32
          %parallel_loop3A_198 = arith.constant 16 : i32
          %parallel_loop3A_199 = arith.muli %parallel_loop3A_197, %parallel_loop3A_198 : i32
          %parallel_loop3A_200 = arith.constant 0 : i32
          %parallel_loop3A_201 = vector.broadcast %parallel_loop3A_200 : i32 to vector<16xi32>
          %parallel_loop3A_202 = tpu.vector_load_idx %arg12[%parallel_loop3A_201, %parallel_loop3A_157] : memref<8x1000xf32, #tpu.memory_space<vmem>>[vector<16xi32>, vector<16xi32>], vector<16xf32>,
          %parallel_loop3A_203 = arith.constant 0 : i32
          %parallel_loop3A_204 = arith.constant 0 : i32
          %parallel_loop3A_205 = arith.constant 0 : i32
          %parallel_loop3A_206 = arith.index_cast %parallel_loop3A_203 : i32 to index
          %parallel_loop3A_207 = arith.index_cast %parallel_loop3A_204 : i32 to index
          %parallel_loop3A_208 = arith.index_cast %parallel_loop3A_181 : i32 to index
          %parallel_loop3A_209 = arith.index_cast %parallel_loop3A_205 : i32 to index
          %parallel_loop3A_210 = arith.index_cast %parallel_loop3A_199 : i32 to index
          %parallel_loop3A_211 = tpu.vector_load %arg14[%parallel_loop3A_206, %parallel_loop3A_207, %parallel_loop3A_208, %parallel_loop3A_209, %parallel_loop3A_210] {strides = array<i32>} : memref<1x1x8x8x128xf32, #tpu.memory_space<vmem>>, vector<16xf32>,
          tpu.vector_store %arg14[%parallel_loop3A_206, %parallel_loop3A_207, %parallel_loop3A_208, %parallel_loop3A_209, %parallel_loop3A_210], %parallel_loop3A_202 {strides = array<i32>} : memref<1x1x8x8x128xf32, #tpu.memory_space<vmem>>, vector<16xf32>,
          %parallel_loop3A_212 = arith.constant 1 : i32
          %parallel_loop3A_213 = vector.broadcast %parallel_loop3A_212 : i32 to vector<16xi32>
          %parallel_loop3A_214 = tpu.vector_load_idx %arg12[%parallel_loop3A_213, %parallel_loop3A_157] : memref<8x1000xf32, #tpu.memory_space<vmem>>[vector<16xi32>, vector<16xi32>], vector<16xf32>,
          %parallel_loop3A_215 = arith.constant 0 : i32
          %parallel_loop3A_216 = arith.constant 0 : i32
          %parallel_loop3A_217 = arith.constant 1 : i32
          %parallel_loop3A_218 = arith.index_cast %parallel_loop3A_215 : i32 to index
          %parallel_loop3A_219 = arith.index_cast %parallel_loop3A_216 : i32 to index
          %parallel_loop3A_220 = arith.index_cast %parallel_loop3A_181 : i32 to index
          %parallel_loop3A_221 = arith.index_cast %parallel_loop3A_217 : i32 to index
          %parallel_loop3A_222 = arith.index_cast %parallel_loop3A_199 : i32 to index
          %parallel_loop3A_223 = tpu.vector_load %arg14[%parallel_loop3A_218, %parallel_loop3A_219, %parallel_loop3A_220, %parallel_loop3A_221, %parallel_loop3A_222] {strides = array<i32>} : memref<1x1x8x8x128xf32, #tpu.memory_space<vmem>>, vector<16xf32>,
          tpu.vector_store %arg14[%parallel_loop3A_218, %parallel_loop3A_219, %parallel_loop3A_220, %parallel_loop3A_221, %parallel_loop3A_222], %parallel_loop3A_214 {strides = array<i32>} : memref<1x1x8x8x128xf32, #tpu.memory_space<vmem>>, vector<16xf32>,
          %parallel_loop3A_224 = arith.constant 2 : i32
          %parallel_loop3A_225 = vector.broadcast %parallel_loop3A_224 : i32 to vector<16xi32>
          %parallel_loop3A_226 = tpu.vector_load_idx %arg12[%parallel_loop3A_225, %parallel_loop3A_157] : memref<8x1000xf32, #tpu.memory_space<vmem>>[vector<16xi32>, vector<16xi32>], vector<16xf32>,
          %parallel_loop3A_227 = arith.constant 0 : i32
          %parallel_loop3A_228 = arith.constant 0 : i32
          %parallel_loop3A_229 = arith.constant 2 : i32
          %parallel_loop3A_230 = arith.index_cast %parallel_loop3A_227 : i32 to index
          %parallel_loop3A_231 = arith.index_cast %parallel_loop3A_228 : i32 to index
          %parallel_loop3A_232 = arith.index_cast %parallel_loop3A_181 : i32 to index
          %parallel_loop3A_233 = arith.index_cast %parallel_loop3A_229 : i32 to index
          %parallel_loop3A_234 = arith.index_cast %parallel_loop3A_199 : i32 to index
          %parallel_loop3A_235 = tpu.vector_load %arg14[%parallel_loop3A_230, %parallel_loop3A_231, %parallel_loop3A_232, %parallel_loop3A_233, %parallel_loop3A_234] {strides = array<i32>} : memref<1x1x8x8x128xf32, #tpu.memory_space<vmem>>, vector<16xf32>,
          tpu.vector_store %arg14[%parallel_loop3A_230, %parallel_loop3A_231, %parallel_loop3A_232, %parallel_loop3A_233, %parallel_loop3A_234], %parallel_loop3A_226 {strides = array<i32>} : memref<1x1x8x8x128xf32, #tpu.memory_space<vmem>>, vector<16xf32>,
          %parallel_loop3A_236 = arith.constant 3 : i32
          %parallel_loop3A_237 = vector.broadcast %parallel_loop3A_236 : i32 to vector<16xi32>
          %parallel_loop3A_238 = tpu.vector_load_idx %arg12[%parallel_loop3A_237, %parallel_loop3A_157] : memref<8x1000xf32, #tpu.memory_space<vmem>>[vector<16xi32>, vector<16xi32>], vector<16xf32>,
          %parallel_loop3A_239 = arith.constant 0 : i32
          %parallel_loop3A_240 = arith.constant 0 : i32
          %parallel_loop3A_241 = arith.constant 3 : i32
          %parallel_loop3A_242 = arith.index_cast %parallel_loop3A_239 : i32 to index
          %parallel_loop3A_243 = arith.index_cast %parallel_loop3A_240 : i32 to index
          %parallel_loop3A_244 = arith.index_cast %parallel_loop3A_181 : i32 to index
          %parallel_loop3A_245 = arith.index_cast %parallel_loop3A_241 : i32 to index
          %parallel_loop3A_246 = arith.index_cast %parallel_loop3A_199 : i32 to index
          %parallel_loop3A_247 = tpu.vector_load %arg14[%parallel_loop3A_242, %parallel_loop3A_243, %parallel_loop3A_244, %parallel_loop3A_245, %parallel_loop3A_246] {strides = array<i32>} : memref<1x1x8x8x128xf32, #tpu.memory_space<vmem>>, vector<16xf32>,
          tpu.vector_store %arg14[%parallel_loop3A_242, %parallel_loop3A_243, %parallel_loop3A_244, %parallel_loop3A_245, %parallel_loop3A_246], %parallel_loop3A_238 {strides = array<i32>} : memref<1x1x8x8x128xf32, #tpu.memory_space<vmem>>, vector<16xf32>,
          %parallel_loop3A_248 = arith.constant 4 : i32
          %parallel_loop3A_249 = vector.broadcast %parallel_loop3A_248 : i32 to vector<16xi32>
          %parallel_loop3A_250 = tpu.vector_load_idx %arg12[%parallel_loop3A_249, %parallel_loop3A_157] : memref<8x1000xf32, #tpu.memory_space<vmem>>[vector<16xi32>, vector<16xi32>], vector<16xf32>,
          %parallel_loop3A_251 = arith.constant 0 : i32
          %parallel_loop3A_252 = arith.constant 0 : i32
          %parallel_loop3A_253 = arith.constant 4 : i32
          %parallel_loop3A_254 = arith.index_cast %parallel_loop3A_251 : i32 to index
          %parallel_loop3A_255 = arith.index_cast %parallel_loop3A_252 : i32 to index
          %parallel_loop3A_256 = arith.index_cast %parallel_loop3A_181 : i32 to index
          %parallel_loop3A_257 = arith.index_cast %parallel_loop3A_253 : i32 to index
          %parallel_loop3A_258 = arith.index_cast %parallel_loop3A_199 : i32 to index
          %parallel_loop3A_259 = tpu.vector_load %arg14[%parallel_loop3A_254, %parallel_loop3A_255, %parallel_loop3A_256, %parallel_loop3A_257, %parallel_loop3A_258] {strides = array<i32>} : memref<1x1x8x8x128xf32, #tpu.memory_space<vmem>>, vector<16xf32>,
          tpu.vector_store %arg14[%parallel_loop3A_254, %parallel_loop3A_255, %parallel_loop3A_256, %parallel_loop3A_257, %parallel_loop3A_258], %parallel_loop3A_250 {strides = array<i32>} : memref<1x1x8x8x128xf32, #tpu.memory_space<vmem>>, vector<16xf32>,
          %parallel_loop3A_260 = arith.constant 5 : i32
          %parallel_loop3A_261 = vector.broadcast %parallel_loop3A_260 : i32 to vector<16xi32>
          %parallel_loop3A_262 = tpu.vector_load_idx %arg12[%parallel_loop3A_261, %parallel_loop3A_157] : memref<8x1000xf32, #tpu.memory_space<vmem>>[vector<16xi32>, vector<16xi32>], vector<16xf32>,
          %parallel_loop3A_263 = arith.constant 0 : i32
          %parallel_loop3A_264 = arith.constant 0 : i32
          %parallel_loop3A_265 = arith.constant 5 : i32
          %parallel_loop3A_266 = arith.index_cast %parallel_loop3A_263 : i32 to index
          %parallel_loop3A_267 = arith.index_cast %parallel_loop3A_264 : i32 to index
          %parallel_loop3A_268 = arith.index_cast %parallel_loop3A_181 : i32 to index
          %parallel_loop3A_269 = arith.index_cast %parallel_loop3A_265 : i32 to index
          %parallel_loop3A_270 = arith.index_cast %parallel_loop3A_199 : i32 to index
          %parallel_loop3A_271 = tpu.vector_load %arg14[%parallel_loop3A_266, %parallel_loop3A_267, %parallel_loop3A_268, %parallel_loop3A_269, %parallel_loop3A_270] {strides = array<i32>} : memref<1x1x8x8x128xf32, #tpu.memory_space<vmem>>, vector<16xf32>,
          tpu.vector_store %arg14[%parallel_loop3A_266, %parallel_loop3A_267, %parallel_loop3A_268, %parallel_loop3A_269, %parallel_loop3A_270], %parallel_loop3A_262 {strides = array<i32>} : memref<1x1x8x8x128xf32, #tpu.memory_space<vmem>>, vector<16xf32>,
          %parallel_loop3A_272 = arith.constant 6 : i32
          %parallel_loop3A_273 = vector.broadcast %parallel_loop3A_272 : i32 to vector<16xi32>
          %parallel_loop3A_274 = tpu.vector_load_idx %arg12[%parallel_loop3A_273, %parallel_loop3A_157] : memref<8x1000xf32, #tpu.memory_space<vmem>>[vector<16xi32>, vector<16xi32>], vector<16xf32>,
          %parallel_loop3A_275 = arith.constant 0 : i32
          %parallel_loop3A_276 = arith.constant 0 : i32
          %parallel_loop3A_277 = arith.constant 6 : i32
          %parallel_loop3A_278 = arith.index_cast %parallel_loop3A_275 : i32 to index
          %parallel_loop3A_279 = arith.index_cast %parallel_loop3A_276 : i32 to index
          %parallel_loop3A_280 = arith.index_cast %parallel_loop3A_181 : i32 to index
          %parallel_loop3A_281 = arith.index_cast %parallel_loop3A_277 : i32 to index
          %parallel_loop3A_282 = arith.index_cast %parallel_loop3A_199 : i32 to index
          %parallel_loop3A_283 = tpu.vector_load %arg14[%parallel_loop3A_278, %parallel_loop3A_279, %parallel_loop3A_280, %parallel_loop3A_281, %parallel_loop3A_282] {strides = array<i32>} : memref<1x1x8x8x128xf32, #tpu.memory_space<vmem>>, vector<16xf32>,
          tpu.vector_store %arg14[%parallel_loop3A_278, %parallel_loop3A_279, %parallel_loop3A_280, %parallel_loop3A_281, %parallel_loop3A_282], %parallel_loop3A_274 {strides = array<i32>} : memref<1x1x8x8x128xf32, #tpu.memory_space<vmem>>, vector<16xf32>,
          %parallel_loop3A_284 = arith.constant 7 : i32
          %parallel_loop3A_285 = vector.broadcast %parallel_loop3A_284 : i32 to vector<16xi32>
          %parallel_loop3A_286 = tpu.vector_load_idx %arg12[%parallel_loop3A_285, %parallel_loop3A_157] : memref<8x1000xf32, #tpu.memory_space<vmem>>[vector<16xi32>, vector<16xi32>], vector<16xf32>,
          %parallel_loop3A_287 = arith.constant 0 : i32
          %parallel_loop3A_288 = arith.constant 0 : i32
          %parallel_loop3A_289 = arith.constant 7 : i32
          %parallel_loop3A_290 = arith.index_cast %parallel_loop3A_287 : i32 to index
          %parallel_loop3A_291 = arith.index_cast %parallel_loop3A_288 : i32 to index
          %parallel_loop3A_292 = arith.index_cast %parallel_loop3A_181 : i32 to index
          %parallel_loop3A_293 = arith.index_cast %parallel_loop3A_289 : i32 to index
          %parallel_loop3A_294 = arith.index_cast %parallel_loop3A_199 : i32 to index
          %parallel_loop3A_295 = tpu.vector_load %arg14[%parallel_loop3A_290, %parallel_loop3A_291, %parallel_loop3A_292, %parallel_loop3A_293, %parallel_loop3A_294] {strides = array<i32>} : memref<1x1x8x8x128xf32, #tpu.memory_space<vmem>>, vector<16xf32>,
          tpu.vector_store %arg14[%parallel_loop3A_290, %parallel_loop3A_291, %parallel_loop3A_292, %parallel_loop3A_293, %parallel_loop3A_294], %parallel_loop3A_286 {strides = array<i32>} : memref<1x1x8x8x128xf32, #tpu.memory_space<vmem>>, vector<16xf32>,
        } {sc.loop_unroll_factor = 8 : i64, sc.parallel_access}
        %dma_start3A_141 = arith.constant 0 : i32
        %dma_start3A_142 = arith.constant 0 : i32
        %dma_start3A_143 = arith.constant 0 : i32
        %dma_start3A_144 = tpu.memref_slice %arg7[%add3A_137, %add3A_36, %dma_start3A_141, %dma_start3A_142, %dma_start3A_143] : memref<50x125x8x8x128xf32, #tpu.memory_space<hbm>> -> memref<1x1x8x8x128xf32, #tpu.memory_space<hbm>>
        %dma_start3A_145 = arith.constant 0 : i32
        %dma_start3A_146 = arith.constant 0 : i32
        %dma_start3A_147 = arith.constant 0 : i32
        %dma_start3A_148 = tpu.memref_slice %arg7[%add3A_137, %add3A_36, %dma_start3A_145, %dma_start3A_146, %dma_start3A_147] : memref<50x125x8x8x128xf32, #tpu.memory_space<hbm>> -> memref<1x1x8x8x128xf32, #tpu.memory_space<hbm>>
        tpu.enqueue_dma source(%arg14 : memref<1x1x8x8x128xf32, #tpu.memory_space<vmem>>) target(%dma_start3A_148 : memref<1x1x8x8x128xf32, #tpu.memory_space<hbm>>) target_semaphore(%arg19 : memref<!tpu.dma_semaphore, #tpu.memory_space<semaphore_mem>>)
        %scan3A_149 = arith.constant 0 : i32
        scf.yield %scan3A_149 : i32
      }
      %scan3A_104 = arith.constant 25 : i32
    } else {
    }
    %dma_wait3A = arith.constant 0 : i32
    %dma_wait3A_39 = arith.constant 0 : i32
    %dma_wait3A_40 = arith.constant 0 : i32
    %dma_wait3A_41 = arith.constant 0 : i32
    %dma_wait3A_42 = arith.constant 0 : i32
    %dma_wait3A_43 = tpu.memref_slice %arg7[%dma_wait3A, %dma_wait3A_39, %dma_wait3A_40, %dma_wait3A_41, %dma_wait3A_42] : memref<50x125x8x8x128xf32, #tpu.memory_space<hbm>> -> memref<1x1x8x8x128xf32, #tpu.memory_space<hbm>>
    %dma_wait3A_44 = arith.constant 0 : i32
    %dma_wait3A_45 = arith.constant 0 : i32
    %dma_wait3A_46 = arith.constant 0 : i32
    %dma_wait3A_47 = arith.constant 0 : i32
    %dma_wait3A_48 = arith.constant 0 : i32
    %dma_wait3A_49 = tpu.memref_slice %arg7[%dma_wait3A_44, %dma_wait3A_45, %dma_wait3A_46, %dma_wait3A_47, %dma_wait3A_48] : memref<50x125x8x8x128xf32, #tpu.memory_space<hbm>> -> memref<1x1x8x8x128xf32, #tpu.memory_space<hbm>>
    tpu.wait_dma2 semaphore(%arg18 : memref<!tpu.dma_semaphore, #tpu.memory_space<semaphore_mem>>) src(%arg13 : memref<1x1x8x8x128xf32, #tpu.memory_space<vmem>>) dst(%dma_wait3A_49 : memref<1x1x8x8x128xf32, #tpu.memory_space<hbm>>)
    %dma_wait3A_50 = arith.constant 0 : i32
    %dma_wait3A_51 = arith.constant 0 : i32
    %dma_wait3A_52 = arith.constant 0 : i32
    %dma_wait3A_53 = arith.constant 0 : i32
    %dma_wait3A_54 = arith.constant 0 : i32
    %dma_wait3A_55 = tpu.memref_slice %arg7[%dma_wait3A_50, %dma_wait3A_51, %dma_wait3A_52, %dma_wait3A_53, %dma_wait3A_54] : memref<50x125x8x8x128xf32, #tpu.memory_space<hbm>> -> memref<1x1x8x8x128xf32, #tpu.memory_space<hbm>>
    %dma_wait3A_56 = arith.constant 0 : i32
    %dma_wait3A_57 = arith.constant 0 : i32
    %dma_wait3A_58 = arith.constant 0 : i32
    %dma_wait3A_59 = arith.constant 0 : i32
    %dma_wait3A_60 = arith.constant 0 : i32
    %dma_wait3A_61 = tpu.memref_slice %arg7[%dma_wait3A_56, %dma_wait3A_57, %dma_wait3A_58, %dma_wait3A_59, %dma_wait3A_60] : memref<50x125x8x8x128xf32, #tpu.memory_space<hbm>> -> memref<1x1x8x8x128xf32, #tpu.memory_space<hbm>>
    tpu.wait_dma2 semaphore(%arg19 : memref<!tpu.dma_semaphore, #tpu.memory_space<semaphore_mem>>) src(%arg13 : memref<1x1x8x8x128xf32, #tpu.memory_space<vmem>>) dst(%dma_wait3A_61 : memref<1x1x8x8x128xf32, #tpu.memory_space<hbm>>)
    %mul3A_62 = arith.constant 32 : i32
    %mul3A_63 = arith.muli %add3A, %mul3A_62 : i32
    %scan3A_64 = arith.constant 0 : i32
    %scan3A_65 = arith.constant 0 : i32
    %scan3A_66 = arith.constant 32 : i32
    %scan3A_67 = arith.addi %scan3A_65, %scan3A_66 : i32
    %scan3A_68 = arith.constant 1 : i32
    %scan3A_69 = scf.for %scan3A_96 = %scan3A_65 to %scan3A_67 step %scan3A_68 iter_args(%scan3A_97 = %scan3A_64) -> (i32)  : i32 {
      %add3A_98 = arith.constant 0 : i32
      %add3A_99 = vector.broadcast %add3A_98 : i32 to vector<16xi32>
      %add3A_100 = arith.addi %iota3A, %add3A_99 : vector<16xi32>
      %min3A = arith.constant 49 : i32
      %min3A_101 = vector.broadcast %min3A : i32 to vector<16xi32>
      %min3A_102 = arith.minsi %add3A_100, %min3A_101 : vector<16xi32>
      %mul3A_103 = arith.constant 1024 : i32
      %mul3A_104 = vector.broadcast %mul3A_103 : i32 to vector<16xi32>
      %mul3A_105 = arith.muli %min3A_102, %mul3A_104 : vector<16xi32>
      %add3A_106 = arith.addi %mul3A_63, %scan3A_96 : i32
      %add3A_107 = vector.broadcast %add3A_106 : i32 to vector<16xi32>
      %add3A_108 = arith.addi %mul3A_105, %add3A_107 : vector<16xi32>
      %gather3A = tpu.vector_load_idx %arg9[%add3A_108] : memref<51200xi32, #tpu.memory_space<vmem>>[vector<16xi32>], vector<16xi32>,
      %mul3A_109 = arith.constant 64 : i32
      %mul3A_110 = arith.muli %scan3A_96, %mul3A_109 : i32
      %add3A_111 = arith.constant 0 : i32
      %add3A_112 = arith.addi %mul3A_110, %add3A_111 : i32
      %get3A = arith.index_cast %add3A_112 : i32 to index
      %get3A_113 = tpu.vector_load %arg10[%get3A] {strides = array<i32>} : memref<2048xi32, #tpu.memory_space<vmem>>, vector<16xi32>,
      %mul3A_114 = arith.constant 1000 : i32
      %mul3A_115 = vector.broadcast %mul3A_114 : i32 to vector<16xi32>
      %mul3A_116 = arith.muli %gather3A, %mul3A_115 : vector<16xi32>
      %add3A_117 = arith.addi %mul3A_116, %get3A_113 : vector<16xi32>
      %mul3A_118 = arith.constant 64 : i32
      %mul3A_119 = arith.muli %scan3A_96, %mul3A_118 : i32
      %add3A_120 = arith.constant 0 : i32
      %add3A_121 = arith.addi %mul3A_119, %add3A_120 : i32
      %swap3A_122 = arith.index_cast %add3A_121 : i32 to index
      %swap3A_123 = tpu.vector_load %arg15[%swap3A_122] {strides = array<i32>} : memref<2048xi32, #tpu.memory_space<vmem>>, vector<16xi32>,
      tpu.vector_store %arg15[%swap3A_122], %add3A_117 {strides = array<i32>} : memref<2048xi32, #tpu.memory_space<vmem>>, vector<16xi32>,
      %add3A_124 = arith.constant 16 : i32
      %add3A_125 = vector.broadcast %add3A_124 : i32 to vector<16xi32>
      %add3A_126 = arith.addi %iota3A, %add3A_125 : vector<16xi32>
      %min3A_127 = arith.constant 49 : i32
      %min3A_128 = vector.broadcast %min3A_127 : i32 to vector<16xi32>
      %min3A_129 = arith.minsi %add3A_126, %min3A_128 : vector<16xi32>
      %mul3A_130 = arith.constant 1024 : i32
      %mul3A_131 = vector.broadcast %mul3A_130 : i32 to vector<16xi32>
      %mul3A_132 = arith.muli %min3A_129, %mul3A_131 : vector<16xi32>
      %add3A_133 = arith.addi %mul3A_63, %scan3A_96 : i32
      %add3A_134 = vector.broadcast %add3A_133 : i32 to vector<16xi32>
      %add3A_135 = arith.addi %mul3A_132, %add3A_134 : vector<16xi32>
      %gather3A_136 = tpu.vector_load_idx %arg9[%add3A_135] : memref<51200xi32, #tpu.memory_space<vmem>>[vector<16xi32>], vector<16xi32>,
      %mul3A_137 = arith.constant 64 : i32
      %mul3A_138 = arith.muli %scan3A_96, %mul3A_137 : i32
      %add3A_139 = arith.constant 16 : i32
      %add3A_140 = arith.addi %mul3A_138, %add3A_139 : i32
      %get3A_141 = arith.index_cast %add3A_140 : i32 to index
      %get3A_142 = tpu.vector_load %arg10[%get3A_141] {strides = array<i32>} : memref<2048xi32, #tpu.memory_space<vmem>>, vector<16xi32>,
      %mul3A_143 = arith.constant 1000 : i32
      %mul3A_144 = vector.broadcast %mul3A_143 : i32 to vector<16xi32>
      %mul3A_145 = arith.muli %gather3A_136, %mul3A_144 : vector<16xi32>
      %add3A_146 = arith.addi %mul3A_145, %get3A_142 : vector<16xi32>
      %mul3A_147 = arith.constant 64 : i32
      %mul3A_148 = arith.muli %scan3A_96, %mul3A_147 : i32
      %add3A_149 = arith.constant 16 : i32
      %add3A_150 = arith.addi %mul3A_148, %add3A_149 : i32
      %swap3A_151 = arith.index_cast %add3A_150 : i32 to index
      %swap3A_152 = tpu.vector_load %arg15[%swap3A_151] {strides = array<i32>} : memref<2048xi32, #tpu.memory_space<vmem>>, vector<16xi32>,
      tpu.vector_store %arg15[%swap3A_151], %add3A_146 {strides = array<i32>} : memref<2048xi32, #tpu.memory_space<vmem>>, vector<16xi32>,
      %add3A_153 = arith.constant 32 : i32
      %add3A_154 = vector.broadcast %add3A_153 : i32 to vector<16xi32>
      %add3A_155 = arith.addi %iota3A, %add3A_154 : vector<16xi32>
      %min3A_156 = arith.constant 49 : i32
      %min3A_157 = vector.broadcast %min3A_156 : i32 to vector<16xi32>
      %min3A_158 = arith.minsi %add3A_155, %min3A_157 : vector<16xi32>
      %mul3A_159 = arith.constant 1024 : i32
      %mul3A_160 = vector.broadcast %mul3A_159 : i32 to vector<16xi32>
      %mul3A_161 = arith.muli %min3A_158, %mul3A_160 : vector<16xi32>
      %add3A_162 = arith.addi %mul3A_63, %scan3A_96 : i32
      %add3A_163 = vector.broadcast %add3A_162 : i32 to vector<16xi32>
      %add3A_164 = arith.addi %mul3A_161, %add3A_163 : vector<16xi32>
      %gather3A_165 = tpu.vector_load_idx %arg9[%add3A_164] : memref<51200xi32, #tpu.memory_space<vmem>>[vector<16xi32>], vector<16xi32>,
      %mul3A_166 = arith.constant 64 : i32
      %mul3A_167 = arith.muli %scan3A_96, %mul3A_166 : i32
      %add3A_168 = arith.constant 32 : i32
      %add3A_169 = arith.addi %mul3A_167, %add3A_168 : i32
      %get3A_170 = arith.index_cast %add3A_169 : i32 to index
      %get3A_171 = tpu.vector_load %arg10[%get3A_170] {strides = array<i32>} : memref<2048xi32, #tpu.memory_space<vmem>>, vector<16xi32>,
      %mul3A_172 = arith.constant 1000 : i32
      %mul3A_173 = vector.broadcast %mul3A_172 : i32 to vector<16xi32>
      %mul3A_174 = arith.muli %gather3A_165, %mul3A_173 : vector<16xi32>
      %add3A_175 = arith.addi %mul3A_174, %get3A_171 : vector<16xi32>
      %mul3A_176 = arith.constant 64 : i32
      %mul3A_177 = arith.muli %scan3A_96, %mul3A_176 : i32
      %add3A_178 = arith.constant 32 : i32
      %add3A_179 = arith.addi %mul3A_177, %add3A_178 : i32
      %swap3A_180 = arith.index_cast %add3A_179 : i32 to index
      %swap3A_181 = tpu.vector_load %arg15[%swap3A_180] {strides = array<i32>} : memref<2048xi32, #tpu.memory_space<vmem>>, vector<16xi32>,
      tpu.vector_store %arg15[%swap3A_180], %add3A_175 {strides = array<i32>} : memref<2048xi32, #tpu.memory_space<vmem>>, vector<16xi32>,
      %add3A_182 = arith.constant 48 : i32
      %add3A_183 = vector.broadcast %add3A_182 : i32 to vector<16xi32>
      %add3A_184 = arith.addi %iota3A, %add3A_183 : vector<16xi32>
      %min3A_185 = arith.constant 49 : i32
      %min3A_186 = vector.broadcast %min3A_185 : i32 to vector<16xi32>
      %min3A_187 = arith.minsi %add3A_184, %min3A_186 : vector<16xi32>
      %mul3A_188 = arith.constant 1024 : i32
      %mul3A_189 = vector.broadcast %mul3A_188 : i32 to vector<16xi32>
      %mul3A_190 = arith.muli %min3A_187, %mul3A_189 : vector<16xi32>
      %add3A_191 = arith.addi %mul3A_63, %scan3A_96 : i32
      %add3A_192 = vector.broadcast %add3A_191 : i32 to vector<16xi32>
      %add3A_193 = arith.addi %mul3A_190, %add3A_192 : vector<16xi32>
      %gather3A_194 = tpu.vector_load_idx %arg9[%add3A_193] : memref<51200xi32, #tpu.memory_space<vmem>>[vector<16xi32>], vector<16xi32>,
      %mul3A_195 = arith.constant 64 : i32
      %mul3A_196 = arith.muli %scan3A_96, %mul3A_195 : i32
      %add3A_197 = arith.constant 48 : i32
      %add3A_198 = arith.addi %mul3A_196, %add3A_197 : i32
      %get3A_199 = arith.index_cast %add3A_198 : i32 to index
      %get3A_200 = tpu.vector_load %arg10[%get3A_199] {strides = array<i32>} : memref<2048xi32, #tpu.memory_space<vmem>>, vector<16xi32>,
      %mul3A_201 = arith.constant 1000 : i32
      %mul3A_202 = vector.broadcast %mul3A_201 : i32 to vector<16xi32>
      %mul3A_203 = arith.muli %gather3A_194, %mul3A_202 : vector<16xi32>
      %add3A_204 = arith.addi %mul3A_203, %get3A_200 : vector<16xi32>
      %mul3A_205 = arith.constant 64 : i32
      %mul3A_206 = arith.muli %scan3A_96, %mul3A_205 : i32
      %add3A_207 = arith.constant 48 : i32
      %add3A_208 = arith.addi %mul3A_206, %add3A_207 : i32
      %swap3A_209 = arith.index_cast %add3A_208 : i32 to index
      %swap3A_210 = tpu.vector_load %arg15[%swap3A_209] {strides = array<i32>} : memref<2048xi32, #tpu.memory_space<vmem>>, vector<16xi32>,
      tpu.vector_store %arg15[%swap3A_209], %add3A_204 {strides = array<i32>} : memref<2048xi32, #tpu.memory_space<vmem>>, vector<16xi32>,
      %scan3A_211 = arith.constant 0 : i32
      scf.yield %scan3A_211 : i32
    }
    %scan3A_70 = arith.constant 32 : i32
    %scan3A_71 = arith.constant 0 : i32
    %scan3A_72 = arith.constant 0 : i32
    %scan3A_73 = arith.constant 32 : i32
    %scan3A_74 = arith.addi %scan3A_72, %scan3A_73 : i32
    %scan3A_75 = arith.constant 1 : i32
    %scan3A_76 = scf.for %scan3A_96 = %scan3A_72 to %scan3A_74 step %scan3A_75 iter_args(%scan3A_97 = %scan3A_71) -> (i32)  : i32 {
      %mul3A_98 = arith.constant 64 : i32
      %mul3A_99 = arith.muli %scan3A_96, %mul3A_98 : i32
      %mul3A_100 = arith.constant 64 : i32
      %mul3A_101 = arith.muli %scan3A_96, %mul3A_100 : i32
      %dma_start3A = tpu.memref_slice %arg16[%mul3A_101] : memref<2048xf32, #tpu.memory_space<vmem>> -> memref<64xf32, #tpu.memory_space<vmem>>
      %dma_start3A_102 = tpu.memref_slice %arg15[%mul3A_99] : memref<2048xi32, #tpu.memory_space<vmem>> -> memref<64xi32, #tpu.memory_space<vmem>>
      %dma_start3A_103 = arith.constant 0 : i32
      %dma_start3A_104 = tpu.memref_slice %arg3[%dma_start3A_103] : memref<1000000xf32, #tpu.memory_space<hbm>> -> memref<1000000xf32, #tpu.memory_space<hbm>>
      tpu.enqueue_indirect_dma source(%dma_start3A_104 : memref<1000000xf32, #tpu.memory_space<hbm>>) target(%dma_start3A : memref<64xf32, #tpu.memory_space<vmem>>) offsets(%dma_start3A_102 : memref<64xi32, #tpu.memory_space<vmem>>) semaphore(%arg20 : memref<!tpu.dma_semaphore, #tpu.memory_space<semaphore_mem>>)
      %dma_wait3A_105 = tpu.memref_slice %arg16[%mul3A_101] : memref<2048xf32, #tpu.memory_space<vmem>> -> memref<64xf32, #tpu.memory_space<vmem>>
      %dma_wait3A_106 = tpu.memref_slice %arg15[%mul3A_99] : memref<2048xi32, #tpu.memory_space<vmem>> -> memref<64xi32, #tpu.memory_space<vmem>>
      %dma_wait3A_107 = arith.constant 0 : i32
      %dma_wait3A_108 = tpu.memref_slice %arg3[%dma_wait3A_107] : memref<1000000xf32, #tpu.memory_space<hbm>> -> memref<1000000xf32, #tpu.memory_space<hbm>>
      tpu.wait_indirect_dma semaphore(%arg20 : memref<!tpu.dma_semaphore, #tpu.memory_space<semaphore_mem>>) src(%dma_wait3A_108 : memref<1000000xf32, #tpu.memory_space<hbm>>) dst(%dma_wait3A_105 : memref<64xf32, #tpu.memory_space<vmem>>)
      %scan3A_109 = arith.constant 0 : i32
      scf.yield %scan3A_109 : i32
    }
    %scan3A_77 = arith.constant 32 : i32
    %broadcast_in_dim3A = arith.constant 0.000000e+00 : f32
    %broadcast_in_dim3A_78 = vector.broadcast %broadcast_in_dim3A : f32 to vector<16xf32>
    %scan3A_79 = arith.constant 0 : i32
    %scan3A_80 = arith.constant 32 : i32
    %scan3A_81 = arith.addi %scan3A_79, %scan3A_80 : i32
    %scan3A_82 = arith.constant 1 : i32
    %scan3A_83 = scf.for %scan3A_96 = %scan3A_79 to %scan3A_81 step %scan3A_82 iter_args(%scan3A_97 = %broadcast_in_dim3A_78) -> (vector<16xf32>)  : i32 {
      %add3A_98 = arith.constant 0 : i32
      %add3A_99 = vector.broadcast %add3A_98 : i32 to vector<16xi32>
      %add3A_100 = arith.addi %iota3A, %add3A_99 : vector<16xi32>
      %min3A = arith.constant 49 : i32
      %min3A_101 = vector.broadcast %min3A : i32 to vector<16xi32>
      %min3A_102 = arith.minsi %add3A_100, %min3A_101 : vector<16xi32>
      %mul3A_103 = arith.constant 1024 : i32
      %mul3A_104 = vector.broadcast %mul3A_103 : i32 to vector<16xi32>
      %mul3A_105 = arith.muli %min3A_102, %mul3A_104 : vector<16xi32>
      %add3A_106 = arith.addi %mul3A_63, %scan3A_96 : i32
      %add3A_107 = vector.broadcast %add3A_106 : i32 to vector<16xi32>
      %add3A_108 = arith.addi %mul3A_105, %add3A_107 : vector<16xi32>
      %gather3A = tpu.vector_load_idx %arg9[%add3A_108] : memref<51200xi32, #tpu.memory_space<vmem>>[vector<16xi32>], vector<16xi32>,
      %gather3A_109 = tpu.vector_load_idx %arg11[%gather3A] : memref<1024xf32, #tpu.memory_space<vmem>>[vector<16xi32>], vector<16xf32>,
      %mul3A_110 = arith.constant 64 : i32
      %mul3A_111 = arith.muli %scan3A_96, %mul3A_110 : i32
      %add3A_112 = arith.constant 0 : i32
      %add3A_113 = arith.addi %mul3A_111, %add3A_112 : i32
      %get3A = arith.index_cast %add3A_113 : i32 to index
      %get3A_114 = tpu.vector_load %arg16[%get3A] {strides = array<i32>} : memref<2048xf32, #tpu.memory_space<vmem>>, vector<16xf32>,
      %lt3A_115 = arith.constant 50 : i32
      %lt3A_116 = vector.broadcast %lt3A_115 : i32 to vector<16xi32>
      %lt3A_117 = arith.cmpi slt, %add3A_100, %lt3A_116 : vector<16xi32>
      %sub3A = arith.subf %gather3A_109, %get3A_114 : vector<16xf32>
      %jit3A = arith.constant 0.000000e+00 : f32
      %broadcast_in_dim3A_118 = vector.broadcast %jit3A : f32 to vector<16xf32>
      %select_n3A = arith.select %lt3A_117, %sub3A, %broadcast_in_dim3A_118 : vector<16xi1>, vector<16xf32>
      %add3A_119 = arith.addf %scan3A_97, %select_n3A : vector<16xf32>
      %add3A_120 = arith.constant 16 : i32
      %add3A_121 = vector.broadcast %add3A_120 : i32 to vector<16xi32>
      %add3A_122 = arith.addi %iota3A, %add3A_121 : vector<16xi32>
      %min3A_123 = arith.constant 49 : i32
      %min3A_124 = vector.broadcast %min3A_123 : i32 to vector<16xi32>
      %min3A_125 = arith.minsi %add3A_122, %min3A_124 : vector<16xi32>
      %mul3A_126 = arith.constant 1024 : i32
      %mul3A_127 = vector.broadcast %mul3A_126 : i32 to vector<16xi32>
      %mul3A_128 = arith.muli %min3A_125, %mul3A_127 : vector<16xi32>
      %add3A_129 = arith.addi %mul3A_63, %scan3A_96 : i32
      %add3A_130 = vector.broadcast %add3A_129 : i32 to vector<16xi32>
      %add3A_131 = arith.addi %mul3A_128, %add3A_130 : vector<16xi32>
      %gather3A_132 = tpu.vector_load_idx %arg9[%add3A_131] : memref<51200xi32, #tpu.memory_space<vmem>>[vector<16xi32>], vector<16xi32>,
      %gather3A_133 = tpu.vector_load_idx %arg11[%gather3A_132] : memref<1024xf32, #tpu.memory_space<vmem>>[vector<16xi32>], vector<16xf32>,
      %mul3A_134 = arith.constant 64 : i32
      %mul3A_135 = arith.muli %scan3A_96, %mul3A_134 : i32
      %add3A_136 = arith.constant 16 : i32
      %add3A_137 = arith.addi %mul3A_135, %add3A_136 : i32
      %get3A_138 = arith.index_cast %add3A_137 : i32 to index
      %get3A_139 = tpu.vector_load %arg16[%get3A_138] {strides = array<i32>} : memref<2048xf32, #tpu.memory_space<vmem>>, vector<16xf32>,
      %lt3A_140 = arith.constant 50 : i32
      %lt3A_141 = vector.broadcast %lt3A_140 : i32 to vector<16xi32>
      %lt3A_142 = arith.cmpi slt, %add3A_122, %lt3A_141 : vector<16xi32>
      %sub3A_143 = arith.subf %gather3A_133, %get3A_139 : vector<16xf32>
      %jit3A_144 = arith.constant 0.000000e+00 : f32
      %broadcast_in_dim3A_145 = vector.broadcast %jit3A_144 : f32 to vector<16xf32>
      %select_n3A_146 = arith.select %lt3A_142, %sub3A_143, %broadcast_in_dim3A_145 : vector<16xi1>, vector<16xf32>
      %add3A_147 = arith.addf %add3A_119, %select_n3A_146 : vector<16xf32>
      %add3A_148 = arith.constant 32 : i32
      %add3A_149 = vector.broadcast %add3A_148 : i32 to vector<16xi32>
      %add3A_150 = arith.addi %iota3A, %add3A_149 : vector<16xi32>
      %min3A_151 = arith.constant 49 : i32
      %min3A_152 = vector.broadcast %min3A_151 : i32 to vector<16xi32>
      %min3A_153 = arith.minsi %add3A_150, %min3A_152 : vector<16xi32>
      %mul3A_154 = arith.constant 1024 : i32
      %mul3A_155 = vector.broadcast %mul3A_154 : i32 to vector<16xi32>
      %mul3A_156 = arith.muli %min3A_153, %mul3A_155 : vector<16xi32>
      %add3A_157 = arith.addi %mul3A_63, %scan3A_96 : i32
      %add3A_158 = vector.broadcast %add3A_157 : i32 to vector<16xi32>
      %add3A_159 = arith.addi %mul3A_156, %add3A_158 : vector<16xi32>
      %gather3A_160 = tpu.vector_load_idx %arg9[%add3A_159] : memref<51200xi32, #tpu.memory_space<vmem>>[vector<16xi32>], vector<16xi32>,
      %gather3A_161 = tpu.vector_load_idx %arg11[%gather3A_160] : memref<1024xf32, #tpu.memory_space<vmem>>[vector<16xi32>], vector<16xf32>,
      %mul3A_162 = arith.constant 64 : i32
      %mul3A_163 = arith.muli %scan3A_96, %mul3A_162 : i32
      %add3A_164 = arith.constant 32 : i32
      %add3A_165 = arith.addi %mul3A_163, %add3A_164 : i32
      %get3A_166 = arith.index_cast %add3A_165 : i32 to index
      %get3A_167 = tpu.vector_load %arg16[%get3A_166] {strides = array<i32>} : memref<2048xf32, #tpu.memory_space<vmem>>, vector<16xf32>,
      %lt3A_168 = arith.constant 50 : i32
      %lt3A_169 = vector.broadcast %lt3A_168 : i32 to vector<16xi32>
      %lt3A_170 = arith.cmpi slt, %add3A_150, %lt3A_169 : vector<16xi32>
      %sub3A_171 = arith.subf %gather3A_161, %get3A_167 : vector<16xf32>
      %jit3A_172 = arith.constant 0.000000e+00 : f32
      %broadcast_in_dim3A_173 = vector.broadcast %jit3A_172 : f32 to vector<16xf32>
      %select_n3A_174 = arith.select %lt3A_170, %sub3A_171, %broadcast_in_dim3A_173 : vector<16xi1>, vector<16xf32>
      %add3A_175 = arith.addf %add3A_147, %select_n3A_174 : vector<16xf32>
      %add3A_176 = arith.constant 48 : i32
      %add3A_177 = vector.broadcast %add3A_176 : i32 to vector<16xi32>
      %add3A_178 = arith.addi %iota3A, %add3A_177 : vector<16xi32>
      %min3A_179 = arith.constant 49 : i32
      %min3A_180 = vector.broadcast %min3A_179 : i32 to vector<16xi32>
      %min3A_181 = arith.minsi %add3A_178, %min3A_180 : vector<16xi32>
      %mul3A_182 = arith.constant 1024 : i32
      %mul3A_183 = vector.broadcast %mul3A_182 : i32 to vector<16xi32>
      %mul3A_184 = arith.muli %min3A_181, %mul3A_183 : vector<16xi32>
      %add3A_185 = arith.addi %mul3A_63, %scan3A_96 : i32
      %add3A_186 = vector.broadcast %add3A_185 : i32 to vector<16xi32>
      %add3A_187 = arith.addi %mul3A_184, %add3A_186 : vector<16xi32>
      %gather3A_188 = tpu.vector_load_idx %arg9[%add3A_187] : memref<51200xi32, #tpu.memory_space<vmem>>[vector<16xi32>], vector<16xi32>,
      %gather3A_189 = tpu.vector_load_idx %arg11[%gather3A_188] : memref<1024xf32, #tpu.memory_space<vmem>>[vector<16xi32>], vector<16xf32>,
      %mul3A_190 = arith.constant 64 : i32
      %mul3A_191 = arith.muli %scan3A_96, %mul3A_190 : i32
      %add3A_192 = arith.constant 48 : i32
      %add3A_193 = arith.addi %mul3A_191, %add3A_192 : i32
      %get3A_194 = arith.index_cast %add3A_193 : i32 to index
      %get3A_195 = tpu.vector_load %arg16[%get3A_194] {strides = array<i32>} : memref<2048xf32, #tpu.memory_space<vmem>>, vector<16xf32>,
      %lt3A_196 = arith.constant 50 : i32
      %lt3A_197 = vector.broadcast %lt3A_196 : i32 to vector<16xi32>
      %lt3A_198 = arith.cmpi slt, %add3A_178, %lt3A_197 : vector<16xi32>
      %sub3A_199 = arith.subf %gather3A_189, %get3A_195 : vector<16xf32>
      %jit3A_200 = arith.constant 0.000000e+00 : f32
      %broadcast_in_dim3A_201 = vector.broadcast %jit3A_200 : f32 to vector<16xf32>
      %select_n3A_202 = arith.select %lt3A_198, %sub3A_199, %broadcast_in_dim3A_201 : vector<16xi1>, vector<16xf32>
      %add3A_203 = arith.addf %add3A_175, %select_n3A_202 : vector<16xf32>
      scf.yield %add3A_203 : vector<16xf32>
    }
    %scan3A_84 = arith.constant 32 : i32
    %swap3A = arith.constant 0 : index
    %swap3A_85 = tpu.vector_load %arg17[%swap3A] {strides = array<i32>} : memref<16xf32, #tpu.memory_space<vmem>>, vector<16xf32>,
    tpu.vector_store %arg17[%swap3A], %scan3A_83 {strides = array<i32>} : memref<16xf32, #tpu.memory_space<vmem>>, vector<16xf32>,
    %mul3A_86 = arith.constant 32 : i32
    %mul3A_87 = arith.muli %add3A, %mul3A_86 : i32
    "tpu.region"() ({
      %run_scoped3A = tpu.sem_alloc : memref<!tpu.dma_semaphore, #tpu.memory_space<semaphore_mem>>
      %dma_start3A = tpu.memref_slice %arg8[%mul3A_87] : memref<1024xf32, #tpu.memory_space<hbm>> -> memref<16xf32, #tpu.memory_space<hbm>>
      %dma_start3A_96 = tpu.memref_slice %arg8[%mul3A_87] : memref<1024xf32, #tpu.memory_space<hbm>> -> memref<16xf32, #tpu.memory_space<hbm>>
      tpu.enqueue_dma source(%arg17 : memref<16xf32, #tpu.memory_space<vmem>>) target(%dma_start3A_96 : memref<16xf32, #tpu.memory_space<hbm>>) target_semaphore(%run_scoped3A : memref<!tpu.dma_semaphore, #tpu.memory_space<semaphore_mem>>)
      %dma_wait3A_97 = tpu.memref_slice %arg8[%mul3A_87] : memref<1024xf32, #tpu.memory_space<hbm>> -> memref<16xf32, #tpu.memory_space<hbm>>
      %dma_wait3A_98 = tpu.memref_slice %arg8[%mul3A_87] : memref<1024xf32, #tpu.memory_space<hbm>> -> memref<16xf32, #tpu.memory_space<hbm>>
      tpu.wait_dma2 semaphore(%run_scoped3A : memref<!tpu.dma_semaphore, #tpu.memory_space<semaphore_mem>>) src(%arg17 : memref<16xf32, #tpu.memory_space<vmem>>) dst(%dma_wait3A_98 : memref<16xf32, #tpu.memory_space<hbm>>)
      tpu.yield
    }) : () -> ()
    %broadcast_in_dim3A_88 = arith.constant 0.000000e+00 : f32
    %broadcast_in_dim3A_89 = vector.broadcast %broadcast_in_dim3A_88 : f32 to vector<16xf32>
    %swap3A_90 = arith.constant 0 : index
    %swap3A_91 = tpu.vector_load %arg17[%swap3A_90] {strides = array<i32>} : memref<16xf32, #tpu.memory_space<vmem>>, vector<16xf32>,
    tpu.vector_store %arg17[%swap3A_90], %broadcast_in_dim3A_89 {strides = array<i32>} : memref<16xf32, #tpu.memory_space<vmem>>, vector<16xf32>,
    %mul3A_92 = arith.constant 32 : i32
    %mul3A_93 = arith.muli %add3A, %mul3A_92 : i32
    %add3A_94 = arith.constant 16 : i32
    %add3A_95 = arith.addi %mul3A_93, %add3A_94 : i32
    "tpu.region"() ({
      %run_scoped3A = tpu.sem_alloc : memref<!tpu.dma_semaphore, #tpu.memory_space<semaphore_mem>>
      %dma_start3A = tpu.memref_slice %arg8[%add3A_95] : memref<1024xf32, #tpu.memory_space<hbm>> -> memref<16xf32, #tpu.memory_space<hbm>>
      %dma_start3A_96 = tpu.memref_slice %arg8[%add3A_95] : memref<1024xf32, #tpu.memory_space<hbm>> -> memref<16xf32, #tpu.memory_space<hbm>>
      tpu.enqueue_dma source(%arg17 : memref<16xf32, #tpu.memory_space<vmem>>) target(%dma_start3A_96 : memref<16xf32, #tpu.memory_space<hbm>>) target_semaphore(%run_scoped3A : memref<!tpu.dma_semaphore, #tpu.memory_space<semaphore_mem>>)
      %dma_wait3A_97 = tpu.memref_slice %arg8[%add3A_95] : memref<1024xf32, #tpu.memory_space<hbm>> -> memref<16xf32, #tpu.memory_space<hbm>>
      %dma_wait3A_98 = tpu.memref_slice %arg8[%add3A_95] : memref<1024xf32, #tpu.memory_space<hbm>> -> memref<16xf32, #tpu.memory_space<hbm>>
      tpu.wait_dma2 semaphore(%run_scoped3A : memref<!tpu.dma_semaphore, #tpu.memory_space<semaphore_mem>>) src(%arg17 : memref<16xf32, #tpu.memory_space<vmem>>) dst(%dma_wait3A_98 : memref<16xf32, #tpu.memory_space<hbm>>)
      tpu.yield
    }) : () -> ()
    return
  }
}

module attributes {stable_mosaic.version = 14 : i64} {
  func.func @_lse_body(%arg0: memref<1024x1024xf32, #tpu.memory_space<vmem>>, %arg1: memref<1024x1xf32, #tpu.memory_space<vmem>>) attributes {dimension_semantics = [], scalar_prefetch = 0 : i64, scratch_operands = 0 : i64, tpu.core_type = #tpu.core_type<tc>} {
    %get3A = arith.constant 0 : index
    %get3A_0 = arith.constant 0 : index
    %get3A_1 = vector.load %arg0[%get3A, %get3A_0] : memref<1024x1024xf32, #tpu.memory_space<vmem>>, vector<1024x1024xf32>
    %reduce_max3A = arith.constant dense<0xFF800000> : vector<1024xf32>
    %reduce_max3A_2 = vector.multi_reduction <maximumf>, %get3A_1, %reduce_max3A [1] : vector<1024x1024xf32> to vector<1024xf32>
    %broadcast_in_dim3A = vector.shape_cast %reduce_max3A_2 : vector<1024xf32> to vector<1024x1xf32>
    %sub3A = vector.broadcast %broadcast_in_dim3A : vector<1024x1xf32> to vector<1024x1024xf32>
    %sub3A_3 = arith.subf %get3A_1, %sub3A : vector<1024x1024xf32>
    %exp3A = math.exp %sub3A_3 : vector<1024x1024xf32>
    %reduce_sum3A = arith.constant dense<0.000000e+00> : vector<1024xf32>
    %reduce_sum3A_4 = vector.multi_reduction <add>, %exp3A, %reduce_sum3A [1] : vector<1024x1024xf32> to vector<1024xf32>
    %broadcast_in_dim3A_5 = vector.shape_cast %reduce_sum3A_4 : vector<1024xf32> to vector<1024x1xf32>
    %log3A = math.log %broadcast_in_dim3A_5 : vector<1024x1xf32>
    %add3A = arith.addf %broadcast_in_dim3A, %log3A : vector<1024x1xf32>
    %swap3A = arith.constant 0 : index
    %swap3A_6 = arith.constant 0 : index
    %swap3A_7 = vector.load %arg1[%swap3A, %swap3A_6] : memref<1024x1xf32, #tpu.memory_space<vmem>>, vector<1024x1xf32>
    tpu.vector_store %arg1[%swap3A, %swap3A_6], %add3A {strides = array<i32>} : memref<1024x1xf32, #tpu.memory_space<vmem>>, vector<1024x1xf32>,
    return
  }
}

module attributes {stable_mosaic.version = 14 : i64} {
  func.func @_loss_body(%arg0: memref<8x128xf32, #tpu.memory_space<vmem>>, %arg1: memref<1x1xf32, #tpu.memory_space<vmem>>) attributes {dimension_semantics = [], scalar_prefetch = 0 : i64, scratch_operands = 0 : i64, tpu.core_type = #tpu.core_type<tc>} {
    %get3A = arith.constant 0 : index
    %get3A_0 = arith.constant 0 : index
    %get3A_1 = vector.load %arg0[%get3A, %get3A_0] : memref<8x128xf32, #tpu.memory_space<vmem>>, vector<8x128xf32>
    %reduce_sum3A = arith.constant dense<0.000000e+00> : vector<8xf32>
    %reduce_sum3A_2 = vector.multi_reduction <add>, %get3A_1, %reduce_sum3A [1] : vector<8x128xf32> to vector<8xf32>
    %broadcast_in_dim3A = vector.shape_cast %reduce_sum3A_2 : vector<8xf32> to vector<8x1xf32>
    %reduce_sum3A_3 = arith.constant dense<0.000000e+00> : vector<1xf32>
    %reduce_sum3A_4 = vector.multi_reduction <add>, %broadcast_in_dim3A, %reduce_sum3A_3 [0] : vector<8x1xf32> to vector<1xf32>
    %broadcast_in_dim3A_5 = vector.shape_cast %reduce_sum3A_4 : vector<1xf32> to vector<1x1xf32>
    %mul3A = arith.constant 1.95312496E-5 : f32
    %mul3A_6 = vector.broadcast %mul3A : f32 to vector<1x1xf32>
    %mul3A_7 = arith.mulf %broadcast_in_dim3A_5, %mul3A_6 : vector<1x1xf32>
    %swap3A = arith.constant 0 : index
    %swap3A_8 = arith.constant 0 : index
    %swap3A_9 = vector.load %arg1[%swap3A, %swap3A_8] : memref<1x1xf32, #tpu.memory_space<vmem>>, vector<1x1xf32>
    tpu.vector_store %arg1[%swap3A, %swap3A_8], %mul3A_7 {strides = array<i32>} : memref<1x1xf32, #tpu.memory_space<vmem>>, vector<1x1xf32>,
    return
  }
}

</mosaic_0001>

<sc_bundles>
// kernel: kernel.5.cloned.1.call-start
scs
__scs_entry_jumppad:
0x0: {  	(pc) =	sbr.rel $0x88, $3  }
0x1: {  	(tag) =	ssettag $0x0;
	lr =	simm.s32 $0x1  }
0x2: {  	[smem:$0x3F9E] =	sst lr;
	_ =	strace $0xD0000000  }
0x3: {  	_ = 	snop  }
0x4: {  	_ = 	snop  }
0x5: {  	_ = 	snop  }
0x6: {  	_ = 	snop  }
0x7: {  	_ = 	snop  }
__scs_overlays_trampoline_lowered:
0x8: {  	[smem:$0x3FAD] =	sst s0  }
0x9: {  	[smem:$0x3FAE] =	sst s1  }
0xa: {  	[smem:$0x3FAF] =	sst s2  }
0xb: {  	[smem:$0x3FB0] =	sst s3  }
0xc: {  	[smem:$0x3FB1] =	sst s4  }
0xd: {  	[smem:$0x3FB2] =	sst s5  }
0xe: {  	[smem:$0x3FB3] =	sst s6  }
0xf: {  	[smem:$0x3FB4] =	sst s7  }
0x10: {  	[smem:$0x3FB5] =	sst s8  }
0x11: {  	[smem:$0x3FB6] =	sst s9;
	s0 =	simm.s32 @!p0 $0x0  }
0x12: {  	s1 =	sld [smem:$0x3F9C];
	s0 =	simm.s32 @p0 $0x1  }
0x13: {  	[smem:$0x3FB7] =	sst s0;
	s0 =	simm.s32 @!p1 $0x0  }
0x14: {  	s2 =	sld [smem:$0x3F9B];
	s0 =	simm.s32 @p1 $0x1  }
0x15: {  	[smem:$0x3FB8] =	sst s0;
	s0 =	simm.s32 @!p2 $0x0  }
0x16: {  	s3 =	sld [smem:$0x3FDB];
	s0 =	simm.s32 @p2 $0x1  }
0x17: {  	s4 =	simm.s32 $0x1BF5;
	[smem:$0x3FBA] =	sst s0  }
0x18: {  	s0 =	sld [smem:$0x3F9D];
	_ =	swait.ge [sflag:s4], $0x0  }
0x19: {  	s7 =	sld [smem:$0x3F9E]  }
0x1a: {  	s8 =	sadd.s32 $0xFFFFE003, lr  }
0x1b: {  	s9 =	sadd.s32 $0xFFFFFEF7, lr;
	s5 =	simm.s32 $0xFFFFFFFF;
	p2 =	slt.u32 s8, $0xFFFFF086  }
0x1c: {  	p1 =	slt.u32 s9, $0xF7A;
	s5 =	simm.s32 @!p2 $0x0  }
0x1d: {  	s5 =	simm.s32 @p1 $0x1;
	p0 =	seq.s32 s7, s2  }
0x1e: {  	s7 =	smul.u32 @!p0 $0xF7A, s2;
	p2 =	seq.s32 @!p0 s5, $0x0  }
0x1f: {  	s9 =	smul.u32 $0xF7A, s1;
	s8 =	simm.s32 @!p0 $0x1BF5;
	p2 =	por !p2, p0  }
0x20: {  	[sflag:s8] =	ssyncset.s32 @!p0 $0xFFFFF086;
	s6 =	sadd.s32 @!p0 s3, s7;
	s7 =	simm.s32 @!p0 $0x108  }
0x21: {  	s3 =	sadd.s32 s3, s9;
	s6 =	sadd.s32 @!p0 $0x88, s6;
	s7 =	simm.s32 @p2 $0x1082  }
0x22: {  	[simem:s7], [sflag:s8] =	dma.local @!p0 [hbm:s6], $0xF7A  }
0x23: {  	s9 =	sor.u32 $0xD0000000, s2;
	s6 =	simm.s32 $0x108;
	_ =	swait.ge @!p0 [sflag:s8], $0x0  }
0x24: {  	s3 =	sadd.s32 $0x88, s3;
	s6 =	simm.s32 @!p1 $0x1082;
	[sflag:s4] =	ssyncset.s32 $0xFFFFF086  }
0x25: {  	[simem:s6], [sflag:s4] =	dma.local [hbm:s3], $0xF7A  }
0x26: {  	[smem:$0x3F9E] =	sst s1;
	(tag) =	ssettag s2;
	_ =	strace s9  }
0x27: {  	s1 =	sld [smem:$0x3FAE]  }
0x28: {  	s2 =	sld [smem:$0x3FAF]  }
0x29: {  	s4 =	sld [smem:$0x3FB1]  }
0x2a: {  	p0 =	seq.s32 s5, $0x0;
	s5 =	sld [smem:$0x3FB2]  }
0x2b: {  	s6 =	sld [smem:$0x3FB3]  }
0x2c: {  	s7 =	sld [smem:$0x3FB4]  }
0x2d: {  	s3 =	simm.s32 $0x108;
	s8 =	sld [smem:$0x3FB5]  }
0x2e: {  	s3 =	simm.s32 @!p0 $0x1082;
	s9 =	sld [smem:$0x3FB6]  }
0x2f: {  	lr =	sadd.s32 s0, s3;
	s0 =	sld [smem:$0x3FAD]  }
0x30: {  	s3 =	sld [smem:$0x3FB0]  }
0x31: {  	[smem:$0x3FB9] =	sst s10  }
0x32: {  	s10 =	sld [smem:$0x3FB7];
	_ =	sdelay $0x3  }
0x33: {  	p0 =	seq.s32 s10, $0x1;
	s10 =	sld [smem:$0x3FB9];
	_ =	sdelay $0x3  }
0x34: {  	[smem:$0x3FB9] =	sst s10  }
0x35: {  	s10 =	sld [smem:$0x3FB8];
	_ =	sdelay $0x3  }
0x36: {  	p1 =	seq.s32 s10, $0x1;
	s10 =	sld [smem:$0x3FB9];
	_ =	sdelay $0x3  }
0x37: {  	[smem:$0x3FB9] =	sst s10  }
0x38: {  	s10 =	sld [smem:$0x3FBA]  }
0x39: {  	_ = 	snop;
	(pc) =	sbr.ind lr, $3  }
0x3a: {  	_ = 	snop  }
0x3b: {  	_ = 	snop  }
0x3c: {  	p2 =	seq.s32 s10, $0x1;
	s10 =	sld [smem:$0x3FB9]  }
0x3d: {  	_ =	shalt  }
0x3e: {  	_ =	shalt  }
0x3f: {  	_ =	shalt  }
0x40: {  	_ =	shalt  }
0x41: {  	_ =	shalt  }
0x42: {  	_ =	shalt  }
0x43: {  	_ =	shalt  }
0x44: {  	_ =	shalt  }
0x45: {  	_ =	shalt  }
0x46: {  	_ =	shalt  }
0x47: {  	_ =	shalt  }
0x48: {  	_ =	shalt  }
0x49: {  	_ =	shalt  }
0x4a: {  	_ =	shalt  }
0x4b: {  	_ =	shalt  }
0x4c: {  	_ =	shalt  }
0x4d: {  	_ =	shalt  }
0x4e: {  	_ =	shalt  }
0x4f: {  	_ =	shalt  }
0x50: {  	_ =	shalt  }
0x51: {  	_ =	shalt  }
0x52: {  	_ =	shalt  }
0x53: {  	_ =	shalt  }
0x54: {  	_ =	shalt  }
0x55: {  	_ =	shalt  }
0x56: {  	_ =	shalt  }
0x57: {  	_ =	shalt  }
0x58: {  	_ =	shalt  }
0x59: {  	_ =	shalt  }
0x5a: {  	_ =	shalt  }
0x5b: {  	_ =	shalt  }
0x5c: {  	_ =	shalt  }
0x5d: {  	_ =	shalt  }
0x5e: {  	_ =	shalt  }
0x5f: {  	_ =	shalt  }
0x60: {  	_ =	shalt  }
0x61: {  	_ =	shalt  }
0x62: {  	_ =	shalt  }
0x63: {  	_ =	shalt  }
0x64: {  	_ =	shalt  }
0x65: {  	_ =	shalt  }
0x66: {  	_ =	shalt  }
0x67: {  	_ =	shalt  }
0x68: {  	_ =	shalt  }
0x69: {  	_ =	shalt  }
0x6a: {  	_ =	shalt  }
0x6b: {  	_ =	shalt  }
0x6c: {  	_ =	shalt  }
0x6d: {  	_ =	shalt  }
0x6e: {  	_ =	shalt  }
0x6f: {  	_ =	shalt  }
0x70: {  	_ =	shalt  }
0x71: {  	_ =	shalt  }
0x72: {  	_ =	shalt  }
0x73: {  	_ =	shalt  }
0x74: {  	_ =	shalt  }
0x75: {  	_ =	shalt  }
0x76: {  	_ =	shalt  }
0x77: {  	_ =	shalt  }
0x78: {  	_ =	shalt  }
0x79: {  	_ =	shalt  }
0x7a: {  	_ =	shalt  }
0x7b: {  	_ =	shalt  }
0x7c: {  	_ =	shalt  }
0x7d: {  	_ =	shalt  }
0x7e: {  	_ =	shalt  }
0x7f: {  	_ =	shalt  }
0x80: {  	_ =	shalt  }
0x81: {  	_ =	shalt  }
0x82: {  	_ =	shalt  }
0x83: {  	_ =	shalt  }
0x84: {  	_ =	shalt  }
0x85: {  	_ =	shalt  }
0x86: {  	_ =	shalt  }
0x87: {  	_ =	shalt  }
.Lfunc_end0:
.L_simem_size_0:
called_computation_lowered:
.L_overlay_start_0:
0x88: {  	s2 =	sld [smem:$0x3FD9]  }
0x89: {  	s3 =	sld [smem:$0x3FFE];
	_ =	sdelay $0x1  }
0x8a: {  	s1 =	srdreg.scid  }
0x8b: {  	s0 =	sand.u32 $0x1, s1  }
0x8c: {  	s14 =	sshll.u32 s0, $0xA;
	s2 =	sadd.s32 s3, s2  }
0x8d: {  	s2 =	sadd.s32 s2, s14  }
0x8e: {  	[smem:$0x3FC5] =	sst s2  }
0x8f: {  	_ = 	snop  }
0x90: {  	s2 =	sld [smem:$0x3FD0];
	_ =	sdelay $0x2  }
0x91: {  	s15 =	simm.s32 $0xA;
	s4 =	simm.s32 $0x10  }
0x92: {  	[smem:s4], [sflag:s15] =	dma.local [hbm:s2], $0x1  }
0x93: {  	_ =	swait.eq [sflag:s15], $0x1  }
0x94: {  	[sflag:s15] =	ssyncset.done $0x0  }
0x95: {  	[sflag:s15] =	ssyncadd.s32 $0xFFFFFFFF  }
0x96: {  	s16 =	sld [smem:$0x10];
	(tm) =	ssettm $0x1  }
0x97: {  	s17 =	sld [smem:$0x3FFB];
	_ =	sdelay $0x3  }
0x98: {  	_ =	strace s17  }
0x99: {  	s3 =	sld [smem:$0x3FFC];
	_ =	sdelay $0x3  }
0x9a: {  	_ =	strace s3  }
0x9b: {  	s3 =	sld [smem:$0x3FFD];
	_ =	sdelay $0x3  }
0x9c: {  	_ =	strace s3  }
0x9d: {  	_ =	strace $0x8FFFFFFF  }
0x9e: {  	s18 =	sld [smem:$0x3FDB];
	_ =	sdelay $0x1  }
0x9f: {  	s19 =	simm.s32 $_scs_section_size  }
0xa0: {  	s5 =	simm.s32 $_size__tile_overlayer_lowered;
	s6 =	simm.s32 $_tile_overlayer_lowered  }
0xa1: {  	s22 =	simm.s32 $0x1BFF;
	s21 =	sshll.u32 s6, $0x1;
	s3 =	sadd.s32 s19, s18  }
0xa2: {  	s7 =	simm.s32 $0x0;
	s20 =	sshll.u32 s5, $0x1;
	s5 =	sadd.s32 s21, s3  }
0xa3: {  	[timem:s7], [sflag:s22] =	dma.local [hbm:s5], s20  }
0xa4: {  	_ =	swait.ge [sflag:s22], s20  }
0xa5: {  	s4 =	ssub.s32 $0x0, s20;
	[sflag:s22] =	ssyncset.done $0x0  }
0xa6: {  	[sflag:s22] =	ssyncadd.s32 s4;
	_ =	sdelay $0x1  }
0xa7: {  	s23 =	simm.s32 $0x1B8B  }
0xa8: {  	_ =	swait.ge [sflag:s23], $0x1  }
0xa9: {  	[sflag:s23] =	ssyncset.done $0x0  }
0xaa: {  	s25 =	simm.s32 $0x1B8E;
	s24 =	sld [smem:$0x3FFE];
	[sflag:s23] =	ssyncadd.s32 $0xFFFFFFFF  }
0xab: {  	s26 =	simm.s32 $execute0_lowered;
	[smem:$0x3FD2] =	sst s25  }
0xac: {  	s5 =	sshll.u32 s26, $0x1;
	_ =	strace $0x80000046;
	[dreg:$0x1] =	wrdreg $0xFFFFFFFF  }
0xad: {  	s28 =	simm.s32 $_size_execute0_lowered;
	s3 =	sadd.s32 s3, s5;
	[dreg:$0x0] =	wrdreg $0x0  }
0xae: {  	s5 =	sshll.u32 s28, $0x1;
	[dreg:$0x2] =	wrdreg s3  }
0xaf: {  	[dreg:$0x3] =	wrdreg s5  }
0xb0: {  	[dreg:$0x4] =	wrdreg $0xC0  }
0xb1: {  	_ =	task [dreg:s7], $0x5FFFF  }
0xb2: {  	[dreg:$0x1] =	wrdreg $0xFFFFFFFF  }
0xb3: {  	[dreg:$0x0] =	wrdreg $0x60  }
0xb4: {  	[dreg:$0x2] =	wrdreg s24  }
0xb5: {  	[dreg:$0x3] =	wrdreg s16  }
0xb6: {  	[dreg:$0x4] =	wrdreg $0x9  }
0xb7: {  	_ =	task.clear_ibuf [dreg:s7], $0x5FFFF;
	_ =	strace $0x90000046  }
0xb8: {  	s29 =	simm.s32 $0x9;
	_ =	strace $0x80000048  }
0xb9: {  	_ =	swait.ge [sflag:s29], $0x1  }
0xba: {  	[sflag:s29] =	ssyncadd.s32 $0xFFFFFFFF  }
0xbb: {  	_ =	strace $0x90000048  }
0xbc: {  	_ =	sfence  }
0xbd: {  	s30 =	sld [smem:$0x0];
	_ =	sdelay $0x2  }
0xbe: {  	s31 =	sshll.u32 s1, $0xD;
	s1 =	sshrl.u32 s1, $0x2  }
0xbf: {  	s3 =	sand.u32 $0x4000, s31;
	s1 =	sadd.s32 s1, s30  }
0xc0: {  	s0 =	sor.u32 s3, s0;
	s1 =	sshll.u32 s1, $0x11  }
0xc1: {  	s0 =	sor.u32 s1, s0  }
0xc2: {  	s0 =	sadd.s32 $0x8F2B, s0  }
0xc3: {  	[sflag:s0] =	ssyncadd.remote.s32 $0x1  }
0xc4: {  	_ =	sfence.sel $0xFFFF  }
0xc5: {  	[dreg:$0x0] =	wrdreg $0xFFFFFFFF;
	(pc) =	sbr.abs _section_cstart, $3  }
0xc6: {  	[dreg:$0x1] =	wrdreg $0xFFFFFFFF  }
0xc7: {  	_ =	task.clear_ibuf [dreg:s7], $0x2FFFF;
	_ =	strace $0x9FFFFFFF  }
0xc8: {  	(tm) =	ssettm $0x7FFFFFFF  }
0xc9: {  	_ =	shalt  }
tec
execute0_lowered:
.L_overlay_start_1:
0x0: {  	(tag) =	ssettag $0x1  }
0x1: {  	s0 =	rddreg [dreg:$0x0]  }
0x2: {  	s2 =	rddreg [dreg:$0x1];
	s3 =	simm.s32 $0x0;
	s1 =	srdreg.scid  }
0x3: {  	s18 =	stileid.u32;
	s20 =	simm.s32 $0x4;
	s28 =	simm.s32 $0x2  }
0x4: {  	s29 =	simm.s32 $0x40;
	s30 =	simm.s32 $0x3;
	[smem:$0x7FF] =	sst s3  }
0x5: {  	s1 =	sand.u32 $0x1, s1;
	s4 =	sshll.u32 s18, $0x1;
	s5 =	sadd.s32 $0x23000, s0  }
0x6: {  	s7 =	sadd.s32 $0x1F600, s0;
	s10 =	sadd.s32 $0x41A00, s0;
	s31 =	sshll.u32 s18, $0x6  }
0x7: {  	_ =	strace $0x80000047;
	s6 =	sor.u32 s1, s4;
	[dreg:$0x3] =	wrdreg s7  }
0x8: {  	s4 =	sadd.s32 $0xC00, s0;
	s9 =	ssub.s32 $0x2, s1;
	[dreg:$0x4] =	wrdreg s10  }
0x9: {  	s1 =	sshll.u32 s1, $0x5;
	s22 =	sshll.u32 s6, $0x8;
	s8 =	sshll.u32 s6, $0x2  }
0xa: {  	s23 =	sshrl.u32 s9, $0x1;
	s24 =	smul.u32 $0x3E8, s6;
	s11 =	sor.u32 $0x20, s6  }
0xb: {  	s13 =	sor.u32 $0x40, s6;
	s15 =	sor.u32 $0x60, s6;
	s19 =	sor.u32 s1, s31  }
0xc: {  	p0 =	sgt.u32 s6, $0x1C;
	s7 =	sadd.s32 s22, s0;
	s25 =	smul.u32 $0x3E8, s11  }
0xd: {  	s0 =	sadd.s32 s8, s0;
	s14 =	ssub.s32 s9, s23;
	s12 =	smul.u32 $0x3E8, s13  }
0xe: {  	s9 =	sshll.u32 s6, $0xD;
	s26 =	smul.u32 $0x3E8, s15;
	s11 =	sshll.u32 s11, $0xD  }
0xf: {  	s13 =	sshll.u32 s13, $0xD;
	s15 =	sshll.u32 s15, $0xD;
	s22 =	simm.s32 $0xD000  }
0x10: {  	s23 =	simm.s32 $0xD400;
	s7 =	sadd.s32 $0x21000, s7;
	s8 =	sadd.s32 s5, s24  }
0x11: {  	s16 =	sadd.s32 $0x41C00, s0;
	s17 =	sadd.s32 $0x41C02, s0;
	s18 =	smax.u32 s14, $0x1  }
0x12: {  	v0 =	vlaneseq.u32;
	s24 =	simm.s32 $0xF340;
	s0 =	simm.s32 $0x0;
	[dreg:$0x5] =	wrdreg s7  }
0x13: {  	v1 =	vimm.s32 $0xC400;
	vm0 =	vcmask $0x300;
	v2 =	vimm.f32 $0.0e+00;
	s10 =	sadd.s32 s5, s25;
	s12 =	sadd.s32 s5, s12;
	s5 =	sadd.s32 s5, s26  }
0x14: {  	v0 =	vmul.u32 $0x400, v0;
	v1 =	vsel vm0, $0xC000, v1;
	vm0 =	vmmov $0x3;
	s25 =	simm.s32 $0x11340;
	s26 =	simm.s32 $0x1;
	[dreg:$0x6] =	wrdreg s5  }
.LBB2_1:
0x15: {  	s1 =	rddreg [dreg:$0x3]  }
0x16: {  	[tilespmem:s3], [sflag:$0x4] =	stream.linear.gather [hbm4b:s1+s3], $0xC800, $0x38;
	[tilespmem:$0x14350] =	vst v63  }
0x17: {  	_ =	swait.ge [sflag:s20], $0xC800  }
0x18: {  	[sflag:s20] =	ssyncset.done $0x0  }
0x19: {  	s5 =	simm.s32 $0xC800;
	s21 =	rddreg [dreg:$0x5];
	[sflag:s20] =	ssyncadd.s32 $0xFFFF3800  }
0x1a: {  	[tilespmem:s5], [sflag:$0x4] =	stream.linear.gather [hbm4b:s21+s3], $0x800, $0x38;
	[tilespmem:$0x14350] =	vst v63  }
0x1b: {  	_ =	swait.ge [sflag:s20], $0x800  }
0x1c: {  	[sflag:s20] =	ssyncset.done $0x0  }
0x1d: {  	s31 =	rddreg [dreg:$0x4];
	[sflag:s20] =	ssyncadd.s32 $0xFFFFF800  }
0x1e: {  	[tilespmem:s22], [sflag:$0x4] =	stream.linear.gather [hbm4b:s31+s3], $0x400, $0x38;
	[tilespmem:$0x14350] =	vst v63  }
0x1f: {  	_ =	swait.ge [sflag:s20], $0x400  }
0x20: {  	[sflag:s20] =	ssyncset.done $0x0  }
0x21: {  	[sflag:s20] =	ssyncadd.s32 $0xFFFFFC00  }
0x22: {  	[tilespmem:s23], [sflag:$0x4] =	stream.linear.gather [hbm4b:s8+s3], $0x1F40, $0x38;
	[tilespmem:$0x14350] =	vst v63  }
0x23: {  	_ =	swait.ge [sflag:s20], $0x1F40  }
0x24: {  	s14 =	simm.s32 $0x0;
	[sflag:s20] =	ssyncset.done $0x0  }
0x25: {  	s1 =	simm.s32 $0x470;
	s21 =	simm.s32 $0x40;
	[sflag:s20] =	ssyncadd.s32 $0xFFFFE0C0  }
.LBB2_2:
0x26: {  	p1 =	seq.s32 s14, $0x0  }
0x27: {  	s5 =	simm.s32 @!p1 $0x1  }
0x28: {  	_ =	swait.ge @!p1 [sflag:s5], $0x2000  }
0x29: {  	[sflag:s5] =	ssyncset.done @!p1 $0x0  }
0x2a: {  	[sflag:s5] =	ssyncadd.s32 @!p1 $0xFFFFE000  }
0x2b: {  	v10 =	vld [tilespmem:s21+$0x30]  }
0x2c: {  	v8 =	vld [tilespmem:s21+$0xFFFFFFD0]  }
0x2d: {  	v7 =	vld [tilespmem:s21+$0xFFFFFFE0]  }
0x2e: {  	v6 =	vld [tilespmem:s21+$0xFFFFFFF0]  }
0x2f: {  	v5 =	vld [tilespmem:s21+$0x0]  }
0x30: {  	v4 =	vld [tilespmem:s21+$0x10]  }
0x31: {  	v3 =	vld [tilespmem:s21+$0x20]  }
0x32: {  	v9 =	vld [tilespmem:s21+$0xFFFFFFC0]  }
0x33: {  	v11 =	vld.idx.msk [tilespmem:v10+s23+$0x0], $0xffff  }
0x34: {  	v12 =	vld.idx.msk [tilespmem:v8+s23+$0x0], $0xffff  }
0x35: {  	v13 =	vld.idx.msk [tilespmem:v7+s23+$0x0], $0xffff  }
0x36: {  	v14 =	vadd.s32 $0x3E8, v10;
	v15 =	vld.idx.msk [tilespmem:v6+s23+$0x0], $0xffff  }
0x37: {  	v16 =	vadd.s32 $0x3E8, v8;
	v17 =	vld.idx.msk [tilespmem:v5+s23+$0x0], $0xffff  }
0x38: {  	s31 =	simm.s32 $0xF540;
	v18 =	vadd.s32 $0x3E8, v7;
	v19 =	vld.idx.msk [tilespmem:v4+s23+$0x0], $0xffff  }
0x39: {  	v20 =	vadd.s32 $0x3E8, v6;
	v21 =	vld.idx.msk [tilespmem:v3+s23+$0x0], $0xffff;
	[tilespmem:s31+$0xFFFFFE70] =	vst v11  }
0x3a: {  	v52 =	vadd.s32 $0x3E8, v4;
	v22 =	vld.idx.msk [tilespmem:v9+s23+$0x0], $0xffff;
	[tilespmem:s31+$0xFFFFFE10] =	vst v12  }
0x3b: {  	v55 =	vadd.s32 $0x3E8, v9;
	[tilespmem:s31+$0xFFFFFE20] =	vst v13;
	v51 =	vld.idx.msk [tilespmem:v14+s23+$0x0], $0xffff  }
0x3c: {  	v56 =	vadd.s32 $0x3E8, v3;
	[tilespmem:s31+$0xFFFFFE30] =	vst v15;
	v53 =	vld.idx.msk [tilespmem:v16+s23+$0x0], $0xffff  }
0x3d: {  	v11 =	vadd.s32 $0x3E8, v5;
	[tilespmem:s31+$0xFFFFFE40] =	vst v17;
	v18 =	vld.idx.msk [tilespmem:v18+s23+$0x0], $0xffff  }
0x3e: {  	v54 =	vadd.s32 $0x7D0, v10;
	[tilespmem:s31+$0xFFFFFE50] =	vst v19;
	v20 =	vld.idx.msk [tilespmem:v20+s23+$0x0], $0xffff  }
0x3f: {  	v57 =	vadd.s32 $0x7D0, v8;
	[tilespmem:s31+$0xFFFFFE00] =	vst v22;
	v14 =	vld.idx.msk [tilespmem:v52+s23+$0x0], $0xffff  }
0x40: {  	v58 =	vadd.s32 $0x7D0, v7;
	[tilespmem:s31+$0xFFFFFE60] =	vst v21;
	v16 =	vld.idx.msk [tilespmem:v55+s23+$0x0], $0xffff  }
0x41: {  	v59 =	vadd.s32 $0x7D0, v6;
	v61 =	vld.idx.msk [tilespmem:v56+s23+$0x0], $0xffff;
	[tilespmem:s31+$0xFFFFFEF0] =	vst v51  }
0x42: {  	v63 =	vadd.s32 $0x7D0, v9;
	v11 =	vld.idx.msk [tilespmem:v11+s23+$0x0], $0xffff;
	[tilespmem:s31+$0xFFFFFE90] =	vst v53  }
0x43: {  	v24 =	vadd.s32 $0x7D0, v4;
	[tilespmem:s31+$0xFFFFFEA0] =	vst v18;
	v15 =	vld.idx.msk [tilespmem:v54+s23+$0x0], $0xffff  }
0x44: {  	v60 =	vadd.s32 $0x7D0, v5;
	[tilespmem:s31+$0xFFFFFEB0] =	vst v20;
	v19 =	vld.idx.msk [tilespmem:v57+s23+$0x0], $0xffff  }
0x45: {  	v62 =	vadd.s32 $0xBB8, v10;
	[tilespmem:s31+$0xFFFFFED0] =	vst v14;
	v21 =	vld.idx.msk [tilespmem:v58+s23+$0x0], $0xffff  }
0x46: {  	v25 =	vadd.s32 $0xBB8, v8;
	[tilespmem:s31+$0xFFFFFE80] =	vst v16;
	v12 =	vld.idx.msk [tilespmem:v59+s23+$0x0], $0xffff  }
0x47: {  	v26 =	vadd.s32 $0xBB8, v7;
	[tilespmem:s31+$0xFFFFFEE0] =	vst v61;
	v18 =	vld.idx.msk [tilespmem:v63+s23+$0x0], $0xffff  }
0x48: {  	v28 =	vadd.s32 $0xBB8, v6;
	v29 =	vld.idx.msk [tilespmem:v24+s23+$0x0], $0xffff;
	[tilespmem:s31+$0xFFFFFEC0] =	vst v11  }
0x49: {  	v31 =	vadd.s32 $0xBB8, v9;
	v22 =	vld.idx.msk [tilespmem:v60+s23+$0x0], $0xffff;
	[tilespmem:s31+$0xFFFFFF70] =	vst v15  }
0x4a: {  	v33 =	vadd.s32 $0xBB8, v4;
	[tilespmem:s31+$0xFFFFFF10] =	vst v19;
	v27 =	vld.idx.msk [tilespmem:v62+s23+$0x0], $0xffff  }
0x4b: {  	v11 =	vadd.s32 $0x7D0, v3;
	[tilespmem:s31+$0xFFFFFF20] =	vst v21;
	v14 =	vld.idx.msk [tilespmem:v25+s23+$0x0], $0xffff  }
0x4c: {  	v32 =	vadd.s32 $0xBB8, v5;
	[tilespmem:s31+$0xFFFFFF30] =	vst v12;
	v15 =	vld.idx.msk [tilespmem:v26+s23+$0x0], $0xffff  }
0x4d: {  	v30 =	vadd.s32 $0xFA0, v10;
	[tilespmem:s31+$0xFFFFFF00] =	vst v18;
	v17 =	vld.idx.msk [tilespmem:v28+s23+$0x0], $0xffff  }
0x4e: {  	v35 =	vadd.s32 $0xFA0, v8;
	[tilespmem:s31+$0xFFFFFF50] =	vst v29;
	v20 =	vld.idx.msk [tilespmem:v31+s23+$0x0], $0xffff  }
0x4f: {  	v37 =	vadd.s32 $0xFA0, v7;
	v12 =	vld.idx.msk [tilespmem:v33+s23+$0x0], $0xffff;
	[tilespmem:s31+$0xFFFFFF40] =	vst v22  }
0x50: {  	v39 =	vadd.s32 $0xFA0, v9;
	v11 =	vld.idx.msk [tilespmem:v11+s23+$0x0], $0xffff;
	[tilespmem:s31+$0xFFFFFFF0] =	vst v27  }
0x51: {  	v40 =	vadd.s32 $0xFA0, v6;
	v38 =	vld.idx.msk [tilespmem:v32+s23+$0x0], $0xffff;
	[tilespmem:s31+$0xFFFFFF90] =	vst v14  }
0x52: {  	v43 =	vadd.s32 $0xFA0, v4;
	[tilespmem:s31+$0xFFFFFFA0] =	vst v15;
	v36 =	vld.idx.msk [tilespmem:v30+s23+$0x0], $0xffff  }
0x53: {  	v34 =	vadd.s32 $0xBB8, v3;
	[tilespmem:s31+$0xFFFFFFB0] =	vst v17;
	v16 =	vld.idx.msk [tilespmem:v35+s23+$0x0], $0xffff  }
0x54: {  	v42 =	vadd.s32 $0xFA0, v5;
	[tilespmem:s31+$0xFFFFFF80] =	vst v20;
	v19 =	vld.idx.msk [tilespmem:v37+s23+$0x0], $0xffff  }
0x55: {  	v21 =	vld.idx.msk [tilespmem:v39+s23+$0x0], $0xffff;
	[tilespmem:s31+$0xFFFFFF60] =	vst v11;
	v11 =	vadd.s32 $0x1388, v10  }
0x56: {  	v45 =	vadd.s32 $0x1388, v8;
	[tilespmem:s31+$0xFFFFFFD0] =	vst v12;
	v46 =	vld.idx.msk [tilespmem:v40+s23+$0x0], $0xffff  }
0x57: {  	v48 =	vadd.s32 $0x1388, v9;
	v50 =	vld.idx.msk [tilespmem:v43+s23+$0x0], $0xffff;
	[tilespmem:s31+$0xFFFFFFC0] =	vst v38  }
0x58: {  	v49 =	vadd.s32 $0x1388, v7;
	v41 =	vld.idx.msk [tilespmem:v34+s23+$0x0], $0xffff;
	[tilespmem:s31+$0x70] =	vst v36  }
0x59: {  	v44 =	vadd.s32 $0xFA0, v3;
	v22 =	vld.idx.msk [tilespmem:v42+s23+$0x0], $0xffff;
	[tilespmem:s31+$0x10] =	vst v16  }
0x5a: {  	v51 =	vadd.s32 $0x1388, v6;
	[tilespmem:s31+$0x20] =	vst v19;
	v11 =	vld.idx.msk [tilespmem:v11+s23+$0x0], $0xffff  }
0x5b: {  	v47 =	vadd.s32 $0x1770, v10;
	[tilespmem:s31+$0x0] =	vst v21;
	v20 =	vld.idx.msk [tilespmem:v45+s23+$0x0], $0xffff  }
0x5c: {  	v52 =	vadd.s32 $0x1388, v5;
	[tilespmem:s31+$0x30] =	vst v46;
	v14 =	vld.idx.msk [tilespmem:v48+s23+$0x0], $0xffff  }
0x5d: {  	v55 =	vadd.s32 $0x1770, v9;
	v54 =	vld.idx.msk [tilespmem:v49+s23+$0x0], $0xffff;
	[tilespmem:s31+$0xFFFFFFE0] =	vst v41  }
0x5e: {  	v56 =	vadd.s32 $0x1770, v8;
	[tilespmem:s31+$0x50] =	vst v50;
	v18 =	vld.idx.msk [tilespmem:v44+s23+$0x0], $0xffff  }
0x5f: {  	v53 =	vadd.s32 $0x1388, v3;
	v17 =	vld.idx.msk [tilespmem:v51+s23+$0x0], $0xffff;
	[tilespmem:s31+$0xF0] =	vst v11  }
0x60: {  	[tilespmem:s31+$0x40] =	vst v22;
	v11 =	vadd.s32 $0x1388, v4;
	v12 =	vld.idx.msk [tilespmem:v47+s23+$0x0], $0xffff  }
0x61: {  	v10 =	vadd.s32 $0x1B58, v10;
	v19 =	vld.idx.msk [tilespmem:v52+s23+$0x0], $0xffff;
	[tilespmem:s31+$0x80] =	vst v14  }
0x62: {  	v57 =	vadd.s32 $0x1770, v7;
	[tilespmem:s31+$0x90] =	vst v20;
	v15 =	vld.idx.msk [tilespmem:v55+s23+$0x0], $0xffff  }
0x63: {  	v58 =	vadd.s32 $0x1770, v6;
	v16 =	vld.idx.msk [tilespmem:v56+s23+$0x0], $0xffff;
	[tilespmem:s31+$0x60] =	vst v18  }
0x64: {  	v59 =	vadd.s32 $0x1770, v5;
	[tilespmem:s31+$0xA0] =	vst v54;
	v21 =	vld.idx.msk [tilespmem:v53+s23+$0x0], $0xffff  }
0x65: {  	v9 =	vadd.s32 $0x1B58, v9;
	v11 =	vld.idx.msk [tilespmem:v11+s23+$0x0], $0xffff;
	[tilespmem:s31+$0x170] =	vst v12  }
0x66: {  	v60 =	vadd.s32 $0x1770, v4;
	[tilespmem:s31+$0xB0] =	vst v17;
	v10 =	vld.idx.msk [tilespmem:v10+s23+$0x0], $0xffff  }
0x67: {  	v61 =	vadd.s32 $0x1770, v3;
	v62 =	vld.idx.msk [tilespmem:v57+s23+$0x0], $0xffff;
	[tilespmem:s31+$0xC0] =	vst v19  }
0x68: {  	v8 =	vadd.s32 $0x1B58, v8;
	v63 =	vld.idx.msk [tilespmem:v58+s23+$0x0], $0xffff;
	[tilespmem:s31+$0x100] =	vst v15  }
0x69: {  	v6 =	vadd.s32 $0x1B58, v6;
	v12 =	vld.idx.msk [tilespmem:v59+s23+$0x0], $0xffff;
	[tilespmem:s31+$0xE0] =	vst v21  }
0x6a: {  	v15 =	vld.idx.msk [tilespmem:v9+s23+$0x0], $0xffff;
	[tilespmem:s31+$0xD0] =	vst v11;
	v11 =	vadd.s32 $0x1B58, v7  }
0x6b: {  	v14 =	vld.idx.msk [tilespmem:v60+s23+$0x0], $0xffff;
	[tilespmem:s31+$0x1F0] =	vst v10;
	v10 =	vadd.s32 $0x1B58, v5  }
0x6c: {  	v4 =	vadd.s32 $0x1B58, v4;
	[tilespmem:s31+$0x110] =	vst v16;
	v13 =	vld.idx.msk [tilespmem:v61+s23+$0x0], $0xffff  }
0x6d: {  	v3 =	vadd.s32 $0x1B58, v3;
	[tilespmem:s31+$0x130] =	vst v63;
	v7 =	vld.idx.msk [tilespmem:v8+s23+$0x0], $0xffff  }
0x6e: {  	[tilespmem:s31+$0x120] =	vst v62;
	v5 =	vld.idx.msk [tilespmem:v6+s23+$0x0], $0xffff  }
0x6f: {  	[tilespmem:s31+$0x140] =	vst v12;
	v8 =	vld.idx.msk [tilespmem:v11+s23+$0x0], $0xffff  }
0x70: {  	[tilespmem:s31+$0x150] =	vst v14;
	v9 =	vld.idx.msk [tilespmem:v10+s23+$0x0], $0xffff  }
0x71: {  	[tilespmem:s31+$0x160] =	vst v13;
	v6 =	vld.idx.msk [tilespmem:v4+s23+$0x0], $0xffff  }
0x72: {  	s6 =	sadd.s32 $0x80, s21;
	s5 =	simm.s32 $0x0;
	[tilespmem:s31+$0x180] =	vst v15;
	v4 =	vld.idx.msk [tilespmem:v3+s23+$0x0], $0xffff  }
.LBB2_3:
0x73: {  	v3 =	vld [tilespmem:s6+$0x30];
	s5 =	sadd.s32 $0x8, s5;
	[tilespmem:s31+$0x190] =	vst v7  }
0x74: {  	v10 =	vld [tilespmem:s6+$0xFFFFFFD0];
	p2 =	slt.u32 s5, $0x38;
	[tilespmem:s31+$0x1A0] =	vst v8  }
0x75: {  	v8 =	vld [tilespmem:s6+$0xFFFFFFE0];
	[tilespmem:s31+$0x1B0] =	vst v5  }
0x76: {  	v5 =	vld [tilespmem:s6+$0xFFFFFFF0];
	[tilespmem:s31+$0x1C0] =	vst v9  }
0x77: {  	v9 =	vld [tilespmem:s6+$0x0];
	[tilespmem:s31+$0x1D0] =	vst v6  }
0x78: {  	v6 =	vld [tilespmem:s6+$0x10];
	[tilespmem:s31+$0x1E0] =	vst v4  }
0x79: {  	v4 =	vadd.s32 $0x3E8, v10;
	v24 =	vadd.s32 $0x7D0, v10;
	v25 =	vadd.s32 $0xBB8, v10;
	v26 =	vld [tilespmem:s6+$0x20]  }
0x7a: {  	v7 =	vld [tilespmem:s6+$0xFFFFFFC0];
	v11 =	vadd.s32 $0x3E8, v8;
	v27 =	vadd.s32 $0x7D0, v8;
	v28 =	vadd.s32 $0xBB8, v8  }
0x7b: {  	v12 =	vadd.s32 $0x3E8, v5;
	v29 =	vadd.s32 $0x7D0, v5;
	v30 =	vadd.s32 $0xBB8, v5;
	v13 =	vld.idx.msk [tilespmem:v3+s23+$0x0], $0xffff  }
0x7c: {  	v14 =	vld.idx.msk [tilespmem:v10+s23+$0x0], $0xffff;
	v15 =	vadd.s32 $0x3E8, v9;
	v31 =	vadd.s32 $0x7D0, v9;
	v32 =	vadd.s32 $0xBB8, v9  }
0x7d: {  	v17 =	vadd.s32 $0x3E8, v3;
	v16 =	vld.idx.msk [tilespmem:v8+s23+$0x0], $0xffff;
	v33 =	vadd.s32 $0x3E8, v6;
	v34 =	vadd.s32 $0x7D0, v6  }
0x7e: {  	v35 =	vadd.s32 $0xBB8, v6;
	v19 =	vld.idx.msk [tilespmem:v5+s23+$0x0], $0xffff;
	v36 =	vadd.s32 $0x3E8, v26;
	v37 =	vadd.s32 $0x7D0, v26  }
0x7f: {  	v38 =	vadd.s32 $0x3E8, v7;
	v39 =	vadd.s32 $0x7D0, v7;
	v40 =	vadd.s32 $0xBB8, v7;
	v23 =	vld.idx.msk [tilespmem:v9+s23+$0x0], $0xffff  }
0x80: {  	s31 =	sadd.s32 $0x400, s31;
	v42 =	vadd.s32 $0xFA0, v10;
	v44 =	vadd.s32 $0xBB8, v26;
	v41 =	vadd.s32 $0xFA0, v7;
	v43 =	vld.idx.msk [tilespmem:v6+s23+$0x0], $0xffff  }
0x81: {  	v45 =	vadd.s32 $0xFA0, v8;
	v46 =	vadd.s32 $0xFA0, v5;
	v47 =	vadd.s32 $0xFA0, v9;
	v48 =	vld.idx.msk [tilespmem:v26+s23+$0x0], $0xffff;
	[tilespmem:s31+$0xFFFFFE70] =	vst v13  }
0x82: {  	v49 =	vadd.s32 $0xFA0, v6;
	v50 =	vadd.s32 $0xFA0, v26;
	v18 =	vadd.s32 $0x1388, v7;
	[tilespmem:s31+$0xFFFFFE10] =	vst v14;
	v51 =	vld.idx.msk [tilespmem:v17+s23+$0x0], $0xffff  }
0x83: {  	v53 =	vadd.s32 $0x1388, v10;
	v22 =	vadd.s32 $0x1388, v8;
	v20 =	vadd.s32 $0x1388, v5;
	v52 =	vld.idx.msk [tilespmem:v7+s23+$0x0], $0xffff;
	[tilespmem:s31+$0xFFFFFE20] =	vst v16  }
0x84: {  	v55 =	vadd.s32 $0x7D0, v3;
	v21 =	vadd.s32 $0x1388, v9;
	v54 =	vld.idx.msk [tilespmem:v4+s23+$0x0], $0xffff;
	[tilespmem:s31+$0xFFFFFE30] =	vst v19;
	v19 =	vadd.s32 $0x1388, v6  }
0x85: {  	v13 =	vadd.s32 $0x1770, v10;
	v16 =	vadd.s32 $0x1770, v7;
	v56 =	vld.idx.msk [tilespmem:v11+s23+$0x0], $0xffff;
	[tilespmem:s31+$0xFFFFFE40] =	vst v23;
	v23 =	vadd.s32 $0x1388, v26  }
0x86: {  	v17 =	vadd.s32 $0x1770, v8;
	v14 =	vadd.s32 $0x1770, v5;
	v11 =	vadd.s32 $0x1770, v9;
	v57 =	vld.idx.msk [tilespmem:v12+s23+$0x0], $0xffff;
	[tilespmem:s31+$0xFFFFFE50] =	vst v43  }
0x87: {  	v7 =	vadd.s32 $0x1B58, v7;
	v12 =	vadd.s32 $0x1770, v26;
	v43 =	vld.idx.msk [tilespmem:v15+s23+$0x0], $0xffff;
	v15 =	vadd.s32 $0x1770, v6;
	[tilespmem:s31+$0xFFFFFE60] =	vst v48  }
0x88: {  	v10 =	vadd.s32 $0x1B58, v10;
	v8 =	vadd.s32 $0x1B58, v8;
	v5 =	vadd.s32 $0x1B58, v5;
	v33 =	vld.idx.msk [tilespmem:v33+s23+$0x0], $0xffff;
	[tilespmem:s31+$0xFFFFFEF0] =	vst v51  }
0x89: {  	v4 =	vadd.s32 $0x1B58, v26;
	v9 =	vadd.s32 $0x1B58, v9;
	v6 =	vadd.s32 $0x1B58, v6;
	[tilespmem:s31+$0xFFFFFE00] =	vst v52;
	v26 =	vld.idx.msk [tilespmem:v55+s23+$0x0], $0xffff  }
0x8a: {  	v38 =	vld.idx.msk [tilespmem:v38+s23+$0x0], $0xffff;
	[tilespmem:s31+$0xFFFFFE90] =	vst v54  }
0x8b: {  	v48 =	vadd.s32 $0xBB8, v3;
	[tilespmem:s31+$0xFFFFFEA0] =	vst v56;
	v36 =	vld.idx.msk [tilespmem:v36+s23+$0x0], $0xffff  }
0x8c: {  	v24 =	vld.idx.msk [tilespmem:v24+s23+$0x0], $0xffff;
	[tilespmem:s31+$0xFFFFFEB0] =	vst v57  }
0x8d: {  	v27 =	vld.idx.msk [tilespmem:v27+s23+$0x0], $0xffff;
	[tilespmem:s31+$0xFFFFFEC0] =	vst v43  }
0x8e: {  	v29 =	vld.idx.msk [tilespmem:v29+s23+$0x0], $0xffff;
	[tilespmem:s31+$0xFFFFFED0] =	vst v33  }
0x8f: {  	v31 =	vld.idx.msk [tilespmem:v31+s23+$0x0], $0xffff;
	[tilespmem:s31+$0xFFFFFF70] =	vst v26  }
0x90: {  	[tilespmem:s31+$0xFFFFFE80] =	vst v38;
	v26 =	vld.idx.msk [tilespmem:v48+s23+$0x0], $0xffff  }
0x91: {  	v33 =	vld.idx.msk [tilespmem:v39+s23+$0x0], $0xffff;
	[tilespmem:s31+$0xFFFFFEE0] =	vst v36  }
0x92: {  	[tilespmem:s31+$0xFFFFFF10] =	vst v24;
	v24 =	vld.idx.msk [tilespmem:v34+s23+$0x0], $0xffff;
	v34 =	vadd.s32 $0xFA0, v3  }
0x93: {  	[tilespmem:s31+$0xFFFFFF20] =	vst v27;
	v27 =	vld.idx.msk [tilespmem:v37+s23+$0x0], $0xffff  }
0x94: {  	v25 =	vld.idx.msk [tilespmem:v25+s23+$0x0], $0xffff;
	[tilespmem:s31+$0xFFFFFF30] =	vst v29  }
0x95: {  	v28 =	vld.idx.msk [tilespmem:v28+s23+$0x0], $0xffff;
	[tilespmem:s31+$0xFFFFFF40] =	vst v31  }
0x96: {  	v29 =	vld.idx.msk [tilespmem:v30+s23+$0x0], $0xffff;
	[tilespmem:s31+$0xFFFFFFF0] =	vst v26  }
0x97: {  	[tilespmem:s31+$0xFFFFFF00] =	vst v33;
	v26 =	vld.idx.msk [tilespmem:v34+s23+$0x0], $0xffff  }
0x98: {  	v30 =	vld.idx.msk [tilespmem:v40+s23+$0x0], $0xffff;
	[tilespmem:s31+$0xFFFFFF50] =	vst v24  }
0x99: {  	v24 =	vld.idx.msk [tilespmem:v32+s23+$0x0], $0xffff;
	[tilespmem:s31+$0xFFFFFF60] =	vst v27;
	v27 =	vadd.s32 $0x1388, v3  }
0x9a: {  	[tilespmem:s31+$0xFFFFFF90] =	vst v25;
	v25 =	vld.idx.msk [tilespmem:v35+s23+$0x0], $0xffff  }
0x9b: {  	[tilespmem:s31+$0xFFFFFFA0] =	vst v28;
	v28 =	vld.idx.msk [tilespmem:v44+s23+$0x0], $0xffff  }
0x9c: {  	v31 =	vld.idx.msk [tilespmem:v42+s23+$0x0], $0xffff;
	[tilespmem:s31+$0xFFFFFFB0] =	vst v29  }
0x9d: {  	v29 =	vld.idx.msk [tilespmem:v45+s23+$0x0], $0xffff;
	[tilespmem:s31+$0x70] =	vst v26  }
0x9e: {  	[tilespmem:s31+$0xFFFFFF80] =	vst v30;
	v26 =	vld.idx.msk [tilespmem:v27+s23+$0x0], $0xffff  }
0x9f: {  	v27 =	vld.idx.msk [tilespmem:v41+s23+$0x0], $0xffff;
	[tilespmem:s31+$0xFFFFFFC0] =	vst v24  }
0xa0: {  	v24 =	vld.idx.msk [tilespmem:v46+s23+$0x0], $0xffff;
	[tilespmem:s31+$0xFFFFFFD0] =	vst v25;
	v25 =	vadd.s32 $0x1770, v3  }
0xa1: {  	v30 =	vld.idx.msk [tilespmem:v47+s23+$0x0], $0xffff;
	[tilespmem:s31+$0xFFFFFFE0] =	vst v28  }
0xa2: {  	[tilespmem:s31+$0x10] =	vst v31;
	v28 =	vld.idx.msk [tilespmem:v49+s23+$0x0], $0xffff  }
0xa3: {  	[tilespmem:s31+$0x20] =	vst v29;
	v29 =	vld.idx.msk [tilespmem:v50+s23+$0x0], $0xffff  }
0xa4: {  	v31 =	vld.idx.msk [tilespmem:v53+s23+$0x0], $0xffff;
	[tilespmem:s31+$0xF0] =	vst v26  }
0xa5: {  	[tilespmem:s31+$0x0] =	vst v27;
	v25 =	vld.idx.msk [tilespmem:v25+s23+$0x0], $0xffff  }
0xa6: {  	v18 =	vld.idx.msk [tilespmem:v18+s23+$0x0], $0xffff;
	[tilespmem:s31+$0x30] =	vst v24  }
0xa7: {  	v3 =	vadd.s32 $0x1B58, v3;
	v22 =	vld.idx.msk [tilespmem:v22+s23+$0x0], $0xffff;
	[tilespmem:s31+$0x40] =	vst v30  }
0xa8: {  	v20 =	vld.idx.msk [tilespmem:v20+s23+$0x0], $0xffff;
	[tilespmem:s31+$0x50] =	vst v28  }
0xa9: {  	v21 =	vld.idx.msk [tilespmem:v21+s23+$0x0], $0xffff;
	[tilespmem:s31+$0x60] =	vst v29  }
0xaa: {  	[tilespmem:s31+$0x90] =	vst v31;
	v19 =	vld.idx.msk [tilespmem:v19+s23+$0x0], $0xffff  }
0xab: {  	v23 =	vld.idx.msk [tilespmem:v23+s23+$0x0], $0xffff;
	[tilespmem:s31+$0x170] =	vst v25  }
0xac: {  	[tilespmem:s31+$0x80] =	vst v18;
	v3 =	vld.idx.msk [tilespmem:v3+s23+$0x0], $0xffff  }
0xad: {  	v16 =	vld.idx.msk [tilespmem:v16+s23+$0x0], $0xffff;
	[tilespmem:s31+$0xA0] =	vst v22  }
0xae: {  	v13 =	vld.idx.msk [tilespmem:v13+s23+$0x0], $0xffff;
	[tilespmem:s31+$0xB0] =	vst v20  }
0xaf: {  	v17 =	vld.idx.msk [tilespmem:v17+s23+$0x0], $0xffff;
	[tilespmem:s31+$0xC0] =	vst v21  }
0xb0: {  	v14 =	vld.idx.msk [tilespmem:v14+s23+$0x0], $0xffff;
	[tilespmem:s31+$0xD0] =	vst v19  }
0xb1: {  	v11 =	vld.idx.msk [tilespmem:v11+s23+$0x0], $0xffff;
	[tilespmem:s31+$0xE0] =	vst v23  }
0xb2: {  	v15 =	vld.idx.msk [tilespmem:v15+s23+$0x0], $0xffff;
	[tilespmem:s31+$0x1F0] =	vst v3  }
0xb3: {  	[tilespmem:s31+$0x100] =	vst v16;
	v3 =	vld.idx.msk [tilespmem:v12+s23+$0x0], $0xffff  }
0xb4: {  	v12 =	vld.idx.msk [tilespmem:v7+s23+$0x0], $0xffff;
	[tilespmem:s31+$0x110] =	vst v13  }
0xb5: {  	v7 =	vld.idx.msk [tilespmem:v10+s23+$0x0], $0xffff;
	[tilespmem:s31+$0x120] =	vst v17  }
.Ltmp0:
0xb6: {  	v8 =	vld.idx.msk [tilespmem:v8+s23+$0x0], $0xffff;
	[tilespmem:s31+$0x130] =	vst v14;
	(pc) =	sbr.rel @p2 .LBB2_3-.Ltmp0, $4  }
0xb7: {  	v5 =	vld.idx.msk [tilespmem:v5+s23+$0x0], $0xffff;
	[tilespmem:s31+$0x140] =	vst v11  }
0xb8: {  	v9 =	vld.idx.msk [tilespmem:v9+s23+$0x0], $0xffff;
	[tilespmem:s31+$0x150] =	vst v15  }
0xb9: {  	v6 =	vld.idx.msk [tilespmem:v6+s23+$0x0], $0xffff;
	[tilespmem:s31+$0x160] =	vst v3  }
0xba: {  	s6 =	sadd.s32 $0x80, s6;
	[tilespmem:s31+$0x180] =	vst v12;
	v4 =	vld.idx.msk [tilespmem:v4+s23+$0x0], $0xffff  }
0xbb: {  	[tilespmem:s31+$0x190] =	vst v7  }
0xbc: {  	[tilespmem:s31+$0x1A0] =	vst v8;
	s5 =	smul.u32 $0x1F4000, s14  }
0xbd: {  	[tilespmem:s31+$0x1B0] =	vst v5  }
0xbe: {  	[tilespmem:s31+$0x1C0] =	vst v9;
	s5 =	sadd.s32 s9, s5  }
0xbf: {  	[tilespmem:s31+$0x1D0] =	vst v6;
	s5 =	sshrl.u32 s5, $0x3  }
0xc0: {  	[tilespmem:s31+$0x1E0] =	vst v4;
	s5 =	sadd.s32 s2, s5  }
0xc1: {  	[hbm4b:s5+s3] =	stream.linear.scatter [tilespmem:s24], [sflag:$0x1], $0x2000, $0x38;
	[tilespmem:$0x14350] =	vst v63  }
0xc2: {  	s5 =	simm.s32 @!p1 $0x2  }
0xc3: {  	_ =	swait.ge @!p1 [sflag:s5], $0x2000  }
0xc4: {  	[sflag:s5] =	ssyncset.done @!p1 $0x0  }
0xc5: {  	[sflag:s5] =	ssyncadd.s32 @!p1 $0xFFFFE000  }
0xc6: {  	v10 =	vld [tilespmem:s1+$0x0]  }
0xc7: {  	v8 =	vld [tilespmem:s1+$0xFFFFFFA0]  }
0xc8: {  	v7 =	vld [tilespmem:s1+$0xFFFFFFB0]  }
0xc9: {  	v6 =	vld [tilespmem:s1+$0xFFFFFFC0]  }
0xca: {  	v5 =	vld [tilespmem:s1+$0xFFFFFFD0]  }
0xcb: {  	v4 =	vld [tilespmem:s1+$0xFFFFFFE0]  }
0xcc: {  	v3 =	vld [tilespmem:s1+$0xFFFFFFF0]  }
0xcd: {  	v9 =	vld [tilespmem:s1+$0xFFFFFF90]  }
0xce: {  	v11 =	vld.idx.msk [tilespmem:v10+s23+$0x0], $0xffff  }
0xcf: {  	v12 =	vld.idx.msk [tilespmem:v8+s23+$0x0], $0xffff  }
0xd0: {  	v13 =	vld.idx.msk [tilespmem:v7+s23+$0x0], $0xffff  }
0xd1: {  	v14 =	vadd.s32 $0x3E8, v10;
	v15 =	vld.idx.msk [tilespmem:v6+s23+$0x0], $0xffff  }
0xd2: {  	v16 =	vadd.s32 $0x3E8, v8;
	v17 =	vld.idx.msk [tilespmem:v5+s23+$0x0], $0xffff  }
0xd3: {  	s31 =	simm.s32 $0x11540;
	v18 =	vadd.s32 $0x3E8, v7;
	v19 =	vld.idx.msk [tilespmem:v4+s23+$0x0], $0xffff  }
0xd4: {  	v20 =	vadd.s32 $0x3E8, v6;
	v21 =	vld.idx.msk [tilespmem:v3+s23+$0x0], $0xffff;
	[tilespmem:s31+$0xFFFFFE70] =	vst v11  }
0xd5: {  	v52 =	vadd.s32 $0x3E8, v4;
	v22 =	vld.idx.msk [tilespmem:v9+s23+$0x0], $0xffff;
	[tilespmem:s31+$0xFFFFFE10] =	vst v12  }
0xd6: {  	v55 =	vadd.s32 $0x3E8, v9;
	[tilespmem:s31+$0xFFFFFE20] =	vst v13;
	v51 =	vld.idx.msk [tilespmem:v14+s23+$0x0], $0xffff  }
0xd7: {  	v56 =	vadd.s32 $0x3E8, v3;
	[tilespmem:s31+$0xFFFFFE30] =	vst v15;
	v53 =	vld.idx.msk [tilespmem:v16+s23+$0x0], $0xffff  }
0xd8: {  	v11 =	vadd.s32 $0x3E8, v5;
	[tilespmem:s31+$0xFFFFFE40] =	vst v17;
	v18 =	vld.idx.msk [tilespmem:v18+s23+$0x0], $0xffff  }
0xd9: {  	v54 =	vadd.s32 $0x7D0, v10;
	[tilespmem:s31+$0xFFFFFE50] =	vst v19;
	v20 =	vld.idx.msk [tilespmem:v20+s23+$0x0], $0xffff  }
0xda: {  	v57 =	vadd.s32 $0x7D0, v8;
	[tilespmem:s31+$0xFFFFFE00] =	vst v22;
	v14 =	vld.idx.msk [tilespmem:v52+s23+$0x0], $0xffff  }
0xdb: {  	v58 =	vadd.s32 $0x7D0, v7;
	[tilespmem:s31+$0xFFFFFE60] =	vst v21;
	v16 =	vld.idx.msk [tilespmem:v55+s23+$0x0], $0xffff  }
0xdc: {  	v59 =	vadd.s32 $0x7D0, v6;
	v61 =	vld.idx.msk [tilespmem:v56+s23+$0x0], $0xffff;
	[tilespmem:s31+$0xFFFFFEF0] =	vst v51  }
0xdd: {  	v63 =	vadd.s32 $0x7D0, v9;
	v11 =	vld.idx.msk [tilespmem:v11+s23+$0x0], $0xffff;
	[tilespmem:s31+$0xFFFFFE90] =	vst v53  }
0xde: {  	v24 =	vadd.s32 $0x7D0, v4;
	[tilespmem:s31+$0xFFFFFEA0] =	vst v18;
	v15 =	vld.idx.msk [tilespmem:v54+s23+$0x0], $0xffff  }
0xdf: {  	v60 =	vadd.s32 $0x7D0, v5;
	[tilespmem:s31+$0xFFFFFEB0] =	vst v20;
	v19 =	vld.idx.msk [tilespmem:v57+s23+$0x0], $0xffff  }
0xe0: {  	v62 =	vadd.s32 $0xBB8, v10;
	[tilespmem:s31+$0xFFFFFED0] =	vst v14;
	v21 =	vld.idx.msk [tilespmem:v58+s23+$0x0], $0xffff  }
0xe1: {  	v25 =	vadd.s32 $0xBB8, v8;
	[tilespmem:s31+$0xFFFFFE80] =	vst v16;
	v12 =	vld.idx.msk [tilespmem:v59+s23+$0x0], $0xffff  }
0xe2: {  	v26 =	vadd.s32 $0xBB8, v7;
	[tilespmem:s31+$0xFFFFFEE0] =	vst v61;
	v18 =	vld.idx.msk [tilespmem:v63+s23+$0x0], $0xffff  }
0xe3: {  	v28 =	vadd.s32 $0xBB8, v6;
	v29 =	vld.idx.msk [tilespmem:v24+s23+$0x0], $0xffff;
	[tilespmem:s31+$0xFFFFFEC0] =	vst v11  }
0xe4: {  	v31 =	vadd.s32 $0xBB8, v9;
	v22 =	vld.idx.msk [tilespmem:v60+s23+$0x0], $0xffff;
	[tilespmem:s31+$0xFFFFFF70] =	vst v15  }
0xe5: {  	v33 =	vadd.s32 $0xBB8, v4;
	[tilespmem:s31+$0xFFFFFF10] =	vst v19;
	v27 =	vld.idx.msk [tilespmem:v62+s23+$0x0], $0xffff  }
0xe6: {  	v11 =	vadd.s32 $0x7D0, v3;
	[tilespmem:s31+$0xFFFFFF20] =	vst v21;
	v14 =	vld.idx.msk [tilespmem:v25+s23+$0x0], $0xffff  }
0xe7: {  	v32 =	vadd.s32 $0xBB8, v5;
	[tilespmem:s31+$0xFFFFFF30] =	vst v12;
	v15 =	vld.idx.msk [tilespmem:v26+s23+$0x0], $0xffff  }
0xe8: {  	v30 =	vadd.s32 $0xFA0, v10;
	[tilespmem:s31+$0xFFFFFF00] =	vst v18;
	v17 =	vld.idx.msk [tilespmem:v28+s23+$0x0], $0xffff  }
0xe9: {  	v35 =	vadd.s32 $0xFA0, v8;
	[tilespmem:s31+$0xFFFFFF50] =	vst v29;
	v20 =	vld.idx.msk [tilespmem:v31+s23+$0x0], $0xffff  }
0xea: {  	v37 =	vadd.s32 $0xFA0, v7;
	v12 =	vld.idx.msk [tilespmem:v33+s23+$0x0], $0xffff;
	[tilespmem:s31+$0xFFFFFF40] =	vst v22  }
0xeb: {  	v39 =	vadd.s32 $0xFA0, v9;
	v11 =	vld.idx.msk [tilespmem:v11+s23+$0x0], $0xffff;
	[tilespmem:s31+$0xFFFFFFF0] =	vst v27  }
0xec: {  	v40 =	vadd.s32 $0xFA0, v6;
	v38 =	vld.idx.msk [tilespmem:v32+s23+$0x0], $0xffff;
	[tilespmem:s31+$0xFFFFFF90] =	vst v14  }
0xed: {  	v43 =	vadd.s32 $0xFA0, v4;
	[tilespmem:s31+$0xFFFFFFA0] =	vst v15;
	v36 =	vld.idx.msk [tilespmem:v30+s23+$0x0], $0xffff  }
0xee: {  	v34 =	vadd.s32 $0xBB8, v3;
	[tilespmem:s31+$0xFFFFFFB0] =	vst v17;
	v16 =	vld.idx.msk [tilespmem:v35+s23+$0x0], $0xffff  }
0xef: {  	v42 =	vadd.s32 $0xFA0, v5;
	[tilespmem:s31+$0xFFFFFF80] =	vst v20;
	v19 =	vld.idx.msk [tilespmem:v37+s23+$0x0], $0xffff  }
0xf0: {  	v21 =	vld.idx.msk [tilespmem:v39+s23+$0x0], $0xffff;
	[tilespmem:s31+$0xFFFFFF60] =	vst v11;
	v11 =	vadd.s32 $0x1388, v10  }
0xf1: {  	v45 =	vadd.s32 $0x1388, v8;
	[tilespmem:s31+$0xFFFFFFD0] =	vst v12;
	v46 =	vld.idx.msk [tilespmem:v40+s23+$0x0], $0xffff  }
0xf2: {  	v48 =	vadd.s32 $0x1388, v9;
	v50 =	vld.idx.msk [tilespmem:v43+s23+$0x0], $0xffff;
	[tilespmem:s31+$0xFFFFFFC0] =	vst v38  }
0xf3: {  	v49 =	vadd.s32 $0x1388, v7;
	v41 =	vld.idx.msk [tilespmem:v34+s23+$0x0], $0xffff;
	[tilespmem:s31+$0x70] =	vst v36  }
0xf4: {  	v44 =	vadd.s32 $0xFA0, v3;
	v22 =	vld.idx.msk [tilespmem:v42+s23+$0x0], $0xffff;
	[tilespmem:s31+$0x10] =	vst v16  }
0xf5: {  	v51 =	vadd.s32 $0x1388, v6;
	[tilespmem:s31+$0x20] =	vst v19;
	v11 =	vld.idx.msk [tilespmem:v11+s23+$0x0], $0xffff  }
0xf6: {  	v47 =	vadd.s32 $0x1770, v10;
	[tilespmem:s31+$0x0] =	vst v21;
	v20 =	vld.idx.msk [tilespmem:v45+s23+$0x0], $0xffff  }
0xf7: {  	v52 =	vadd.s32 $0x1388, v5;
	[tilespmem:s31+$0x30] =	vst v46;
	v14 =	vld.idx.msk [tilespmem:v48+s23+$0x0], $0xffff  }
0xf8: {  	v55 =	vadd.s32 $0x1770, v9;
	v54 =	vld.idx.msk [tilespmem:v49+s23+$0x0], $0xffff;
	[tilespmem:s31+$0xFFFFFFE0] =	vst v41  }
0xf9: {  	v56 =	vadd.s32 $0x1770, v8;
	[tilespmem:s31+$0x50] =	vst v50;
	v18 =	vld.idx.msk [tilespmem:v44+s23+$0x0], $0xffff  }
0xfa: {  	v53 =	vadd.s32 $0x1388, v3;
	v17 =	vld.idx.msk [tilespmem:v51+s23+$0x0], $0xffff;
	[tilespmem:s31+$0xF0] =	vst v11  }
0xfb: {  	[tilespmem:s31+$0x40] =	vst v22;
	v11 =	vadd.s32 $0x1388, v4;
	v12 =	vld.idx.msk [tilespmem:v47+s23+$0x0], $0xffff  }
0xfc: {  	v10 =	vadd.s32 $0x1B58, v10;
	v19 =	vld.idx.msk [tilespmem:v52+s23+$0x0], $0xffff;
	[tilespmem:s31+$0x80] =	vst v14  }
0xfd: {  	v57 =	vadd.s32 $0x1770, v7;
	[tilespmem:s31+$0x90] =	vst v20;
	v15 =	vld.idx.msk [tilespmem:v55+s23+$0x0], $0xffff  }
0xfe: {  	v58 =	vadd.s32 $0x1770, v6;
	v16 =	vld.idx.msk [tilespmem:v56+s23+$0x0], $0xffff;
	[tilespmem:s31+$0x60] =	vst v18  }
0xff: {  	v59 =	vadd.s32 $0x1770, v5;
	[tilespmem:s31+$0xA0] =	vst v54;
	v21 =	vld.idx.msk [tilespmem:v53+s23+$0x0], $0xffff  }
0x100: {  	v9 =	vadd.s32 $0x1B58, v9;
	v11 =	vld.idx.msk [tilespmem:v11+s23+$0x0], $0xffff;
	[tilespmem:s31+$0x170] =	vst v12  }
0x101: {  	v60 =	vadd.s32 $0x1770, v4;
	[tilespmem:s31+$0xB0] =	vst v17;
	v10 =	vld.idx.msk [tilespmem:v10+s23+$0x0], $0xffff  }
0x102: {  	v61 =	vadd.s32 $0x1770, v3;
	v62 =	vld.idx.msk [tilespmem:v57+s23+$0x0], $0xffff;
	[tilespmem:s31+$0xC0] =	vst v19  }
0x103: {  	v8 =	vadd.s32 $0x1B58, v8;
	v63 =	vld.idx.msk [tilespmem:v58+s23+$0x0], $0xffff;
	[tilespmem:s31+$0x100] =	vst v15  }
0x104: {  	v6 =	vadd.s32 $0x1B58, v6;
	v12 =	vld.idx.msk [tilespmem:v59+s23+$0x0], $0xffff;
	[tilespmem:s31+$0xE0] =	vst v21  }
0x105: {  	v15 =	vld.idx.msk [tilespmem:v9+s23+$0x0], $0xffff;
	[tilespmem:s31+$0xD0] =	vst v11;
	v11 =	vadd.s32 $0x1B58, v7  }
0x106: {  	v14 =	vld.idx.msk [tilespmem:v60+s23+$0x0], $0xffff;
	[tilespmem:s31+$0x1F0] =	vst v10;
	v10 =	vadd.s32 $0x1B58, v5  }
0x107: {  	v4 =	vadd.s32 $0x1B58, v4;
	[tilespmem:s31+$0x110] =	vst v16;
	v13 =	vld.idx.msk [tilespmem:v61+s23+$0x0], $0xffff  }
0x108: {  	v3 =	vadd.s32 $0x1B58, v3;
	[tilespmem:s31+$0x130] =	vst v63;
	v7 =	vld.idx.msk [tilespmem:v8+s23+$0x0], $0xffff  }
0x109: {  	[tilespmem:s31+$0x120] =	vst v62;
	v5 =	vld.idx.msk [tilespmem:v6+s23+$0x0], $0xffff  }
0x10a: {  	[tilespmem:s31+$0x140] =	vst v12;
	v8 =	vld.idx.msk [tilespmem:v11+s23+$0x0], $0xffff  }
0x10b: {  	[tilespmem:s31+$0x150] =	vst v14;
	v9 =	vld.idx.msk [tilespmem:v10+s23+$0x0], $0xffff  }
0x10c: {  	s7 =	sshll.u32 s14, $0x1;
	[tilespmem:s31+$0x160] =	vst v13;
	v6 =	vld.idx.msk [tilespmem:v4+s23+$0x0], $0xffff  }
0x10d: {  	s6 =	simm.s32 $0x0;
	s5 =	sor.u32 $0x1, s7;
	s7 =	sadd.s32 $0x80, s1;
	[tilespmem:s31+$0x180] =	vst v15;
	v4 =	vld.idx.msk [tilespmem:v3+s23+$0x0], $0xffff  }
.LBB2_5:
0x10e: {  	v3 =	vld [tilespmem:s7+$0x0];
	s6 =	sadd.s32 $0x8, s6;
	[tilespmem:s31+$0x190] =	vst v7  }
0x10f: {  	v10 =	vld [tilespmem:s7+$0xFFFFFFA0];
	p1 =	slt.u32 s6, $0x38;
	[tilespmem:s31+$0x1A0] =	vst v8  }
0x110: {  	v8 =	vld [tilespmem:s7+$0xFFFFFFB0];
	[tilespmem:s31+$0x1B0] =	vst v5  }
0x111: {  	v5 =	vld [tilespmem:s7+$0xFFFFFFC0];
	[tilespmem:s31+$0x1C0] =	vst v9  }
0x112: {  	v9 =	vld [tilespmem:s7+$0xFFFFFFD0];
	[tilespmem:s31+$0x1D0] =	vst v6  }
0x113: {  	v6 =	vld [tilespmem:s7+$0xFFFFFFE0];
	[tilespmem:s31+$0x1E0] =	vst v4  }
0x114: {  	v4 =	vadd.s32 $0x3E8, v10;
	v24 =	vadd.s32 $0x7D0, v10;
	v25 =	vadd.s32 $0xBB8, v10;
	v26 =	vld [tilespmem:s7+$0xFFFFFFF0]  }
0x115: {  	v7 =	vld [tilespmem:s7+$0xFFFFFF90];
	v11 =	vadd.s32 $0x3E8, v8;
	v27 =	vadd.s32 $0x7D0, v8;
	v28 =	vadd.s32 $0xBB8, v8  }
0x116: {  	v12 =	vadd.s32 $0x3E8, v5;
	v29 =	vadd.s32 $0x7D0, v5;
	v30 =	vadd.s32 $0xBB8, v5;
	v13 =	vld.idx.msk [tilespmem:v3+s23+$0x0], $0xffff  }
0x117: {  	v14 =	vld.idx.msk [tilespmem:v10+s23+$0x0], $0xffff;
	v15 =	vadd.s32 $0x3E8, v9;
	v31 =	vadd.s32 $0x7D0, v9;
	v32 =	vadd.s32 $0xBB8, v9  }
0x118: {  	v17 =	vadd.s32 $0x3E8, v3;
	v16 =	vld.idx.msk [tilespmem:v8+s23+$0x0], $0xffff;
	v33 =	vadd.s32 $0x3E8, v6;
	v34 =	vadd.s32 $0x7D0, v6  }
0x119: {  	v35 =	vadd.s32 $0xBB8, v6;
	v19 =	vld.idx.msk [tilespmem:v5+s23+$0x0], $0xffff;
	v36 =	vadd.s32 $0x3E8, v26;
	v37 =	vadd.s32 $0x7D0, v26  }
0x11a: {  	v38 =	vadd.s32 $0x3E8, v7;
	v39 =	vadd.s32 $0x7D0, v7;
	v40 =	vadd.s32 $0xBB8, v7;
	v23 =	vld.idx.msk [tilespmem:v9+s23+$0x0], $0xffff  }
0x11b: {  	s31 =	sadd.s32 $0x400, s31;
	v42 =	vadd.s32 $0xFA0, v10;
	v44 =	vadd.s32 $0xBB8, v26;
	v41 =	vadd.s32 $0xFA0, v7;
	v43 =	vld.idx.msk [tilespmem:v6+s23+$0x0], $0xffff  }
0x11c: {  	v45 =	vadd.s32 $0xFA0, v8;
	v46 =	vadd.s32 $0xFA0, v5;
	v47 =	vadd.s32 $0xFA0, v9;
	v48 =	vld.idx.msk [tilespmem:v26+s23+$0x0], $0xffff;
	[tilespmem:s31+$0xFFFFFE70] =	vst v13  }
0x11d: {  	v49 =	vadd.s32 $0xFA0, v6;
	v50 =	vadd.s32 $0xFA0, v26;
	v18 =	vadd.s32 $0x1388, v7;
	[tilespmem:s31+$0xFFFFFE10] =	vst v14;
	v51 =	vld.idx.msk [tilespmem:v17+s23+$0x0], $0xffff  }
0x11e: {  	v53 =	vadd.s32 $0x1388, v10;
	v22 =	vadd.s32 $0x1388, v8;
	v20 =	vadd.s32 $0x1388, v5;
	v52 =	vld.idx.msk [tilespmem:v7+s23+$0x0], $0xffff;
	[tilespmem:s31+$0xFFFFFE20] =	vst v16  }
0x11f: {  	v55 =	vadd.s32 $0x7D0, v3;
	v21 =	vadd.s32 $0x1388, v9;
	v54 =	vld.idx.msk [tilespmem:v4+s23+$0x0], $0xffff;
	[tilespmem:s31+$0xFFFFFE30] =	vst v19;
	v19 =	vadd.s32 $0x1388, v6  }
0x120: {  	v13 =	vadd.s32 $0x1770, v10;
	v16 =	vadd.s32 $0x1770, v7;
	v56 =	vld.idx.msk [tilespmem:v11+s23+$0x0], $0xffff;
	[tilespmem:s31+$0xFFFFFE40] =	vst v23;
	v23 =	vadd.s32 $0x1388, v26  }
0x121: {  	v17 =	vadd.s32 $0x1770, v8;
	v14 =	vadd.s32 $0x1770, v5;
	v11 =	vadd.s32 $0x1770, v9;
	v57 =	vld.idx.msk [tilespmem:v12+s23+$0x0], $0xffff;
	[tilespmem:s31+$0xFFFFFE50] =	vst v43  }
0x122: {  	v7 =	vadd.s32 $0x1B58, v7;
	v12 =	vadd.s32 $0x1770, v26;
	v43 =	vld.idx.msk [tilespmem:v15+s23+$0x0], $0xffff;
	v15 =	vadd.s32 $0x1770, v6;
	[tilespmem:s31+$0xFFFFFE60] =	vst v48  }
0x123: {  	v10 =	vadd.s32 $0x1B58, v10;
	v8 =	vadd.s32 $0x1B58, v8;
	v5 =	vadd.s32 $0x1B58, v5;
	v33 =	vld.idx.msk [tilespmem:v33+s23+$0x0], $0xffff;
	[tilespmem:s31+$0xFFFFFEF0] =	vst v51  }
0x124: {  	v4 =	vadd.s32 $0x1B58, v26;
	v9 =	vadd.s32 $0x1B58, v9;
	v6 =	vadd.s32 $0x1B58, v6;
	[tilespmem:s31+$0xFFFFFE00] =	vst v52;
	v26 =	vld.idx.msk [tilespmem:v55+s23+$0x0], $0xffff  }
0x125: {  	v38 =	vld.idx.msk [tilespmem:v38+s23+$0x0], $0xffff;
	[tilespmem:s31+$0xFFFFFE90] =	vst v54  }
0x126: {  	v48 =	vadd.s32 $0xBB8, v3;
	[tilespmem:s31+$0xFFFFFEA0] =	vst v56;
	v36 =	vld.idx.msk [tilespmem:v36+s23+$0x0], $0xffff  }
0x127: {  	v24 =	vld.idx.msk [tilespmem:v24+s23+$0x0], $0xffff;
	[tilespmem:s31+$0xFFFFFEB0] =	vst v57  }
0x128: {  	v27 =	vld.idx.msk [tilespmem:v27+s23+$0x0], $0xffff;
	[tilespmem:s31+$0xFFFFFEC0] =	vst v43  }
0x129: {  	v29 =	vld.idx.msk [tilespmem:v29+s23+$0x0], $0xffff;
	[tilespmem:s31+$0xFFFFFED0] =	vst v33  }
0x12a: {  	v31 =	vld.idx.msk [tilespmem:v31+s23+$0x0], $0xffff;
	[tilespmem:s31+$0xFFFFFF70] =	vst v26  }
0x12b: {  	[tilespmem:s31+$0xFFFFFE80] =	vst v38;
	v26 =	vld.idx.msk [tilespmem:v48+s23+$0x0], $0xffff  }
0x12c: {  	v33 =	vld.idx.msk [tilespmem:v39+s23+$0x0], $0xffff;
	[tilespmem:s31+$0xFFFFFEE0] =	vst v36  }
0x12d: {  	[tilespmem:s31+$0xFFFFFF10] =	vst v24;
	v24 =	vld.idx.msk [tilespmem:v34+s23+$0x0], $0xffff;
	v34 =	vadd.s32 $0xFA0, v3  }
0x12e: {  	[tilespmem:s31+$0xFFFFFF20] =	vst v27;
	v27 =	vld.idx.msk [tilespmem:v37+s23+$0x0], $0xffff  }
0x12f: {  	v25 =	vld.idx.msk [tilespmem:v25+s23+$0x0], $0xffff;
	[tilespmem:s31+$0xFFFFFF30] =	vst v29  }
0x130: {  	v28 =	vld.idx.msk [tilespmem:v28+s23+$0x0], $0xffff;
	[tilespmem:s31+$0xFFFFFF40] =	vst v31  }
0x131: {  	v29 =	vld.idx.msk [tilespmem:v30+s23+$0x0], $0xffff;
	[tilespmem:s31+$0xFFFFFFF0] =	vst v26  }
0x132: {  	[tilespmem:s31+$0xFFFFFF00] =	vst v33;
	v26 =	vld.idx.msk [tilespmem:v34+s23+$0x0], $0xffff  }
0x133: {  	v30 =	vld.idx.msk [tilespmem:v40+s23+$0x0], $0xffff;
	[tilespmem:s31+$0xFFFFFF50] =	vst v24  }
0x134: {  	v24 =	vld.idx.msk [tilespmem:v32+s23+$0x0], $0xffff;
	[tilespmem:s31+$0xFFFFFF60] =	vst v27;
	v27 =	vadd.s32 $0x1388, v3  }
0x135: {  	[tilespmem:s31+$0xFFFFFF90] =	vst v25;
	v25 =	vld.idx.msk [tilespmem:v35+s23+$0x0], $0xffff  }
0x136: {  	[tilespmem:s31+$0xFFFFFFA0] =	vst v28;
	v28 =	vld.idx.msk [tilespmem:v44+s23+$0x0], $0xffff  }
0x137: {  	v31 =	vld.idx.msk [tilespmem:v42+s23+$0x0], $0xffff;
	[tilespmem:s31+$0xFFFFFFB0] =	vst v29  }
0x138: {  	v29 =	vld.idx.msk [tilespmem:v45+s23+$0x0], $0xffff;
	[tilespmem:s31+$0x70] =	vst v26  }
0x139: {  	[tilespmem:s31+$0xFFFFFF80] =	vst v30;
	v26 =	vld.idx.msk [tilespmem:v27+s23+$0x0], $0xffff  }
0x13a: {  	v27 =	vld.idx.msk [tilespmem:v41+s23+$0x0], $0xffff;
	[tilespmem:s31+$0xFFFFFFC0] =	vst v24  }
0x13b: {  	v24 =	vld.idx.msk [tilespmem:v46+s23+$0x0], $0xffff;
	[tilespmem:s31+$0xFFFFFFD0] =	vst v25;
	v25 =	vadd.s32 $0x1770, v3  }
0x13c: {  	v30 =	vld.idx.msk [tilespmem:v47+s23+$0x0], $0xffff;
	[tilespmem:s31+$0xFFFFFFE0] =	vst v28  }
0x13d: {  	[tilespmem:s31+$0x10] =	vst v31;
	v28 =	vld.idx.msk [tilespmem:v49+s23+$0x0], $0xffff  }
0x13e: {  	[tilespmem:s31+$0x20] =	vst v29;
	v29 =	vld.idx.msk [tilespmem:v50+s23+$0x0], $0xffff  }
0x13f: {  	v31 =	vld.idx.msk [tilespmem:v53+s23+$0x0], $0xffff;
	[tilespmem:s31+$0xF0] =	vst v26  }
0x140: {  	[tilespmem:s31+$0x0] =	vst v27;
	v25 =	vld.idx.msk [tilespmem:v25+s23+$0x0], $0xffff  }
0x141: {  	v18 =	vld.idx.msk [tilespmem:v18+s23+$0x0], $0xffff;
	[tilespmem:s31+$0x30] =	vst v24  }
0x142: {  	v3 =	vadd.s32 $0x1B58, v3;
	v22 =	vld.idx.msk [tilespmem:v22+s23+$0x0], $0xffff;
	[tilespmem:s31+$0x40] =	vst v30  }
0x143: {  	v20 =	vld.idx.msk [tilespmem:v20+s23+$0x0], $0xffff;
	[tilespmem:s31+$0x50] =	vst v28  }
0x144: {  	v21 =	vld.idx.msk [tilespmem:v21+s23+$0x0], $0xffff;
	[tilespmem:s31+$0x60] =	vst v29  }
0x145: {  	[tilespmem:s31+$0x90] =	vst v31;
	v19 =	vld.idx.msk [tilespmem:v19+s23+$0x0], $0xffff  }
0x146: {  	v23 =	vld.idx.msk [tilespmem:v23+s23+$0x0], $0xffff;
	[tilespmem:s31+$0x170] =	vst v25  }
0x147: {  	[tilespmem:s31+$0x80] =	vst v18;
	v3 =	vld.idx.msk [tilespmem:v3+s23+$0x0], $0xffff  }
0x148: {  	v16 =	vld.idx.msk [tilespmem:v16+s23+$0x0], $0xffff;
	[tilespmem:s31+$0xA0] =	vst v22  }
0x149: {  	v13 =	vld.idx.msk [tilespmem:v13+s23+$0x0], $0xffff;
	[tilespmem:s31+$0xB0] =	vst v20  }
0x14a: {  	v17 =	vld.idx.msk [tilespmem:v17+s23+$0x0], $0xffff;
	[tilespmem:s31+$0xC0] =	vst v21  }
0x14b: {  	v14 =	vld.idx.msk [tilespmem:v14+s23+$0x0], $0xffff;
	[tilespmem:s31+$0xD0] =	vst v19  }
0x14c: {  	v11 =	vld.idx.msk [tilespmem:v11+s23+$0x0], $0xffff;
	[tilespmem:s31+$0xE0] =	vst v23  }
0x14d: {  	v15 =	vld.idx.msk [tilespmem:v15+s23+$0x0], $0xffff;
	[tilespmem:s31+$0x1F0] =	vst v3  }
0x14e: {  	[tilespmem:s31+$0x100] =	vst v16;
	v3 =	vld.idx.msk [tilespmem:v12+s23+$0x0], $0xffff  }
0x14f: {  	v12 =	vld.idx.msk [tilespmem:v7+s23+$0x0], $0xffff;
	[tilespmem:s31+$0x110] =	vst v13  }
0x150: {  	v7 =	vld.idx.msk [tilespmem:v10+s23+$0x0], $0xffff;
	[tilespmem:s31+$0x120] =	vst v17  }
.Ltmp1:
0x151: {  	v8 =	vld.idx.msk [tilespmem:v8+s23+$0x0], $0xffff;
	[tilespmem:s31+$0x130] =	vst v14;
	(pc) =	sbr.rel @p1 .LBB2_5-.Ltmp1, $4  }
0x152: {  	v5 =	vld.idx.msk [tilespmem:v5+s23+$0x0], $0xffff;
	[tilespmem:s31+$0x140] =	vst v11  }
0x153: {  	v9 =	vld.idx.msk [tilespmem:v9+s23+$0x0], $0xffff;
	[tilespmem:s31+$0x150] =	vst v15  }
0x154: {  	v6 =	vld.idx.msk [tilespmem:v6+s23+$0x0], $0xffff;
	[tilespmem:s31+$0x160] =	vst v3  }
0x155: {  	s7 =	sadd.s32 $0x80, s7;
	[tilespmem:s31+$0x180] =	vst v12;
	v4 =	vld.idx.msk [tilespmem:v4+s23+$0x0], $0xffff  }
0x156: {  	[tilespmem:s31+$0x190] =	vst v7;
	s14 =	sadd.s32 $0x1, s14  }
0x157: {  	[tilespmem:s31+$0x1A0] =	vst v8;
	s5 =	smul.u32 $0xFA000, s5;
	p1 =	sne.s32 s14, $0x19  }
.Ltmp2:
0x158: {  	[tilespmem:s31+$0x1B0] =	vst v5;
	(pc) =	sbr.rel @p1 .LBB2_2-.Ltmp2, $4  }
0x159: {  	[tilespmem:s31+$0x1C0] =	vst v9;
	s5 =	sadd.s32 s9, s5  }
0x15a: {  	[tilespmem:s31+$0x1D0] =	vst v6;
	s5 =	sshrl.u32 s5, $0x3  }
0x15b: {  	s21 =	sadd.s32 $0x800, s21;
	s1 =	sadd.s32 $0x800, s1;
	[tilespmem:s31+$0x1E0] =	vst v4;
	s5 =	sadd.s32 s2, s5  }
0x15c: {  	[hbm4b:s5+s3] =	stream.linear.scatter [tilespmem:s25], [sflag:$0x2], $0x2000, $0x38;
	[tilespmem:$0x14350] =	vst v63  }
0x15d: {  	s1 =	simm.s32 $0x0  }
0x15e: {  	[tilespmem:s23], [sflag:$0x4] =	stream.linear.gather [hbm4b:s10+s1], $0x1F40, $0x38;
	[tilespmem:$0x14350] =	vst v63  }
0x15f: {  	_ =	swait.ge [sflag:s20], $0x1F40  }
0x160: {  	[sflag:s20] =	ssyncset.done $0x0  }
0x161: {  	s14 =	simm.s32 $0x40;
	s21 =	simm.s32 $0x470;
	[sflag:s20] =	ssyncadd.s32 $0xFFFFE0C0  }
.LBB2_8:
0x162: {  	_ =	swait.ge [sflag:s26], $0x2000  }
0x163: {  	[sflag:s26] =	ssyncset.done $0x0  }
0x164: {  	[sflag:s26] =	ssyncadd.s32 $0xFFFFE000  }
0x165: {  	v10 =	vld [tilespmem:s14+$0x30]  }
0x166: {  	v8 =	vld [tilespmem:s14+$0xFFFFFFD0]  }
0x167: {  	v7 =	vld [tilespmem:s14+$0xFFFFFFE0]  }
0x168: {  	v6 =	vld [tilespmem:s14+$0xFFFFFFF0]  }
0x169: {  	v5 =	vld [tilespmem:s14+$0x0]  }
0x16a: {  	v4 =	vld [tilespmem:s14+$0x10]  }
0x16b: {  	v3 =	vld [tilespmem:s14+$0x20]  }
0x16c: {  	v9 =	vld [tilespmem:s14+$0xFFFFFFC0]  }
0x16d: {  	v11 =	vld.idx.msk [tilespmem:v10+s23+$0x0], $0xffff  }
0x16e: {  	v12 =	vld.idx.msk [tilespmem:v8+s23+$0x0], $0xffff  }
0x16f: {  	v13 =	vld.idx.msk [tilespmem:v7+s23+$0x0], $0xffff  }
0x170: {  	v14 =	vadd.s32 $0x3E8, v10;
	v15 =	vld.idx.msk [tilespmem:v6+s23+$0x0], $0xffff  }
0x171: {  	v16 =	vadd.s32 $0x3E8, v8;
	v17 =	vld.idx.msk [tilespmem:v5+s23+$0x0], $0xffff  }
0x172: {  	s31 =	simm.s32 $0xF540;
	v18 =	vadd.s32 $0x3E8, v7;
	v19 =	vld.idx.msk [tilespmem:v4+s23+$0x0], $0xffff  }
0x173: {  	v20 =	vadd.s32 $0x3E8, v6;
	v21 =	vld.idx.msk [tilespmem:v3+s23+$0x0], $0xffff;
	[tilespmem:s31+$0xFFFFFE70] =	vst v11  }
0x174: {  	v52 =	vadd.s32 $0x3E8, v4;
	v22 =	vld.idx.msk [tilespmem:v9+s23+$0x0], $0xffff;
	[tilespmem:s31+$0xFFFFFE10] =	vst v12  }
0x175: {  	v55 =	vadd.s32 $0x3E8, v9;
	[tilespmem:s31+$0xFFFFFE20] =	vst v13;
	v51 =	vld.idx.msk [tilespmem:v14+s23+$0x0], $0xffff  }
0x176: {  	v56 =	vadd.s32 $0x3E8, v3;
	[tilespmem:s31+$0xFFFFFE30] =	vst v15;
	v53 =	vld.idx.msk [tilespmem:v16+s23+$0x0], $0xffff  }
0x177: {  	v11 =	vadd.s32 $0x3E8, v5;
	[tilespmem:s31+$0xFFFFFE40] =	vst v17;
	v18 =	vld.idx.msk [tilespmem:v18+s23+$0x0], $0xffff  }
0x178: {  	v54 =	vadd.s32 $0x7D0, v10;
	[tilespmem:s31+$0xFFFFFE50] =	vst v19;
	v20 =	vld.idx.msk [tilespmem:v20+s23+$0x0], $0xffff  }
0x179: {  	v57 =	vadd.s32 $0x7D0, v8;
	[tilespmem:s31+$0xFFFFFE00] =	vst v22;
	v14 =	vld.idx.msk [tilespmem:v52+s23+$0x0], $0xffff  }
0x17a: {  	v58 =	vadd.s32 $0x7D0, v7;
	[tilespmem:s31+$0xFFFFFE60] =	vst v21;
	v16 =	vld.idx.msk [tilespmem:v55+s23+$0x0], $0xffff  }
0x17b: {  	v59 =	vadd.s32 $0x7D0, v6;
	v61 =	vld.idx.msk [tilespmem:v56+s23+$0x0], $0xffff;
	[tilespmem:s31+$0xFFFFFEF0] =	vst v51  }
0x17c: {  	v63 =	vadd.s32 $0x7D0, v9;
	v11 =	vld.idx.msk [tilespmem:v11+s23+$0x0], $0xffff;
	[tilespmem:s31+$0xFFFFFE90] =	vst v53  }
0x17d: {  	v24 =	vadd.s32 $0x7D0, v4;
	[tilespmem:s31+$0xFFFFFEA0] =	vst v18;
	v15 =	vld.idx.msk [tilespmem:v54+s23+$0x0], $0xffff  }
0x17e: {  	v60 =	vadd.s32 $0x7D0, v5;
	[tilespmem:s31+$0xFFFFFEB0] =	vst v20;
	v19 =	vld.idx.msk [tilespmem:v57+s23+$0x0], $0xffff  }
0x17f: {  	v62 =	vadd.s32 $0xBB8, v10;
	[tilespmem:s31+$0xFFFFFED0] =	vst v14;
	v21 =	vld.idx.msk [tilespmem:v58+s23+$0x0], $0xffff  }
0x180: {  	v25 =	vadd.s32 $0xBB8, v8;
	[tilespmem:s31+$0xFFFFFE80] =	vst v16;
	v12 =	vld.idx.msk [tilespmem:v59+s23+$0x0], $0xffff  }
0x181: {  	v26 =	vadd.s32 $0xBB8, v7;
	[tilespmem:s31+$0xFFFFFEE0] =	vst v61;
	v18 =	vld.idx.msk [tilespmem:v63+s23+$0x0], $0xffff  }
0x182: {  	v28 =	vadd.s32 $0xBB8, v6;
	v29 =	vld.idx.msk [tilespmem:v24+s23+$0x0], $0xffff;
	[tilespmem:s31+$0xFFFFFEC0] =	vst v11  }
0x183: {  	v31 =	vadd.s32 $0xBB8, v9;
	v22 =	vld.idx.msk [tilespmem:v60+s23+$0x0], $0xffff;
	[tilespmem:s31+$0xFFFFFF70] =	vst v15  }
0x184: {  	v33 =	vadd.s32 $0xBB8, v4;
	[tilespmem:s31+$0xFFFFFF10] =	vst v19;
	v27 =	vld.idx.msk [tilespmem:v62+s23+$0x0], $0xffff  }
0x185: {  	v11 =	vadd.s32 $0x7D0, v3;
	[tilespmem:s31+$0xFFFFFF20] =	vst v21;
	v14 =	vld.idx.msk [tilespmem:v25+s23+$0x0], $0xffff  }
0x186: {  	v32 =	vadd.s32 $0xBB8, v5;
	[tilespmem:s31+$0xFFFFFF30] =	vst v12;
	v15 =	vld.idx.msk [tilespmem:v26+s23+$0x0], $0xffff  }
0x187: {  	v30 =	vadd.s32 $0xFA0, v10;
	[tilespmem:s31+$0xFFFFFF00] =	vst v18;
	v17 =	vld.idx.msk [tilespmem:v28+s23+$0x0], $0xffff  }
0x188: {  	v35 =	vadd.s32 $0xFA0, v8;
	[tilespmem:s31+$0xFFFFFF50] =	vst v29;
	v20 =	vld.idx.msk [tilespmem:v31+s23+$0x0], $0xffff  }
0x189: {  	v37 =	vadd.s32 $0xFA0, v7;
	v12 =	vld.idx.msk [tilespmem:v33+s23+$0x0], $0xffff;
	[tilespmem:s31+$0xFFFFFF40] =	vst v22  }
0x18a: {  	v39 =	vadd.s32 $0xFA0, v9;
	v11 =	vld.idx.msk [tilespmem:v11+s23+$0x0], $0xffff;
	[tilespmem:s31+$0xFFFFFFF0] =	vst v27  }
0x18b: {  	v40 =	vadd.s32 $0xFA0, v6;
	v38 =	vld.idx.msk [tilespmem:v32+s23+$0x0], $0xffff;
	[tilespmem:s31+$0xFFFFFF90] =	vst v14  }
0x18c: {  	v43 =	vadd.s32 $0xFA0, v4;
	[tilespmem:s31+$0xFFFFFFA0] =	vst v15;
	v36 =	vld.idx.msk [tilespmem:v30+s23+$0x0], $0xffff  }
0x18d: {  	v34 =	vadd.s32 $0xBB8, v3;
	[tilespmem:s31+$0xFFFFFFB0] =	vst v17;
	v16 =	vld.idx.msk [tilespmem:v35+s23+$0x0], $0xffff  }
0x18e: {  	v42 =	vadd.s32 $0xFA0, v5;
	[tilespmem:s31+$0xFFFFFF80] =	vst v20;
	v19 =	vld.idx.msk [tilespmem:v37+s23+$0x0], $0xffff  }
0x18f: {  	v21 =	vld.idx.msk [tilespmem:v39+s23+$0x0], $0xffff;
	[tilespmem:s31+$0xFFFFFF60] =	vst v11;
	v11 =	vadd.s32 $0x1388, v10  }
0x190: {  	v45 =	vadd.s32 $0x1388, v8;
	[tilespmem:s31+$0xFFFFFFD0] =	vst v12;
	v46 =	vld.idx.msk [tilespmem:v40+s23+$0x0], $0xffff  }
0x191: {  	v48 =	vadd.s32 $0x1388, v9;
	v50 =	vld.idx.msk [tilespmem:v43+s23+$0x0], $0xffff;
	[tilespmem:s31+$0xFFFFFFC0] =	vst v38  }
0x192: {  	v49 =	vadd.s32 $0x1388, v7;
	v41 =	vld.idx.msk [tilespmem:v34+s23+$0x0], $0xffff;
	[tilespmem:s31+$0x70] =	vst v36  }
0x193: {  	v44 =	vadd.s32 $0xFA0, v3;
	v22 =	vld.idx.msk [tilespmem:v42+s23+$0x0], $0xffff;
	[tilespmem:s31+$0x10] =	vst v16  }
0x194: {  	v51 =	vadd.s32 $0x1388, v6;
	[tilespmem:s31+$0x20] =	vst v19;
	v11 =	vld.idx.msk [tilespmem:v11+s23+$0x0], $0xffff  }
0x195: {  	v47 =	vadd.s32 $0x1770, v10;
	[tilespmem:s31+$0x0] =	vst v21;
	v20 =	vld.idx.msk [tilespmem:v45+s23+$0x0], $0xffff  }
0x196: {  	v52 =	vadd.s32 $0x1388, v5;
	[tilespmem:s31+$0x30] =	vst v46;
	v14 =	vld.idx.msk [tilespmem:v48+s23+$0x0], $0xffff  }
0x197: {  	v55 =	vadd.s32 $0x1770, v9;
	v54 =	vld.idx.msk [tilespmem:v49+s23+$0x0], $0xffff;
	[tilespmem:s31+$0xFFFFFFE0] =	vst v41  }
0x198: {  	v56 =	vadd.s32 $0x1770, v8;
	[tilespmem:s31+$0x50] =	vst v50;
	v18 =	vld.idx.msk [tilespmem:v44+s23+$0x0], $0xffff  }
0x199: {  	v53 =	vadd.s32 $0x1388, v3;
	v17 =	vld.idx.msk [tilespmem:v51+s23+$0x0], $0xffff;
	[tilespmem:s31+$0xF0] =	vst v11  }
0x19a: {  	[tilespmem:s31+$0x40] =	vst v22;
	v11 =	vadd.s32 $0x1388, v4;
	v12 =	vld.idx.msk [tilespmem:v47+s23+$0x0], $0xffff  }
0x19b: {  	v10 =	vadd.s32 $0x1B58, v10;
	v19 =	vld.idx.msk [tilespmem:v52+s23+$0x0], $0xffff;
	[tilespmem:s31+$0x80] =	vst v14  }
0x19c: {  	v57 =	vadd.s32 $0x1770, v7;
	[tilespmem:s31+$0x90] =	vst v20;
	v15 =	vld.idx.msk [tilespmem:v55+s23+$0x0], $0xffff  }
0x19d: {  	v58 =	vadd.s32 $0x1770, v6;
	v16 =	vld.idx.msk [tilespmem:v56+s23+$0x0], $0xffff;
	[tilespmem:s31+$0x60] =	vst v18  }
0x19e: {  	v59 =	vadd.s32 $0x1770, v5;
	[tilespmem:s31+$0xA0] =	vst v54;
	v21 =	vld.idx.msk [tilespmem:v53+s23+$0x0], $0xffff  }
0x19f: {  	v9 =	vadd.s32 $0x1B58, v9;
	v11 =	vld.idx.msk [tilespmem:v11+s23+$0x0], $0xffff;
	[tilespmem:s31+$0x170] =	vst v12  }
0x1a0: {  	v60 =	vadd.s32 $0x1770, v4;
	[tilespmem:s31+$0xB0] =	vst v17;
	v10 =	vld.idx.msk [tilespmem:v10+s23+$0x0], $0xffff  }
0x1a1: {  	v61 =	vadd.s32 $0x1770, v3;
	v62 =	vld.idx.msk [tilespmem:v57+s23+$0x0], $0xffff;
	[tilespmem:s31+$0xC0] =	vst v19  }
0x1a2: {  	v8 =	vadd.s32 $0x1B58, v8;
	v63 =	vld.idx.msk [tilespmem:v58+s23+$0x0], $0xffff;
	[tilespmem:s31+$0x100] =	vst v15  }
0x1a3: {  	v6 =	vadd.s32 $0x1B58, v6;
	v12 =	vld.idx.msk [tilespmem:v59+s23+$0x0], $0xffff;
	[tilespmem:s31+$0xE0] =	vst v21  }
0x1a4: {  	v15 =	vld.idx.msk [tilespmem:v9+s23+$0x0], $0xffff;
	[tilespmem:s31+$0xD0] =	vst v11;
	v11 =	vadd.s32 $0x1B58, v7  }
0x1a5: {  	v14 =	vld.idx.msk [tilespmem:v60+s23+$0x0], $0xffff;
	[tilespmem:s31+$0x1F0] =	vst v10;
	v10 =	vadd.s32 $0x1B58, v5  }
0x1a6: {  	v4 =	vadd.s32 $0x1B58, v4;
	[tilespmem:s31+$0x110] =	vst v16;
	v13 =	vld.idx.msk [tilespmem:v61+s23+$0x0], $0xffff  }
0x1a7: {  	v3 =	vadd.s32 $0x1B58, v3;
	[tilespmem:s31+$0x130] =	vst v63;
	v7 =	vld.idx.msk [tilespmem:v8+s23+$0x0], $0xffff  }
0x1a8: {  	[tilespmem:s31+$0x120] =	vst v62;
	v5 =	vld.idx.msk [tilespmem:v6+s23+$0x0], $0xffff  }
0x1a9: {  	[tilespmem:s31+$0x140] =	vst v12;
	v8 =	vld.idx.msk [tilespmem:v11+s23+$0x0], $0xffff  }
0x1aa: {  	[tilespmem:s31+$0x150] =	vst v14;
	v9 =	vld.idx.msk [tilespmem:v10+s23+$0x0], $0xffff  }
0x1ab: {  	[tilespmem:s31+$0x160] =	vst v13;
	v6 =	vld.idx.msk [tilespmem:v4+s23+$0x0], $0xffff  }
0x1ac: {  	s5 =	simm.s32 $0x0;
	s6 =	sadd.s32 $0x80, s14;
	[tilespmem:s31+$0x180] =	vst v15;
	v4 =	vld.idx.msk [tilespmem:v3+s23+$0x0], $0xffff  }
.LBB2_9:
0x1ad: {  	v3 =	vld [tilespmem:s6+$0x30];
	s5 =	sadd.s32 $0x8, s5;
	[tilespmem:s31+$0x190] =	vst v7  }
0x1ae: {  	v10 =	vld [tilespmem:s6+$0xFFFFFFD0];
	p1 =	slt.u32 s5, $0x38;
	[tilespmem:s31+$0x1A0] =	vst v8  }
0x1af: {  	v8 =	vld [tilespmem:s6+$0xFFFFFFE0];
	[tilespmem:s31+$0x1B0] =	vst v5  }
0x1b0: {  	v5 =	vld [tilespmem:s6+$0xFFFFFFF0];
	[tilespmem:s31+$0x1C0] =	vst v9  }
0x1b1: {  	v9 =	vld [tilespmem:s6+$0x0];
	[tilespmem:s31+$0x1D0] =	vst v6  }
0x1b2: {  	v6 =	vld [tilespmem:s6+$0x10];
	[tilespmem:s31+$0x1E0] =	vst v4  }
0x1b3: {  	v4 =	vadd.s32 $0x3E8, v10;
	v24 =	vadd.s32 $0x7D0, v10;
	v25 =	vadd.s32 $0xBB8, v10;
	v26 =	vld [tilespmem:s6+$0x20]  }
0x1b4: {  	v7 =	vld [tilespmem:s6+$0xFFFFFFC0];
	v11 =	vadd.s32 $0x3E8, v8;
	v27 =	vadd.s32 $0x7D0, v8;
	v28 =	vadd.s32 $0xBB8, v8  }
0x1b5: {  	v12 =	vadd.s32 $0x3E8, v5;
	v29 =	vadd.s32 $0x7D0, v5;
	v30 =	vadd.s32 $0xBB8, v5;
	v13 =	vld.idx.msk [tilespmem:v3+s23+$0x0], $0xffff  }
0x1b6: {  	v14 =	vld.idx.msk [tilespmem:v10+s23+$0x0], $0xffff;
	v15 =	vadd.s32 $0x3E8, v9;
	v31 =	vadd.s32 $0x7D0, v9;
	v32 =	vadd.s32 $0xBB8, v9  }
0x1b7: {  	v17 =	vadd.s32 $0x3E8, v3;
	v16 =	vld.idx.msk [tilespmem:v8+s23+$0x0], $0xffff;
	v33 =	vadd.s32 $0x3E8, v6;
	v34 =	vadd.s32 $0x7D0, v6  }
0x1b8: {  	v35 =	vadd.s32 $0xBB8, v6;
	v19 =	vld.idx.msk [tilespmem:v5+s23+$0x0], $0xffff;
	v36 =	vadd.s32 $0x3E8, v26;
	v37 =	vadd.s32 $0x7D0, v26  }
0x1b9: {  	v38 =	vadd.s32 $0x3E8, v7;
	v39 =	vadd.s32 $0x7D0, v7;
	v40 =	vadd.s32 $0xBB8, v7;
	v23 =	vld.idx.msk [tilespmem:v9+s23+$0x0], $0xffff  }
0x1ba: {  	s31 =	sadd.s32 $0x400, s31;
	v42 =	vadd.s32 $0xFA0, v10;
	v44 =	vadd.s32 $0xBB8, v26;
	v41 =	vadd.s32 $0xFA0, v7;
	v43 =	vld.idx.msk [tilespmem:v6+s23+$0x0], $0xffff  }
0x1bb: {  	v45 =	vadd.s32 $0xFA0, v8;
	v46 =	vadd.s32 $0xFA0, v5;
	v47 =	vadd.s32 $0xFA0, v9;
	v48 =	vld.idx.msk [tilespmem:v26+s23+$0x0], $0xffff;
	[tilespmem:s31+$0xFFFFFE70] =	vst v13  }
0x1bc: {  	v49 =	vadd.s32 $0xFA0, v6;
	v50 =	vadd.s32 $0xFA0, v26;
	v18 =	vadd.s32 $0x1388, v7;
	[tilespmem:s31+$0xFFFFFE10] =	vst v14;
	v51 =	vld.idx.msk [tilespmem:v17+s23+$0x0], $0xffff  }
0x1bd: {  	v53 =	vadd.s32 $0x1388, v10;
	v22 =	vadd.s32 $0x1388, v8;
	v20 =	vadd.s32 $0x1388, v5;
	v52 =	vld.idx.msk [tilespmem:v7+s23+$0x0], $0xffff;
	[tilespmem:s31+$0xFFFFFE20] =	vst v16  }
0x1be: {  	v55 =	vadd.s32 $0x7D0, v3;
	v21 =	vadd.s32 $0x1388, v9;
	v54 =	vld.idx.msk [tilespmem:v4+s23+$0x0], $0xffff;
	[tilespmem:s31+$0xFFFFFE30] =	vst v19;
	v19 =	vadd.s32 $0x1388, v6  }
0x1bf: {  	v13 =	vadd.s32 $0x1770, v10;
	v16 =	vadd.s32 $0x1770, v7;
	v56 =	vld.idx.msk [tilespmem:v11+s23+$0x0], $0xffff;
	[tilespmem:s31+$0xFFFFFE40] =	vst v23;
	v23 =	vadd.s32 $0x1388, v26  }
0x1c0: {  	v17 =	vadd.s32 $0x1770, v8;
	v14 =	vadd.s32 $0x1770, v5;
	v11 =	vadd.s32 $0x1770, v9;
	v57 =	vld.idx.msk [tilespmem:v12+s23+$0x0], $0xffff;
	[tilespmem:s31+$0xFFFFFE50] =	vst v43  }
0x1c1: {  	v7 =	vadd.s32 $0x1B58, v7;
	v12 =	vadd.s32 $0x1770, v26;
	v43 =	vld.idx.msk [tilespmem:v15+s23+$0x0], $0xffff;
	v15 =	vadd.s32 $0x1770, v6;
	[tilespmem:s31+$0xFFFFFE60] =	vst v48  }
0x1c2: {  	v10 =	vadd.s32 $0x1B58, v10;
	v8 =	vadd.s32 $0x1B58, v8;
	v5 =	vadd.s32 $0x1B58, v5;
	v33 =	vld.idx.msk [tilespmem:v33+s23+$0x0], $0xffff;
	[tilespmem:s31+$0xFFFFFEF0] =	vst v51  }
0x1c3: {  	v4 =	vadd.s32 $0x1B58, v26;
	v9 =	vadd.s32 $0x1B58, v9;
	v6 =	vadd.s32 $0x1B58, v6;
	[tilespmem:s31+$0xFFFFFE00] =	vst v52;
	v26 =	vld.idx.msk [tilespmem:v55+s23+$0x0], $0xffff  }
0x1c4: {  	v38 =	vld.idx.msk [tilespmem:v38+s23+$0x0], $0xffff;
	[tilespmem:s31+$0xFFFFFE90] =	vst v54  }
0x1c5: {  	v48 =	vadd.s32 $0xBB8, v3;
	[tilespmem:s31+$0xFFFFFEA0] =	vst v56;
	v36 =	vld.idx.msk [tilespmem:v36+s23+$0x0], $0xffff  }
0x1c6: {  	v24 =	vld.idx.msk [tilespmem:v24+s23+$0x0], $0xffff;
	[tilespmem:s31+$0xFFFFFEB0] =	vst v57  }
0x1c7: {  	v27 =	vld.idx.msk [tilespmem:v27+s23+$0x0], $0xffff;
	[tilespmem:s31+$0xFFFFFEC0] =	vst v43  }
0x1c8: {  	v29 =	vld.idx.msk [tilespmem:v29+s23+$0x0], $0xffff;
	[tilespmem:s31+$0xFFFFFED0] =	vst v33  }
0x1c9: {  	v31 =	vld.idx.msk [tilespmem:v31+s23+$0x0], $0xffff;
	[tilespmem:s31+$0xFFFFFF70] =	vst v26  }
0x1ca: {  	[tilespmem:s31+$0xFFFFFE80] =	vst v38;
	v26 =	vld.idx.msk [tilespmem:v48+s23+$0x0], $0xffff  }
0x1cb: {  	v33 =	vld.idx.msk [tilespmem:v39+s23+$0x0], $0xffff;
	[tilespmem:s31+$0xFFFFFEE0] =	vst v36  }
0x1cc: {  	[tilespmem:s31+$0xFFFFFF10] =	vst v24;
	v24 =	vld.idx.msk [tilespmem:v34+s23+$0x0], $0xffff;
	v34 =	vadd.s32 $0xFA0, v3  }
0x1cd: {  	[tilespmem:s31+$0xFFFFFF20] =	vst v27;
	v27 =	vld.idx.msk [tilespmem:v37+s23+$0x0], $0xffff  }
0x1ce: {  	v25 =	vld.idx.msk [tilespmem:v25+s23+$0x0], $0xffff;
	[tilespmem:s31+$0xFFFFFF30] =	vst v29  }
0x1cf: {  	v28 =	vld.idx.msk [tilespmem:v28+s23+$0x0], $0xffff;
	[tilespmem:s31+$0xFFFFFF40] =	vst v31  }
0x1d0: {  	v29 =	vld.idx.msk [tilespmem:v30+s23+$0x0], $0xffff;
	[tilespmem:s31+$0xFFFFFFF0] =	vst v26  }
0x1d1: {  	[tilespmem:s31+$0xFFFFFF00] =	vst v33;
	v26 =	vld.idx.msk [tilespmem:v34+s23+$0x0], $0xffff  }
0x1d2: {  	v30 =	vld.idx.msk [tilespmem:v40+s23+$0x0], $0xffff;
	[tilespmem:s31+$0xFFFFFF50] =	vst v24  }
0x1d3: {  	v24 =	vld.idx.msk [tilespmem:v32+s23+$0x0], $0xffff;
	[tilespmem:s31+$0xFFFFFF60] =	vst v27;
	v27 =	vadd.s32 $0x1388, v3  }
0x1d4: {  	[tilespmem:s31+$0xFFFFFF90] =	vst v25;
	v25 =	vld.idx.msk [tilespmem:v35+s23+$0x0], $0xffff  }
0x1d5: {  	[tilespmem:s31+$0xFFFFFFA0] =	vst v28;
	v28 =	vld.idx.msk [tilespmem:v44+s23+$0x0], $0xffff  }
0x1d6: {  	v31 =	vld.idx.msk [tilespmem:v42+s23+$0x0], $0xffff;
	[tilespmem:s31+$0xFFFFFFB0] =	vst v29  }
0x1d7: {  	v29 =	vld.idx.msk [tilespmem:v45+s23+$0x0], $0xffff;
	[tilespmem:s31+$0x70] =	vst v26  }
0x1d8: {  	[tilespmem:s31+$0xFFFFFF80] =	vst v30;
	v26 =	vld.idx.msk [tilespmem:v27+s23+$0x0], $0xffff  }
0x1d9: {  	v27 =	vld.idx.msk [tilespmem:v41+s23+$0x0], $0xffff;
	[tilespmem:s31+$0xFFFFFFC0] =	vst v24  }
0x1da: {  	v24 =	vld.idx.msk [tilespmem:v46+s23+$0x0], $0xffff;
	[tilespmem:s31+$0xFFFFFFD0] =	vst v25;
	v25 =	vadd.s32 $0x1770, v3  }
0x1db: {  	v30 =	vld.idx.msk [tilespmem:v47+s23+$0x0], $0xffff;
	[tilespmem:s31+$0xFFFFFFE0] =	vst v28  }
0x1dc: {  	[tilespmem:s31+$0x10] =	vst v31;
	v28 =	vld.idx.msk [tilespmem:v49+s23+$0x0], $0xffff  }
0x1dd: {  	[tilespmem:s31+$0x20] =	vst v29;
	v29 =	vld.idx.msk [tilespmem:v50+s23+$0x0], $0xffff  }
0x1de: {  	v31 =	vld.idx.msk [tilespmem:v53+s23+$0x0], $0xffff;
	[tilespmem:s31+$0xF0] =	vst v26  }
0x1df: {  	[tilespmem:s31+$0x0] =	vst v27;
	v25 =	vld.idx.msk [tilespmem:v25+s23+$0x0], $0xffff  }
0x1e0: {  	v18 =	vld.idx.msk [tilespmem:v18+s23+$0x0], $0xffff;
	[tilespmem:s31+$0x30] =	vst v24  }
0x1e1: {  	v3 =	vadd.s32 $0x1B58, v3;
	v22 =	vld.idx.msk [tilespmem:v22+s23+$0x0], $0xffff;
	[tilespmem:s31+$0x40] =	vst v30  }
0x1e2: {  	v20 =	vld.idx.msk [tilespmem:v20+s23+$0x0], $0xffff;
	[tilespmem:s31+$0x50] =	vst v28  }
0x1e3: {  	v21 =	vld.idx.msk [tilespmem:v21+s23+$0x0], $0xffff;
	[tilespmem:s31+$0x60] =	vst v29  }
0x1e4: {  	[tilespmem:s31+$0x90] =	vst v31;
	v19 =	vld.idx.msk [tilespmem:v19+s23+$0x0], $0xffff  }
0x1e5: {  	v23 =	vld.idx.msk [tilespmem:v23+s23+$0x0], $0xffff;
	[tilespmem:s31+$0x170] =	vst v25  }
0x1e6: {  	[tilespmem:s31+$0x80] =	vst v18;
	v3 =	vld.idx.msk [tilespmem:v3+s23+$0x0], $0xffff  }
0x1e7: {  	v16 =	vld.idx.msk [tilespmem:v16+s23+$0x0], $0xffff;
	[tilespmem:s31+$0xA0] =	vst v22  }
0x1e8: {  	v13 =	vld.idx.msk [tilespmem:v13+s23+$0x0], $0xffff;
	[tilespmem:s31+$0xB0] =	vst v20  }
0x1e9: {  	v17 =	vld.idx.msk [tilespmem:v17+s23+$0x0], $0xffff;
	[tilespmem:s31+$0xC0] =	vst v21  }
0x1ea: {  	v14 =	vld.idx.msk [tilespmem:v14+s23+$0x0], $0xffff;
	[tilespmem:s31+$0xD0] =	vst v19  }
0x1eb: {  	v11 =	vld.idx.msk [tilespmem:v11+s23+$0x0], $0xffff;
	[tilespmem:s31+$0xE0] =	vst v23  }
0x1ec: {  	v15 =	vld.idx.msk [tilespmem:v15+s23+$0x0], $0xffff;
	[tilespmem:s31+$0x1F0] =	vst v3  }
0x1ed: {  	[tilespmem:s31+$0x100] =	vst v16;
	v3 =	vld.idx.msk [tilespmem:v12+s23+$0x0], $0xffff  }
0x1ee: {  	v12 =	vld.idx.msk [tilespmem:v7+s23+$0x0], $0xffff;
	[tilespmem:s31+$0x110] =	vst v13  }
0x1ef: {  	v7 =	vld.idx.msk [tilespmem:v10+s23+$0x0], $0xffff;
	[tilespmem:s31+$0x120] =	vst v17  }
.Ltmp3:
0x1f0: {  	v8 =	vld.idx.msk [tilespmem:v8+s23+$0x0], $0xffff;
	[tilespmem:s31+$0x130] =	vst v14;
	(pc) =	sbr.rel @p1 .LBB2_9-.Ltmp3, $4  }
0x1f1: {  	v5 =	vld.idx.msk [tilespmem:v5+s23+$0x0], $0xffff;
	[tilespmem:s31+$0x140] =	vst v11  }
0x1f2: {  	v9 =	vld.idx.msk [tilespmem:v9+s23+$0x0], $0xffff;
	[tilespmem:s31+$0x150] =	vst v15  }
0x1f3: {  	v6 =	vld.idx.msk [tilespmem:v6+s23+$0x0], $0xffff;
	[tilespmem:s31+$0x160] =	vst v3  }
0x1f4: {  	s6 =	sadd.s32 $0x80, s6;
	[tilespmem:s31+$0x180] =	vst v12;
	v4 =	vld.idx.msk [tilespmem:v4+s23+$0x0], $0xffff  }
0x1f5: {  	[tilespmem:s31+$0x190] =	vst v7  }
0x1f6: {  	[tilespmem:s31+$0x1A0] =	vst v8;
	s5 =	smul.u32 $0x1F4000, s1  }
0x1f7: {  	[tilespmem:s31+$0x1B0] =	vst v5  }
0x1f8: {  	[tilespmem:s31+$0x1C0] =	vst v9;
	s5 =	sadd.s32 s11, s5  }
0x1f9: {  	[tilespmem:s31+$0x1D0] =	vst v6;
	s5 =	sshrl.u32 s5, $0x3  }
0x1fa: {  	[tilespmem:s31+$0x1E0] =	vst v4;
	s5 =	sadd.s32 s2, s5  }
0x1fb: {  	[hbm4b:s5+s3] =	stream.linear.scatter [tilespmem:s24], [sflag:$0x1], $0x2000, $0x38;
	[tilespmem:$0x14350] =	vst v63  }
0x1fc: {  	_ =	swait.ge [sflag:s28], $0x2000  }
0x1fd: {  	[sflag:s28] =	ssyncset.done $0x0  }
0x1fe: {  	[sflag:s28] =	ssyncadd.s32 $0xFFFFE000  }
0x1ff: {  	v10 =	vld [tilespmem:s21+$0x0]  }
0x200: {  	v8 =	vld [tilespmem:s21+$0xFFFFFFA0]  }
0x201: {  	v7 =	vld [tilespmem:s21+$0xFFFFFFB0]  }
0x202: {  	v6 =	vld [tilespmem:s21+$0xFFFFFFC0]  }
0x203: {  	v5 =	vld [tilespmem:s21+$0xFFFFFFD0]  }
0x204: {  	v4 =	vld [tilespmem:s21+$0xFFFFFFE0]  }
0x205: {  	v3 =	vld [tilespmem:s21+$0xFFFFFFF0]  }
0x206: {  	v9 =	vld [tilespmem:s21+$0xFFFFFF90]  }
0x207: {  	v11 =	vld.idx.msk [tilespmem:v10+s23+$0x0], $0xffff  }
0x208: {  	v12 =	vld.idx.msk [tilespmem:v8+s23+$0x0], $0xffff  }
0x209: {  	v13 =	vld.idx.msk [tilespmem:v7+s23+$0x0], $0xffff  }
0x20a: {  	v14 =	vadd.s32 $0x3E8, v10;
	v15 =	vld.idx.msk [tilespmem:v6+s23+$0x0], $0xffff  }
0x20b: {  	v16 =	vadd.s32 $0x3E8, v8;
	v17 =	vld.idx.msk [tilespmem:v5+s23+$0x0], $0xffff  }
0x20c: {  	s31 =	simm.s32 $0x11540;
	v18 =	vadd.s32 $0x3E8, v7;
	v19 =	vld.idx.msk [tilespmem:v4+s23+$0x0], $0xffff  }
0x20d: {  	v20 =	vadd.s32 $0x3E8, v6;
	v21 =	vld.idx.msk [tilespmem:v3+s23+$0x0], $0xffff;
	[tilespmem:s31+$0xFFFFFE70] =	vst v11  }
0x20e: {  	v52 =	vadd.s32 $0x3E8, v4;
	v22 =	vld.idx.msk [tilespmem:v9+s23+$0x0], $0xffff;
	[tilespmem:s31+$0xFFFFFE10] =	vst v12  }
0x20f: {  	v55 =	vadd.s32 $0x3E8, v9;
	[tilespmem:s31+$0xFFFFFE20] =	vst v13;
	v51 =	vld.idx.msk [tilespmem:v14+s23+$0x0], $0xffff  }
0x210: {  	v56 =	vadd.s32 $0x3E8, v3;
	[tilespmem:s31+$0xFFFFFE30] =	vst v15;
	v53 =	vld.idx.msk [tilespmem:v16+s23+$0x0], $0xffff  }
0x211: {  	v11 =	vadd.s32 $0x3E8, v5;
	[tilespmem:s31+$0xFFFFFE40] =	vst v17;
	v18 =	vld.idx.msk [tilespmem:v18+s23+$0x0], $0xffff  }
0x212: {  	v54 =	vadd.s32 $0x7D0, v10;
	[tilespmem:s31+$0xFFFFFE50] =	vst v19;
	v20 =	vld.idx.msk [tilespmem:v20+s23+$0x0], $0xffff  }
0x213: {  	v57 =	vadd.s32 $0x7D0, v8;
	[tilespmem:s31+$0xFFFFFE00] =	vst v22;
	v14 =	vld.idx.msk [tilespmem:v52+s23+$0x0], $0xffff  }
0x214: {  	v58 =	vadd.s32 $0x7D0, v7;
	[tilespmem:s31+$0xFFFFFE60] =	vst v21;
	v16 =	vld.idx.msk [tilespmem:v55+s23+$0x0], $0xffff  }
0x215: {  	v59 =	vadd.s32 $0x7D0, v6;
	v61 =	vld.idx.msk [tilespmem:v56+s23+$0x0], $0xffff;
	[tilespmem:s31+$0xFFFFFEF0] =	vst v51  }
0x216: {  	v63 =	vadd.s32 $0x7D0, v9;
	v11 =	vld.idx.msk [tilespmem:v11+s23+$0x0], $0xffff;
	[tilespmem:s31+$0xFFFFFE90] =	vst v53  }
0x217: {  	v24 =	vadd.s32 $0x7D0, v4;
	[tilespmem:s31+$0xFFFFFEA0] =	vst v18;
	v15 =	vld.idx.msk [tilespmem:v54+s23+$0x0], $0xffff  }
0x218: {  	v60 =	vadd.s32 $0x7D0, v5;
	[tilespmem:s31+$0xFFFFFEB0] =	vst v20;
	v19 =	vld.idx.msk [tilespmem:v57+s23+$0x0], $0xffff  }
0x219: {  	v62 =	vadd.s32 $0xBB8, v10;
	[tilespmem:s31+$0xFFFFFED0] =	vst v14;
	v21 =	vld.idx.msk [tilespmem:v58+s23+$0x0], $0xffff  }
0x21a: {  	v25 =	vadd.s32 $0xBB8, v8;
	[tilespmem:s31+$0xFFFFFE80] =	vst v16;
	v12 =	vld.idx.msk [tilespmem:v59+s23+$0x0], $0xffff  }
0x21b: {  	v26 =	vadd.s32 $0xBB8, v7;
	[tilespmem:s31+$0xFFFFFEE0] =	vst v61;
	v18 =	vld.idx.msk [tilespmem:v63+s23+$0x0], $0xffff  }
0x21c: {  	v28 =	vadd.s32 $0xBB8, v6;
	v29 =	vld.idx.msk [tilespmem:v24+s23+$0x0], $0xffff;
	[tilespmem:s31+$0xFFFFFEC0] =	vst v11  }
0x21d: {  	v31 =	vadd.s32 $0xBB8, v9;
	v22 =	vld.idx.msk [tilespmem:v60+s23+$0x0], $0xffff;
	[tilespmem:s31+$0xFFFFFF70] =	vst v15  }
0x21e: {  	v33 =	vadd.s32 $0xBB8, v4;
	[tilespmem:s31+$0xFFFFFF10] =	vst v19;
	v27 =	vld.idx.msk [tilespmem:v62+s23+$0x0], $0xffff  }
0x21f: {  	v11 =	vadd.s32 $0x7D0, v3;
	[tilespmem:s31+$0xFFFFFF20] =	vst v21;
	v14 =	vld.idx.msk [tilespmem:v25+s23+$0x0], $0xffff  }
0x220: {  	v32 =	vadd.s32 $0xBB8, v5;
	[tilespmem:s31+$0xFFFFFF30] =	vst v12;
	v15 =	vld.idx.msk [tilespmem:v26+s23+$0x0], $0xffff  }
0x221: {  	v30 =	vadd.s32 $0xFA0, v10;
	[tilespmem:s31+$0xFFFFFF00] =	vst v18;
	v17 =	vld.idx.msk [tilespmem:v28+s23+$0x0], $0xffff  }
0x222: {  	v35 =	vadd.s32 $0xFA0, v8;
	[tilespmem:s31+$0xFFFFFF50] =	vst v29;
	v20 =	vld.idx.msk [tilespmem:v31+s23+$0x0], $0xffff  }
0x223: {  	v37 =	vadd.s32 $0xFA0, v7;
	v12 =	vld.idx.msk [tilespmem:v33+s23+$0x0], $0xffff;
	[tilespmem:s31+$0xFFFFFF40] =	vst v22  }
0x224: {  	v39 =	vadd.s32 $0xFA0, v9;
	v11 =	vld.idx.msk [tilespmem:v11+s23+$0x0], $0xffff;
	[tilespmem:s31+$0xFFFFFFF0] =	vst v27  }
0x225: {  	v40 =	vadd.s32 $0xFA0, v6;
	v38 =	vld.idx.msk [tilespmem:v32+s23+$0x0], $0xffff;
	[tilespmem:s31+$0xFFFFFF90] =	vst v14  }
0x226: {  	v43 =	vadd.s32 $0xFA0, v4;
	[tilespmem:s31+$0xFFFFFFA0] =	vst v15;
	v36 =	vld.idx.msk [tilespmem:v30+s23+$0x0], $0xffff  }
0x227: {  	v34 =	vadd.s32 $0xBB8, v3;
	[tilespmem:s31+$0xFFFFFFB0] =	vst v17;
	v16 =	vld.idx.msk [tilespmem:v35+s23+$0x0], $0xffff  }
0x228: {  	v42 =	vadd.s32 $0xFA0, v5;
	[tilespmem:s31+$0xFFFFFF80] =	vst v20;
	v19 =	vld.idx.msk [tilespmem:v37+s23+$0x0], $0xffff  }
0x229: {  	v21 =	vld.idx.msk [tilespmem:v39+s23+$0x0], $0xffff;
	[tilespmem:s31+$0xFFFFFF60] =	vst v11;
	v11 =	vadd.s32 $0x1388, v10  }
0x22a: {  	v45 =	vadd.s32 $0x1388, v8;
	[tilespmem:s31+$0xFFFFFFD0] =	vst v12;
	v46 =	vld.idx.msk [tilespmem:v40+s23+$0x0], $0xffff  }
0x22b: {  	v48 =	vadd.s32 $0x1388, v9;
	v50 =	vld.idx.msk [tilespmem:v43+s23+$0x0], $0xffff;
	[tilespmem:s31+$0xFFFFFFC0] =	vst v38  }
0x22c: {  	v49 =	vadd.s32 $0x1388, v7;
	v41 =	vld.idx.msk [tilespmem:v34+s23+$0x0], $0xffff;
	[tilespmem:s31+$0x70] =	vst v36  }
0x22d: {  	v44 =	vadd.s32 $0xFA0, v3;
	v22 =	vld.idx.msk [tilespmem:v42+s23+$0x0], $0xffff;
	[tilespmem:s31+$0x10] =	vst v16  }
0x22e: {  	v51 =	vadd.s32 $0x1388, v6;
	[tilespmem:s31+$0x20] =	vst v19;
	v11 =	vld.idx.msk [tilespmem:v11+s23+$0x0], $0xffff  }
0x22f: {  	v47 =	vadd.s32 $0x1770, v10;
	[tilespmem:s31+$0x0] =	vst v21;
	v20 =	vld.idx.msk [tilespmem:v45+s23+$0x0], $0xffff  }
0x230: {  	v52 =	vadd.s32 $0x1388, v5;
	[tilespmem:s31+$0x30] =	vst v46;
	v14 =	vld.idx.msk [tilespmem:v48+s23+$0x0], $0xffff  }
0x231: {  	v55 =	vadd.s32 $0x1770, v9;
	v54 =	vld.idx.msk [tilespmem:v49+s23+$0x0], $0xffff;
	[tilespmem:s31+$0xFFFFFFE0] =	vst v41  }
0x232: {  	v56 =	vadd.s32 $0x1770, v8;
	[tilespmem:s31+$0x50] =	vst v50;
	v18 =	vld.idx.msk [tilespmem:v44+s23+$0x0], $0xffff  }
0x233: {  	v53 =	vadd.s32 $0x1388, v3;
	v17 =	vld.idx.msk [tilespmem:v51+s23+$0x0], $0xffff;
	[tilespmem:s31+$0xF0] =	vst v11  }
0x234: {  	[tilespmem:s31+$0x40] =	vst v22;
	v11 =	vadd.s32 $0x1388, v4;
	v12 =	vld.idx.msk [tilespmem:v47+s23+$0x0], $0xffff  }
0x235: {  	v10 =	vadd.s32 $0x1B58, v10;
	v19 =	vld.idx.msk [tilespmem:v52+s23+$0x0], $0xffff;
	[tilespmem:s31+$0x80] =	vst v14  }
0x236: {  	v57 =	vadd.s32 $0x1770, v7;
	[tilespmem:s31+$0x90] =	vst v20;
	v15 =	vld.idx.msk [tilespmem:v55+s23+$0x0], $0xffff  }
0x237: {  	v58 =	vadd.s32 $0x1770, v6;
	v16 =	vld.idx.msk [tilespmem:v56+s23+$0x0], $0xffff;
	[tilespmem:s31+$0x60] =	vst v18  }
0x238: {  	v59 =	vadd.s32 $0x1770, v5;
	[tilespmem:s31+$0xA0] =	vst v54;
	v21 =	vld.idx.msk [tilespmem:v53+s23+$0x0], $0xffff  }
0x239: {  	v9 =	vadd.s32 $0x1B58, v9;
	v11 =	vld.idx.msk [tilespmem:v11+s23+$0x0], $0xffff;
	[tilespmem:s31+$0x170] =	vst v12  }
0x23a: {  	v60 =	vadd.s32 $0x1770, v4;
	[tilespmem:s31+$0xB0] =	vst v17;
	v10 =	vld.idx.msk [tilespmem:v10+s23+$0x0], $0xffff  }
0x23b: {  	v61 =	vadd.s32 $0x1770, v3;
	v62 =	vld.idx.msk [tilespmem:v57+s23+$0x0], $0xffff;
	[tilespmem:s31+$0xC0] =	vst v19  }
0x23c: {  	v8 =	vadd.s32 $0x1B58, v8;
	v63 =	vld.idx.msk [tilespmem:v58+s23+$0x0], $0xffff;
	[tilespmem:s31+$0x100] =	vst v15  }
0x23d: {  	v6 =	vadd.s32 $0x1B58, v6;
	v12 =	vld.idx.msk [tilespmem:v59+s23+$0x0], $0xffff;
	[tilespmem:s31+$0xE0] =	vst v21  }
0x23e: {  	v15 =	vld.idx.msk [tilespmem:v9+s23+$0x0], $0xffff;
	[tilespmem:s31+$0xD0] =	vst v11;
	v11 =	vadd.s32 $0x1B58, v7  }
0x23f: {  	v14 =	vld.idx.msk [tilespmem:v60+s23+$0x0], $0xffff;
	[tilespmem:s31+$0x1F0] =	vst v10;
	v10 =	vadd.s32 $0x1B58, v5  }
0x240: {  	v4 =	vadd.s32 $0x1B58, v4;
	[tilespmem:s31+$0x110] =	vst v16;
	v13 =	vld.idx.msk [tilespmem:v61+s23+$0x0], $0xffff  }
0x241: {  	v3 =	vadd.s32 $0x1B58, v3;
	[tilespmem:s31+$0x130] =	vst v63;
	v7 =	vld.idx.msk [tilespmem:v8+s23+$0x0], $0xffff  }
0x242: {  	[tilespmem:s31+$0x120] =	vst v62;
	v5 =	vld.idx.msk [tilespmem:v6+s23+$0x0], $0xffff  }
0x243: {  	[tilespmem:s31+$0x140] =	vst v12;
	v8 =	vld.idx.msk [tilespmem:v11+s23+$0x0], $0xffff  }
0x244: {  	[tilespmem:s31+$0x150] =	vst v14;
	v9 =	vld.idx.msk [tilespmem:v10+s23+$0x0], $0xffff  }
0x245: {  	[tilespmem:s31+$0x160] =	vst v13;
	v6 =	vld.idx.msk [tilespmem:v4+s23+$0x0], $0xffff  }
0x246: {  	s6 =	simm.s32 $0x0;
	s7 =	sadd.s32 $0x80, s21;
	s5 =	sshllo.u32 s1, $0x1;
	[tilespmem:s31+$0x180] =	vst v15;
	v4 =	vld.idx.msk [tilespmem:v3+s23+$0x0], $0xffff  }
.LBB2_11:
0x247: {  	v3 =	vld [tilespmem:s7+$0x0];
	s6 =	sadd.s32 $0x8, s6;
	[tilespmem:s31+$0x190] =	vst v7  }
0x248: {  	v10 =	vld [tilespmem:s7+$0xFFFFFFA0];
	p1 =	slt.u32 s6, $0x38;
	[tilespmem:s31+$0x1A0] =	vst v8  }
0x249: {  	v8 =	vld [tilespmem:s7+$0xFFFFFFB0];
	[tilespmem:s31+$0x1B0] =	vst v5  }
0x24a: {  	v5 =	vld [tilespmem:s7+$0xFFFFFFC0];
	[tilespmem:s31+$0x1C0] =	vst v9  }
0x24b: {  	v9 =	vld [tilespmem:s7+$0xFFFFFFD0];
	[tilespmem:s31+$0x1D0] =	vst v6  }
0x24c: {  	v6 =	vld [tilespmem:s7+$0xFFFFFFE0];
	[tilespmem:s31+$0x1E0] =	vst v4  }
0x24d: {  	v4 =	vadd.s32 $0x3E8, v10;
	v24 =	vadd.s32 $0x7D0, v10;
	v25 =	vadd.s32 $0xBB8, v10;
	v26 =	vld [tilespmem:s7+$0xFFFFFFF0]  }
0x24e: {  	v7 =	vld [tilespmem:s7+$0xFFFFFF90];
	v11 =	vadd.s32 $0x3E8, v8;
	v27 =	vadd.s32 $0x7D0, v8;
	v28 =	vadd.s32 $0xBB8, v8  }
0x24f: {  	v12 =	vadd.s32 $0x3E8, v5;
	v29 =	vadd.s32 $0x7D0, v5;
	v30 =	vadd.s32 $0xBB8, v5;
	v13 =	vld.idx.msk [tilespmem:v3+s23+$0x0], $0xffff  }
0x250: {  	v14 =	vld.idx.msk [tilespmem:v10+s23+$0x0], $0xffff;
	v15 =	vadd.s32 $0x3E8, v9;
	v31 =	vadd.s32 $0x7D0, v9;
	v32 =	vadd.s32 $0xBB8, v9  }
0x251: {  	v17 =	vadd.s32 $0x3E8, v3;
	v16 =	vld.idx.msk [tilespmem:v8+s23+$0x0], $0xffff;
	v33 =	vadd.s32 $0x3E8, v6;
	v34 =	vadd.s32 $0x7D0, v6  }
0x252: {  	v35 =	vadd.s32 $0xBB8, v6;
	v19 =	vld.idx.msk [tilespmem:v5+s23+$0x0], $0xffff;
	v36 =	vadd.s32 $0x3E8, v26;
	v37 =	vadd.s32 $0x7D0, v26  }
0x253: {  	v38 =	vadd.s32 $0x3E8, v7;
	v39 =	vadd.s32 $0x7D0, v7;
	v40 =	vadd.s32 $0xBB8, v7;
	v23 =	vld.idx.msk [tilespmem:v9+s23+$0x0], $0xffff  }
0x254: {  	s31 =	sadd.s32 $0x400, s31;
	v42 =	vadd.s32 $0xFA0, v10;
	v44 =	vadd.s32 $0xBB8, v26;
	v41 =	vadd.s32 $0xFA0, v7;
	v43 =	vld.idx.msk [tilespmem:v6+s23+$0x0], $0xffff  }
0x255: {  	v45 =	vadd.s32 $0xFA0, v8;
	v46 =	vadd.s32 $0xFA0, v5;
	v47 =	vadd.s32 $0xFA0, v9;
	v48 =	vld.idx.msk [tilespmem:v26+s23+$0x0], $0xffff;
	[tilespmem:s31+$0xFFFFFE70] =	vst v13  }
0x256: {  	v49 =	vadd.s32 $0xFA0, v6;
	v50 =	vadd.s32 $0xFA0, v26;
	v18 =	vadd.s32 $0x1388, v7;
	[tilespmem:s31+$0xFFFFFE10] =	vst v14;
	v51 =	vld.idx.msk [tilespmem:v17+s23+$0x0], $0xffff  }
0x257: {  	v53 =	vadd.s32 $0x1388, v10;
	v22 =	vadd.s32 $0x1388, v8;
	v20 =	vadd.s32 $0x1388, v5;
	v52 =	vld.idx.msk [tilespmem:v7+s23+$0x0], $0xffff;
	[tilespmem:s31+$0xFFFFFE20] =	vst v16  }
0x258: {  	v55 =	vadd.s32 $0x7D0, v3;
	v21 =	vadd.s32 $0x1388, v9;
	v54 =	vld.idx.msk [tilespmem:v4+s23+$0x0], $0xffff;
	[tilespmem:s31+$0xFFFFFE30] =	vst v19;
	v19 =	vadd.s32 $0x1388, v6  }
0x259: {  	v13 =	vadd.s32 $0x1770, v10;
	v16 =	vadd.s32 $0x1770, v7;
	v56 =	vld.idx.msk [tilespmem:v11+s23+$0x0], $0xffff;
	[tilespmem:s31+$0xFFFFFE40] =	vst v23;
	v23 =	vadd.s32 $0x1388, v26  }
0x25a: {  	v17 =	vadd.s32 $0x1770, v8;
	v14 =	vadd.s32 $0x1770, v5;
	v11 =	vadd.s32 $0x1770, v9;
	v57 =	vld.idx.msk [tilespmem:v12+s23+$0x0], $0xffff;
	[tilespmem:s31+$0xFFFFFE50] =	vst v43  }
0x25b: {  	v7 =	vadd.s32 $0x1B58, v7;
	v12 =	vadd.s32 $0x1770, v26;
	v43 =	vld.idx.msk [tilespmem:v15+s23+$0x0], $0xffff;
	v15 =	vadd.s32 $0x1770, v6;
	[tilespmem:s31+$0xFFFFFE60] =	vst v48  }
0x25c: {  	v10 =	vadd.s32 $0x1B58, v10;
	v8 =	vadd.s32 $0x1B58, v8;
	v5 =	vadd.s32 $0x1B58, v5;
	v33 =	vld.idx.msk [tilespmem:v33+s23+$0x0], $0xffff;
	[tilespmem:s31+$0xFFFFFEF0] =	vst v51  }
0x25d: {  	v4 =	vadd.s32 $0x1B58, v26;
	v9 =	vadd.s32 $0x1B58, v9;
	v6 =	vadd.s32 $0x1B58, v6;
	[tilespmem:s31+$0xFFFFFE00] =	vst v52;
	v26 =	vld.idx.msk [tilespmem:v55+s23+$0x0], $0xffff  }
0x25e: {  	v38 =	vld.idx.msk [tilespmem:v38+s23+$0x0], $0xffff;
	[tilespmem:s31+$0xFFFFFE90] =	vst v54  }
0x25f: {  	v48 =	vadd.s32 $0xBB8, v3;
	[tilespmem:s31+$0xFFFFFEA0] =	vst v56;
	v36 =	vld.idx.msk [tilespmem:v36+s23+$0x0], $0xffff  }
0x260: {  	v24 =	vld.idx.msk [tilespmem:v24+s23+$0x0], $0xffff;
	[tilespmem:s31+$0xFFFFFEB0] =	vst v57  }
0x261: {  	v27 =	vld.idx.msk [tilespmem:v27+s23+$0x0], $0xffff;
	[tilespmem:s31+$0xFFFFFEC0] =	vst v43  }
0x262: {  	v29 =	vld.idx.msk [tilespmem:v29+s23+$0x0], $0xffff;
	[tilespmem:s31+$0xFFFFFED0] =	vst v33  }
0x263: {  	v31 =	vld.idx.msk [tilespmem:v31+s23+$0x0], $0xffff;
	[tilespmem:s31+$0xFFFFFF70] =	vst v26  }
0x264: {  	[tilespmem:s31+$0xFFFFFE80] =	vst v38;
	v26 =	vld.idx.msk [tilespmem:v48+s23+$0x0], $0xffff  }
0x265: {  	v33 =	vld.idx.msk [tilespmem:v39+s23+$0x0], $0xffff;
	[tilespmem:s31+$0xFFFFFEE0] =	vst v36  }
0x266: {  	[tilespmem:s31+$0xFFFFFF10] =	vst v24;
	v24 =	vld.idx.msk [tilespmem:v34+s23+$0x0], $0xffff;
	v34 =	vadd.s32 $0xFA0, v3  }
0x267: {  	[tilespmem:s31+$0xFFFFFF20] =	vst v27;
	v27 =	vld.idx.msk [tilespmem:v37+s23+$0x0], $0xffff  }
0x268: {  	v25 =	vld.idx.msk [tilespmem:v25+s23+$0x0], $0xffff;
	[tilespmem:s31+$0xFFFFFF30] =	vst v29  }
0x269: {  	v28 =	vld.idx.msk [tilespmem:v28+s23+$0x0], $0xffff;
	[tilespmem:s31+$0xFFFFFF40] =	vst v31  }
0x26a: {  	v29 =	vld.idx.msk [tilespmem:v30+s23+$0x0], $0xffff;
	[tilespmem:s31+$0xFFFFFFF0] =	vst v26  }
0x26b: {  	[tilespmem:s31+$0xFFFFFF00] =	vst v33;
	v26 =	vld.idx.msk [tilespmem:v34+s23+$0x0], $0xffff  }
0x26c: {  	v30 =	vld.idx.msk [tilespmem:v40+s23+$0x0], $0xffff;
	[tilespmem:s31+$0xFFFFFF50] =	vst v24  }
0x26d: {  	v24 =	vld.idx.msk [tilespmem:v32+s23+$0x0], $0xffff;
	[tilespmem:s31+$0xFFFFFF60] =	vst v27;
	v27 =	vadd.s32 $0x1388, v3  }
0x26e: {  	[tilespmem:s31+$0xFFFFFF90] =	vst v25;
	v25 =	vld.idx.msk [tilespmem:v35+s23+$0x0], $0xffff  }
0x26f: {  	[tilespmem:s31+$0xFFFFFFA0] =	vst v28;
	v28 =	vld.idx.msk [tilespmem:v44+s23+$0x0], $0xffff  }
0x270: {  	v31 =	vld.idx.msk [tilespmem:v42+s23+$0x0], $0xffff;
	[tilespmem:s31+$0xFFFFFFB0] =	vst v29  }
0x271: {  	v29 =	vld.idx.msk [tilespmem:v45+s23+$0x0], $0xffff;
	[tilespmem:s31+$0x70] =	vst v26  }
0x272: {  	[tilespmem:s31+$0xFFFFFF80] =	vst v30;
	v26 =	vld.idx.msk [tilespmem:v27+s23+$0x0], $0xffff  }
0x273: {  	v27 =	vld.idx.msk [tilespmem:v41+s23+$0x0], $0xffff;
	[tilespmem:s31+$0xFFFFFFC0] =	vst v24  }
0x274: {  	v24 =	vld.idx.msk [tilespmem:v46+s23+$0x0], $0xffff;
	[tilespmem:s31+$0xFFFFFFD0] =	vst v25;
	v25 =	vadd.s32 $0x1770, v3  }
0x275: {  	v30 =	vld.idx.msk [tilespmem:v47+s23+$0x0], $0xffff;
	[tilespmem:s31+$0xFFFFFFE0] =	vst v28  }
0x276: {  	[tilespmem:s31+$0x10] =	vst v31;
	v28 =	vld.idx.msk [tilespmem:v49+s23+$0x0], $0xffff  }
0x277: {  	[tilespmem:s31+$0x20] =	vst v29;
	v29 =	vld.idx.msk [tilespmem:v50+s23+$0x0], $0xffff  }
0x278: {  	v31 =	vld.idx.msk [tilespmem:v53+s23+$0x0], $0xffff;
	[tilespmem:s31+$0xF0] =	vst v26  }
0x279: {  	[tilespmem:s31+$0x0] =	vst v27;
	v25 =	vld.idx.msk [tilespmem:v25+s23+$0x0], $0xffff  }
0x27a: {  	v18 =	vld.idx.msk [tilespmem:v18+s23+$0x0], $0xffff;
	[tilespmem:s31+$0x30] =	vst v24  }
0x27b: {  	v3 =	vadd.s32 $0x1B58, v3;
	v22 =	vld.idx.msk [tilespmem:v22+s23+$0x0], $0xffff;
	[tilespmem:s31+$0x40] =	vst v30  }
0x27c: {  	v20 =	vld.idx.msk [tilespmem:v20+s23+$0x0], $0xffff;
	[tilespmem:s31+$0x50] =	vst v28  }
0x27d: {  	v21 =	vld.idx.msk [tilespmem:v21+s23+$0x0], $0xffff;
	[tilespmem:s31+$0x60] =	vst v29  }
0x27e: {  	[tilespmem:s31+$0x90] =	vst v31;
	v19 =	vld.idx.msk [tilespmem:v19+s23+$0x0], $0xffff  }
0x27f: {  	v23 =	vld.idx.msk [tilespmem:v23+s23+$0x0], $0xffff;
	[tilespmem:s31+$0x170] =	vst v25  }
0x280: {  	[tilespmem:s31+$0x80] =	vst v18;
	v3 =	vld.idx.msk [tilespmem:v3+s23+$0x0], $0xffff  }
0x281: {  	v16 =	vld.idx.msk [tilespmem:v16+s23+$0x0], $0xffff;
	[tilespmem:s31+$0xA0] =	vst v22  }
0x282: {  	v13 =	vld.idx.msk [tilespmem:v13+s23+$0x0], $0xffff;
	[tilespmem:s31+$0xB0] =	vst v20  }
0x283: {  	v17 =	vld.idx.msk [tilespmem:v17+s23+$0x0], $0xffff;
	[tilespmem:s31+$0xC0] =	vst v21  }
0x284: {  	v14 =	vld.idx.msk [tilespmem:v14+s23+$0x0], $0xffff;
	[tilespmem:s31+$0xD0] =	vst v19  }
0x285: {  	v11 =	vld.idx.msk [tilespmem:v11+s23+$0x0], $0xffff;
	[tilespmem:s31+$0xE0] =	vst v23  }
0x286: {  	v15 =	vld.idx.msk [tilespmem:v15+s23+$0x0], $0xffff;
	[tilespmem:s31+$0x1F0] =	vst v3  }
0x287: {  	[tilespmem:s31+$0x100] =	vst v16;
	v3 =	vld.idx.msk [tilespmem:v12+s23+$0x0], $0xffff  }
0x288: {  	v12 =	vld.idx.msk [tilespmem:v7+s23+$0x0], $0xffff;
	[tilespmem:s31+$0x110] =	vst v13  }
0x289: {  	v7 =	vld.idx.msk [tilespmem:v10+s23+$0x0], $0xffff;
	[tilespmem:s31+$0x120] =	vst v17  }
.Ltmp4:
0x28a: {  	v8 =	vld.idx.msk [tilespmem:v8+s23+$0x0], $0xffff;
	[tilespmem:s31+$0x130] =	vst v14;
	(pc) =	sbr.rel @p1 .LBB2_11-.Ltmp4, $4  }
0x28b: {  	v5 =	vld.idx.msk [tilespmem:v5+s23+$0x0], $0xffff;
	[tilespmem:s31+$0x140] =	vst v11  }
0x28c: {  	v9 =	vld.idx.msk [tilespmem:v9+s23+$0x0], $0xffff;
	[tilespmem:s31+$0x150] =	vst v15  }
0x28d: {  	v6 =	vld.idx.msk [tilespmem:v6+s23+$0x0], $0xffff;
	[tilespmem:s31+$0x160] =	vst v3  }
0x28e: {  	s7 =	sadd.s32 $0x80, s7;
	[tilespmem:s31+$0x180] =	vst v12;
	v4 =	vld.idx.msk [tilespmem:v4+s23+$0x0], $0xffff  }
0x28f: {  	[tilespmem:s31+$0x190] =	vst v7;
	s1 =	sadd.s32 $0x1, s1  }
0x290: {  	[tilespmem:s31+$0x1A0] =	vst v8;
	s5 =	smul.u32 $0xFA000, s5;
	p1 =	sne.s32 s1, $0x19  }
.Ltmp5:
0x291: {  	[tilespmem:s31+$0x1B0] =	vst v5;
	(pc) =	sbr.rel @p1 .LBB2_8-.Ltmp5, $4  }
0x292: {  	[tilespmem:s31+$0x1C0] =	vst v9;
	s5 =	sadd.s32 s11, s5  }
0x293: {  	[tilespmem:s31+$0x1D0] =	vst v6;
	s5 =	sshrl.u32 s5, $0x3  }
0x294: {  	s14 =	sadd.s32 $0x800, s14;
	s21 =	sadd.s32 $0x800, s21;
	[tilespmem:s31+$0x1E0] =	vst v4;
	s5 =	sadd.s32 s2, s5  }
0x295: {  	[hbm4b:s5+s3] =	stream.linear.scatter [tilespmem:s25], [sflag:$0x2], $0x2000, $0x38;
	[tilespmem:$0x14350] =	vst v63  }
0x296: {  	s1 =	simm.s32 $0x0  }
0x297: {  	[tilespmem:s23], [sflag:$0x4] =	stream.linear.gather [hbm4b:s12+s1], $0x1F40, $0x38;
	[tilespmem:$0x14350] =	vst v63  }
0x298: {  	_ =	swait.ge [sflag:s20], $0x1F40  }
0x299: {  	[sflag:s20] =	ssyncset.done $0x0  }
0x29a: {  	s14 =	simm.s32 $0x40;
	s21 =	simm.s32 $0x470;
	[sflag:s20] =	ssyncadd.s32 $0xFFFFE0C0  }
.LBB2_14:
0x29b: {  	_ =	swait.ge [sflag:s26], $0x2000  }
0x29c: {  	[sflag:s26] =	ssyncset.done $0x0  }
0x29d: {  	[sflag:s26] =	ssyncadd.s32 $0xFFFFE000  }
0x29e: {  	v10 =	vld [tilespmem:s14+$0x30]  }
0x29f: {  	v8 =	vld [tilespmem:s14+$0xFFFFFFD0]  }
0x2a0: {  	v7 =	vld [tilespmem:s14+$0xFFFFFFE0]  }
0x2a1: {  	v6 =	vld [tilespmem:s14+$0xFFFFFFF0]  }
0x2a2: {  	v5 =	vld [tilespmem:s14+$0x0]  }
0x2a3: {  	v4 =	vld [tilespmem:s14+$0x10]  }
0x2a4: {  	v3 =	vld [tilespmem:s14+$0x20]  }
0x2a5: {  	v9 =	vld [tilespmem:s14+$0xFFFFFFC0]  }
0x2a6: {  	v11 =	vld.idx.msk [tilespmem:v10+s23+$0x0], $0xffff  }
0x2a7: {  	v12 =	vld.idx.msk [tilespmem:v8+s23+$0x0], $0xffff  }
0x2a8: {  	v13 =	vld.idx.msk [tilespmem:v7+s23+$0x0], $0xffff  }
0x2a9: {  	v14 =	vadd.s32 $0x3E8, v10;
	v15 =	vld.idx.msk [tilespmem:v6+s23+$0x0], $0xffff  }
0x2aa: {  	v16 =	vadd.s32 $0x3E8, v8;
	v17 =	vld.idx.msk [tilespmem:v5+s23+$0x0], $0xffff  }
0x2ab: {  	s31 =	simm.s32 $0xF540;
	v18 =	vadd.s32 $0x3E8, v7;
	v19 =	vld.idx.msk [tilespmem:v4+s23+$0x0], $0xffff  }
0x2ac: {  	v20 =	vadd.s32 $0x3E8, v6;
	v21 =	vld.idx.msk [tilespmem:v3+s23+$0x0], $0xffff;
	[tilespmem:s31+$0xFFFFFE70] =	vst v11  }
0x2ad: {  	v52 =	vadd.s32 $0x3E8, v4;
	v22 =	vld.idx.msk [tilespmem:v9+s23+$0x0], $0xffff;
	[tilespmem:s31+$0xFFFFFE10] =	vst v12  }
0x2ae: {  	v55 =	vadd.s32 $0x3E8, v9;
	[tilespmem:s31+$0xFFFFFE20] =	vst v13;
	v51 =	vld.idx.msk [tilespmem:v14+s23+$0x0], $0xffff  }
0x2af: {  	v56 =	vadd.s32 $0x3E8, v3;
	[tilespmem:s31+$0xFFFFFE30] =	vst v15;
	v53 =	vld.idx.msk [tilespmem:v16+s23+$0x0], $0xffff  }
0x2b0: {  	v11 =	vadd.s32 $0x3E8, v5;
	[tilespmem:s31+$0xFFFFFE40] =	vst v17;
	v18 =	vld.idx.msk [tilespmem:v18+s23+$0x0], $0xffff  }
0x2b1: {  	v54 =	vadd.s32 $0x7D0, v10;
	[tilespmem:s31+$0xFFFFFE50] =	vst v19;
	v20 =	vld.idx.msk [tilespmem:v20+s23+$0x0], $0xffff  }
0x2b2: {  	v57 =	vadd.s32 $0x7D0, v8;
	[tilespmem:s31+$0xFFFFFE00] =	vst v22;
	v14 =	vld.idx.msk [tilespmem:v52+s23+$0x0], $0xffff  }
0x2b3: {  	v58 =	vadd.s32 $0x7D0, v7;
	[tilespmem:s31+$0xFFFFFE60] =	vst v21;
	v16 =	vld.idx.msk [tilespmem:v55+s23+$0x0], $0xffff  }
0x2b4: {  	v59 =	vadd.s32 $0x7D0, v6;
	v61 =	vld.idx.msk [tilespmem:v56+s23+$0x0], $0xffff;
	[tilespmem:s31+$0xFFFFFEF0] =	vst v51  }
0x2b5: {  	v63 =	vadd.s32 $0x7D0, v9;
	v11 =	vld.idx.msk [tilespmem:v11+s23+$0x0], $0xffff;
	[tilespmem:s31+$0xFFFFFE90] =	vst v53  }
0x2b6: {  	v24 =	vadd.s32 $0x7D0, v4;
	[tilespmem:s31+$0xFFFFFEA0] =	vst v18;
	v15 =	vld.idx.msk [tilespmem:v54+s23+$0x0], $0xffff  }
0x2b7: {  	v60 =	vadd.s32 $0x7D0, v5;
	[tilespmem:s31+$0xFFFFFEB0] =	vst v20;
	v19 =	vld.idx.msk [tilespmem:v57+s23+$0x0], $0xffff  }
0x2b8: {  	v62 =	vadd.s32 $0xBB8, v10;
	[tilespmem:s31+$0xFFFFFED0] =	vst v14;
	v21 =	vld.idx.msk [tilespmem:v58+s23+$0x0], $0xffff  }
0x2b9: {  	v25 =	vadd.s32 $0xBB8, v8;
	[tilespmem:s31+$0xFFFFFE80] =	vst v16;
	v12 =	vld.idx.msk [tilespmem:v59+s23+$0x0], $0xffff  }
0x2ba: {  	v26 =	vadd.s32 $0xBB8, v7;
	[tilespmem:s31+$0xFFFFFEE0] =	vst v61;
	v18 =	vld.idx.msk [tilespmem:v63+s23+$0x0], $0xffff  }
0x2bb: {  	v28 =	vadd.s32 $0xBB8, v6;
	v29 =	vld.idx.msk [tilespmem:v24+s23+$0x0], $0xffff;
	[tilespmem:s31+$0xFFFFFEC0] =	vst v11  }
0x2bc: {  	v31 =	vadd.s32 $0xBB8, v9;
	v22 =	vld.idx.msk [tilespmem:v60+s23+$0x0], $0xffff;
	[tilespmem:s31+$0xFFFFFF70] =	vst v15  }
0x2bd: {  	v33 =	vadd.s32 $0xBB8, v4;
	[tilespmem:s31+$0xFFFFFF10] =	vst v19;
	v27 =	vld.idx.msk [tilespmem:v62+s23+$0x0], $0xffff  }
0x2be: {  	v11 =	vadd.s32 $0x7D0, v3;
	[tilespmem:s31+$0xFFFFFF20] =	vst v21;
	v14 =	vld.idx.msk [tilespmem:v25+s23+$0x0], $0xffff  }
0x2bf: {  	v32 =	vadd.s32 $0xBB8, v5;
	[tilespmem:s31+$0xFFFFFF30] =	vst v12;
	v15 =	vld.idx.msk [tilespmem:v26+s23+$0x0], $0xffff  }
0x2c0: {  	v30 =	vadd.s32 $0xFA0, v10;
	[tilespmem:s31+$0xFFFFFF00] =	vst v18;
	v17 =	vld.idx.msk [tilespmem:v28+s23+$0x0], $0xffff  }
0x2c1: {  	v35 =	vadd.s32 $0xFA0, v8;
	[tilespmem:s31+$0xFFFFFF50] =	vst v29;
	v20 =	vld.idx.msk [tilespmem:v31+s23+$0x0], $0xffff  }
0x2c2: {  	v37 =	vadd.s32 $0xFA0, v7;
	v12 =	vld.idx.msk [tilespmem:v33+s23+$0x0], $0xffff;
	[tilespmem:s31+$0xFFFFFF40] =	vst v22  }
0x2c3: {  	v39 =	vadd.s32 $0xFA0, v9;
	v11 =	vld.idx.msk [tilespmem:v11+s23+$0x0], $0xffff;
	[tilespmem:s31+$0xFFFFFFF0] =	vst v27  }
0x2c4: {  	v40 =	vadd.s32 $0xFA0, v6;
	v38 =	vld.idx.msk [tilespmem:v32+s23+$0x0], $0xffff;
	[tilespmem:s31+$0xFFFFFF90] =	vst v14  }
0x2c5: {  	v43 =	vadd.s32 $0xFA0, v4;
	[tilespmem:s31+$0xFFFFFFA0] =	vst v15;
	v36 =	vld.idx.msk [tilespmem:v30+s23+$0x0], $0xffff  }
0x2c6: {  	v34 =	vadd.s32 $0xBB8, v3;
	[tilespmem:s31+$0xFFFFFFB0] =	vst v17;
	v16 =	vld.idx.msk [tilespmem:v35+s23+$0x0], $0xffff  }
0x2c7: {  	v42 =	vadd.s32 $0xFA0, v5;
	[tilespmem:s31+$0xFFFFFF80] =	vst v20;
	v19 =	vld.idx.msk [tilespmem:v37+s23+$0x0], $0xffff  }
0x2c8: {  	v21 =	vld.idx.msk [tilespmem:v39+s23+$0x0], $0xffff;
	[tilespmem:s31+$0xFFFFFF60] =	vst v11;
	v11 =	vadd.s32 $0x1388, v10  }
0x2c9: {  	v45 =	vadd.s32 $0x1388, v8;
	[tilespmem:s31+$0xFFFFFFD0] =	vst v12;
	v46 =	vld.idx.msk [tilespmem:v40+s23+$0x0], $0xffff  }
0x2ca: {  	v48 =	vadd.s32 $0x1388, v9;
	v50 =	vld.idx.msk [tilespmem:v43+s23+$0x0], $0xffff;
	[tilespmem:s31+$0xFFFFFFC0] =	vst v38  }
0x2cb: {  	v49 =	vadd.s32 $0x1388, v7;
	v41 =	vld.idx.msk [tilespmem:v34+s23+$0x0], $0xffff;
	[tilespmem:s31+$0x70] =	vst v36  }
0x2cc: {  	v44 =	vadd.s32 $0xFA0, v3;
	v22 =	vld.idx.msk [tilespmem:v42+s23+$0x0], $0xffff;
	[tilespmem:s31+$0x10] =	vst v16  }
0x2cd: {  	v51 =	vadd.s32 $0x1388, v6;
	[tilespmem:s31+$0x20] =	vst v19;
	v11 =	vld.idx.msk [tilespmem:v11+s23+$0x0], $0xffff  }
0x2ce: {  	v47 =	vadd.s32 $0x1770, v10;
	[tilespmem:s31+$0x0] =	vst v21;
	v20 =	vld.idx.msk [tilespmem:v45+s23+$0x0], $0xffff  }
0x2cf: {  	v52 =	vadd.s32 $0x1388, v5;
	[tilespmem:s31+$0x30] =	vst v46;
	v14 =	vld.idx.msk [tilespmem:v48+s23+$0x0], $0xffff  }
0x2d0: {  	v55 =	vadd.s32 $0x1770, v9;
	v54 =	vld.idx.msk [tilespmem:v49+s23+$0x0], $0xffff;
	[tilespmem:s31+$0xFFFFFFE0] =	vst v41  }
0x2d1: {  	v56 =	vadd.s32 $0x1770, v8;
	[tilespmem:s31+$0x50] =	vst v50;
	v18 =	vld.idx.msk [tilespmem:v44+s23+$0x0], $0xffff  }
0x2d2: {  	v53 =	vadd.s32 $0x1388, v3;
	v17 =	vld.idx.msk [tilespmem:v51+s23+$0x0], $0xffff;
	[tilespmem:s31+$0xF0] =	vst v11  }
0x2d3: {  	[tilespmem:s31+$0x40] =	vst v22;
	v11 =	vadd.s32 $0x1388, v4;
	v12 =	vld.idx.msk [tilespmem:v47+s23+$0x0], $0xffff  }
0x2d4: {  	v10 =	vadd.s32 $0x1B58, v10;
	v19 =	vld.idx.msk [tilespmem:v52+s23+$0x0], $0xffff;
	[tilespmem:s31+$0x80] =	vst v14  }
0x2d5: {  	v57 =	vadd.s32 $0x1770, v7;
	[tilespmem:s31+$0x90] =	vst v20;
	v15 =	vld.idx.msk [tilespmem:v55+s23+$0x0], $0xffff  }
0x2d6: {  	v58 =	vadd.s32 $0x1770, v6;
	v16 =	vld.idx.msk [tilespmem:v56+s23+$0x0], $0xffff;
	[tilespmem:s31+$0x60] =	vst v18  }
0x2d7: {  	v59 =	vadd.s32 $0x1770, v5;
	[tilespmem:s31+$0xA0] =	vst v54;
	v21 =	vld.idx.msk [tilespmem:v53+s23+$0x0], $0xffff  }
0x2d8: {  	v9 =	vadd.s32 $0x1B58, v9;
	v11 =	vld.idx.msk [tilespmem:v11+s23+$0x0], $0xffff;
	[tilespmem:s31+$0x170] =	vst v12  }
0x2d9: {  	v60 =	vadd.s32 $0x1770, v4;
	[tilespmem:s31+$0xB0] =	vst v17;
	v10 =	vld.idx.msk [tilespmem:v10+s23+$0x0], $0xffff  }
0x2da: {  	v61 =	vadd.s32 $0x1770, v3;
	v62 =	vld.idx.msk [tilespmem:v57+s23+$0x0], $0xffff;
	[tilespmem:s31+$0xC0] =	vst v19  }
0x2db: {  	v8 =	vadd.s32 $0x1B58, v8;
	v63 =	vld.idx.msk [tilespmem:v58+s23+$0x0], $0xffff;
	[tilespmem:s31+$0x100] =	vst v15  }
0x2dc: {  	v6 =	vadd.s32 $0x1B58, v6;
	v12 =	vld.idx.msk [tilespmem:v59+s23+$0x0], $0xffff;
	[tilespmem:s31+$0xE0] =	vst v21  }
0x2dd: {  	v15 =	vld.idx.msk [tilespmem:v9+s23+$0x0], $0xffff;
	[tilespmem:s31+$0xD0] =	vst v11;
	v11 =	vadd.s32 $0x1B58, v7  }
0x2de: {  	v14 =	vld.idx.msk [tilespmem:v60+s23+$0x0], $0xffff;
	[tilespmem:s31+$0x1F0] =	vst v10;
	v10 =	vadd.s32 $0x1B58, v5  }
0x2df: {  	v4 =	vadd.s32 $0x1B58, v4;
	[tilespmem:s31+$0x110] =	vst v16;
	v13 =	vld.idx.msk [tilespmem:v61+s23+$0x0], $0xffff  }
0x2e0: {  	v3 =	vadd.s32 $0x1B58, v3;
	[tilespmem:s31+$0x130] =	vst v63;
	v7 =	vld.idx.msk [tilespmem:v8+s23+$0x0], $0xffff  }
0x2e1: {  	[tilespmem:s31+$0x120] =	vst v62;
	v5 =	vld.idx.msk [tilespmem:v6+s23+$0x0], $0xffff  }
0x2e2: {  	[tilespmem:s31+$0x140] =	vst v12;
	v8 =	vld.idx.msk [tilespmem:v11+s23+$0x0], $0xffff  }
0x2e3: {  	[tilespmem:s31+$0x150] =	vst v14;
	v9 =	vld.idx.msk [tilespmem:v10+s23+$0x0], $0xffff  }
0x2e4: {  	[tilespmem:s31+$0x160] =	vst v13;
	v6 =	vld.idx.msk [tilespmem:v4+s23+$0x0], $0xffff  }
0x2e5: {  	s5 =	simm.s32 $0x0;
	s6 =	sadd.s32 $0x80, s14;
	[tilespmem:s31+$0x180] =	vst v15;
	v4 =	vld.idx.msk [tilespmem:v3+s23+$0x0], $0xffff  }
.LBB2_15:
0x2e6: {  	v3 =	vld [tilespmem:s6+$0x30];
	s5 =	sadd.s32 $0x8, s5;
	[tilespmem:s31+$0x190] =	vst v7  }
0x2e7: {  	v10 =	vld [tilespmem:s6+$0xFFFFFFD0];
	p1 =	slt.u32 s5, $0x38;
	[tilespmem:s31+$0x1A0] =	vst v8  }
0x2e8: {  	v8 =	vld [tilespmem:s6+$0xFFFFFFE0];
	[tilespmem:s31+$0x1B0] =	vst v5  }
0x2e9: {  	v5 =	vld [tilespmem:s6+$0xFFFFFFF0];
	[tilespmem:s31+$0x1C0] =	vst v9  }
0x2ea: {  	v9 =	vld [tilespmem:s6+$0x0];
	[tilespmem:s31+$0x1D0] =	vst v6  }
0x2eb: {  	v6 =	vld [tilespmem:s6+$0x10];
	[tilespmem:s31+$0x1E0] =	vst v4  }
0x2ec: {  	v4 =	vadd.s32 $0x3E8, v10;
	v24 =	vadd.s32 $0x7D0, v10;
	v25 =	vadd.s32 $0xBB8, v10;
	v26 =	vld [tilespmem:s6+$0x20]  }
0x2ed: {  	v7 =	vld [tilespmem:s6+$0xFFFFFFC0];
	v11 =	vadd.s32 $0x3E8, v8;
	v27 =	vadd.s32 $0x7D0, v8;
	v28 =	vadd.s32 $0xBB8, v8  }
0x2ee: {  	v12 =	vadd.s32 $0x3E8, v5;
	v29 =	vadd.s32 $0x7D0, v5;
	v30 =	vadd.s32 $0xBB8, v5;
	v13 =	vld.idx.msk [tilespmem:v3+s23+$0x0], $0xffff  }
0x2ef: {  	v14 =	vld.idx.msk [tilespmem:v10+s23+$0x0], $0xffff;
	v15 =	vadd.s32 $0x3E8, v9;
	v31 =	vadd.s32 $0x7D0, v9;
	v32 =	vadd.s32 $0xBB8, v9  }
0x2f0: {  	v17 =	vadd.s32 $0x3E8, v3;
	v16 =	vld.idx.msk [tilespmem:v8+s23+$0x0], $0xffff;
	v33 =	vadd.s32 $0x3E8, v6;
	v34 =	vadd.s32 $0x7D0, v6  }
0x2f1: {  	v35 =	vadd.s32 $0xBB8, v6;
	v19 =	vld.idx.msk [tilespmem:v5+s23+$0x0], $0xffff;
	v36 =	vadd.s32 $0x3E8, v26;
	v37 =	vadd.s32 $0x7D0, v26  }
0x2f2: {  	v38 =	vadd.s32 $0x3E8, v7;
	v39 =	vadd.s32 $0x7D0, v7;
	v40 =	vadd.s32 $0xBB8, v7;
	v23 =	vld.idx.msk [tilespmem:v9+s23+$0x0], $0xffff  }
0x2f3: {  	s31 =	sadd.s32 $0x400, s31;
	v42 =	vadd.s32 $0xFA0, v10;
	v44 =	vadd.s32 $0xBB8, v26;
	v41 =	vadd.s32 $0xFA0, v7;
	v43 =	vld.idx.msk [tilespmem:v6+s23+$0x0], $0xffff  }
0x2f4: {  	v45 =	vadd.s32 $0xFA0, v8;
	v46 =	vadd.s32 $0xFA0, v5;
	v47 =	vadd.s32 $0xFA0, v9;
	v48 =	vld.idx.msk [tilespmem:v26+s23+$0x0], $0xffff;
	[tilespmem:s31+$0xFFFFFE70] =	vst v13  }
0x2f5: {  	v49 =	vadd.s32 $0xFA0, v6;
	v50 =	vadd.s32 $0xFA0, v26;
	v18 =	vadd.s32 $0x1388, v7;
	[tilespmem:s31+$0xFFFFFE10] =	vst v14;
	v51 =	vld.idx.msk [tilespmem:v17+s23+$0x0], $0xffff  }
0x2f6: {  	v53 =	vadd.s32 $0x1388, v10;
	v22 =	vadd.s32 $0x1388, v8;
	v20 =	vadd.s32 $0x1388, v5;
	v52 =	vld.idx.msk [tilespmem:v7+s23+$0x0], $0xffff;
	[tilespmem:s31+$0xFFFFFE20] =	vst v16  }
0x2f7: {  	v55 =	vadd.s32 $0x7D0, v3;
	v21 =	vadd.s32 $0x1388, v9;
	v54 =	vld.idx.msk [tilespmem:v4+s23+$0x0], $0xffff;
	[tilespmem:s31+$0xFFFFFE30] =	vst v19;
	v19 =	vadd.s32 $0x1388, v6  }
0x2f8: {  	v13 =	vadd.s32 $0x1770, v10;
	v16 =	vadd.s32 $0x1770, v7;
	v56 =	vld.idx.msk [tilespmem:v11+s23+$0x0], $0xffff;
	[tilespmem:s31+$0xFFFFFE40] =	vst v23;
	v23 =	vadd.s32 $0x1388, v26  }
0x2f9: {  	v17 =	vadd.s32 $0x1770, v8;
	v14 =	vadd.s32 $0x1770, v5;
	v11 =	vadd.s32 $0x1770, v9;
	v57 =	vld.idx.msk [tilespmem:v12+s23+$0x0], $0xffff;
	[tilespmem:s31+$0xFFFFFE50] =	vst v43  }
0x2fa: {  	v7 =	vadd.s32 $0x1B58, v7;
	v12 =	vadd.s32 $0x1770, v26;
	v43 =	vld.idx.msk [tilespmem:v15+s23+$0x0], $0xffff;
	v15 =	vadd.s32 $0x1770, v6;
	[tilespmem:s31+$0xFFFFFE60] =	vst v48  }
0x2fb: {  	v10 =	vadd.s32 $0x1B58, v10;
	v8 =	vadd.s32 $0x1B58, v8;
	v5 =	vadd.s32 $0x1B58, v5;
	v33 =	vld.idx.msk [tilespmem:v33+s23+$0x0], $0xffff;
	[tilespmem:s31+$0xFFFFFEF0] =	vst v51  }
0x2fc: {  	v4 =	vadd.s32 $0x1B58, v26;
	v9 =	vadd.s32 $0x1B58, v9;
	v6 =	vadd.s32 $0x1B58, v6;
	[tilespmem:s31+$0xFFFFFE00] =	vst v52;
	v26 =	vld.idx.msk [tilespmem:v55+s23+$0x0], $0xffff  }
0x2fd: {  	v38 =	vld.idx.msk [tilespmem:v38+s23+$0x0], $0xffff;
	[tilespmem:s31+$0xFFFFFE90] =	vst v54  }
0x2fe: {  	v48 =	vadd.s32 $0xBB8, v3;
	[tilespmem:s31+$0xFFFFFEA0] =	vst v56;
	v36 =	vld.idx.msk [tilespmem:v36+s23+$0x0], $0xffff  }
0x2ff: {  	v24 =	vld.idx.msk [tilespmem:v24+s23+$0x0], $0xffff;
	[tilespmem:s31+$0xFFFFFEB0] =	vst v57  }
0x300: {  	v27 =	vld.idx.msk [tilespmem:v27+s23+$0x0], $0xffff;
	[tilespmem:s31+$0xFFFFFEC0] =	vst v43  }
0x301: {  	v29 =	vld.idx.msk [tilespmem:v29+s23+$0x0], $0xffff;
	[tilespmem:s31+$0xFFFFFED0] =	vst v33  }
0x302: {  	v31 =	vld.idx.msk [tilespmem:v31+s23+$0x0], $0xffff;
	[tilespmem:s31+$0xFFFFFF70] =	vst v26  }
0x303: {  	[tilespmem:s31+$0xFFFFFE80] =	vst v38;
	v26 =	vld.idx.msk [tilespmem:v48+s23+$0x0], $0xffff  }
0x304: {  	v33 =	vld.idx.msk [tilespmem:v39+s23+$0x0], $0xffff;
	[tilespmem:s31+$0xFFFFFEE0] =	vst v36  }
0x305: {  	[tilespmem:s31+$0xFFFFFF10] =	vst v24;
	v24 =	vld.idx.msk [tilespmem:v34+s23+$0x0], $0xffff;
	v34 =	vadd.s32 $0xFA0, v3  }
0x306: {  	[tilespmem:s31+$0xFFFFFF20] =	vst v27;
	v27 =	vld.idx.msk [tilespmem:v37+s23+$0x0], $0xffff  }
0x307: {  	v25 =	vld.idx.msk [tilespmem:v25+s23+$0x0], $0xffff;
	[tilespmem:s31+$0xFFFFFF30] =	vst v29  }
0x308: {  	v28 =	vld.idx.msk [tilespmem:v28+s23+$0x0], $0xffff;
	[tilespmem:s31+$0xFFFFFF40] =	vst v31  }
0x309: {  	v29 =	vld.idx.msk [tilespmem:v30+s23+$0x0], $0xffff;
	[tilespmem:s31+$0xFFFFFFF0] =	vst v26  }
0x30a: {  	[tilespmem:s31+$0xFFFFFF00] =	vst v33;
	v26 =	vld.idx.msk [tilespmem:v34+s23+$0x0], $0xffff  }
0x30b: {  	v30 =	vld.idx.msk [tilespmem:v40+s23+$0x0], $0xffff;
	[tilespmem:s31+$0xFFFFFF50] =	vst v24  }
0x30c: {  	v24 =	vld.idx.msk [tilespmem:v32+s23+$0x0], $0xffff;
	[tilespmem:s31+$0xFFFFFF60] =	vst v27;
	v27 =	vadd.s32 $0x1388, v3  }
0x30d: {  	[tilespmem:s31+$0xFFFFFF90] =	vst v25;
	v25 =	vld.idx.msk [tilespmem:v35+s23+$0x0], $0xffff  }
0x30e: {  	[tilespmem:s31+$0xFFFFFFA0] =	vst v28;
	v28 =	vld.idx.msk [tilespmem:v44+s23+$0x0], $0xffff  }
0x30f: {  	v31 =	vld.idx.msk [tilespmem:v42+s23+$0x0], $0xffff;
	[tilespmem:s31+$0xFFFFFFB0] =	vst v29  }
0x310: {  	v29 =	vld.idx.msk [tilespmem:v45+s23+$0x0], $0xffff;
	[tilespmem:s31+$0x70] =	vst v26  }
0x311: {  	[tilespmem:s31+$0xFFFFFF80] =	vst v30;
	v26 =	vld.idx.msk [tilespmem:v27+s23+$0x0], $0xffff  }
0x312: {  	v27 =	vld.idx.msk [tilespmem:v41+s23+$0x0], $0xffff;
	[tilespmem:s31+$0xFFFFFFC0] =	vst v24  }
0x313: {  	v24 =	vld.idx.msk [tilespmem:v46+s23+$0x0], $0xffff;
	[tilespmem:s31+$0xFFFFFFD0] =	vst v25;
	v25 =	vadd.s32 $0x1770, v3  }
0x314: {  	v30 =	vld.idx.msk [tilespmem:v47+s23+$0x0], $0xffff;
	[tilespmem:s31+$0xFFFFFFE0] =	vst v28  }
0x315: {  	[tilespmem:s31+$0x10] =	vst v31;
	v28 =	vld.idx.msk [tilespmem:v49+s23+$0x0], $0xffff  }
0x316: {  	[tilespmem:s31+$0x20] =	vst v29;
	v29 =	vld.idx.msk [tilespmem:v50+s23+$0x0], $0xffff  }
0x317: {  	v31 =	vld.idx.msk [tilespmem:v53+s23+$0x0], $0xffff;
	[tilespmem:s31+$0xF0] =	vst v26  }
0x318: {  	[tilespmem:s31+$0x0] =	vst v27;
	v25 =	vld.idx.msk [tilespmem:v25+s23+$0x0], $0xffff  }
0x319: {  	v18 =	vld.idx.msk [tilespmem:v18+s23+$0x0], $0xffff;
	[tilespmem:s31+$0x30] =	vst v24  }
0x31a: {  	v3 =	vadd.s32 $0x1B58, v3;
	v22 =	vld.idx.msk [tilespmem:v22+s23+$0x0], $0xffff;
	[tilespmem:s31+$0x40] =	vst v30  }
0x31b: {  	v20 =	vld.idx.msk [tilespmem:v20+s23+$0x0], $0xffff;
	[tilespmem:s31+$0x50] =	vst v28  }
0x31c: {  	v21 =	vld.idx.msk [tilespmem:v21+s23+$0x0], $0xffff;
	[tilespmem:s31+$0x60] =	vst v29  }
0x31d: {  	[tilespmem:s31+$0x90] =	vst v31;
	v19 =	vld.idx.msk [tilespmem:v19+s23+$0x0], $0xffff  }
0x31e: {  	v23 =	vld.idx.msk [tilespmem:v23+s23+$0x0], $0xffff;
	[tilespmem:s31+$0x170] =	vst v25  }
0x31f: {  	[tilespmem:s31+$0x80] =	vst v18;
	v3 =	vld.idx.msk [tilespmem:v3+s23+$0x0], $0xffff  }
0x320: {  	v16 =	vld.idx.msk [tilespmem:v16+s23+$0x0], $0xffff;
	[tilespmem:s31+$0xA0] =	vst v22  }
0x321: {  	v13 =	vld.idx.msk [tilespmem:v13+s23+$0x0], $0xffff;
	[tilespmem:s31+$0xB0] =	vst v20  }
0x322: {  	v17 =	vld.idx.msk [tilespmem:v17+s23+$0x0], $0xffff;
	[tilespmem:s31+$0xC0] =	vst v21  }
0x323: {  	v14 =	vld.idx.msk [tilespmem:v14+s23+$0x0], $0xffff;
	[tilespmem:s31+$0xD0] =	vst v19  }
0x324: {  	v11 =	vld.idx.msk [tilespmem:v11+s23+$0x0], $0xffff;
	[tilespmem:s31+$0xE0] =	vst v23  }
0x325: {  	v15 =	vld.idx.msk [tilespmem:v15+s23+$0x0], $0xffff;
	[tilespmem:s31+$0x1F0] =	vst v3  }
0x326: {  	[tilespmem:s31+$0x100] =	vst v16;
	v3 =	vld.idx.msk [tilespmem:v12+s23+$0x0], $0xffff  }
0x327: {  	v12 =	vld.idx.msk [tilespmem:v7+s23+$0x0], $0xffff;
	[tilespmem:s31+$0x110] =	vst v13  }
0x328: {  	v7 =	vld.idx.msk [tilespmem:v10+s23+$0x0], $0xffff;
	[tilespmem:s31+$0x120] =	vst v17  }
.Ltmp6:
0x329: {  	v8 =	vld.idx.msk [tilespmem:v8+s23+$0x0], $0xffff;
	[tilespmem:s31+$0x130] =	vst v14;
	(pc) =	sbr.rel @p1 .LBB2_15-.Ltmp6, $4  }
0x32a: {  	v5 =	vld.idx.msk [tilespmem:v5+s23+$0x0], $0xffff;
	[tilespmem:s31+$0x140] =	vst v11  }
0x32b: {  	v9 =	vld.idx.msk [tilespmem:v9+s23+$0x0], $0xffff;
	[tilespmem:s31+$0x150] =	vst v15  }
0x32c: {  	v6 =	vld.idx.msk [tilespmem:v6+s23+$0x0], $0xffff;
	[tilespmem:s31+$0x160] =	vst v3  }
0x32d: {  	s6 =	sadd.s32 $0x80, s6;
	[tilespmem:s31+$0x180] =	vst v12;
	v4 =	vld.idx.msk [tilespmem:v4+s23+$0x0], $0xffff  }
0x32e: {  	[tilespmem:s31+$0x190] =	vst v7  }
0x32f: {  	[tilespmem:s31+$0x1A0] =	vst v8;
	s5 =	smul.u32 $0x1F4000, s1  }
0x330: {  	[tilespmem:s31+$0x1B0] =	vst v5  }
0x331: {  	[tilespmem:s31+$0x1C0] =	vst v9;
	s5 =	sadd.s32 s13, s5  }
0x332: {  	[tilespmem:s31+$0x1D0] =	vst v6;
	s5 =	sshrl.u32 s5, $0x3  }
0x333: {  	[tilespmem:s31+$0x1E0] =	vst v4;
	s5 =	sadd.s32 s2, s5  }
0x334: {  	[hbm4b:s5+s3] =	stream.linear.scatter [tilespmem:s24], [sflag:$0x1], $0x2000, $0x38;
	[tilespmem:$0x14350] =	vst v63  }
0x335: {  	_ =	swait.ge [sflag:s28], $0x2000  }
0x336: {  	[sflag:s28] =	ssyncset.done $0x0  }
0x337: {  	[sflag:s28] =	ssyncadd.s32 $0xFFFFE000  }
0x338: {  	v10 =	vld [tilespmem:s21+$0x0]  }
0x339: {  	v8 =	vld [tilespmem:s21+$0xFFFFFFA0]  }
0x33a: {  	v7 =	vld [tilespmem:s21+$0xFFFFFFB0]  }
0x33b: {  	v6 =	vld [tilespmem:s21+$0xFFFFFFC0]  }
0x33c: {  	v5 =	vld [tilespmem:s21+$0xFFFFFFD0]  }
0x33d: {  	v4 =	vld [tilespmem:s21+$0xFFFFFFE0]  }
0x33e: {  	v3 =	vld [tilespmem:s21+$0xFFFFFFF0]  }
0x33f: {  	v9 =	vld [tilespmem:s21+$0xFFFFFF90]  }
0x340: {  	v11 =	vld.idx.msk [tilespmem:v10+s23+$0x0], $0xffff  }
0x341: {  	v12 =	vld.idx.msk [tilespmem:v8+s23+$0x0], $0xffff  }
0x342: {  	v13 =	vld.idx.msk [tilespmem:v7+s23+$0x0], $0xffff  }
0x343: {  	v14 =	vadd.s32 $0x3E8, v10;
	v15 =	vld.idx.msk [tilespmem:v6+s23+$0x0], $0xffff  }
0x344: {  	v16 =	vadd.s32 $0x3E8, v8;
	v17 =	vld.idx.msk [tilespmem:v5+s23+$0x0], $0xffff  }
0x345: {  	s31 =	simm.s32 $0x11540;
	v18 =	vadd.s32 $0x3E8, v7;
	v19 =	vld.idx.msk [tilespmem:v4+s23+$0x0], $0xffff  }
0x346: {  	v20 =	vadd.s32 $0x3E8, v6;
	v21 =	vld.idx.msk [tilespmem:v3+s23+$0x0], $0xffff;
	[tilespmem:s31+$0xFFFFFE70] =	vst v11  }
0x347: {  	v52 =	vadd.s32 $0x3E8, v4;
	v22 =	vld.idx.msk [tilespmem:v9+s23+$0x0], $0xffff;
	[tilespmem:s31+$0xFFFFFE10] =	vst v12  }
0x348: {  	v55 =	vadd.s32 $0x3E8, v9;
	[tilespmem:s31+$0xFFFFFE20] =	vst v13;
	v51 =	vld.idx.msk [tilespmem:v14+s23+$0x0], $0xffff  }
0x349: {  	v56 =	vadd.s32 $0x3E8, v3;
	[tilespmem:s31+$0xFFFFFE30] =	vst v15;
	v53 =	vld.idx.msk [tilespmem:v16+s23+$0x0], $0xffff  }
0x34a: {  	v11 =	vadd.s32 $0x3E8, v5;
	[tilespmem:s31+$0xFFFFFE40] =	vst v17;
	v18 =	vld.idx.msk [tilespmem:v18+s23+$0x0], $0xffff  }
0x34b: {  	v54 =	vadd.s32 $0x7D0, v10;
	[tilespmem:s31+$0xFFFFFE50] =	vst v19;
	v20 =	vld.idx.msk [tilespmem:v20+s23+$0x0], $0xffff  }
0x34c: {  	v57 =	vadd.s32 $0x7D0, v8;
	[tilespmem:s31+$0xFFFFFE00] =	vst v22;
	v14 =	vld.idx.msk [tilespmem:v52+s23+$0x0], $0xffff  }
0x34d: {  	v58 =	vadd.s32 $0x7D0, v7;
	[tilespmem:s31+$0xFFFFFE60] =	vst v21;
	v16 =	vld.idx.msk [tilespmem:v55+s23+$0x0], $0xffff  }
0x34e: {  	v59 =	vadd.s32 $0x7D0, v6;
	v61 =	vld.idx.msk [tilespmem:v56+s23+$0x0], $0xffff;
	[tilespmem:s31+$0xFFFFFEF0] =	vst v51  }
0x34f: {  	v63 =	vadd.s32 $0x7D0, v9;
	v11 =	vld.idx.msk [tilespmem:v11+s23+$0x0], $0xffff;
	[tilespmem:s31+$0xFFFFFE90] =	vst v53  }
0x350: {  	v24 =	vadd.s32 $0x7D0, v4;
	[tilespmem:s31+$0xFFFFFEA0] =	vst v18;
	v15 =	vld.idx.msk [tilespmem:v54+s23+$0x0], $0xffff  }
0x351: {  	v60 =	vadd.s32 $0x7D0, v5;
	[tilespmem:s31+$0xFFFFFEB0] =	vst v20;
	v19 =	vld.idx.msk [tilespmem:v57+s23+$0x0], $0xffff  }
0x352: {  	v62 =	vadd.s32 $0xBB8, v10;
	[tilespmem:s31+$0xFFFFFED0] =	vst v14;
	v21 =	vld.idx.msk [tilespmem:v58+s23+$0x0], $0xffff  }
0x353: {  	v25 =	vadd.s32 $0xBB8, v8;
	[tilespmem:s31+$0xFFFFFE80] =	vst v16;
	v12 =	vld.idx.msk [tilespmem:v59+s23+$0x0], $0xffff  }
0x354: {  	v26 =	vadd.s32 $0xBB8, v7;
	[tilespmem:s31+$0xFFFFFEE0] =	vst v61;
	v18 =	vld.idx.msk [tilespmem:v63+s23+$0x0], $0xffff  }
0x355: {  	v28 =	vadd.s32 $0xBB8, v6;
	v29 =	vld.idx.msk [tilespmem:v24+s23+$0x0], $0xffff;
	[tilespmem:s31+$0xFFFFFEC0] =	vst v11  }
0x356: {  	v31 =	vadd.s32 $0xBB8, v9;
	v22 =	vld.idx.msk [tilespmem:v60+s23+$0x0], $0xffff;
	[tilespmem:s31+$0xFFFFFF70] =	vst v15  }
0x357: {  	v33 =	vadd.s32 $0xBB8, v4;
	[tilespmem:s31+$0xFFFFFF10] =	vst v19;
	v27 =	vld.idx.msk [tilespmem:v62+s23+$0x0], $0xffff  }
0x358: {  	v11 =	vadd.s32 $0x7D0, v3;
	[tilespmem:s31+$0xFFFFFF20] =	vst v21;
	v14 =	vld.idx.msk [tilespmem:v25+s23+$0x0], $0xffff  }
0x359: {  	v32 =	vadd.s32 $0xBB8, v5;
	[tilespmem:s31+$0xFFFFFF30] =	vst v12;
	v15 =	vld.idx.msk [tilespmem:v26+s23+$0x0], $0xffff  }
0x35a: {  	v30 =	vadd.s32 $0xFA0, v10;
	[tilespmem:s31+$0xFFFFFF00] =	vst v18;
	v17 =	vld.idx.msk [tilespmem:v28+s23+$0x0], $0xffff  }
0x35b: {  	v35 =	vadd.s32 $0xFA0, v8;
	[tilespmem:s31+$0xFFFFFF50] =	vst v29;
	v20 =	vld.idx.msk [tilespmem:v31+s23+$0x0], $0xffff  }
0x35c: {  	v37 =	vadd.s32 $0xFA0, v7;
	v12 =	vld.idx.msk [tilespmem:v33+s23+$0x0], $0xffff;
	[tilespmem:s31+$0xFFFFFF40] =	vst v22  }
0x35d: {  	v39 =	vadd.s32 $0xFA0, v9;
	v11 =	vld.idx.msk [tilespmem:v11+s23+$0x0], $0xffff;
	[tilespmem:s31+$0xFFFFFFF0] =	vst v27  }
0x35e: {  	v40 =	vadd.s32 $0xFA0, v6;
	v38 =	vld.idx.msk [tilespmem:v32+s23+$0x0], $0xffff;
	[tilespmem:s31+$0xFFFFFF90] =	vst v14  }
0x35f: {  	v43 =	vadd.s32 $0xFA0, v4;
	[tilespmem:s31+$0xFFFFFFA0] =	vst v15;
	v36 =	vld.idx.msk [tilespmem:v30+s23+$0x0], $0xffff  }
0x360: {  	v34 =	vadd.s32 $0xBB8, v3;
	[tilespmem:s31+$0xFFFFFFB0] =	vst v17;
	v16 =	vld.idx.msk [tilespmem:v35+s23+$0x0], $0xffff  }
0x361: {  	v42 =	vadd.s32 $0xFA0, v5;
	[tilespmem:s31+$0xFFFFFF80] =	vst v20;
	v19 =	vld.idx.msk [tilespmem:v37+s23+$0x0], $0xffff  }
0x362: {  	v21 =	vld.idx.msk [tilespmem:v39+s23+$0x0], $0xffff;
	[tilespmem:s31+$0xFFFFFF60] =	vst v11;
	v11 =	vadd.s32 $0x1388, v10  }
0x363: {  	v45 =	vadd.s32 $0x1388, v8;
	[tilespmem:s31+$0xFFFFFFD0] =	vst v12;
	v46 =	vld.idx.msk [tilespmem:v40+s23+$0x0], $0xffff  }
0x364: {  	v48 =	vadd.s32 $0x1388, v9;
	v50 =	vld.idx.msk [tilespmem:v43+s23+$0x0], $0xffff;
	[tilespmem:s31+$0xFFFFFFC0] =	vst v38  }
0x365: {  	v49 =	vadd.s32 $0x1388, v7;
	v41 =	vld.idx.msk [tilespmem:v34+s23+$0x0], $0xffff;
	[tilespmem:s31+$0x70] =	vst v36  }
0x366: {  	v44 =	vadd.s32 $0xFA0, v3;
	v22 =	vld.idx.msk [tilespmem:v42+s23+$0x0], $0xffff;
	[tilespmem:s31+$0x10] =	vst v16  }
0x367: {  	v51 =	vadd.s32 $0x1388, v6;
	[tilespmem:s31+$0x20] =	vst v19;
	v11 =	vld.idx.msk [tilespmem:v11+s23+$0x0], $0xffff  }
0x368: {  	v47 =	vadd.s32 $0x1770, v10;
	[tilespmem:s31+$0x0] =	vst v21;
	v20 =	vld.idx.msk [tilespmem:v45+s23+$0x0], $0xffff  }
0x369: {  	v52 =	vadd.s32 $0x1388, v5;
	[tilespmem:s31+$0x30] =	vst v46;
	v14 =	vld.idx.msk [tilespmem:v48+s23+$0x0], $0xffff  }
0x36a: {  	v55 =	vadd.s32 $0x1770, v9;
	v54 =	vld.idx.msk [tilespmem:v49+s23+$0x0], $0xffff;
	[tilespmem:s31+$0xFFFFFFE0] =	vst v41  }
0x36b: {  	v56 =	vadd.s32 $0x1770, v8;
	[tilespmem:s31+$0x50] =	vst v50;
	v18 =	vld.idx.msk [tilespmem:v44+s23+$0x0], $0xffff  }
0x36c: {  	v53 =	vadd.s32 $0x1388, v3;
	v17 =	vld.idx.msk [tilespmem:v51+s23+$0x0], $0xffff;
	[tilespmem:s31+$0xF0] =	vst v11  }
0x36d: {  	[tilespmem:s31+$0x40] =	vst v22;
	v11 =	vadd.s32 $0x1388, v4;
	v12 =	vld.idx.msk [tilespmem:v47+s23+$0x0], $0xffff  }
0x36e: {  	v10 =	vadd.s32 $0x1B58, v10;
	v19 =	vld.idx.msk [tilespmem:v52+s23+$0x0], $0xffff;
	[tilespmem:s31+$0x80] =	vst v14  }
0x36f: {  	v57 =	vadd.s32 $0x1770, v7;
	[tilespmem:s31+$0x90] =	vst v20;
	v15 =	vld.idx.msk [tilespmem:v55+s23+$0x0], $0xffff  }
0x370: {  	v58 =	vadd.s32 $0x1770, v6;
	v16 =	vld.idx.msk [tilespmem:v56+s23+$0x0], $0xffff;
	[tilespmem:s31+$0x60] =	vst v18  }
0x371: {  	v59 =	vadd.s32 $0x1770, v5;
	[tilespmem:s31+$0xA0] =	vst v54;
	v21 =	vld.idx.msk [tilespmem:v53+s23+$0x0], $0xffff  }
0x372: {  	v9 =	vadd.s32 $0x1B58, v9;
	v11 =	vld.idx.msk [tilespmem:v11+s23+$0x0], $0xffff;
	[tilespmem:s31+$0x170] =	vst v12  }
0x373: {  	v60 =	vadd.s32 $0x1770, v4;
	[tilespmem:s31+$0xB0] =	vst v17;
	v10 =	vld.idx.msk [tilespmem:v10+s23+$0x0], $0xffff  }
0x374: {  	v61 =	vadd.s32 $0x1770, v3;
	v62 =	vld.idx.msk [tilespmem:v57+s23+$0x0], $0xffff;
	[tilespmem:s31+$0xC0] =	vst v19  }
0x375: {  	v8 =	vadd.s32 $0x1B58, v8;
	v63 =	vld.idx.msk [tilespmem:v58+s23+$0x0], $0xffff;
	[tilespmem:s31+$0x100] =	vst v15  }
0x376: {  	v6 =	vadd.s32 $0x1B58, v6;
	v12 =	vld.idx.msk [tilespmem:v59+s23+$0x0], $0xffff;
	[tilespmem:s31+$0xE0] =	vst v21  }
0x377: {  	v15 =	vld.idx.msk [tilespmem:v9+s23+$0x0], $0xffff;
	[tilespmem:s31+$0xD0] =	vst v11;
	v11 =	vadd.s32 $0x1B58, v7  }
0x378: {  	v14 =	vld.idx.msk [tilespmem:v60+s23+$0x0], $0xffff;
	[tilespmem:s31+$0x1F0] =	vst v10;
	v10 =	vadd.s32 $0x1B58, v5  }
0x379: {  	v4 =	vadd.s32 $0x1B58, v4;
	[tilespmem:s31+$0x110] =	vst v16;
	v13 =	vld.idx.msk [tilespmem:v61+s23+$0x0], $0xffff  }
0x37a: {  	v3 =	vadd.s32 $0x1B58, v3;
	[tilespmem:s31+$0x130] =	vst v63;
	v7 =	vld.idx.msk [tilespmem:v8+s23+$0x0], $0xffff  }
0x37b: {  	[tilespmem:s31+$0x120] =	vst v62;
	v5 =	vld.idx.msk [tilespmem:v6+s23+$0x0], $0xffff  }
0x37c: {  	[tilespmem:s31+$0x140] =	vst v12;
	v8 =	vld.idx.msk [tilespmem:v11+s23+$0x0], $0xffff  }
0x37d: {  	[tilespmem:s31+$0x150] =	vst v14;
	v9 =	vld.idx.msk [tilespmem:v10+s23+$0x0], $0xffff  }
0x37e: {  	[tilespmem:s31+$0x160] =	vst v13;
	v6 =	vld.idx.msk [tilespmem:v4+s23+$0x0], $0xffff  }
0x37f: {  	s6 =	simm.s32 $0x0;
	s7 =	sadd.s32 $0x80, s21;
	s5 =	sshllo.u32 s1, $0x1;
	[tilespmem:s31+$0x180] =	vst v15;
	v4 =	vld.idx.msk [tilespmem:v3+s23+$0x0], $0xffff  }
.LBB2_17:
0x380: {  	v3 =	vld [tilespmem:s7+$0x0];
	s6 =	sadd.s32 $0x8, s6;
	[tilespmem:s31+$0x190] =	vst v7  }
0x381: {  	v10 =	vld [tilespmem:s7+$0xFFFFFFA0];
	p1 =	slt.u32 s6, $0x38;
	[tilespmem:s31+$0x1A0] =	vst v8  }
0x382: {  	v8 =	vld [tilespmem:s7+$0xFFFFFFB0];
	[tilespmem:s31+$0x1B0] =	vst v5  }
0x383: {  	v5 =	vld [tilespmem:s7+$0xFFFFFFC0];
	[tilespmem:s31+$0x1C0] =	vst v9  }
0x384: {  	v9 =	vld [tilespmem:s7+$0xFFFFFFD0];
	[tilespmem:s31+$0x1D0] =	vst v6  }
0x385: {  	v6 =	vld [tilespmem:s7+$0xFFFFFFE0];
	[tilespmem:s31+$0x1E0] =	vst v4  }
0x386: {  	v4 =	vadd.s32 $0x3E8, v10;
	v24 =	vadd.s32 $0x7D0, v10;
	v25 =	vadd.s32 $0xBB8, v10;
	v26 =	vld [tilespmem:s7+$0xFFFFFFF0]  }
0x387: {  	v7 =	vld [tilespmem:s7+$0xFFFFFF90];
	v11 =	vadd.s32 $0x3E8, v8;
	v27 =	vadd.s32 $0x7D0, v8;
	v28 =	vadd.s32 $0xBB8, v8  }
0x388: {  	v12 =	vadd.s32 $0x3E8, v5;
	v29 =	vadd.s32 $0x7D0, v5;
	v30 =	vadd.s32 $0xBB8, v5;
	v13 =	vld.idx.msk [tilespmem:v3+s23+$0x0], $0xffff  }
0x389: {  	v14 =	vld.idx.msk [tilespmem:v10+s23+$0x0], $0xffff;
	v15 =	vadd.s32 $0x3E8, v9;
	v31 =	vadd.s32 $0x7D0, v9;
	v32 =	vadd.s32 $0xBB8, v9  }
0x38a: {  	v17 =	vadd.s32 $0x3E8, v3;
	v16 =	vld.idx.msk [tilespmem:v8+s23+$0x0], $0xffff;
	v33 =	vadd.s32 $0x3E8, v6;
	v34 =	vadd.s32 $0x7D0, v6  }
0x38b: {  	v35 =	vadd.s32 $0xBB8, v6;
	v19 =	vld.idx.msk [tilespmem:v5+s23+$0x0], $0xffff;
	v36 =	vadd.s32 $0x3E8, v26;
	v37 =	vadd.s32 $0x7D0, v26  }
0x38c: {  	v38 =	vadd.s32 $0x3E8, v7;
	v39 =	vadd.s32 $0x7D0, v7;
	v40 =	vadd.s32 $0xBB8, v7;
	v23 =	vld.idx.msk [tilespmem:v9+s23+$0x0], $0xffff  }
0x38d: {  	s31 =	sadd.s32 $0x400, s31;
	v42 =	vadd.s32 $0xFA0, v10;
	v44 =	vadd.s32 $0xBB8, v26;
	v41 =	vadd.s32 $0xFA0, v7;
	v43 =	vld.idx.msk [tilespmem:v6+s23+$0x0], $0xffff  }
0x38e: {  	v45 =	vadd.s32 $0xFA0, v8;
	v46 =	vadd.s32 $0xFA0, v5;
	v47 =	vadd.s32 $0xFA0, v9;
	v48 =	vld.idx.msk [tilespmem:v26+s23+$0x0], $0xffff;
	[tilespmem:s31+$0xFFFFFE70] =	vst v13  }
0x38f: {  	v49 =	vadd.s32 $0xFA0, v6;
	v50 =	vadd.s32 $0xFA0, v26;
	v18 =	vadd.s32 $0x1388, v7;
	[tilespmem:s31+$0xFFFFFE10] =	vst v14;
	v51 =	vld.idx.msk [tilespmem:v17+s23+$0x0], $0xffff  }
0x390: {  	v53 =	vadd.s32 $0x1388, v10;
	v22 =	vadd.s32 $0x1388, v8;
	v20 =	vadd.s32 $0x1388, v5;
	v52 =	vld.idx.msk [tilespmem:v7+s23+$0x0], $0xffff;
	[tilespmem:s31+$0xFFFFFE20] =	vst v16  }
0x391: {  	v55 =	vadd.s32 $0x7D0, v3;
	v21 =	vadd.s32 $0x1388, v9;
	v54 =	vld.idx.msk [tilespmem:v4+s23+$0x0], $0xffff;
	[tilespmem:s31+$0xFFFFFE30] =	vst v19;
	v19 =	vadd.s32 $0x1388, v6  }
0x392: {  	v13 =	vadd.s32 $0x1770, v10;
	v16 =	vadd.s32 $0x1770, v7;
	v56 =	vld.idx.msk [tilespmem:v11+s23+$0x0], $0xffff;
	[tilespmem:s31+$0xFFFFFE40] =	vst v23;
	v23 =	vadd.s32 $0x1388, v26  }
0x393: {  	v17 =	vadd.s32 $0x1770, v8;
	v14 =	vadd.s32 $0x1770, v5;
	v11 =	vadd.s32 $0x1770, v9;
	v57 =	vld.idx.msk [tilespmem:v12+s23+$0x0], $0xffff;
	[tilespmem:s31+$0xFFFFFE50] =	vst v43  }
0x394: {  	v7 =	vadd.s32 $0x1B58, v7;
	v12 =	vadd.s32 $0x1770, v26;
	v43 =	vld.idx.msk [tilespmem:v15+s23+$0x0], $0xffff;
	v15 =	vadd.s32 $0x1770, v6;
	[tilespmem:s31+$0xFFFFFE60] =	vst v48  }
0x395: {  	v10 =	vadd.s32 $0x1B58, v10;
	v8 =	vadd.s32 $0x1B58, v8;
	v5 =	vadd.s32 $0x1B58, v5;
	v33 =	vld.idx.msk [tilespmem:v33+s23+$0x0], $0xffff;
	[tilespmem:s31+$0xFFFFFEF0] =	vst v51  }
0x396: {  	v4 =	vadd.s32 $0x1B58, v26;
	v9 =	vadd.s32 $0x1B58, v9;
	v6 =	vadd.s32 $0x1B58, v6;
	[tilespmem:s31+$0xFFFFFE00] =	vst v52;
	v26 =	vld.idx.msk [tilespmem:v55+s23+$0x0], $0xffff  }
0x397: {  	v38 =	vld.idx.msk [tilespmem:v38+s23+$0x0], $0xffff;
	[tilespmem:s31+$0xFFFFFE90] =	vst v54  }
0x398: {  	v48 =	vadd.s32 $0xBB8, v3;
	[tilespmem:s31+$0xFFFFFEA0] =	vst v56;
	v36 =	vld.idx.msk [tilespmem:v36+s23+$0x0], $0xffff  }
0x399: {  	v24 =	vld.idx.msk [tilespmem:v24+s23+$0x0], $0xffff;
	[tilespmem:s31+$0xFFFFFEB0] =	vst v57  }
0x39a: {  	v27 =	vld.idx.msk [tilespmem:v27+s23+$0x0], $0xffff;
	[tilespmem:s31+$0xFFFFFEC0] =	vst v43  }
0x39b: {  	v29 =	vld.idx.msk [tilespmem:v29+s23+$0x0], $0xffff;
	[tilespmem:s31+$0xFFFFFED0] =	vst v33  }
0x39c: {  	v31 =	vld.idx.msk [tilespmem:v31+s23+$0x0], $0xffff;
	[tilespmem:s31+$0xFFFFFF70] =	vst v26  }
0x39d: {  	[tilespmem:s31+$0xFFFFFE80] =	vst v38;
	v26 =	vld.idx.msk [tilespmem:v48+s23+$0x0], $0xffff  }
0x39e: {  	v33 =	vld.idx.msk [tilespmem:v39+s23+$0x0], $0xffff;
	[tilespmem:s31+$0xFFFFFEE0] =	vst v36  }
0x39f: {  	[tilespmem:s31+$0xFFFFFF10] =	vst v24;
	v24 =	vld.idx.msk [tilespmem:v34+s23+$0x0], $0xffff;
	v34 =	vadd.s32 $0xFA0, v3  }
0x3a0: {  	[tilespmem:s31+$0xFFFFFF20] =	vst v27;
	v27 =	vld.idx.msk [tilespmem:v37+s23+$0x0], $0xffff  }
0x3a1: {  	v25 =	vld.idx.msk [tilespmem:v25+s23+$0x0], $0xffff;
	[tilespmem:s31+$0xFFFFFF30] =	vst v29  }
0x3a2: {  	v28 =	vld.idx.msk [tilespmem:v28+s23+$0x0], $0xffff;
	[tilespmem:s31+$0xFFFFFF40] =	vst v31  }
0x3a3: {  	v29 =	vld.idx.msk [tilespmem:v30+s23+$0x0], $0xffff;
	[tilespmem:s31+$0xFFFFFFF0] =	vst v26  }
0x3a4: {  	[tilespmem:s31+$0xFFFFFF00] =	vst v33;
	v26 =	vld.idx.msk [tilespmem:v34+s23+$0x0], $0xffff  }
0x3a5: {  	v30 =	vld.idx.msk [tilespmem:v40+s23+$0x0], $0xffff;
	[tilespmem:s31+$0xFFFFFF50] =	vst v24  }
0x3a6: {  	v24 =	vld.idx.msk [tilespmem:v32+s23+$0x0], $0xffff;
	[tilespmem:s31+$0xFFFFFF60] =	vst v27;
	v27 =	vadd.s32 $0x1388, v3  }
0x3a7: {  	[tilespmem:s31+$0xFFFFFF90] =	vst v25;
	v25 =	vld.idx.msk [tilespmem:v35+s23+$0x0], $0xffff  }
0x3a8: {  	[tilespmem:s31+$0xFFFFFFA0] =	vst v28;
	v28 =	vld.idx.msk [tilespmem:v44+s23+$0x0], $0xffff  }
0x3a9: {  	v31 =	vld.idx.msk [tilespmem:v42+s23+$0x0], $0xffff;
	[tilespmem:s31+$0xFFFFFFB0] =	vst v29  }
0x3aa: {  	v29 =	vld.idx.msk [tilespmem:v45+s23+$0x0], $0xffff;
	[tilespmem:s31+$0x70] =	vst v26  }
0x3ab: {  	[tilespmem:s31+$0xFFFFFF80] =	vst v30;
	v26 =	vld.idx.msk [tilespmem:v27+s23+$0x0], $0xffff  }
0x3ac: {  	v27 =	vld.idx.msk [tilespmem:v41+s23+$0x0], $0xffff;
	[tilespmem:s31+$0xFFFFFFC0] =	vst v24  }
0x3ad: {  	v24 =	vld.idx.msk [tilespmem:v46+s23+$0x0], $0xffff;
	[tilespmem:s31+$0xFFFFFFD0] =	vst v25;
	v25 =	vadd.s32 $0x1770, v3  }
0x3ae: {  	v30 =	vld.idx.msk [tilespmem:v47+s23+$0x0], $0xffff;
	[tilespmem:s31+$0xFFFFFFE0] =	vst v28  }
0x3af: {  	[tilespmem:s31+$0x10] =	vst v31;
	v28 =	vld.idx.msk [tilespmem:v49+s23+$0x0], $0xffff  }
0x3b0: {  	[tilespmem:s31+$0x20] =	vst v29;
	v29 =	vld.idx.msk [tilespmem:v50+s23+$0x0], $0xffff  }
0x3b1: {  	v31 =	vld.idx.msk [tilespmem:v53+s23+$0x0], $0xffff;
	[tilespmem:s31+$0xF0] =	vst v26  }
0x3b2: {  	[tilespmem:s31+$0x0] =	vst v27;
	v25 =	vld.idx.msk [tilespmem:v25+s23+$0x0], $0xffff  }
0x3b3: {  	v18 =	vld.idx.msk [tilespmem:v18+s23+$0x0], $0xffff;
	[tilespmem:s31+$0x30] =	vst v24  }
0x3b4: {  	v3 =	vadd.s32 $0x1B58, v3;
	v22 =	vld.idx.msk [tilespmem:v22+s23+$0x0], $0xffff;
	[tilespmem:s31+$0x40] =	vst v30  }
0x3b5: {  	v20 =	vld.idx.msk [tilespmem:v20+s23+$0x0], $0xffff;
	[tilespmem:s31+$0x50] =	vst v28  }
0x3b6: {  	v21 =	vld.idx.msk [tilespmem:v21+s23+$0x0], $0xffff;
	[tilespmem:s31+$0x60] =	vst v29  }
0x3b7: {  	[tilespmem:s31+$0x90] =	vst v31;
	v19 =	vld.idx.msk [tilespmem:v19+s23+$0x0], $0xffff  }
0x3b8: {  	v23 =	vld.idx.msk [tilespmem:v23+s23+$0x0], $0xffff;
	[tilespmem:s31+$0x170] =	vst v25  }
0x3b9: {  	[tilespmem:s31+$0x80] =	vst v18;
	v3 =	vld.idx.msk [tilespmem:v3+s23+$0x0], $0xffff  }
0x3ba: {  	v16 =	vld.idx.msk [tilespmem:v16+s23+$0x0], $0xffff;
	[tilespmem:s31+$0xA0] =	vst v22  }
0x3bb: {  	v13 =	vld.idx.msk [tilespmem:v13+s23+$0x0], $0xffff;
	[tilespmem:s31+$0xB0] =	vst v20  }
0x3bc: {  	v17 =	vld.idx.msk [tilespmem:v17+s23+$0x0], $0xffff;
	[tilespmem:s31+$0xC0] =	vst v21  }
0x3bd: {  	v14 =	vld.idx.msk [tilespmem:v14+s23+$0x0], $0xffff;
	[tilespmem:s31+$0xD0] =	vst v19  }
0x3be: {  	v11 =	vld.idx.msk [tilespmem:v11+s23+$0x0], $0xffff;
	[tilespmem:s31+$0xE0] =	vst v23  }
0x3bf: {  	v15 =	vld.idx.msk [tilespmem:v15+s23+$0x0], $0xffff;
	[tilespmem:s31+$0x1F0] =	vst v3  }
0x3c0: {  	[tilespmem:s31+$0x100] =	vst v16;
	v3 =	vld.idx.msk [tilespmem:v12+s23+$0x0], $0xffff  }
0x3c1: {  	v12 =	vld.idx.msk [tilespmem:v7+s23+$0x0], $0xffff;
	[tilespmem:s31+$0x110] =	vst v13  }
0x3c2: {  	v7 =	vld.idx.msk [tilespmem:v10+s23+$0x0], $0xffff;
	[tilespmem:s31+$0x120] =	vst v17  }
.Ltmp7:
0x3c3: {  	v8 =	vld.idx.msk [tilespmem:v8+s23+$0x0], $0xffff;
	[tilespmem:s31+$0x130] =	vst v14;
	(pc) =	sbr.rel @p1 .LBB2_17-.Ltmp7, $4  }
0x3c4: {  	v5 =	vld.idx.msk [tilespmem:v5+s23+$0x0], $0xffff;
	[tilespmem:s31+$0x140] =	vst v11  }
0x3c5: {  	v9 =	vld.idx.msk [tilespmem:v9+s23+$0x0], $0xffff;
	[tilespmem:s31+$0x150] =	vst v15  }
0x3c6: {  	v6 =	vld.idx.msk [tilespmem:v6+s23+$0x0], $0xffff;
	[tilespmem:s31+$0x160] =	vst v3  }
0x3c7: {  	s7 =	sadd.s32 $0x80, s7;
	[tilespmem:s31+$0x180] =	vst v12;
	v4 =	vld.idx.msk [tilespmem:v4+s23+$0x0], $0xffff  }
0x3c8: {  	[tilespmem:s31+$0x190] =	vst v7;
	s1 =	sadd.s32 $0x1, s1  }
0x3c9: {  	[tilespmem:s31+$0x1A0] =	vst v8;
	s5 =	smul.u32 $0xFA000, s5;
	p1 =	sne.s32 s1, $0x19  }
.Ltmp8:
0x3ca: {  	[tilespmem:s31+$0x1B0] =	vst v5;
	(pc) =	sbr.rel @p1 .LBB2_14-.Ltmp8, $4  }
0x3cb: {  	[tilespmem:s31+$0x1C0] =	vst v9;
	s5 =	sadd.s32 s13, s5  }
0x3cc: {  	[tilespmem:s31+$0x1D0] =	vst v6;
	s5 =	sshrl.u32 s5, $0x3  }
0x3cd: {  	s14 =	sadd.s32 $0x800, s14;
	s21 =	sadd.s32 $0x800, s21;
	[tilespmem:s31+$0x1E0] =	vst v4;
	s5 =	sadd.s32 s2, s5  }
0x3ce: {  	[hbm4b:s5+s3] =	stream.linear.scatter [tilespmem:s25], [sflag:$0x2], $0x2000, $0x38;
	[tilespmem:$0x14350] =	vst v63  }
.Ltmp9:
0x3cf: {  	(pc) =	sbr.rel @p0 .LBB2_26-.Ltmp9, $1  }
0x3d0: {  	_ =	sdelay $0x3  }
0x3d1: {  	s1 =	simm.s32 $0x0;
	s5 =	rddreg [dreg:$0x6]  }
0x3d2: {  	[tilespmem:s23], [sflag:$0x4] =	stream.linear.gather [hbm4b:s5+s1], $0x1F40, $0x38;
	[tilespmem:$0x14350] =	vst v63  }
0x3d3: {  	_ =	swait.ge [sflag:s20], $0x1F40  }
0x3d4: {  	[sflag:s20] =	ssyncset.done $0x0  }
0x3d5: {  	s14 =	simm.s32 $0x40;
	s21 =	simm.s32 $0x470;
	[sflag:s20] =	ssyncadd.s32 $0xFFFFE0C0  }
.LBB2_21:
0x3d6: {  	_ =	swait.ge [sflag:s26], $0x2000  }
0x3d7: {  	[sflag:s26] =	ssyncset.done $0x0  }
0x3d8: {  	[sflag:s26] =	ssyncadd.s32 $0xFFFFE000  }
0x3d9: {  	v10 =	vld [tilespmem:s14+$0x30]  }
0x3da: {  	v8 =	vld [tilespmem:s14+$0xFFFFFFD0]  }
0x3db: {  	v7 =	vld [tilespmem:s14+$0xFFFFFFE0]  }
0x3dc: {  	v6 =	vld [tilespmem:s14+$0xFFFFFFF0]  }
0x3dd: {  	v5 =	vld [tilespmem:s14+$0x0]  }
0x3de: {  	v4 =	vld [tilespmem:s14+$0x10]  }
0x3df: {  	v3 =	vld [tilespmem:s14+$0x20]  }
0x3e0: {  	v9 =	vld [tilespmem:s14+$0xFFFFFFC0]  }
0x3e1: {  	v11 =	vld.idx.msk [tilespmem:v10+s23+$0x0], $0xffff  }
0x3e2: {  	v12 =	vld.idx.msk [tilespmem:v8+s23+$0x0], $0xffff  }
0x3e3: {  	v13 =	vld.idx.msk [tilespmem:v7+s23+$0x0], $0xffff  }
0x3e4: {  	v14 =	vadd.s32 $0x3E8, v10;
	v15 =	vld.idx.msk [tilespmem:v6+s23+$0x0], $0xffff  }
0x3e5: {  	v16 =	vadd.s32 $0x3E8, v8;
	v17 =	vld.idx.msk [tilespmem:v5+s23+$0x0], $0xffff  }
0x3e6: {  	s31 =	simm.s32 $0xF540;
	v18 =	vadd.s32 $0x3E8, v7;
	v19 =	vld.idx.msk [tilespmem:v4+s23+$0x0], $0xffff  }
0x3e7: {  	v20 =	vadd.s32 $0x3E8, v6;
	v21 =	vld.idx.msk [tilespmem:v3+s23+$0x0], $0xffff;
	[tilespmem:s31+$0xFFFFFE70] =	vst v11  }
0x3e8: {  	v52 =	vadd.s32 $0x3E8, v4;
	v22 =	vld.idx.msk [tilespmem:v9+s23+$0x0], $0xffff;
	[tilespmem:s31+$0xFFFFFE10] =	vst v12  }
0x3e9: {  	v55 =	vadd.s32 $0x3E8, v9;
	[tilespmem:s31+$0xFFFFFE20] =	vst v13;
	v51 =	vld.idx.msk [tilespmem:v14+s23+$0x0], $0xffff  }
0x3ea: {  	v56 =	vadd.s32 $0x3E8, v3;
	[tilespmem:s31+$0xFFFFFE30] =	vst v15;
	v53 =	vld.idx.msk [tilespmem:v16+s23+$0x0], $0xffff  }
0x3eb: {  	v11 =	vadd.s32 $0x3E8, v5;
	[tilespmem:s31+$0xFFFFFE40] =	vst v17;
	v18 =	vld.idx.msk [tilespmem:v18+s23+$0x0], $0xffff  }
0x3ec: {  	v54 =	vadd.s32 $0x7D0, v10;
	[tilespmem:s31+$0xFFFFFE50] =	vst v19;
	v20 =	vld.idx.msk [tilespmem:v20+s23+$0x0], $0xffff  }
0x3ed: {  	v57 =	vadd.s32 $0x7D0, v8;
	[tilespmem:s31+$0xFFFFFE00] =	vst v22;
	v14 =	vld.idx.msk [tilespmem:v52+s23+$0x0], $0xffff  }
0x3ee: {  	v58 =	vadd.s32 $0x7D0, v7;
	[tilespmem:s31+$0xFFFFFE60] =	vst v21;
	v16 =	vld.idx.msk [tilespmem:v55+s23+$0x0], $0xffff  }
0x3ef: {  	v59 =	vadd.s32 $0x7D0, v6;
	v61 =	vld.idx.msk [tilespmem:v56+s23+$0x0], $0xffff;
	[tilespmem:s31+$0xFFFFFEF0] =	vst v51  }
0x3f0: {  	v63 =	vadd.s32 $0x7D0, v9;
	v11 =	vld.idx.msk [tilespmem:v11+s23+$0x0], $0xffff;
	[tilespmem:s31+$0xFFFFFE90] =	vst v53  }
0x3f1: {  	v24 =	vadd.s32 $0x7D0, v4;
	[tilespmem:s31+$0xFFFFFEA0] =	vst v18;
	v15 =	vld.idx.msk [tilespmem:v54+s23+$0x0], $0xffff  }
0x3f2: {  	v60 =	vadd.s32 $0x7D0, v5;
	[tilespmem:s31+$0xFFFFFEB0] =	vst v20;
	v19 =	vld.idx.msk [tilespmem:v57+s23+$0x0], $0xffff  }
0x3f3: {  	v62 =	vadd.s32 $0xBB8, v10;
	[tilespmem:s31+$0xFFFFFED0] =	vst v14;
	v21 =	vld.idx.msk [tilespmem:v58+s23+$0x0], $0xffff  }
0x3f4: {  	v25 =	vadd.s32 $0xBB8, v8;
	[tilespmem:s31+$0xFFFFFE80] =	vst v16;
	v12 =	vld.idx.msk [tilespmem:v59+s23+$0x0], $0xffff  }
0x3f5: {  	v26 =	vadd.s32 $0xBB8, v7;
	[tilespmem:s31+$0xFFFFFEE0] =	vst v61;
	v18 =	vld.idx.msk [tilespmem:v63+s23+$0x0], $0xffff  }
0x3f6: {  	v28 =	vadd.s32 $0xBB8, v6;
	v29 =	vld.idx.msk [tilespmem:v24+s23+$0x0], $0xffff;
	[tilespmem:s31+$0xFFFFFEC0] =	vst v11  }
0x3f7: {  	v31 =	vadd.s32 $0xBB8, v9;
	v22 =	vld.idx.msk [tilespmem:v60+s23+$0x0], $0xffff;
	[tilespmem:s31+$0xFFFFFF70] =	vst v15  }
0x3f8: {  	v33 =	vadd.s32 $0xBB8, v4;
	[tilespmem:s31+$0xFFFFFF10] =	vst v19;
	v27 =	vld.idx.msk [tilespmem:v62+s23+$0x0], $0xffff  }
0x3f9: {  	v11 =	vadd.s32 $0x7D0, v3;
	[tilespmem:s31+$0xFFFFFF20] =	vst v21;
	v14 =	vld.idx.msk [tilespmem:v25+s23+$0x0], $0xffff  }
0x3fa: {  	v32 =	vadd.s32 $0xBB8, v5;
	[tilespmem:s31+$0xFFFFFF30] =	vst v12;
	v15 =	vld.idx.msk [tilespmem:v26+s23+$0x0], $0xffff  }
0x3fb: {  	v30 =	vadd.s32 $0xFA0, v10;
	[tilespmem:s31+$0xFFFFFF00] =	vst v18;
	v17 =	vld.idx.msk [tilespmem:v28+s23+$0x0], $0xffff  }
0x3fc: {  	v35 =	vadd.s32 $0xFA0, v8;
	[tilespmem:s31+$0xFFFFFF50] =	vst v29;
	v20 =	vld.idx.msk [tilespmem:v31+s23+$0x0], $0xffff  }
0x3fd: {  	v37 =	vadd.s32 $0xFA0, v7;
	v12 =	vld.idx.msk [tilespmem:v33+s23+$0x0], $0xffff;
	[tilespmem:s31+$0xFFFFFF40] =	vst v22  }
0x3fe: {  	v39 =	vadd.s32 $0xFA0, v9;
	v11 =	vld.idx.msk [tilespmem:v11+s23+$0x0], $0xffff;
	[tilespmem:s31+$0xFFFFFFF0] =	vst v27  }
0x3ff: {  	v40 =	vadd.s32 $0xFA0, v6;
	v38 =	vld.idx.msk [tilespmem:v32+s23+$0x0], $0xffff;
	[tilespmem:s31+$0xFFFFFF90] =	vst v14  }
0x400: {  	v43 =	vadd.s32 $0xFA0, v4;
	[tilespmem:s31+$0xFFFFFFA0] =	vst v15;
	v36 =	vld.idx.msk [tilespmem:v30+s23+$0x0], $0xffff  }
0x401: {  	v34 =	vadd.s32 $0xBB8, v3;
	[tilespmem:s31+$0xFFFFFFB0] =	vst v17;
	v16 =	vld.idx.msk [tilespmem:v35+s23+$0x0], $0xffff  }
0x402: {  	v42 =	vadd.s32 $0xFA0, v5;
	[tilespmem:s31+$0xFFFFFF80] =	vst v20;
	v19 =	vld.idx.msk [tilespmem:v37+s23+$0x0], $0xffff  }
0x403: {  	v21 =	vld.idx.msk [tilespmem:v39+s23+$0x0], $0xffff;
	[tilespmem:s31+$0xFFFFFF60] =	vst v11;
	v11 =	vadd.s32 $0x1388, v10  }
0x404: {  	v45 =	vadd.s32 $0x1388, v8;
	[tilespmem:s31+$0xFFFFFFD0] =	vst v12;
	v46 =	vld.idx.msk [tilespmem:v40+s23+$0x0], $0xffff  }
0x405: {  	v48 =	vadd.s32 $0x1388, v9;
	v50 =	vld.idx.msk [tilespmem:v43+s23+$0x0], $0xffff;
	[tilespmem:s31+$0xFFFFFFC0] =	vst v38  }
0x406: {  	v49 =	vadd.s32 $0x1388, v7;
	v41 =	vld.idx.msk [tilespmem:v34+s23+$0x0], $0xffff;
	[tilespmem:s31+$0x70] =	vst v36  }
0x407: {  	v44 =	vadd.s32 $0xFA0, v3;
	v22 =	vld.idx.msk [tilespmem:v42+s23+$0x0], $0xffff;
	[tilespmem:s31+$0x10] =	vst v16  }
0x408: {  	v51 =	vadd.s32 $0x1388, v6;
	[tilespmem:s31+$0x20] =	vst v19;
	v11 =	vld.idx.msk [tilespmem:v11+s23+$0x0], $0xffff  }
0x409: {  	v47 =	vadd.s32 $0x1770, v10;
	[tilespmem:s31+$0x0] =	vst v21;
	v20 =	vld.idx.msk [tilespmem:v45+s23+$0x0], $0xffff  }
0x40a: {  	v52 =	vadd.s32 $0x1388, v5;
	[tilespmem:s31+$0x30] =	vst v46;
	v14 =	vld.idx.msk [tilespmem:v48+s23+$0x0], $0xffff  }
0x40b: {  	v55 =	vadd.s32 $0x1770, v9;
	v54 =	vld.idx.msk [tilespmem:v49+s23+$0x0], $0xffff;
	[tilespmem:s31+$0xFFFFFFE0] =	vst v41  }
0x40c: {  	v56 =	vadd.s32 $0x1770, v8;
	[tilespmem:s31+$0x50] =	vst v50;
	v18 =	vld.idx.msk [tilespmem:v44+s23+$0x0], $0xffff  }
0x40d: {  	v53 =	vadd.s32 $0x1388, v3;
	v17 =	vld.idx.msk [tilespmem:v51+s23+$0x0], $0xffff;
	[tilespmem:s31+$0xF0] =	vst v11  }
0x40e: {  	[tilespmem:s31+$0x40] =	vst v22;
	v11 =	vadd.s32 $0x1388, v4;
	v12 =	vld.idx.msk [tilespmem:v47+s23+$0x0], $0xffff  }
0x40f: {  	v10 =	vadd.s32 $0x1B58, v10;
	v19 =	vld.idx.msk [tilespmem:v52+s23+$0x0], $0xffff;
	[tilespmem:s31+$0x80] =	vst v14  }
0x410: {  	v57 =	vadd.s32 $0x1770, v7;
	[tilespmem:s31+$0x90] =	vst v20;
	v15 =	vld.idx.msk [tilespmem:v55+s23+$0x0], $0xffff  }
0x411: {  	v58 =	vadd.s32 $0x1770, v6;
	v16 =	vld.idx.msk [tilespmem:v56+s23+$0x0], $0xffff;
	[tilespmem:s31+$0x60] =	vst v18  }
0x412: {  	v59 =	vadd.s32 $0x1770, v5;
	[tilespmem:s31+$0xA0] =	vst v54;
	v21 =	vld.idx.msk [tilespmem:v53+s23+$0x0], $0xffff  }
0x413: {  	v9 =	vadd.s32 $0x1B58, v9;
	v11 =	vld.idx.msk [tilespmem:v11+s23+$0x0], $0xffff;
	[tilespmem:s31+$0x170] =	vst v12  }
0x414: {  	v60 =	vadd.s32 $0x1770, v4;
	[tilespmem:s31+$0xB0] =	vst v17;
	v10 =	vld.idx.msk [tilespmem:v10+s23+$0x0], $0xffff  }
0x415: {  	v61 =	vadd.s32 $0x1770, v3;
	v62 =	vld.idx.msk [tilespmem:v57+s23+$0x0], $0xffff;
	[tilespmem:s31+$0xC0] =	vst v19  }
0x416: {  	v8 =	vadd.s32 $0x1B58, v8;
	v63 =	vld.idx.msk [tilespmem:v58+s23+$0x0], $0xffff;
	[tilespmem:s31+$0x100] =	vst v15  }
0x417: {  	v6 =	vadd.s32 $0x1B58, v6;
	v12 =	vld.idx.msk [tilespmem:v59+s23+$0x0], $0xffff;
	[tilespmem:s31+$0xE0] =	vst v21  }
0x418: {  	v15 =	vld.idx.msk [tilespmem:v9+s23+$0x0], $0xffff;
	[tilespmem:s31+$0xD0] =	vst v11;
	v11 =	vadd.s32 $0x1B58, v7  }
0x419: {  	v14 =	vld.idx.msk [tilespmem:v60+s23+$0x0], $0xffff;
	[tilespmem:s31+$0x1F0] =	vst v10;
	v10 =	vadd.s32 $0x1B58, v5  }
0x41a: {  	v4 =	vadd.s32 $0x1B58, v4;
	[tilespmem:s31+$0x110] =	vst v16;
	v13 =	vld.idx.msk [tilespmem:v61+s23+$0x0], $0xffff  }
0x41b: {  	v3 =	vadd.s32 $0x1B58, v3;
	[tilespmem:s31+$0x130] =	vst v63;
	v7 =	vld.idx.msk [tilespmem:v8+s23+$0x0], $0xffff  }
0x41c: {  	[tilespmem:s31+$0x120] =	vst v62;
	v5 =	vld.idx.msk [tilespmem:v6+s23+$0x0], $0xffff  }
0x41d: {  	[tilespmem:s31+$0x140] =	vst v12;
	v8 =	vld.idx.msk [tilespmem:v11+s23+$0x0], $0xffff  }
0x41e: {  	[tilespmem:s31+$0x150] =	vst v14;
	v9 =	vld.idx.msk [tilespmem:v10+s23+$0x0], $0xffff  }
0x41f: {  	[tilespmem:s31+$0x160] =	vst v13;
	v6 =	vld.idx.msk [tilespmem:v4+s23+$0x0], $0xffff  }
0x420: {  	s5 =	simm.s32 $0x0;
	s6 =	sadd.s32 $0x80, s14;
	[tilespmem:s31+$0x180] =	vst v15;
	v4 =	vld.idx.msk [tilespmem:v3+s23+$0x0], $0xffff  }
.LBB2_22:
0x421: {  	v3 =	vld [tilespmem:s6+$0x30];
	s5 =	sadd.s32 $0x8, s5;
	[tilespmem:s31+$0x190] =	vst v7  }
0x422: {  	v10 =	vld [tilespmem:s6+$0xFFFFFFD0];
	p1 =	slt.u32 s5, $0x38;
	[tilespmem:s31+$0x1A0] =	vst v8  }
0x423: {  	v8 =	vld [tilespmem:s6+$0xFFFFFFE0];
	[tilespmem:s31+$0x1B0] =	vst v5  }
0x424: {  	v5 =	vld [tilespmem:s6+$0xFFFFFFF0];
	[tilespmem:s31+$0x1C0] =	vst v9  }
0x425: {  	v9 =	vld [tilespmem:s6+$0x0];
	[tilespmem:s31+$0x1D0] =	vst v6  }
0x426: {  	v6 =	vld [tilespmem:s6+$0x10];
	[tilespmem:s31+$0x1E0] =	vst v4  }
0x427: {  	v4 =	vadd.s32 $0x3E8, v10;
	v24 =	vadd.s32 $0x7D0, v10;
	v25 =	vadd.s32 $0xBB8, v10;
	v26 =	vld [tilespmem:s6+$0x20]  }
0x428: {  	v7 =	vld [tilespmem:s6+$0xFFFFFFC0];
	v11 =	vadd.s32 $0x3E8, v8;
	v27 =	vadd.s32 $0x7D0, v8;
	v28 =	vadd.s32 $0xBB8, v8  }
0x429: {  	v12 =	vadd.s32 $0x3E8, v5;
	v29 =	vadd.s32 $0x7D0, v5;
	v30 =	vadd.s32 $0xBB8, v5;
	v13 =	vld.idx.msk [tilespmem:v3+s23+$0x0], $0xffff  }
0x42a: {  	v14 =	vld.idx.msk [tilespmem:v10+s23+$0x0], $0xffff;
	v15 =	vadd.s32 $0x3E8, v9;
	v31 =	vadd.s32 $0x7D0, v9;
	v32 =	vadd.s32 $0xBB8, v9  }
0x42b: {  	v17 =	vadd.s32 $0x3E8, v3;
	v16 =	vld.idx.msk [tilespmem:v8+s23+$0x0], $0xffff;
	v33 =	vadd.s32 $0x3E8, v6;
	v34 =	vadd.s32 $0x7D0, v6  }
0x42c: {  	v35 =	vadd.s32 $0xBB8, v6;
	v19 =	vld.idx.msk [tilespmem:v5+s23+$0x0], $0xffff;
	v36 =	vadd.s32 $0x3E8, v26;
	v37 =	vadd.s32 $0x7D0, v26  }
0x42d: {  	v38 =	vadd.s32 $0x3E8, v7;
	v39 =	vadd.s32 $0x7D0, v7;
	v40 =	vadd.s32 $0xBB8, v7;
	v23 =	vld.idx.msk [tilespmem:v9+s23+$0x0], $0xffff  }
0x42e: {  	s31 =	sadd.s32 $0x400, s31;
	v42 =	vadd.s32 $0xFA0, v10;
	v44 =	vadd.s32 $0xBB8, v26;
	v41 =	vadd.s32 $0xFA0, v7;
	v43 =	vld.idx.msk [tilespmem:v6+s23+$0x0], $0xffff  }
0x42f: {  	v45 =	vadd.s32 $0xFA0, v8;
	v46 =	vadd.s32 $0xFA0, v5;
	v47 =	vadd.s32 $0xFA0, v9;
	v48 =	vld.idx.msk [tilespmem:v26+s23+$0x0], $0xffff;
	[tilespmem:s31+$0xFFFFFE70] =	vst v13  }
0x430: {  	v49 =	vadd.s32 $0xFA0, v6;
	v50 =	vadd.s32 $0xFA0, v26;
	v18 =	vadd.s32 $0x1388, v7;
	[tilespmem:s31+$0xFFFFFE10] =	vst v14;
	v51 =	vld.idx.msk [tilespmem:v17+s23+$0x0], $0xffff  }
0x431: {  	v53 =	vadd.s32 $0x1388, v10;
	v22 =	vadd.s32 $0x1388, v8;
	v20 =	vadd.s32 $0x1388, v5;
	v52 =	vld.idx.msk [tilespmem:v7+s23+$0x0], $0xffff;
	[tilespmem:s31+$0xFFFFFE20] =	vst v16  }
0x432: {  	v55 =	vadd.s32 $0x7D0, v3;
	v21 =	vadd.s32 $0x1388, v9;
	v54 =	vld.idx.msk [tilespmem:v4+s23+$0x0], $0xffff;
	[tilespmem:s31+$0xFFFFFE30] =	vst v19;
	v19 =	vadd.s32 $0x1388, v6  }
0x433: {  	v13 =	vadd.s32 $0x1770, v10;
	v16 =	vadd.s32 $0x1770, v7;
	v56 =	vld.idx.msk [tilespmem:v11+s23+$0x0], $0xffff;
	[tilespmem:s31+$0xFFFFFE40] =	vst v23;
	v23 =	vadd.s32 $0x1388, v26  }
0x434: {  	v17 =	vadd.s32 $0x1770, v8;
	v14 =	vadd.s32 $0x1770, v5;
	v11 =	vadd.s32 $0x1770, v9;
	v57 =	vld.idx.msk [tilespmem:v12+s23+$0x0], $0xffff;
	[tilespmem:s31+$0xFFFFFE50] =	vst v43  }
0x435: {  	v7 =	vadd.s32 $0x1B58, v7;
	v12 =	vadd.s32 $0x1770, v26;
	v43 =	vld.idx.msk [tilespmem:v15+s23+$0x0], $0xffff;
	v15 =	vadd.s32 $0x1770, v6;
	[tilespmem:s31+$0xFFFFFE60] =	vst v48  }
0x436: {  	v10 =	vadd.s32 $0x1B58, v10;
	v8 =	vadd.s32 $0x1B58, v8;
	v5 =	vadd.s32 $0x1B58, v5;
	v33 =	vld.idx.msk [tilespmem:v33+s23+$0x0], $0xffff;
	[tilespmem:s31+$0xFFFFFEF0] =	vst v51  }
0x437: {  	v4 =	vadd.s32 $0x1B58, v26;
	v9 =	vadd.s32 $0x1B58, v9;
	v6 =	vadd.s32 $0x1B58, v6;
	[tilespmem:s31+$0xFFFFFE00] =	vst v52;
	v26 =	vld.idx.msk [tilespmem:v55+s23+$0x0], $0xffff  }
0x438: {  	v38 =	vld.idx.msk [tilespmem:v38+s23+$0x0], $0xffff;
	[tilespmem:s31+$0xFFFFFE90] =	vst v54  }
0x439: {  	v48 =	vadd.s32 $0xBB8, v3;
	[tilespmem:s31+$0xFFFFFEA0] =	vst v56;
	v36 =	vld.idx.msk [tilespmem:v36+s23+$0x0], $0xffff  }
0x43a: {  	v24 =	vld.idx.msk [tilespmem:v24+s23+$0x0], $0xffff;
	[tilespmem:s31+$0xFFFFFEB0] =	vst v57  }
0x43b: {  	v27 =	vld.idx.msk [tilespmem:v27+s23+$0x0], $0xffff;
	[tilespmem:s31+$0xFFFFFEC0] =	vst v43  }
0x43c: {  	v29 =	vld.idx.msk [tilespmem:v29+s23+$0x0], $0xffff;
	[tilespmem:s31+$0xFFFFFED0] =	vst v33  }
0x43d: {  	v31 =	vld.idx.msk [tilespmem:v31+s23+$0x0], $0xffff;
	[tilespmem:s31+$0xFFFFFF70] =	vst v26  }
0x43e: {  	[tilespmem:s31+$0xFFFFFE80] =	vst v38;
	v26 =	vld.idx.msk [tilespmem:v48+s23+$0x0], $0xffff  }
0x43f: {  	v33 =	vld.idx.msk [tilespmem:v39+s23+$0x0], $0xffff;
	[tilespmem:s31+$0xFFFFFEE0] =	vst v36  }
0x440: {  	[tilespmem:s31+$0xFFFFFF10] =	vst v24;
	v24 =	vld.idx.msk [tilespmem:v34+s23+$0x0], $0xffff;
	v34 =	vadd.s32 $0xFA0, v3  }
0x441: {  	[tilespmem:s31+$0xFFFFFF20] =	vst v27;
	v27 =	vld.idx.msk [tilespmem:v37+s23+$0x0], $0xffff  }
0x442: {  	v25 =	vld.idx.msk [tilespmem:v25+s23+$0x0], $0xffff;
	[tilespmem:s31+$0xFFFFFF30] =	vst v29  }
0x443: {  	v28 =	vld.idx.msk [tilespmem:v28+s23+$0x0], $0xffff;
	[tilespmem:s31+$0xFFFFFF40] =	vst v31  }
0x444: {  	v29 =	vld.idx.msk [tilespmem:v30+s23+$0x0], $0xffff;
	[tilespmem:s31+$0xFFFFFFF0] =	vst v26  }
0x445: {  	[tilespmem:s31+$0xFFFFFF00] =	vst v33;
	v26 =	vld.idx.msk [tilespmem:v34+s23+$0x0], $0xffff  }
0x446: {  	v30 =	vld.idx.msk [tilespmem:v40+s23+$0x0], $0xffff;
	[tilespmem:s31+$0xFFFFFF50] =	vst v24  }
0x447: {  	v24 =	vld.idx.msk [tilespmem:v32+s23+$0x0], $0xffff;
	[tilespmem:s31+$0xFFFFFF60] =	vst v27;
	v27 =	vadd.s32 $0x1388, v3  }
0x448: {  	[tilespmem:s31+$0xFFFFFF90] =	vst v25;
	v25 =	vld.idx.msk [tilespmem:v35+s23+$0x0], $0xffff  }
0x449: {  	[tilespmem:s31+$0xFFFFFFA0] =	vst v28;
	v28 =	vld.idx.msk [tilespmem:v44+s23+$0x0], $0xffff  }
0x44a: {  	v31 =	vld.idx.msk [tilespmem:v42+s23+$0x0], $0xffff;
	[tilespmem:s31+$0xFFFFFFB0] =	vst v29  }
0x44b: {  	v29 =	vld.idx.msk [tilespmem:v45+s23+$0x0], $0xffff;
	[tilespmem:s31+$0x70] =	vst v26  }
0x44c: {  	[tilespmem:s31+$0xFFFFFF80] =	vst v30;
	v26 =	vld.idx.msk [tilespmem:v27+s23+$0x0], $0xffff  }
0x44d: {  	v27 =	vld.idx.msk [tilespmem:v41+s23+$0x0], $0xffff;
	[tilespmem:s31+$0xFFFFFFC0] =	vst v24  }
0x44e: {  	v24 =	vld.idx.msk [tilespmem:v46+s23+$0x0], $0xffff;
	[tilespmem:s31+$0xFFFFFFD0] =	vst v25;
	v25 =	vadd.s32 $0x1770, v3  }
0x44f: {  	v30 =	vld.idx.msk [tilespmem:v47+s23+$0x0], $0xffff;
	[tilespmem:s31+$0xFFFFFFE0] =	vst v28  }
0x450: {  	[tilespmem:s31+$0x10] =	vst v31;
	v28 =	vld.idx.msk [tilespmem:v49+s23+$0x0], $0xffff  }
0x451: {  	[tilespmem:s31+$0x20] =	vst v29;
	v29 =	vld.idx.msk [tilespmem:v50+s23+$0x0], $0xffff  }
0x452: {  	v31 =	vld.idx.msk [tilespmem:v53+s23+$0x0], $0xffff;
	[tilespmem:s31+$0xF0] =	vst v26  }
0x453: {  	[tilespmem:s31+$0x0] =	vst v27;
	v25 =	vld.idx.msk [tilespmem:v25+s23+$0x0], $0xffff  }
0x454: {  	v18 =	vld.idx.msk [tilespmem:v18+s23+$0x0], $0xffff;
	[tilespmem:s31+$0x30] =	vst v24  }
0x455: {  	v3 =	vadd.s32 $0x1B58, v3;
	v22 =	vld.idx.msk [tilespmem:v22+s23+$0x0], $0xffff;
	[tilespmem:s31+$0x40] =	vst v30  }
0x456: {  	v20 =	vld.idx.msk [tilespmem:v20+s23+$0x0], $0xffff;
	[tilespmem:s31+$0x50] =	vst v28  }
0x457: {  	v21 =	vld.idx.msk [tilespmem:v21+s23+$0x0], $0xffff;
	[tilespmem:s31+$0x60] =	vst v29  }
0x458: {  	[tilespmem:s31+$0x90] =	vst v31;
	v19 =	vld.idx.msk [tilespmem:v19+s23+$0x0], $0xffff  }
0x459: {  	v23 =	vld.idx.msk [tilespmem:v23+s23+$0x0], $0xffff;
	[tilespmem:s31+$0x170] =	vst v25  }
0x45a: {  	[tilespmem:s31+$0x80] =	vst v18;
	v3 =	vld.idx.msk [tilespmem:v3+s23+$0x0], $0xffff  }
0x45b: {  	v16 =	vld.idx.msk [tilespmem:v16+s23+$0x0], $0xffff;
	[tilespmem:s31+$0xA0] =	vst v22  }
0x45c: {  	v13 =	vld.idx.msk [tilespmem:v13+s23+$0x0], $0xffff;
	[tilespmem:s31+$0xB0] =	vst v20  }
0x45d: {  	v17 =	vld.idx.msk [tilespmem:v17+s23+$0x0], $0xffff;
	[tilespmem:s31+$0xC0] =	vst v21  }
0x45e: {  	v14 =	vld.idx.msk [tilespmem:v14+s23+$0x0], $0xffff;
	[tilespmem:s31+$0xD0] =	vst v19  }
0x45f: {  	v11 =	vld.idx.msk [tilespmem:v11+s23+$0x0], $0xffff;
	[tilespmem:s31+$0xE0] =	vst v23  }
0x460: {  	v15 =	vld.idx.msk [tilespmem:v15+s23+$0x0], $0xffff;
	[tilespmem:s31+$0x1F0] =	vst v3  }
0x461: {  	[tilespmem:s31+$0x100] =	vst v16;
	v3 =	vld.idx.msk [tilespmem:v12+s23+$0x0], $0xffff  }
0x462: {  	v12 =	vld.idx.msk [tilespmem:v7+s23+$0x0], $0xffff;
	[tilespmem:s31+$0x110] =	vst v13  }
0x463: {  	v7 =	vld.idx.msk [tilespmem:v10+s23+$0x0], $0xffff;
	[tilespmem:s31+$0x120] =	vst v17  }
.Ltmp10:
0x464: {  	v8 =	vld.idx.msk [tilespmem:v8+s23+$0x0], $0xffff;
	[tilespmem:s31+$0x130] =	vst v14;
	(pc) =	sbr.rel @p1 .LBB2_22-.Ltmp10, $4  }
0x465: {  	v5 =	vld.idx.msk [tilespmem:v5+s23+$0x0], $0xffff;
	[tilespmem:s31+$0x140] =	vst v11  }
0x466: {  	v9 =	vld.idx.msk [tilespmem:v9+s23+$0x0], $0xffff;
	[tilespmem:s31+$0x150] =	vst v15  }
0x467: {  	v6 =	vld.idx.msk [tilespmem:v6+s23+$0x0], $0xffff;
	[tilespmem:s31+$0x160] =	vst v3  }
0x468: {  	s6 =	sadd.s32 $0x80, s6;
	[tilespmem:s31+$0x180] =	vst v12;
	v4 =	vld.idx.msk [tilespmem:v4+s23+$0x0], $0xffff  }
0x469: {  	[tilespmem:s31+$0x190] =	vst v7  }
0x46a: {  	[tilespmem:s31+$0x1A0] =	vst v8;
	s5 =	smul.u32 $0x1F4000, s1  }
0x46b: {  	[tilespmem:s31+$0x1B0] =	vst v5  }
0x46c: {  	[tilespmem:s31+$0x1C0] =	vst v9;
	s5 =	sadd.s32 s15, s5  }
0x46d: {  	[tilespmem:s31+$0x1D0] =	vst v6;
	s5 =	sshrl.u32 s5, $0x3  }
0x46e: {  	[tilespmem:s31+$0x1E0] =	vst v4;
	s5 =	sadd.s32 s2, s5  }
0x46f: {  	[hbm4b:s5+s3] =	stream.linear.scatter [tilespmem:s24], [sflag:$0x1], $0x2000, $0x38;
	[tilespmem:$0x14350] =	vst v63  }
0x470: {  	_ =	swait.ge [sflag:s28], $0x2000  }
0x471: {  	[sflag:s28] =	ssyncset.done $0x0  }
0x472: {  	[sflag:s28] =	ssyncadd.s32 $0xFFFFE000  }
0x473: {  	v10 =	vld [tilespmem:s21+$0x0]  }
0x474: {  	v8 =	vld [tilespmem:s21+$0xFFFFFFA0]  }
0x475: {  	v7 =	vld [tilespmem:s21+$0xFFFFFFB0]  }
0x476: {  	v6 =	vld [tilespmem:s21+$0xFFFFFFC0]  }
0x477: {  	v5 =	vld [tilespmem:s21+$0xFFFFFFD0]  }
0x478: {  	v4 =	vld [tilespmem:s21+$0xFFFFFFE0]  }
0x479: {  	v3 =	vld [tilespmem:s21+$0xFFFFFFF0]  }
0x47a: {  	v9 =	vld [tilespmem:s21+$0xFFFFFF90]  }
0x47b: {  	v11 =	vld.idx.msk [tilespmem:v10+s23+$0x0], $0xffff  }
0x47c: {  	v12 =	vld.idx.msk [tilespmem:v8+s23+$0x0], $0xffff  }
0x47d: {  	v13 =	vld.idx.msk [tilespmem:v7+s23+$0x0], $0xffff  }
0x47e: {  	v14 =	vadd.s32 $0x3E8, v10;
	v15 =	vld.idx.msk [tilespmem:v6+s23+$0x0], $0xffff  }
0x47f: {  	v16 =	vadd.s32 $0x3E8, v8;
	v17 =	vld.idx.msk [tilespmem:v5+s23+$0x0], $0xffff  }
0x480: {  	s31 =	simm.s32 $0x11540;
	v18 =	vadd.s32 $0x3E8, v7;
	v19 =	vld.idx.msk [tilespmem:v4+s23+$0x0], $0xffff  }
0x481: {  	v20 =	vadd.s32 $0x3E8, v6;
	v21 =	vld.idx.msk [tilespmem:v3+s23+$0x0], $0xffff;
	[tilespmem:s31+$0xFFFFFE70] =	vst v11  }
0x482: {  	v52 =	vadd.s32 $0x3E8, v4;
	v22 =	vld.idx.msk [tilespmem:v9+s23+$0x0], $0xffff;
	[tilespmem:s31+$0xFFFFFE10] =	vst v12  }
0x483: {  	v55 =	vadd.s32 $0x3E8, v9;
	[tilespmem:s31+$0xFFFFFE20] =	vst v13;
	v51 =	vld.idx.msk [tilespmem:v14+s23+$0x0], $0xffff  }
0x484: {  	v56 =	vadd.s32 $0x3E8, v3;
	[tilespmem:s31+$0xFFFFFE30] =	vst v15;
	v53 =	vld.idx.msk [tilespmem:v16+s23+$0x0], $0xffff  }
0x485: {  	v11 =	vadd.s32 $0x3E8, v5;
	[tilespmem:s31+$0xFFFFFE40] =	vst v17;
	v18 =	vld.idx.msk [tilespmem:v18+s23+$0x0], $0xffff  }
0x486: {  	v54 =	vadd.s32 $0x7D0, v10;
	[tilespmem:s31+$0xFFFFFE50] =	vst v19;
	v20 =	vld.idx.msk [tilespmem:v20+s23+$0x0], $0xffff  }
0x487: {  	v57 =	vadd.s32 $0x7D0, v8;
	[tilespmem:s31+$0xFFFFFE00] =	vst v22;
	v14 =	vld.idx.msk [tilespmem:v52+s23+$0x0], $0xffff  }
0x488: {  	v58 =	vadd.s32 $0x7D0, v7;
	[tilespmem:s31+$0xFFFFFE60] =	vst v21;
	v16 =	vld.idx.msk [tilespmem:v55+s23+$0x0], $0xffff  }
0x489: {  	v59 =	vadd.s32 $0x7D0, v6;
	v61 =	vld.idx.msk [tilespmem:v56+s23+$0x0], $0xffff;
	[tilespmem:s31+$0xFFFFFEF0] =	vst v51  }
0x48a: {  	v63 =	vadd.s32 $0x7D0, v9;
	v11 =	vld.idx.msk [tilespmem:v11+s23+$0x0], $0xffff;
	[tilespmem:s31+$0xFFFFFE90] =	vst v53  }
0x48b: {  	v24 =	vadd.s32 $0x7D0, v4;
	[tilespmem:s31+$0xFFFFFEA0] =	vst v18;
	v15 =	vld.idx.msk [tilespmem:v54+s23+$0x0], $0xffff  }
0x48c: {  	v60 =	vadd.s32 $0x7D0, v5;
	[tilespmem:s31+$0xFFFFFEB0] =	vst v20;
	v19 =	vld.idx.msk [tilespmem:v57+s23+$0x0], $0xffff  }
0x48d: {  	v62 =	vadd.s32 $0xBB8, v10;
	[tilespmem:s31+$0xFFFFFED0] =	vst v14;
	v21 =	vld.idx.msk [tilespmem:v58+s23+$0x0], $0xffff  }
0x48e: {  	v25 =	vadd.s32 $0xBB8, v8;
	[tilespmem:s31+$0xFFFFFE80] =	vst v16;
	v12 =	vld.idx.msk [tilespmem:v59+s23+$0x0], $0xffff  }
0x48f: {  	v26 =	vadd.s32 $0xBB8, v7;
	[tilespmem:s31+$0xFFFFFEE0] =	vst v61;
	v18 =	vld.idx.msk [tilespmem:v63+s23+$0x0], $0xffff  }
0x490: {  	v28 =	vadd.s32 $0xBB8, v6;
	v29 =	vld.idx.msk [tilespmem:v24+s23+$0x0], $0xffff;
	[tilespmem:s31+$0xFFFFFEC0] =	vst v11  }
0x491: {  	v31 =	vadd.s32 $0xBB8, v9;
	v22 =	vld.idx.msk [tilespmem:v60+s23+$0x0], $0xffff;
	[tilespmem:s31+$0xFFFFFF70] =	vst v15  }
0x492: {  	v33 =	vadd.s32 $0xBB8, v4;
	[tilespmem:s31+$0xFFFFFF10] =	vst v19;
	v27 =	vld.idx.msk [tilespmem:v62+s23+$0x0], $0xffff  }
0x493: {  	v11 =	vadd.s32 $0x7D0, v3;
	[tilespmem:s31+$0xFFFFFF20] =	vst v21;
	v14 =	vld.idx.msk [tilespmem:v25+s23+$0x0], $0xffff  }
0x494: {  	v32 =	vadd.s32 $0xBB8, v5;
	[tilespmem:s31+$0xFFFFFF30] =	vst v12;
	v15 =	vld.idx.msk [tilespmem:v26+s23+$0x0], $0xffff  }
0x495: {  	v30 =	vadd.s32 $0xFA0, v10;
	[tilespmem:s31+$0xFFFFFF00] =	vst v18;
	v17 =	vld.idx.msk [tilespmem:v28+s23+$0x0], $0xffff  }
0x496: {  	v35 =	vadd.s32 $0xFA0, v8;
	[tilespmem:s31+$0xFFFFFF50] =	vst v29;
	v20 =	vld.idx.msk [tilespmem:v31+s23+$0x0], $0xffff  }
0x497: {  	v37 =	vadd.s32 $0xFA0, v7;
	v12 =	vld.idx.msk [tilespmem:v33+s23+$0x0], $0xffff;
	[tilespmem:s31+$0xFFFFFF40] =	vst v22  }
0x498: {  	v39 =	vadd.s32 $0xFA0, v9;
	v11 =	vld.idx.msk [tilespmem:v11+s23+$0x0], $0xffff;
	[tilespmem:s31+$0xFFFFFFF0] =	vst v27  }
0x499: {  	v40 =	vadd.s32 $0xFA0, v6;
	v38 =	vld.idx.msk [tilespmem:v32+s23+$0x0], $0xffff;
	[tilespmem:s31+$0xFFFFFF90] =	vst v14  }
0x49a: {  	v43 =	vadd.s32 $0xFA0, v4;
	[tilespmem:s31+$0xFFFFFFA0] =	vst v15;
	v36 =	vld.idx.msk [tilespmem:v30+s23+$0x0], $0xffff  }
0x49b: {  	v34 =	vadd.s32 $0xBB8, v3;
	[tilespmem:s31+$0xFFFFFFB0] =	vst v17;
	v16 =	vld.idx.msk [tilespmem:v35+s23+$0x0], $0xffff  }
0x49c: {  	v42 =	vadd.s32 $0xFA0, v5;
	[tilespmem:s31+$0xFFFFFF80] =	vst v20;
	v19 =	vld.idx.msk [tilespmem:v37+s23+$0x0], $0xffff  }
0x49d: {  	v21 =	vld.idx.msk [tilespmem:v39+s23+$0x0], $0xffff;
	[tilespmem:s31+$0xFFFFFF60] =	vst v11;
	v11 =	vadd.s32 $0x1388, v10  }
0x49e: {  	v45 =	vadd.s32 $0x1388, v8;
	[tilespmem:s31+$0xFFFFFFD0] =	vst v12;
	v46 =	vld.idx.msk [tilespmem:v40+s23+$0x0], $0xffff  }
0x49f: {  	v48 =	vadd.s32 $0x1388, v9;
	v50 =	vld.idx.msk [tilespmem:v43+s23+$0x0], $0xffff;
	[tilespmem:s31+$0xFFFFFFC0] =	vst v38  }
0x4a0: {  	v49 =	vadd.s32 $0x1388, v7;
	v41 =	vld.idx.msk [tilespmem:v34+s23+$0x0], $0xffff;
	[tilespmem:s31+$0x70] =	vst v36  }
0x4a1: {  	v44 =	vadd.s32 $0xFA0, v3;
	v22 =	vld.idx.msk [tilespmem:v42+s23+$0x0], $0xffff;
	[tilespmem:s31+$0x10] =	vst v16  }
0x4a2: {  	v51 =	vadd.s32 $0x1388, v6;
	[tilespmem:s31+$0x20] =	vst v19;
	v11 =	vld.idx.msk [tilespmem:v11+s23+$0x0], $0xffff  }
0x4a3: {  	v47 =	vadd.s32 $0x1770, v10;
	[tilespmem:s31+$0x0] =	vst v21;
	v20 =	vld.idx.msk [tilespmem:v45+s23+$0x0], $0xffff  }
0x4a4: {  	v52 =	vadd.s32 $0x1388, v5;
	[tilespmem:s31+$0x30] =	vst v46;
	v14 =	vld.idx.msk [tilespmem:v48+s23+$0x0], $0xffff  }
0x4a5: {  	v55 =	vadd.s32 $0x1770, v9;
	v54 =	vld.idx.msk [tilespmem:v49+s23+$0x0], $0xffff;
	[tilespmem:s31+$0xFFFFFFE0] =	vst v41  }
0x4a6: {  	v56 =	vadd.s32 $0x1770, v8;
	[tilespmem:s31+$0x50] =	vst v50;
	v18 =	vld.idx.msk [tilespmem:v44+s23+$0x0], $0xffff  }
0x4a7: {  	v53 =	vadd.s32 $0x1388, v3;
	v17 =	vld.idx.msk [tilespmem:v51+s23+$0x0], $0xffff;
	[tilespmem:s31+$0xF0] =	vst v11  }
0x4a8: {  	[tilespmem:s31+$0x40] =	vst v22;
	v11 =	vadd.s32 $0x1388, v4;
	v12 =	vld.idx.msk [tilespmem:v47+s23+$0x0], $0xffff  }
0x4a9: {  	v10 =	vadd.s32 $0x1B58, v10;
	v19 =	vld.idx.msk [tilespmem:v52+s23+$0x0], $0xffff;
	[tilespmem:s31+$0x80] =	vst v14  }
0x4aa: {  	v57 =	vadd.s32 $0x1770, v7;
	[tilespmem:s31+$0x90] =	vst v20;
	v15 =	vld.idx.msk [tilespmem:v55+s23+$0x0], $0xffff  }
0x4ab: {  	v58 =	vadd.s32 $0x1770, v6;
	v16 =	vld.idx.msk [tilespmem:v56+s23+$0x0], $0xffff;
	[tilespmem:s31+$0x60] =	vst v18  }
0x4ac: {  	v59 =	vadd.s32 $0x1770, v5;
	[tilespmem:s31+$0xA0] =	vst v54;
	v21 =	vld.idx.msk [tilespmem:v53+s23+$0x0], $0xffff  }
0x4ad: {  	v9 =	vadd.s32 $0x1B58, v9;
	v11 =	vld.idx.msk [tilespmem:v11+s23+$0x0], $0xffff;
	[tilespmem:s31+$0x170] =	vst v12  }
0x4ae: {  	v60 =	vadd.s32 $0x1770, v4;
	[tilespmem:s31+$0xB0] =	vst v17;
	v10 =	vld.idx.msk [tilespmem:v10+s23+$0x0], $0xffff  }
0x4af: {  	v61 =	vadd.s32 $0x1770, v3;
	v62 =	vld.idx.msk [tilespmem:v57+s23+$0x0], $0xffff;
	[tilespmem:s31+$0xC0] =	vst v19  }
0x4b0: {  	v8 =	vadd.s32 $0x1B58, v8;
	v63 =	vld.idx.msk [tilespmem:v58+s23+$0x0], $0xffff;
	[tilespmem:s31+$0x100] =	vst v15  }
0x4b1: {  	v6 =	vadd.s32 $0x1B58, v6;
	v12 =	vld.idx.msk [tilespmem:v59+s23+$0x0], $0xffff;
	[tilespmem:s31+$0xE0] =	vst v21  }
0x4b2: {  	v15 =	vld.idx.msk [tilespmem:v9+s23+$0x0], $0xffff;
	[tilespmem:s31+$0xD0] =	vst v11;
	v11 =	vadd.s32 $0x1B58, v7  }
0x4b3: {  	v14 =	vld.idx.msk [tilespmem:v60+s23+$0x0], $0xffff;
	[tilespmem:s31+$0x1F0] =	vst v10;
	v10 =	vadd.s32 $0x1B58, v5  }
0x4b4: {  	v4 =	vadd.s32 $0x1B58, v4;
	[tilespmem:s31+$0x110] =	vst v16;
	v13 =	vld.idx.msk [tilespmem:v61+s23+$0x0], $0xffff  }
0x4b5: {  	v3 =	vadd.s32 $0x1B58, v3;
	[tilespmem:s31+$0x130] =	vst v63;
	v7 =	vld.idx.msk [tilespmem:v8+s23+$0x0], $0xffff  }
0x4b6: {  	[tilespmem:s31+$0x120] =	vst v62;
	v5 =	vld.idx.msk [tilespmem:v6+s23+$0x0], $0xffff  }
0x4b7: {  	[tilespmem:s31+$0x140] =	vst v12;
	v8 =	vld.idx.msk [tilespmem:v11+s23+$0x0], $0xffff  }
0x4b8: {  	[tilespmem:s31+$0x150] =	vst v14;
	v9 =	vld.idx.msk [tilespmem:v10+s23+$0x0], $0xffff  }
0x4b9: {  	[tilespmem:s31+$0x160] =	vst v13;
	v6 =	vld.idx.msk [tilespmem:v4+s23+$0x0], $0xffff  }
0x4ba: {  	s6 =	simm.s32 $0x0;
	s7 =	sadd.s32 $0x80, s21;
	s5 =	sshllo.u32 s1, $0x1;
	[tilespmem:s31+$0x180] =	vst v15;
	v4 =	vld.idx.msk [tilespmem:v3+s23+$0x0], $0xffff  }
.LBB2_24:
0x4bb: {  	v3 =	vld [tilespmem:s7+$0x0];
	s6 =	sadd.s32 $0x8, s6;
	[tilespmem:s31+$0x190] =	vst v7  }
0x4bc: {  	v10 =	vld [tilespmem:s7+$0xFFFFFFA0];
	p1 =	slt.u32 s6, $0x38;
	[tilespmem:s31+$0x1A0] =	vst v8  }
0x4bd: {  	v8 =	vld [tilespmem:s7+$0xFFFFFFB0];
	[tilespmem:s31+$0x1B0] =	vst v5  }
0x4be: {  	v5 =	vld [tilespmem:s7+$0xFFFFFFC0];
	[tilespmem:s31+$0x1C0] =	vst v9  }
0x4bf: {  	v9 =	vld [tilespmem:s7+$0xFFFFFFD0];
	[tilespmem:s31+$0x1D0] =	vst v6  }
0x4c0: {  	v6 =	vld [tilespmem:s7+$0xFFFFFFE0];
	[tilespmem:s31+$0x1E0] =	vst v4  }
0x4c1: {  	v4 =	vadd.s32 $0x3E8, v10;
	v24 =	vadd.s32 $0x7D0, v10;
	v25 =	vadd.s32 $0xBB8, v10;
	v26 =	vld [tilespmem:s7+$0xFFFFFFF0]  }
0x4c2: {  	v7 =	vld [tilespmem:s7+$0xFFFFFF90];
	v11 =	vadd.s32 $0x3E8, v8;
	v27 =	vadd.s32 $0x7D0, v8;
	v28 =	vadd.s32 $0xBB8, v8  }
0x4c3: {  	v12 =	vadd.s32 $0x3E8, v5;
	v29 =	vadd.s32 $0x7D0, v5;
	v30 =	vadd.s32 $0xBB8, v5;
	v13 =	vld.idx.msk [tilespmem:v3+s23+$0x0], $0xffff  }
0x4c4: {  	v14 =	vld.idx.msk [tilespmem:v10+s23+$0x0], $0xffff;
	v15 =	vadd.s32 $0x3E8, v9;
	v31 =	vadd.s32 $0x7D0, v9;
	v32 =	vadd.s32 $0xBB8, v9  }
0x4c5: {  	v17 =	vadd.s32 $0x3E8, v3;
	v16 =	vld.idx.msk [tilespmem:v8+s23+$0x0], $0xffff;
	v33 =	vadd.s32 $0x3E8, v6;
	v34 =	vadd.s32 $0x7D0, v6  }
0x4c6: {  	v35 =	vadd.s32 $0xBB8, v6;
	v19 =	vld.idx.msk [tilespmem:v5+s23+$0x0], $0xffff;
	v36 =	vadd.s32 $0x3E8, v26;
	v37 =	vadd.s32 $0x7D0, v26  }
0x4c7: {  	v38 =	vadd.s32 $0x3E8, v7;
	v39 =	vadd.s32 $0x7D0, v7;
	v40 =	vadd.s32 $0xBB8, v7;
	v23 =	vld.idx.msk [tilespmem:v9+s23+$0x0], $0xffff  }
0x4c8: {  	s31 =	sadd.s32 $0x400, s31;
	v42 =	vadd.s32 $0xFA0, v10;
	v44 =	vadd.s32 $0xBB8, v26;
	v41 =	vadd.s32 $0xFA0, v7;
	v43 =	vld.idx.msk [tilespmem:v6+s23+$0x0], $0xffff  }
0x4c9: {  	v45 =	vadd.s32 $0xFA0, v8;
	v46 =	vadd.s32 $0xFA0, v5;
	v47 =	vadd.s32 $0xFA0, v9;
	v48 =	vld.idx.msk [tilespmem:v26+s23+$0x0], $0xffff;
	[tilespmem:s31+$0xFFFFFE70] =	vst v13  }
0x4ca: {  	v49 =	vadd.s32 $0xFA0, v6;
	v50 =	vadd.s32 $0xFA0, v26;
	v18 =	vadd.s32 $0x1388, v7;
	[tilespmem:s31+$0xFFFFFE10] =	vst v14;
	v51 =	vld.idx.msk [tilespmem:v17+s23+$0x0], $0xffff  }
0x4cb: {  	v53 =	vadd.s32 $0x1388, v10;
	v22 =	vadd.s32 $0x1388, v8;
	v20 =	vadd.s32 $0x1388, v5;
	v52 =	vld.idx.msk [tilespmem:v7+s23+$0x0], $0xffff;
	[tilespmem:s31+$0xFFFFFE20] =	vst v16  }
0x4cc: {  	v55 =	vadd.s32 $0x7D0, v3;
	v21 =	vadd.s32 $0x1388, v9;
	v54 =	vld.idx.msk [tilespmem:v4+s23+$0x0], $0xffff;
	[tilespmem:s31+$0xFFFFFE30] =	vst v19;
	v19 =	vadd.s32 $0x1388, v6  }
0x4cd: {  	v13 =	vadd.s32 $0x1770, v10;
	v16 =	vadd.s32 $0x1770, v7;
	v56 =	vld.idx.msk [tilespmem:v11+s23+$0x0], $0xffff;
	[tilespmem:s31+$0xFFFFFE40] =	vst v23;
	v23 =	vadd.s32 $0x1388, v26  }
0x4ce: {  	v17 =	vadd.s32 $0x1770, v8;
	v14 =	vadd.s32 $0x1770, v5;
	v11 =	vadd.s32 $0x1770, v9;
	v57 =	vld.idx.msk [tilespmem:v12+s23+$0x0], $0xffff;
	[tilespmem:s31+$0xFFFFFE50] =	vst v43  }
0x4cf: {  	v7 =	vadd.s32 $0x1B58, v7;
	v12 =	vadd.s32 $0x1770, v26;
	v43 =	vld.idx.msk [tilespmem:v15+s23+$0x0], $0xffff;
	v15 =	vadd.s32 $0x1770, v6;
	[tilespmem:s31+$0xFFFFFE60] =	vst v48  }
0x4d0: {  	v10 =	vadd.s32 $0x1B58, v10;
	v8 =	vadd.s32 $0x1B58, v8;
	v5 =	vadd.s32 $0x1B58, v5;
	v33 =	vld.idx.msk [tilespmem:v33+s23+$0x0], $0xffff;
	[tilespmem:s31+$0xFFFFFEF0] =	vst v51  }
0x4d1: {  	v4 =	vadd.s32 $0x1B58, v26;
	v9 =	vadd.s32 $0x1B58, v9;
	v6 =	vadd.s32 $0x1B58, v6;
	[tilespmem:s31+$0xFFFFFE00] =	vst v52;
	v26 =	vld.idx.msk [tilespmem:v55+s23+$0x0], $0xffff  }
0x4d2: {  	v38 =	vld.idx.msk [tilespmem:v38+s23+$0x0], $0xffff;
	[tilespmem:s31+$0xFFFFFE90] =	vst v54  }
0x4d3: {  	v48 =	vadd.s32 $0xBB8, v3;
	[tilespmem:s31+$0xFFFFFEA0] =	vst v56;
	v36 =	vld.idx.msk [tilespmem:v36+s23+$0x0], $0xffff  }
0x4d4: {  	v24 =	vld.idx.msk [tilespmem:v24+s23+$0x0], $0xffff;
	[tilespmem:s31+$0xFFFFFEB0] =	vst v57  }
0x4d5: {  	v27 =	vld.idx.msk [tilespmem:v27+s23+$0x0], $0xffff;
	[tilespmem:s31+$0xFFFFFEC0] =	vst v43  }
0x4d6: {  	v29 =	vld.idx.msk [tilespmem:v29+s23+$0x0], $0xffff;
	[tilespmem:s31+$0xFFFFFED0] =	vst v33  }
0x4d7: {  	v31 =	vld.idx.msk [tilespmem:v31+s23+$0x0], $0xffff;
	[tilespmem:s31+$0xFFFFFF70] =	vst v26  }
0x4d8: {  	[tilespmem:s31+$0xFFFFFE80] =	vst v38;
	v26 =	vld.idx.msk [tilespmem:v48+s23+$0x0], $0xffff  }
0x4d9: {  	v33 =	vld.idx.msk [tilespmem:v39+s23+$0x0], $0xffff;
	[tilespmem:s31+$0xFFFFFEE0] =	vst v36  }
0x4da: {  	[tilespmem:s31+$0xFFFFFF10] =	vst v24;
	v24 =	vld.idx.msk [tilespmem:v34+s23+$0x0], $0xffff;
	v34 =	vadd.s32 $0xFA0, v3  }
0x4db: {  	[tilespmem:s31+$0xFFFFFF20] =	vst v27;
	v27 =	vld.idx.msk [tilespmem:v37+s23+$0x0], $0xffff  }
0x4dc: {  	v25 =	vld.idx.msk [tilespmem:v25+s23+$0x0], $0xffff;
	[tilespmem:s31+$0xFFFFFF30] =	vst v29  }
0x4dd: {  	v28 =	vld.idx.msk [tilespmem:v28+s23+$0x0], $0xffff;
	[tilespmem:s31+$0xFFFFFF40] =	vst v31  }
0x4de: {  	v29 =	vld.idx.msk [tilespmem:v30+s23+$0x0], $0xffff;
	[tilespmem:s31+$0xFFFFFFF0] =	vst v26  }
0x4df: {  	[tilespmem:s31+$0xFFFFFF00] =	vst v33;
	v26 =	vld.idx.msk [tilespmem:v34+s23+$0x0], $0xffff  }
0x4e0: {  	v30 =	vld.idx.msk [tilespmem:v40+s23+$0x0], $0xffff;
	[tilespmem:s31+$0xFFFFFF50] =	vst v24  }
0x4e1: {  	v24 =	vld.idx.msk [tilespmem:v32+s23+$0x0], $0xffff;
	[tilespmem:s31+$0xFFFFFF60] =	vst v27;
	v27 =	vadd.s32 $0x1388, v3  }
0x4e2: {  	[tilespmem:s31+$0xFFFFFF90] =	vst v25;
	v25 =	vld.idx.msk [tilespmem:v35+s23+$0x0], $0xffff  }
0x4e3: {  	[tilespmem:s31+$0xFFFFFFA0] =	vst v28;
	v28 =	vld.idx.msk [tilespmem:v44+s23+$0x0], $0xffff  }
0x4e4: {  	v31 =	vld.idx.msk [tilespmem:v42+s23+$0x0], $0xffff;
	[tilespmem:s31+$0xFFFFFFB0] =	vst v29  }
0x4e5: {  	v29 =	vld.idx.msk [tilespmem:v45+s23+$0x0], $0xffff;
	[tilespmem:s31+$0x70] =	vst v26  }
0x4e6: {  	[tilespmem:s31+$0xFFFFFF80] =	vst v30;
	v26 =	vld.idx.msk [tilespmem:v27+s23+$0x0], $0xffff  }
0x4e7: {  	v27 =	vld.idx.msk [tilespmem:v41+s23+$0x0], $0xffff;
	[tilespmem:s31+$0xFFFFFFC0] =	vst v24  }
0x4e8: {  	v24 =	vld.idx.msk [tilespmem:v46+s23+$0x0], $0xffff;
	[tilespmem:s31+$0xFFFFFFD0] =	vst v25;
	v25 =	vadd.s32 $0x1770, v3  }
0x4e9: {  	v30 =	vld.idx.msk [tilespmem:v47+s23+$0x0], $0xffff;
	[tilespmem:s31+$0xFFFFFFE0] =	vst v28  }
0x4ea: {  	[tilespmem:s31+$0x10] =	vst v31;
	v28 =	vld.idx.msk [tilespmem:v49+s23+$0x0], $0xffff  }
0x4eb: {  	[tilespmem:s31+$0x20] =	vst v29;
	v29 =	vld.idx.msk [tilespmem:v50+s23+$0x0], $0xffff  }
0x4ec: {  	v31 =	vld.idx.msk [tilespmem:v53+s23+$0x0], $0xffff;
	[tilespmem:s31+$0xF0] =	vst v26  }
0x4ed: {  	[tilespmem:s31+$0x0] =	vst v27;
	v25 =	vld.idx.msk [tilespmem:v25+s23+$0x0], $0xffff  }
0x4ee: {  	v18 =	vld.idx.msk [tilespmem:v18+s23+$0x0], $0xffff;
	[tilespmem:s31+$0x30] =	vst v24  }
0x4ef: {  	v3 =	vadd.s32 $0x1B58, v3;
	v22 =	vld.idx.msk [tilespmem:v22+s23+$0x0], $0xffff;
	[tilespmem:s31+$0x40] =	vst v30  }
0x4f0: {  	v20 =	vld.idx.msk [tilespmem:v20+s23+$0x0], $0xffff;
	[tilespmem:s31+$0x50] =	vst v28  }
0x4f1: {  	v21 =	vld.idx.msk [tilespmem:v21+s23+$0x0], $0xffff;
	[tilespmem:s31+$0x60] =	vst v29  }
0x4f2: {  	[tilespmem:s31+$0x90] =	vst v31;
	v19 =	vld.idx.msk [tilespmem:v19+s23+$0x0], $0xffff  }
0x4f3: {  	v23 =	vld.idx.msk [tilespmem:v23+s23+$0x0], $0xffff;
	[tilespmem:s31+$0x170] =	vst v25  }
0x4f4: {  	[tilespmem:s31+$0x80] =	vst v18;
	v3 =	vld.idx.msk [tilespmem:v3+s23+$0x0], $0xffff  }
0x4f5: {  	v16 =	vld.idx.msk [tilespmem:v16+s23+$0x0], $0xffff;
	[tilespmem:s31+$0xA0] =	vst v22  }
0x4f6: {  	v13 =	vld.idx.msk [tilespmem:v13+s23+$0x0], $0xffff;
	[tilespmem:s31+$0xB0] =	vst v20  }
0x4f7: {  	v17 =	vld.idx.msk [tilespmem:v17+s23+$0x0], $0xffff;
	[tilespmem:s31+$0xC0] =	vst v21  }
0x4f8: {  	v14 =	vld.idx.msk [tilespmem:v14+s23+$0x0], $0xffff;
	[tilespmem:s31+$0xD0] =	vst v19  }
0x4f9: {  	v11 =	vld.idx.msk [tilespmem:v11+s23+$0x0], $0xffff;
	[tilespmem:s31+$0xE0] =	vst v23  }
0x4fa: {  	v15 =	vld.idx.msk [tilespmem:v15+s23+$0x0], $0xffff;
	[tilespmem:s31+$0x1F0] =	vst v3  }
0x4fb: {  	[tilespmem:s31+$0x100] =	vst v16;
	v3 =	vld.idx.msk [tilespmem:v12+s23+$0x0], $0xffff  }
0x4fc: {  	v12 =	vld.idx.msk [tilespmem:v7+s23+$0x0], $0xffff;
	[tilespmem:s31+$0x110] =	vst v13  }
0x4fd: {  	v7 =	vld.idx.msk [tilespmem:v10+s23+$0x0], $0xffff;
	[tilespmem:s31+$0x120] =	vst v17  }
.Ltmp11:
0x4fe: {  	v8 =	vld.idx.msk [tilespmem:v8+s23+$0x0], $0xffff;
	[tilespmem:s31+$0x130] =	vst v14;
	(pc) =	sbr.rel @p1 .LBB2_24-.Ltmp11, $4  }
0x4ff: {  	v5 =	vld.idx.msk [tilespmem:v5+s23+$0x0], $0xffff;
	[tilespmem:s31+$0x140] =	vst v11  }
0x500: {  	v9 =	vld.idx.msk [tilespmem:v9+s23+$0x0], $0xffff;
	[tilespmem:s31+$0x150] =	vst v15  }
0x501: {  	v6 =	vld.idx.msk [tilespmem:v6+s23+$0x0], $0xffff;
	[tilespmem:s31+$0x160] =	vst v3  }
0x502: {  	s7 =	sadd.s32 $0x80, s7;
	[tilespmem:s31+$0x180] =	vst v12;
	v4 =	vld.idx.msk [tilespmem:v4+s23+$0x0], $0xffff  }
0x503: {  	[tilespmem:s31+$0x190] =	vst v7;
	s1 =	sadd.s32 $0x1, s1  }
0x504: {  	[tilespmem:s31+$0x1A0] =	vst v8;
	s5 =	smul.u32 $0xFA000, s5;
	p1 =	sne.s32 s1, $0x19  }
.Ltmp12:
0x505: {  	[tilespmem:s31+$0x1B0] =	vst v5;
	(pc) =	sbr.rel @p1 .LBB2_21-.Ltmp12, $4  }
0x506: {  	[tilespmem:s31+$0x1C0] =	vst v9;
	s5 =	sadd.s32 s15, s5  }
0x507: {  	[tilespmem:s31+$0x1D0] =	vst v6;
	s5 =	sshrl.u32 s5, $0x3  }
0x508: {  	s14 =	sadd.s32 $0x800, s14;
	s21 =	sadd.s32 $0x800, s21;
	[tilespmem:s31+$0x1E0] =	vst v4;
	s5 =	sadd.s32 s2, s5  }
0x509: {  	[hbm4b:s5+s3] =	stream.linear.scatter [tilespmem:s25], [sflag:$0x2], $0x2000, $0x38;
	[tilespmem:$0x14350] =	vst v63  }
.LBB2_26:
0x50a: {  	_ =	swait.ge [sflag:s26], $0x2000  }
0x50b: {  	v3 =	vor.u32 s19, v0;
	[sflag:s26] =	ssyncset.done $0x0  }
0x50c: {  	[sflag:s26] =	ssyncadd.s32 $0xFFFFE000  }
0x50d: {  	_ =	swait.ge [sflag:s28], $0x2000  }
0x50e: {  	[sflag:s28] =	ssyncset.done $0x0  }
0x50f: {  	s5 =	simm.s32 $0x0;
	[sflag:s28] =	ssyncadd.s32 $0xFFFFE000  }
0x510: {  	v4 =	vld.idx.msk [tilespmem:v3+s5+$0x0], $0xffff  }
0x511: {  	s6 =	simm.s32 $0x0  }
0x512: {  	v5 =	vld [tilespmem:s6+$0xC800]  }
0x513: {  	v3 =	vor.u32 $0x4000, v0  }
0x514: {  	v6 =	vor.u32 s19, v3  }
0x515: {  	v4 =	vmul.u32 $0x3E8, v4;
	_ =	sdelay $0x1  }
0x516: {  	v4 =	vadd.s32 v5, v4  }
0x517: {  	[tilespmem:s6+$0x13340] =	vst v4  }
0x518: {  	v5 =	vld.idx.msk [tilespmem:v6+s5+$0x0], $0xffff;
	_ =	sdelay $0x1  }
0x519: {  	v6 =	vld [tilespmem:s6+$0xC810]  }
0x51a: {  	v4 =	vor.u32 $0x8000, v0  }
0x51b: {  	v7 =	vor.u32 s19, v4  }
0x51c: {  	v5 =	vmul.u32 $0x3E8, v5;
	_ =	sdelay $0x1  }
0x51d: {  	v5 =	vadd.s32 v6, v5  }
0x51e: {  	[tilespmem:s6+$0x13350] =	vst v5  }
0x51f: {  	v5 =	vld.idx.msk [tilespmem:v7+s5+$0x0], $0xffff;
	_ =	sdelay $0x1  }
0x520: {  	v6 =	vld [tilespmem:s6+$0xC820];
	_ =	sdelay $0x1  }
0x521: {  	v7 =	vor.u32 s19, v1  }
0x522: {  	v5 =	vmul.u32 $0x3E8, v5;
	_ =	sdelay $0x1  }
0x523: {  	v5 =	vadd.s32 v6, v5  }
0x524: {  	[tilespmem:s6+$0x13360] =	vst v5  }
0x525: {  	v5 =	vld.idx.msk [tilespmem:v7+s5+$0x0], $0xffff;
	_ =	sdelay $0x1  }
0x526: {  	v7 =	vld [tilespmem:s6+$0xC830]  }
0x527: {  	s7 =	sadd.s32 $0x1, s19  }
0x528: {  	s1 =	simm.s32 $0x100;
	s21 =	simm.s32 $0x200;
	s14 =	simm.s32 $0x100;
	v6 =	vor.u32 s7, v0  }
.LBB2_27:
0x529: {  	p1 =	sne.s32 s21, $0x1F00;
	v5 =	vmul.u32 $0x3E8, v5;
	_ =	sdelay $0x1  }
0x52a: {  	v5 =	vadd.s32 v7, v5  }
0x52b: {  	[tilespmem:s6+$0x13370] =	vst v5  }
0x52c: {  	v5 =	vld.idx.msk [tilespmem:v6+s5+$0x0], $0xffff;
	_ =	sdelay $0x1  }
0x52d: {  	s6 =	sshra.s32 s14, $0x2;
	s14 =	smov.u32 s21  }
0x52e: {  	v6 =	vld [tilespmem:s6+$0xC800];
	_ =	sdelay $0x1  }
0x52f: {  	v7 =	vor.u32 s7, v3  }
0x530: {  	v5 =	vmul.u32 $0x3E8, v5;
	_ =	sdelay $0x1  }
0x531: {  	v5 =	vadd.s32 v6, v5  }
0x532: {  	[tilespmem:s6+$0x13340] =	vst v5  }
0x533: {  	v5 =	vld.idx.msk [tilespmem:v7+s5+$0x0], $0xffff;
	_ =	sdelay $0x2  }
0x534: {  	v6 =	vld [tilespmem:s6+$0xC810];
	_ =	sdelay $0x1  }
0x535: {  	v7 =	vor.u32 s7, v4  }
0x536: {  	v5 =	vmul.u32 $0x3E8, v5;
	_ =	sdelay $0x1  }
0x537: {  	v5 =	vadd.s32 v6, v5  }
0x538: {  	[tilespmem:s6+$0x13350] =	vst v5  }
0x539: {  	v5 =	vld.idx.msk [tilespmem:v7+s5+$0x0], $0xffff;
	_ =	sdelay $0x2  }
0x53a: {  	v6 =	vld [tilespmem:s6+$0xC820];
	_ =	sdelay $0x1  }
0x53b: {  	v7 =	vor.u32 s7, v1  }
0x53c: {  	v5 =	vmul.u32 $0x3E8, v5;
	_ =	sdelay $0x1  }
0x53d: {  	v5 =	vadd.s32 v6, v5  }
0x53e: {  	[tilespmem:s6+$0x13360] =	vst v5  }
0x53f: {  	v5 =	vld.idx.msk [tilespmem:v7+s5+$0x0], $0xffff  }
.Ltmp13:
0x540: {  	(pc) =	sbr.rel @p1 .LBB2_27-.Ltmp13, $4  }
0x541: {  	_ = 	snop  }
0x542: {  	v7 =	vld [tilespmem:s6+$0xC830]  }
0x543: {  	s7 =	sadd.s32 $0x1, s7  }
0x544: {  	s21 =	sadd.s32 $0x100, s21;
	v6 =	vor.u32 s7, v0  }
0x545: {  	v5 =	vmul.u32 $0x3E8, v5;
	_ =	sdelay $0x1  }
0x546: {  	v5 =	vadd.s32 v7, v5  }
0x547: {  	[tilespmem:s6+$0x13370] =	vst v5  }
0x548: {  	v5 =	vld.idx.msk [tilespmem:v6+s5+$0x0], $0xffff  }
0x549: {  	s14 =	sshra.s32 s14, $0x2  }
0x54a: {  	v6 =	vld [tilespmem:s14+$0xC800];
	_ =	sdelay $0x1  }
0x54b: {  	v7 =	vor.u32 s7, v3  }
0x54c: {  	v5 =	vmul.u32 $0x3E8, v5;
	_ =	sdelay $0x1  }
0x54d: {  	v5 =	vadd.s32 v6, v5  }
0x54e: {  	[tilespmem:s14+$0x13340] =	vst v5  }
0x54f: {  	v5 =	vld.idx.msk [tilespmem:v7+s5+$0x0], $0xffff;
	_ =	sdelay $0x1  }
0x550: {  	v6 =	vld [tilespmem:s14+$0xC810];
	_ =	sdelay $0x1  }
0x551: {  	v7 =	vor.u32 s7, v4  }
0x552: {  	v5 =	vmul.u32 $0x3E8, v5;
	_ =	sdelay $0x1  }
0x553: {  	v5 =	vadd.s32 v6, v5  }
0x554: {  	[tilespmem:s14+$0x13350] =	vst v5  }
0x555: {  	v5 =	vld.idx.msk [tilespmem:v7+s5+$0x0], $0xffff;
	_ =	sdelay $0x1  }
0x556: {  	v6 =	vld [tilespmem:s14+$0xC820];
	_ =	sdelay $0x1  }
0x557: {  	v7 =	vor.u32 s7, v1  }
0x558: {  	v5 =	vmul.u32 $0x3E8, v5;
	_ =	sdelay $0x1  }
0x559: {  	v5 =	vadd.s32 v6, v5  }
0x55a: {  	[tilespmem:s14+$0x13360] =	vst v5  }
0x55b: {  	v5 =	vld.idx.msk [tilespmem:v7+s5+$0x0], $0xffff;
	_ =	sdelay $0x1  }
0x55c: {  	v6 =	vld [tilespmem:s14+$0xC830];
	_ =	sdelay $0x2  }
0x55d: {  	v5 =	vmul.u32 $0x3E8, v5;
	_ =	sdelay $0x1  }
0x55e: {  	v5 =	vadd.s32 v6, v5  }
0x55f: {  	s21 =	simm.s32 $0x13B40;
	s31 =	simm.s32 $0x13340;
	[tilespmem:s14+$0x13370] =	vst v5  }
0x560: {  	[tilespmem:s21], [sflag:$0x3] =	stream.indirect.gather [hbm4b:s4+s29], $0x1, s31, s29, $0xb8;
	[tilespmem:$0x14350] =	vst v63  }
0x561: {  	_ =	swait.ge [sflag:s30], $0x40  }
.LBB2_29:
0x562: {  	s5 =	sshra.s32 s1, $0x2  }
0x563: {  	[sflag:s30] =	ssyncset.done $0x0;
	p1 =	sne.s32 s1, $0x1F00;
	s6 =	sadd.s32 $0x13B40, s5  }
.Ltmp14:
0x564: {  	s5 =	sadd.s32 $0x13340, s5;
	[sflag:s30] =	ssyncadd.s32 $0xFFFFFFC0;
	(pc) =	sbr.rel @p1 .LBB2_29-.Ltmp14, $3  }
0x565: {  	[tilespmem:s6], [sflag:$0x3] =	stream.indirect.gather [hbm4b:s4+s29], $0x1, s5, s29, $0xb8;
	[tilespmem:$0x14350] =	vst v63  }
0x566: {  	s1 =	sadd.s32 $0x100, s1;
	_ =	sdelay $0x1  }
0x567: {  	_ =	swait.ge [sflag:s30], $0x40  }
0x568: {  	s1 =	sadd.s32 $0x0, s19  }
0x569: {  	v5 =	vor.u32 s1, v0  }
0x56a: {  	v6 =	vor.u32 s1, v3;
	_ =	sdelay $0x1  }
0x56b: {  	[sflag:s30] =	ssyncset.done $0x0;
	v7 =	vor.u32 s1, v4  }
0x56c: {  	[sflag:s30] =	ssyncadd.s32 $0xFFFFFFC0;
	v9 =	vor.u32 s1, v1  }
0x56d: {  	v8 =	vld.idx.msk [tilespmem:v5+s3+$0x0], $0xffff  }
0x56e: {  	s31 =	simm.s32 $0x13B60;
	v6 =	vld.idx.msk [tilespmem:v6+s3+$0x0], $0xffff  }
0x56f: {  	v15 =	vld [tilespmem:s31+$0x0]  }
0x570: {  	v7 =	vld.idx.msk [tilespmem:v7+s3+$0x0], $0xffff  }
0x571: {  	s5 =	sadd.s32 $0x1, s19;
	v9 =	vld.idx.msk [tilespmem:v9+s3+$0x0], $0xffff  }
0x572: {  	v10 =	vor.u32 s5, v0;
	v12 =	vld [tilespmem:s31+$0xFFFFFFF0]  }
0x573: {  	v16 =	vld [tilespmem:s31+$0xFFFFFFE0]  }
0x574: {  	v5 =	vld [tilespmem:s31+$0x10]  }
0x575: {  	v14 =	vor.u32 s5, v3;
	v13 =	vld.idx.msk [tilespmem:v8+s22+$0x0], $0xffff  }
0x576: {  	v6 =	vld.idx.msk [tilespmem:v6+s22+$0x0], $0xffff  }
0x577: {  	v8 =	vld.idx.msk [tilespmem:v10+s3+$0x0], $0xffff;
	v10 =	vor.u32 s5, v4  }
0x578: {  	v17 =	vor.u32 s5, v1;
	v18 =	vld.idx.msk [tilespmem:v7+s22+$0x0], $0xffff  }
0x579: {  	v11 =	vld.idx.msk [tilespmem:v9+s22+$0x0], $0xffff  }
0x57a: {  	s1 =	simm.s32 $0x13BA0;
	v9 =	vld.idx.msk [tilespmem:v14+s3+$0x0], $0xffff;
	v13 =	vsub.f32 v13, v16  }
0x57b: {  	v14 =	vimm.f32 $0.0e+00;
	v7 =	vld [tilespmem:s1+$0x10]  }
0x57c: {  	v10 =	vld.idx.msk [tilespmem:v10+s3+$0x0], $0xffff;
	v16 =	vsub.f32 v6, v12;
	v14 =	vadd.f32 v13, v14  }
0x57d: {  	s6 =	sadd.s32 $0x2, s19;
	v12 =	vld.idx.msk [tilespmem:v17+s3+$0x0], $0xffff  }
0x57e: {  	s5 =	simm.s32 $0x3;
	v6 =	vld [tilespmem:s1+$0x0];
	v15 =	vsub.f32 v18, v15;
	v13 =	vor.u32 s6, v0;
	v14 =	vadd.f32 v16, v14  }
.LBB2_31:
0x57f: {  	p1 =	sne.s32 s5, $0x1F;
	v16 =	vld [tilespmem:s1+$0xFFFFFFF0];
	v11 =	vsub.f32 v11, v5  }
0x580: {  	v17 =	vld.idx.msk [tilespmem:v8+s22+$0x0], $0xffff;
	v8 =	vadd.f32 v15, v14;
	v5 =	vmov v7  }
0x581: {  	v7 =	vor.u32 s6, v3;
	v14 =	vld [tilespmem:s1+$0xFFFFFFE0];
	v11 =	vnsel vm0, $0x0, v11  }
0x582: {  	v15 =	vld.idx.msk [tilespmem:v9+s22+$0x0], $0xffff;
	v18 =	vadd.f32 v11, v8  }
0x583: {  	v8 =	vld.idx.msk [tilespmem:v13+s3+$0x0], $0xffff;
	v13 =	vor.u32 s6, v4  }
0x584: {  	v19 =	vor.u32 s6, v1;
	v20 =	vld.idx.msk [tilespmem:v10+s22+$0x0], $0xffff  }
0x585: {  	v11 =	vld.idx.msk [tilespmem:v12+s22+$0x0], $0xffff  }
.Ltmp15:
0x586: {  	s1 =	sadd.s32 $0x40, s1;
	v9 =	vld.idx.msk [tilespmem:v7+s3+$0x0], $0xffff;
	v12 =	vsub.f32 v17, v14;
	(pc) =	sbr.rel @p1 .LBB2_31-.Ltmp15, $4  }
0x587: {  	v7 =	vld [tilespmem:s1+$0x10]  }
0x588: {  	v15 =	vsub.f32 v15, v16;
	v10 =	vld.idx.msk [tilespmem:v13+s3+$0x0], $0xffff;
	v14 =	vadd.f32 v12, v18  }
0x589: {  	s6 =	sadd.s32 s5, s19;
	v12 =	vld.idx.msk [tilespmem:v19+s3+$0x0], $0xffff  }
0x58a: {  	s5 =	sadd.s32 $0x1, s5;
	v13 =	vor.u32 s6, v0;
	v14 =	vadd.f32 v15, v14;
	v15 =	vsub.f32 v20, v6;
	v6 =	vld [tilespmem:s1+$0x0]  }
0x58b: {  	_ =	sdelay $0x2  }
0x58c: {  	v16 =	vld [tilespmem:s1+$0xFFFFFFF0]  }
0x58d: {  	v8 =	vld.idx.msk [tilespmem:v8+s22+$0x0], $0xffff;
	v3 =	vor.u32 s6, v3  }
0x58e: {  	v17 =	vld [tilespmem:s1+$0xFFFFFFE0]  }
0x58f: {  	v13 =	vld.idx.msk [tilespmem:v13+s3+$0x0], $0xffff;
	v4 =	vor.u32 s6, v4  }
0x590: {  	v9 =	vld.idx.msk [tilespmem:v9+s22+$0x0], $0xffff;
	v18 =	vor.u32 s6, v1  }
0x591: {  	v10 =	vld.idx.msk [tilespmem:v10+s22+$0x0], $0xffff  }
0x592: {  	v5 =	vsub.f32 v11, v5;
	v3 =	vld.idx.msk [tilespmem:v3+s3+$0x0], $0xffff  }
0x593: {  	v51 =	vadd.f32 v15, v14;
	v12 =	vld.idx.msk [tilespmem:v12+s22+$0x0], $0xffff  }
0x594: {  	v5 =	vnsel vm0, $0x0, v5;
	v4 =	vld.idx.msk [tilespmem:v4+s3+$0x0], $0xffff  }
0x595: {  	s21 =	sadd.s32 $0x40, s1;
	v5 =	vadd.f32 v5, v51;
	v8 =	vsub.f32 v8, v17;
	v52 =	vld.idx.msk [tilespmem:v18+s3+$0x0], $0xffff  }
0x596: {  	v53 =	vld [tilespmem:s21+$0x10]  }
0x597: {  	v56 =	vld [tilespmem:s21+$0xFFFFFFE0];
	v54 =	vsub.f32 v9, v16;
	v5 =	vadd.f32 v8, v5  }
0x598: {  	v55 =	vld.idx.msk [tilespmem:v13+s22+$0x0], $0xffff  }
0x599: {  	v57 =	vld [tilespmem:s21+$0xFFFFFFF0];
	v6 =	vsub.f32 v10, v6;
	v5 =	vadd.f32 v54, v5  }
0x59a: {  	v7 =	vsub.f32 v12, v7;
	v3 =	vld.idx.msk [tilespmem:v3+s22+$0x0], $0xffff  }
0x59b: {  	v58 =	vld [tilespmem:s21+$0x0];
	v5 =	vadd.f32 v6, v5  }
0x59c: {  	v59 =	vnsel vm0, $0x0, v7;
	v4 =	vld.idx.msk [tilespmem:v4+s22+$0x0], $0xffff  }
0x59d: {  	v5 =	vadd.f32 v59, v5;
	v60 =	vld.idx.msk [tilespmem:v52+s22+$0x0], $0xffff;
	v61 =	vsub.f32 v55, v56;
	_ =	sdelay $0x1  }
0x59e: {  	v5 =	vadd.f32 v61, v5;
	v3 =	vsub.f32 v3, v57;
	_ =	sdelay $0x1  }
0x59f: {  	v4 =	vsub.f32 v4, v58;
	v3 =	vadd.f32 v3, v5  }
0x5a0: {  	v62 =	vsub.f32 v60, v53  }
0x5a1: {  	v3 =	vadd.f32 v4, v3  }
0x5a2: {  	v63 =	vnsel vm0, $0x0, v62  }
0x5a3: {  	v3 =	vadd.f32 v63, v3;
	_ =	sdelay $0x1  }
0x5a4: {  	s31 =	simm.s32 $0x14340;
	[tilespmem:$0x14340] =	vst v3  }
0x5a5: {  	[hbm4b:s16+s3] =	stream.linear.scatter [tilespmem:s31], [sflag:$0x4], $0x10, $0x38;
	[tilespmem:$0x14350] =	vst v63  }
0x5a6: {  	_ =	swait.ge [sflag:s20], $0x10  }
0x5a7: {  	s0 =	sadd.s32 $0x1, s0;
	[sflag:s20] =	ssyncset.done $0x0  }
0x5a8: {  	p1 =	sne.s32 s0, s18;
	[sflag:s20] =	ssyncadd.s32 $0xFFFFFFF0  }
.Ltmp16:
0x5a9: {  	[tilespmem:$0x14340] =	vst v2;
	(pc) =	sbr.rel @p1 .LBB2_1-.Ltmp16, $4  }
0x5aa: {  	[hbm4b:s17+s3] =	stream.linear.scatter [tilespmem:s31], [sflag:$0x4], $0x10, $0x38;
	[tilespmem:$0x14350] =	vst v63  }
0x5ab: {  	_ =	swait.ge [sflag:s20], $0x10  }
0x5ac: {  	[sflag:s20] =	ssyncset.done $0x0  }
0x5ad: {  	[sflag:s20] =	ssyncadd.s32 $0xFFFFFFF0  }
0x5ae: {  	_ =	sfence.sel $0x180000  }
0x5af: {  	[bflag:$0x0] =	sbarrier.arrive $0xFFFF  }
0x5b0: {  	_ =	strace $0x90000047  }
0x5b1: {  	s0 =	stileid.u32;
	[bflag:$0x2] =	sbarrier.arrive $0xFFFF  }
0x5b2: {  	p0 =	sne.s32 s0, $0x0;
	s0 =	rddreg [dreg:$0x2]  }
0x5b3: {  	s0 =	sadd.s32 @!p0 $0x100000, s0  }
0x5b4: {  	[sflag:s0] =	ssyncadd.tile.s32 @!p0 $0x1;
	_ =	shalt  }
.Lfunc_end2:
_tile_overlayer_lowered:
.L_overlay_start_2:
0x5b5: {  	(tag) =	ssettag $0x2  }
0x5b6: {  	s0 =	rddreg [dreg:$0x0];
	s2 =	stileid.u32  }
0x5b7: {  	s1 =	rddreg [dreg:$0x1];
	p0 =	sne.s32 s2, $0x0  }
0x5b8: {  	s3 =	rddreg [dreg:$0x2];
	[bflag:$0x3] =	sbarrier.arrive $0xFFFF;
	s2 =	simm.s32 @!p0 $0x1C04  }
0x5b9: {  	[timem:s3], [sflag:s2] =	dma.local @!p0 [hbm:s0], s1  }
0x5ba: {  	s0 =	simm.s32 @!p0 $0x4  }
0x5bb: {  	_ =	swait.ge @!p0 [sflag:s0], s1  }
0x5bc: {  	s1 =	ssub.s32 @!p0 $0x0, s1;
	[sflag:s0] =	ssyncset.done @!p0 $0x0  }
0x5bd: {  	[sflag:s0] =	ssyncadd.s32 @!p0 s1  }
0x5be: {  	[bflag:$0x3] =	sbarrier.arrive $0xFFFF  }
0x5bf: {  	_ =	shalt  }

</sc_bundles>
